<compile_context>
chip_gen: v7x
topology: tpu7x:2x2x1
jax: 0.10.2.dev20260603
libtpu: 0.0.44.dev20260713+nightly
codegen_flags: <defaults>
</compile_context>

<pallas_src>
import functools

import jax
import jax.numpy as jnp
from jax import lax
from jax.experimental import pallas as pl
from jax.experimental.pallas import tpu as pltpu
from jax.experimental.pallas import tpu_sc as plsc

N_DATASETS = 1000
N_CLASSES = 2
DIM = 256
MOMENTUM = 0.99
B = 16384

NSEG = N_DATASETS * N_CLASSES
SEG_PAD = 2048

NC = 2
NS = 16
L = 16
NW = NC * NS
SC_ROWS = 6144
TC_ROWS = B - SC_ROWS
RPT = SC_ROWS // NW
CHUNK = 64
NCHUNK = RPT // CHUNK
VPR = DIM // L
NBUF = 3
TROWS = 2048
TNB = TC_ROWS // TROWS


_GDN = lax.GatherDimensionNumbers(
    offset_dims=(), collapsed_slice_dims=(0,), start_index_map=(0,))


def _perm16(x, perm):
    return lax.gather(x, perm[:, None], _GDN, slice_sizes=(1,),
                      mode=lax.GatherScatterMode.PROMISE_IN_BOUNDS)


def _rsqrt16(s):
    i = lax.bitcast_convert_type(s, jnp.int32)
    y = lax.bitcast_convert_type(
        jnp.int32(0x5F3759DF) - lax.shift_right_logical(i, 1), jnp.float32)
    for _ in range(3):
        y = y * (1.5 - 0.5 * s * y * y)
    return jnp.minimum(y, 1e12)


def _transpose16(vs):
    lane = lax.broadcasted_iota(jnp.int32, (L,), 0)
    for s in (1, 2, 4, 8):
        m = (lane & s) == 0
        new = list(vs)
        for i in range(L):
            if i & s == 0:
                j = i | s
                a, b = vs[i], vs[j]
                ap = _perm16(a, lane ^ s)
                bp = _perm16(b, lane ^ s)
                new[i] = jnp.where(m, a, bp)
                new[j] = jnp.where(m, ap, b)
        vs = new
    return vs


def _sc_body(emb_hbm, seg_hbm, psums_hbm, pcnt_hbm,
             buf0, buf1, buf2, idx0, idx1, idx2, cnt2d, cnt1d, zbuf, sqb, acc,
             sem_in, sem_scat):
    cid = lax.axis_index("c")
    sid = lax.axis_index("s")
    wid = cid * NS + sid
    base = wid * RPT

    zero16 = jnp.zeros((L,), jnp.float32)
    ones16 = jnp.ones((L,), jnp.float32)
    iota16 = lax.broadcasted_iota(jnp.int32, (L,), 0)

    for r in range(L):
        for j in range(VPR):
            zbuf[r, pl.ds(j * L, L)] = zero16

    def zero_cnt(j, c):
        for r in range(L):
            cnt2d[r, pl.ds(j * L, L)] = zero16
        return c
    lax.fori_loop(0, SEG_PAD // L, zero_cnt, 0)

    def zero_acc(k, c):
        pltpu.sync_copy(zbuf, acc.at[pl.ds(sid * 128 + k * L, L)])
        return c
    lax.fori_loop(0, 128 // L, zero_acc, 0)

    plsc.subcore_barrier()

    bufs = (buf0, buf1, buf2)
    idxs = (idx0, idx1, idx2)

    def norm_chunk(buf):
        def row_body(r, c):
            vs = [buf[r, pl.ds(j * L, L)] for j in range(VPR)]
            sq = [v * v for v in vs]
            while len(sq) > 1:
                sq = [sq[i] + sq[i + 1] for i in range(0, len(sq) - 1, 2)] + \
                     (sq[-1:] if len(sq) % 2 else [])
            t = sq[0]
            for sh in (8, 4, 2, 1):
                t = t + _perm16(t, iota16 ^ sh)
            y = _rsqrt16(t)
            for j in range(VPR):
                buf[r, pl.ds(j * L, L)] = vs[j] * y
            return c
        lax.fori_loop(0, CHUNK, row_body, 0, unroll=2)

    d_e = [None] * NCHUNK
    d_i = [None] * NCHUNK
    scat = [None] * NCHUNK
    for k in range(min(NBUF - 1, NCHUNK)):
        off = base + k * CHUNK
        d_e[k] = pltpu.async_copy(
            emb_hbm.at[pl.ds(off, CHUNK)], bufs[k % NBUF], sem_in)
        d_i[k] = pltpu.async_copy(
            seg_hbm.at[pl.ds(off, CHUNK)], idxs[k % NBUF], sem_in)
    for k in range(NCHUNK):
        if k + NBUF - 1 < NCHUNK:
            kk = k + NBUF - 1
            if kk - NBUF >= 0:
                scat[kk - NBUF].wait()
            off = base + kk * CHUNK
            d_e[kk] = pltpu.async_copy(
                emb_hbm.at[pl.ds(off, CHUNK)], bufs[kk % NBUF], sem_in)
            d_i[kk] = pltpu.async_copy(
                seg_hbm.at[pl.ds(off, CHUNK)], idxs[kk % NBUF], sem_in)
        d_e[k].wait()
        d_i[k].wait()
        cur = bufs[k % NBUF]
        cidx = idxs[k % NBUF]

        norm_chunk(cur)

        for g in range(CHUNK // L):
            seg16 = cidx[pl.ds(g * L, L)]
            plsc.addupdate_scatter(cnt2d, [iota16, seg16], ones16)

        scat[k] = pltpu.async_copy(cur, acc.at[cidx], sem_scat, add=True)
    for k in range(max(0, NCHUNK - NBUF), NCHUNK):
        if scat[k] is not None:
            scat[k].wait()

    plsc.subcore_barrier()

    def cnt_red(j, c):
        a = cnt2d[0, pl.ds(j * L, L)]
        for r in range(1, L):
            a = a + cnt2d[r, pl.ds(j * L, L)]
        cnt1d[pl.ds(j * L, L)] = a
        return c
    lax.fori_loop(0, SEG_PAD // L, cnt_red, 0)

    pltpu.sync_copy(cnt1d, pcnt_hbm.at[wid])
    pltpu.sync_copy(acc.at[pl.ds(sid * 128, 128)],
                    psums_hbm.at[cid, pl.ds(sid * 128, 128)])


_sc_segsum = functools.partial(
    pl.kernel,
    out_type=(
        jax.ShapeDtypeStruct((NC, SEG_PAD, DIM), jnp.float32),
        jax.ShapeDtypeStruct((NW, SEG_PAD), jnp.float32),
    ),
    mesh=plsc.VectorSubcoreMesh(core_axis_name="c", subcore_axis_name="s"),
    compiler_params=pltpu.CompilerParams(use_tc_tiling_on_sc=False,
                                         needs_layout_passes=False),
    scratch_types=[
        pltpu.VMEM((CHUNK, DIM), jnp.float32),
        pltpu.VMEM((CHUNK, DIM), jnp.float32),
        pltpu.VMEM((CHUNK, DIM), jnp.float32),
        pltpu.VMEM((CHUNK,), jnp.int32),
        pltpu.VMEM((CHUNK,), jnp.int32),
        pltpu.VMEM((CHUNK,), jnp.int32),
        pltpu.VMEM((L, SEG_PAD), jnp.float32),
        pltpu.VMEM((SEG_PAD,), jnp.float32),
        pltpu.VMEM((L, DIM), jnp.float32),
        pltpu.VMEM((CHUNK * L,), jnp.float32),
        pltpu.VMEM_SHARED((SEG_PAD, DIM), jnp.float32),
        pltpu.SemaphoreType.DMA,
        pltpu.SemaphoreType.DMA,
    ],
)(_sc_body)


def _tc_seg_body(emb_ref, seg_ref, out_s_ref, out_c_ref, sums_ref, counts_ref):
    i = pl.program_id(0)

    @pl.when(i == 0)
    def _init():
        sums_ref[...] = jnp.zeros_like(sums_ref)
        counts_ref[...] = jnp.zeros_like(counts_ref)

    emb = emb_ref[...]
    seg = seg_ref[0]

    norm = jnp.sqrt(jnp.sum(emb * emb, axis=1, keepdims=True))
    emb_n = emb / jnp.maximum(norm, 1e-12)

    seg_ids = jax.lax.broadcasted_iota(jnp.int32, (SEG_PAD, TROWS), 0)
    onehot = (seg_ids == seg).astype(jnp.float32)
    sums_ref[...] += jnp.dot(onehot, emb_n,
                             preferred_element_type=jnp.float32)
    counts_ref[...] += jnp.sum(onehot, axis=1, keepdims=True)

    @pl.when(i == TNB - 1)
    def _done():
        out_s_ref[...] = sums_ref[...]
        out_c_ref[...] = counts_ref[...]


def _tc_partial(embeddings, seg3):
    skip = SC_ROWS // TROWS
    return pl.pallas_call(
        _tc_seg_body,
        grid=(TNB,),
        in_specs=[
            pl.BlockSpec((TROWS, DIM), lambda i: (i + skip, 0)),
            pl.BlockSpec((1, 1, TROWS), lambda i: (i + skip, 0, 0)),
        ],
        out_specs=[
            pl.BlockSpec((SEG_PAD, DIM), lambda i: (0, 0)),
            pl.BlockSpec((SEG_PAD, 1), lambda i: (0, 0)),
        ],
        out_shape=[
            jax.ShapeDtypeStruct((SEG_PAD, DIM), jnp.float32),
            jax.ShapeDtypeStruct((SEG_PAD, 1), jnp.float32),
        ],
        scratch_shapes=[
            pltpu.VMEM((SEG_PAD, DIM), jnp.float32),
            pltpu.VMEM((SEG_PAD, 1), jnp.float32),
        ],
        compiler_params=pltpu.CompilerParams(
            dimension_semantics=("arbitrary",),
        ),
    )(embeddings, seg3)


def _epi_body(ps_ref, pc_ref, ts_ref, tc_ref, proto_ref, initf_ref,
              out_g_ref, out_p_ref):
    sums = ps_ref[0] + ps_ref[1] + ts_ref[...]
    counts = jnp.sum(pc_ref[...], axis=0).reshape(SEG_PAD, 1) + tc_ref[...]
    protos = jnp.concatenate(
        [proto_ref[...],
         jnp.zeros((SEG_PAD - NSEG, DIM), jnp.float32)], axis=0)
    initf = initf_ref[...]

    has = (counts >= 1.0).astype(jnp.float32)
    bp = sums / jnp.maximum(counts, 1.0)
    ema = MOMENTUM * protos + (1.0 - MOMENTUM) * bp
    upd = jnp.where(initf > 0.0, ema, bp)
    newp = jnp.where(has > 0.0, upd, protos)
    out_p_ref[...] = newp[:NSEG, :]

    new_initf = jnp.maximum(initf, has)

    pn_norm = jnp.sqrt(jnp.sum(newp * newp, axis=1, keepdims=True))
    pn = newp / jnp.maximum(pn_norm, 1e-12)

    rows = lax.broadcasted_iota(jnp.int32, (SEG_PAD, 1), 0)
    valid = (rows < NSEG).astype(jnp.float32)
    even = (rows % 2 == 0).astype(jnp.float32) * valid
    odd = (rows % 2 == 1).astype(jnp.float32) * valid

    w0 = new_initf * even
    w1 = new_initf * odd
    num0 = jnp.sum(pn * w0, axis=0, keepdims=True)
    num1 = jnp.sum(pn * w1, axis=0, keepdims=True)
    den0 = jnp.maximum(jnp.sum(w0), 1.0)
    den1 = jnp.maximum(jnp.sum(w1), 1.0)
    g = jnp.concatenate([num0 / den0, num1 / den1], axis=0)
    g_norm = jnp.sqrt(jnp.sum(g * g, axis=1, keepdims=True))
    out_g_ref[...] = g / jnp.maximum(g_norm, 1e-12)


def _epilogue(psums, pcnts, tsums, tcounts, protos_pad, initf):
    return pl.pallas_call(
        _epi_body,
        out_shape=[
            jax.ShapeDtypeStruct((N_CLASSES, DIM), jnp.float32),
            jax.ShapeDtypeStruct((NSEG, DIM), jnp.float32),
        ],
    )(psums, pcnts, tsums, tcounts, protos_pad, initf)


@jax.jit
def _run(embeddings, seg, protos_pad, initf):
    seg3 = seg.reshape(B // TROWS, 1, TROWS)
    psums, pcnts = _sc_segsum(embeddings, seg)
    tsums, tcounts = _tc_partial(embeddings, seg3)
    return _epilogue(psums, pcnts, tsums, tcounts, protos_pad, initf)


def kernel(embeddings, labels, dataset_ids, prototypes, initialized):
    seg = dataset_ids.astype(jnp.int32) * N_CLASSES + labels.astype(jnp.int32)
    protos2 = prototypes.reshape(NSEG, DIM)
    initf = jnp.pad(initialized.reshape(NSEG).astype(jnp.float32),
                    (0, SEG_PAD - NSEG)).reshape(SEG_PAD, 1)
    g, newp = _run(embeddings.astype(jnp.float32), seg, protos2, initf)
    return (g, newp.reshape(N_DATASETS, N_CLASSES, DIM))

# --- scband reference (transcript-rebuilt; emitter-appended) ---
"""Pipeline reference for scband-prototype-memory-bank-19859928777382 (READ-ONLY COPY).

The authoritative reference and input builder live on the scoring server;
editing this copy changes nothing except your own understanding.
"""

import jax, jax.numpy as jnp
import numpy as np

N_DATASETS = 1000
N_CLASSES = 2
DIM = 256
MOMENTUM = 0.99
B = 16384


def _normalize(x, axis=-1, eps=1e-12):
    n = jnp.linalg.norm(x, axis=axis, keepdims=True)
    return x / jnp.maximum(n, eps)


def setup_inputs(seed: int = 0) -> dict:
    key = jax.random.key(seed)
    k1, k2, k3, k4, k5 = jax.random.split(key, 5)
    embeddings = jax.random.normal(k1, (B, DIM), dtype=jnp.float32)
    labels = jax.random.randint(k2, (B,), 0, N_CLASSES, dtype=jnp.int64 if jax.config.jax_enable_x64 else jnp.int32)
    dataset_ids = jax.random.randint(k3, (B,), 0, N_DATASETS, dtype=jnp.int64 if jax.config.jax_enable_x64 else jnp.int32)
    prototypes = jax.random.normal(k4, (N_DATASETS, N_CLASSES, DIM), dtype=jnp.float32) * 0.1
    initialized = jax.random.randint(k5, (N_DATASETS, N_CLASSES), 0, 2).astype(bool)
    return {
        "embeddings": embeddings,
        "labels": labels,
        "dataset_ids": dataset_ids,
        "prototypes": prototypes,
        "initialized": initialized,
    }


def reference(embeddings, labels, dataset_ids, prototypes, initialized):
    # ---- update(embeddings, labels, dataset_ids), vectorized ----
    emb_norm = _normalize(embeddings.astype(jnp.float32), axis=-1)
    seg = dataset_ids.astype(jnp.int32) * N_CLASSES + labels.astype(jnp.int32)
    num_seg = N_DATASETS * N_CLASSES
    sums = jax.ops.segment_sum(emb_norm, seg, num_segments=num_seg)
    counts = jax.ops.segment_sum(jnp.ones((emb_norm.shape[0],), jnp.float32), seg, num_segments=num_seg)
    sums = sums.reshape(N_DATASETS, N_CLASSES, DIM)
    counts = counts.reshape(N_DATASETS, N_CLASSES)
    has = counts >= 1.0
    batch_proto = sums / jnp.maximum(counts, 1.0)[..., None]
    ema = MOMENTUM * prototypes + (1.0 - MOMENTUM) * batch_proto
    new_prototypes = jnp.where(
        has[..., None],
        jnp.where(initialized[..., None], ema, batch_proto),
        prototypes,
    )
    new_initialized = initialized | has
    # ---- global_prototypes() on the updated state ----
    protos = _normalize(new_prototypes, axis=-1)
    initf = new_initialized.astype(jnp.float32)
    numer = (protos * initf[..., None]).sum(0)
    denom = jnp.maximum(initf.sum(0), 1.0)[..., None]
    global_protos = _normalize(numer / denom, axis=-1)
    return (global_protos, new_prototypes)

if __name__ == "__main__":
    import jax
    _d = setup_inputs()
    print(jax.jit(kernel)(*tuple(_d.values())))

</pallas_src>

<mosaic_0001>
#map = affine_map<(d0, d1) -> (0, 0)>
#map1 = affine_map<(d0, d1) -> (0)>
#map2 = affine_map<(d0, d1) -> (0, 0, 0)>
module attributes {stable_mosaic.version = 14 : i64} {
  func.func @_sc_body(%arg0: i32, %arg1: i32, %arg2: memref<16384x256xf32, #tpu.memory_space<hbm>>, %arg3: memref<16384xi32, #tpu.memory_space<hbm>>, %arg4: memref<2x2048x256xf32, #tpu.memory_space<hbm>>, %arg5: memref<32x2048xf32, #tpu.memory_space<hbm>>, %arg6: memref<64x256xf32, #tpu.memory_space<vmem>>, %arg7: memref<64x256xf32, #tpu.memory_space<vmem>>, %arg8: memref<64x256xf32, #tpu.memory_space<vmem>>, %arg9: memref<64xi32, #tpu.memory_space<vmem>>, %arg10: memref<64xi32, #tpu.memory_space<vmem>>, %arg11: memref<64xi32, #tpu.memory_space<vmem>>, %arg12: memref<16x2048xf32, #tpu.memory_space<vmem>>, %arg13: memref<2048xf32, #tpu.memory_space<vmem>>, %arg14: memref<16x256xf32, #tpu.memory_space<vmem>>, %arg15: memref<1024xf32, #tpu.memory_space<vmem>>, %arg16: memref<2048x256xf32, #tpu.memory_space<vmem_shared>>, %arg17: memref<!tpu.dma_semaphore, #tpu.memory_space<semaphore_mem>>, %arg18: memref<!tpu.dma_semaphore, #tpu.memory_space<semaphore_mem>>) attributes {dimension_semantics = [#tpu.dimension_semantics<core_parallel>, #tpu.dimension_semantics<subcore_parallel>], iteration_bounds = array<i64: 2, 16>, scalar_prefetch = 0 : i64, scratch_operands = 13 : i64, tpu.core_type = #tpu.core_type<sc_vector_subcore>, window_params = [{transform_indices = #map}, {transform_indices = #map1}, {transform_indices = #map2}, {transform_indices = #map}]} {
    %mul3A = arith.constant 16 : i32
    %mul3A_0 = arith.muli %arg0, %mul3A : i32
    %add3A = arith.addi %mul3A_0, %arg1 : i32
    %mul3A_1 = arith.constant 192 : i32
    %mul3A_2 = arith.muli %add3A, %mul3A_1 : i32
    %broadcast_in_dim3A = arith.constant 0.000000e+00 : f32
    %broadcast_in_dim3A_3 = vector.broadcast %broadcast_in_dim3A : f32 to vector<16xf32>
    %broadcast_in_dim3A_4 = arith.constant 1.000000e+00 : f32
    %broadcast_in_dim3A_5 = vector.broadcast %broadcast_in_dim3A_4 : f32 to vector<16xf32>
    %iota3A = tpu.iota {dimensions = array<i32: 0>} : vector<16xi32>
    %swap3A = arith.constant 0 : i32
    %swap3A_6 = arith.index_cast %swap3A : i32 to index
    %swap3A_7 = arith.constant 0 : index
    %swap3A_8 = tpu.vector_load %arg14[%swap3A_6, %swap3A_7] {strides = array<i32>} : memref<16x256xf32, #tpu.memory_space<vmem>>, vector<16xf32>,
    tpu.vector_store %arg14[%swap3A_6, %swap3A_7], %broadcast_in_dim3A_3 {strides = array<i32>} : memref<16x256xf32, #tpu.memory_space<vmem>>, vector<16xf32>,
    %swap3A_9 = arith.constant 0 : i32
    %swap3A_10 = arith.index_cast %swap3A_9 : i32 to index
    %swap3A_11 = arith.constant 16 : index
    %swap3A_12 = tpu.vector_load %arg14[%swap3A_10, %swap3A_11] {strides = array<i32>} : memref<16x256xf32, #tpu.memory_space<vmem>>, vector<16xf32>,
    tpu.vector_store %arg14[%swap3A_10, %swap3A_11], %broadcast_in_dim3A_3 {strides = array<i32>} : memref<16x256xf32, #tpu.memory_space<vmem>>, vector<16xf32>,
    %swap3A_13 = arith.constant 0 : i32
    %swap3A_14 = arith.index_cast %swap3A_13 : i32 to index
    %swap3A_15 = arith.constant 32 : index
    %swap3A_16 = tpu.vector_load %arg14[%swap3A_14, %swap3A_15] {strides = array<i32>} : memref<16x256xf32, #tpu.memory_space<vmem>>, vector<16xf32>,
    tpu.vector_store %arg14[%swap3A_14, %swap3A_15], %broadcast_in_dim3A_3 {strides = array<i32>} : memref<16x256xf32, #tpu.memory_space<vmem>>, vector<16xf32>,
    %swap3A_17 = arith.constant 0 : i32
    %swap3A_18 = arith.index_cast %swap3A_17 : i32 to index
    %swap3A_19 = arith.constant 48 : index
    %swap3A_20 = tpu.vector_load %arg14[%swap3A_18, %swap3A_19] {strides = array<i32>} : memref<16x256xf32, #tpu.memory_space<vmem>>, vector<16xf32>,
    tpu.vector_store %arg14[%swap3A_18, %swap3A_19], %broadcast_in_dim3A_3 {strides = array<i32>} : memref<16x256xf32, #tpu.memory_space<vmem>>, vector<16xf32>,
    %swap3A_21 = arith.constant 0 : i32
    %swap3A_22 = arith.index_cast %swap3A_21 : i32 to index
    %swap3A_23 = arith.constant 64 : index
    %swap3A_24 = tpu.vector_load %arg14[%swap3A_22, %swap3A_23] {strides = array<i32>} : memref<16x256xf32, #tpu.memory_space<vmem>>, vector<16xf32>,
    tpu.vector_store %arg14[%swap3A_22, %swap3A_23], %broadcast_in_dim3A_3 {strides = array<i32>} : memref<16x256xf32, #tpu.memory_space<vmem>>, vector<16xf32>,
    %swap3A_25 = arith.constant 0 : i32
    %swap3A_26 = arith.index_cast %swap3A_25 : i32 to index
    %swap3A_27 = arith.constant 80 : index
    %swap3A_28 = tpu.vector_load %arg14[%swap3A_26, %swap3A_27] {strides = array<i32>} : memref<16x256xf32, #tpu.memory_space<vmem>>, vector<16xf32>,
    tpu.vector_store %arg14[%swap3A_26, %swap3A_27], %broadcast_in_dim3A_3 {strides = array<i32>} : memref<16x256xf32, #tpu.memory_space<vmem>>, vector<16xf32>,
    %swap3A_29 = arith.constant 0 : i32
    %swap3A_30 = arith.index_cast %swap3A_29 : i32 to index
    %swap3A_31 = arith.constant 96 : index
    %swap3A_32 = tpu.vector_load %arg14[%swap3A_30, %swap3A_31] {strides = array<i32>} : memref<16x256xf32, #tpu.memory_space<vmem>>, vector<16xf32>,
    tpu.vector_store %arg14[%swap3A_30, %swap3A_31], %broadcast_in_dim3A_3 {strides = array<i32>} : memref<16x256xf32, #tpu.memory_space<vmem>>, vector<16xf32>,
    %swap3A_33 = arith.constant 0 : i32
    %swap3A_34 = arith.index_cast %swap3A_33 : i32 to index
    %swap3A_35 = arith.constant 112 : index
    %swap3A_36 = tpu.vector_load %arg14[%swap3A_34, %swap3A_35] {strides = array<i32>} : memref<16x256xf32, #tpu.memory_space<vmem>>, vector<16xf32>,
    tpu.vector_store %arg14[%swap3A_34, %swap3A_35], %broadcast_in_dim3A_3 {strides = array<i32>} : memref<16x256xf32, #tpu.memory_space<vmem>>, vector<16xf32>,
    %swap3A_37 = arith.constant 0 : i32
    %swap3A_38 = arith.index_cast %swap3A_37 : i32 to index
    %swap3A_39 = arith.constant 128 : index
    %swap3A_40 = tpu.vector_load %arg14[%swap3A_38, %swap3A_39] {strides = array<i32>} : memref<16x256xf32, #tpu.memory_space<vmem>>, vector<16xf32>,
    tpu.vector_store %arg14[%swap3A_38, %swap3A_39], %broadcast_in_dim3A_3 {strides = array<i32>} : memref<16x256xf32, #tpu.memory_space<vmem>>, vector<16xf32>,
    %swap3A_41 = arith.constant 0 : i32
    %swap3A_42 = arith.index_cast %swap3A_41 : i32 to index
    %swap3A_43 = arith.constant 144 : index
    %swap3A_44 = tpu.vector_load %arg14[%swap3A_42, %swap3A_43] {strides = array<i32>} : memref<16x256xf32, #tpu.memory_space<vmem>>, vector<16xf32>,
    tpu.vector_store %arg14[%swap3A_42, %swap3A_43], %broadcast_in_dim3A_3 {strides = array<i32>} : memref<16x256xf32, #tpu.memory_space<vmem>>, vector<16xf32>,
    %swap3A_45 = arith.constant 0 : i32
    %swap3A_46 = arith.index_cast %swap3A_45 : i32 to index
    %swap3A_47 = arith.constant 160 : index
    %swap3A_48 = tpu.vector_load %arg14[%swap3A_46, %swap3A_47] {strides = array<i32>} : memref<16x256xf32, #tpu.memory_space<vmem>>, vector<16xf32>,
    tpu.vector_store %arg14[%swap3A_46, %swap3A_47], %broadcast_in_dim3A_3 {strides = array<i32>} : memref<16x256xf32, #tpu.memory_space<vmem>>, vector<16xf32>,
    %swap3A_49 = arith.constant 0 : i32
    %swap3A_50 = arith.index_cast %swap3A_49 : i32 to index
    %swap3A_51 = arith.constant 176 : index
    %swap3A_52 = tpu.vector_load %arg14[%swap3A_50, %swap3A_51] {strides = array<i32>} : memref<16x256xf32, #tpu.memory_space<vmem>>, vector<16xf32>,
    tpu.vector_store %arg14[%swap3A_50, %swap3A_51], %broadcast_in_dim3A_3 {strides = array<i32>} : memref<16x256xf32, #tpu.memory_space<vmem>>, vector<16xf32>,
    %swap3A_53 = arith.constant 0 : i32
    %swap3A_54 = arith.index_cast %swap3A_53 : i32 to index
    %swap3A_55 = arith.constant 192 : index
    %swap3A_56 = tpu.vector_load %arg14[%swap3A_54, %swap3A_55] {strides = array<i32>} : memref<16x256xf32, #tpu.memory_space<vmem>>, vector<16xf32>,
    tpu.vector_store %arg14[%swap3A_54, %swap3A_55], %broadcast_in_dim3A_3 {strides = array<i32>} : memref<16x256xf32, #tpu.memory_space<vmem>>, vector<16xf32>,
    %swap3A_57 = arith.constant 0 : i32
    %swap3A_58 = arith.index_cast %swap3A_57 : i32 to index
    %swap3A_59 = arith.constant 208 : index
    %swap3A_60 = tpu.vector_load %arg14[%swap3A_58, %swap3A_59] {strides = array<i32>} : memref<16x256xf32, #tpu.memory_space<vmem>>, vector<16xf32>,
    tpu.vector_store %arg14[%swap3A_58, %swap3A_59], %broadcast_in_dim3A_3 {strides = array<i32>} : memref<16x256xf32, #tpu.memory_space<vmem>>, vector<16xf32>,
    %swap3A_61 = arith.constant 0 : i32
    %swap3A_62 = arith.index_cast %swap3A_61 : i32 to index
    %swap3A_63 = arith.constant 224 : index
    %swap3A_64 = tpu.vector_load %arg14[%swap3A_62, %swap3A_63] {strides = array<i32>} : memref<16x256xf32, #tpu.memory_space<vmem>>, vector<16xf32>,
    tpu.vector_store %arg14[%swap3A_62, %swap3A_63], %broadcast_in_dim3A_3 {strides = array<i32>} : memref<16x256xf32, #tpu.memory_space<vmem>>, vector<16xf32>,
    %swap3A_65 = arith.constant 0 : i32
    %swap3A_66 = arith.index_cast %swap3A_65 : i32 to index
    %swap3A_67 = arith.constant 240 : index
    %swap3A_68 = tpu.vector_load %arg14[%swap3A_66, %swap3A_67] {strides = array<i32>} : memref<16x256xf32, #tpu.memory_space<vmem>>, vector<16xf32>,
    tpu.vector_store %arg14[%swap3A_66, %swap3A_67], %broadcast_in_dim3A_3 {strides = array<i32>} : memref<16x256xf32, #tpu.memory_space<vmem>>, vector<16xf32>,
    %swap3A_69 = arith.constant 1 : i32
    %swap3A_70 = arith.index_cast %swap3A_69 : i32 to index
    %swap3A_71 = arith.constant 0 : index
    %swap3A_72 = tpu.vector_load %arg14[%swap3A_70, %swap3A_71] {strides = array<i32>} : memref<16x256xf32, #tpu.memory_space<vmem>>, vector<16xf32>,
    tpu.vector_store %arg14[%swap3A_70, %swap3A_71], %broadcast_in_dim3A_3 {strides = array<i32>} : memref<16x256xf32, #tpu.memory_space<vmem>>, vector<16xf32>,
    %swap3A_73 = arith.constant 1 : i32
    %swap3A_74 = arith.index_cast %swap3A_73 : i32 to index
    %swap3A_75 = arith.constant 16 : index
    %swap3A_76 = tpu.vector_load %arg14[%swap3A_74, %swap3A_75] {strides = array<i32>} : memref<16x256xf32, #tpu.memory_space<vmem>>, vector<16xf32>,
    tpu.vector_store %arg14[%swap3A_74, %swap3A_75], %broadcast_in_dim3A_3 {strides = array<i32>} : memref<16x256xf32, #tpu.memory_space<vmem>>, vector<16xf32>,
    %swap3A_77 = arith.constant 1 : i32
    %swap3A_78 = arith.index_cast %swap3A_77 : i32 to index
    %swap3A_79 = arith.constant 32 : index
    %swap3A_80 = tpu.vector_load %arg14[%swap3A_78, %swap3A_79] {strides = array<i32>} : memref<16x256xf32, #tpu.memory_space<vmem>>, vector<16xf32>,
    tpu.vector_store %arg14[%swap3A_78, %swap3A_79], %broadcast_in_dim3A_3 {strides = array<i32>} : memref<16x256xf32, #tpu.memory_space<vmem>>, vector<16xf32>,
    %swap3A_81 = arith.constant 1 : i32
    %swap3A_82 = arith.index_cast %swap3A_81 : i32 to index
    %swap3A_83 = arith.constant 48 : index
    %swap3A_84 = tpu.vector_load %arg14[%swap3A_82, %swap3A_83] {strides = array<i32>} : memref<16x256xf32, #tpu.memory_space<vmem>>, vector<16xf32>,
    tpu.vector_store %arg14[%swap3A_82, %swap3A_83], %broadcast_in_dim3A_3 {strides = array<i32>} : memref<16x256xf32, #tpu.memory_space<vmem>>, vector<16xf32>,
    %swap3A_85 = arith.constant 1 : i32
    %swap3A_86 = arith.index_cast %swap3A_85 : i32 to index
    %swap3A_87 = arith.constant 64 : index
    %swap3A_88 = tpu.vector_load %arg14[%swap3A_86, %swap3A_87] {strides = array<i32>} : memref<16x256xf32, #tpu.memory_space<vmem>>, vector<16xf32>,
    tpu.vector_store %arg14[%swap3A_86, %swap3A_87], %broadcast_in_dim3A_3 {strides = array<i32>} : memref<16x256xf32, #tpu.memory_space<vmem>>, vector<16xf32>,
    %swap3A_89 = arith.constant 1 : i32
    %swap3A_90 = arith.index_cast %swap3A_89 : i32 to index
    %swap3A_91 = arith.constant 80 : index
    %swap3A_92 = tpu.vector_load %arg14[%swap3A_90, %swap3A_91] {strides = array<i32>} : memref<16x256xf32, #tpu.memory_space<vmem>>, vector<16xf32>,
    tpu.vector_store %arg14[%swap3A_90, %swap3A_91], %broadcast_in_dim3A_3 {strides = array<i32>} : memref<16x256xf32, #tpu.memory_space<vmem>>, vector<16xf32>,
    %swap3A_93 = arith.constant 1 : i32
    %swap3A_94 = arith.index_cast %swap3A_93 : i32 to index
    %swap3A_95 = arith.constant 96 : index
    %swap3A_96 = tpu.vector_load %arg14[%swap3A_94, %swap3A_95] {strides = array<i32>} : memref<16x256xf32, #tpu.memory_space<vmem>>, vector<16xf32>,
    tpu.vector_store %arg14[%swap3A_94, %swap3A_95], %broadcast_in_dim3A_3 {strides = array<i32>} : memref<16x256xf32, #tpu.memory_space<vmem>>, vector<16xf32>,
    %swap3A_97 = arith.constant 1 : i32
    %swap3A_98 = arith.index_cast %swap3A_97 : i32 to index
    %swap3A_99 = arith.constant 112 : index
    %swap3A_100 = tpu.vector_load %arg14[%swap3A_98, %swap3A_99] {strides = array<i32>} : memref<16x256xf32, #tpu.memory_space<vmem>>, vector<16xf32>,
    tpu.vector_store %arg14[%swap3A_98, %swap3A_99], %broadcast_in_dim3A_3 {strides = array<i32>} : memref<16x256xf32, #tpu.memory_space<vmem>>, vector<16xf32>,
    %swap3A_101 = arith.constant 1 : i32
    %swap3A_102 = arith.index_cast %swap3A_101 : i32 to index
    %swap3A_103 = arith.constant 128 : index
    %swap3A_104 = tpu.vector_load %arg14[%swap3A_102, %swap3A_103] {strides = array<i32>} : memref<16x256xf32, #tpu.memory_space<vmem>>, vector<16xf32>,
    tpu.vector_store %arg14[%swap3A_102, %swap3A_103], %broadcast_in_dim3A_3 {strides = array<i32>} : memref<16x256xf32, #tpu.memory_space<vmem>>, vector<16xf32>,
    %swap3A_105 = arith.constant 1 : i32
    %swap3A_106 = arith.index_cast %swap3A_105 : i32 to index
    %swap3A_107 = arith.constant 144 : index
    %swap3A_108 = tpu.vector_load %arg14[%swap3A_106, %swap3A_107] {strides = array<i32>} : memref<16x256xf32, #tpu.memory_space<vmem>>, vector<16xf32>,
    tpu.vector_store %arg14[%swap3A_106, %swap3A_107], %broadcast_in_dim3A_3 {strides = array<i32>} : memref<16x256xf32, #tpu.memory_space<vmem>>, vector<16xf32>,
    %swap3A_109 = arith.constant 1 : i32
    %swap3A_110 = arith.index_cast %swap3A_109 : i32 to index
    %swap3A_111 = arith.constant 160 : index
    %swap3A_112 = tpu.vector_load %arg14[%swap3A_110, %swap3A_111] {strides = array<i32>} : memref<16x256xf32, #tpu.memory_space<vmem>>, vector<16xf32>,
    tpu.vector_store %arg14[%swap3A_110, %swap3A_111], %broadcast_in_dim3A_3 {strides = array<i32>} : memref<16x256xf32, #tpu.memory_space<vmem>>, vector<16xf32>,
    %swap3A_113 = arith.constant 1 : i32
    %swap3A_114 = arith.index_cast %swap3A_113 : i32 to index
    %swap3A_115 = arith.constant 176 : index
    %swap3A_116 = tpu.vector_load %arg14[%swap3A_114, %swap3A_115] {strides = array<i32>} : memref<16x256xf32, #tpu.memory_space<vmem>>, vector<16xf32>,
    tpu.vector_store %arg14[%swap3A_114, %swap3A_115], %broadcast_in_dim3A_3 {strides = array<i32>} : memref<16x256xf32, #tpu.memory_space<vmem>>, vector<16xf32>,
    %swap3A_117 = arith.constant 1 : i32
    %swap3A_118 = arith.index_cast %swap3A_117 : i32 to index
    %swap3A_119 = arith.constant 192 : index
    %swap3A_120 = tpu.vector_load %arg14[%swap3A_118, %swap3A_119] {strides = array<i32>} : memref<16x256xf32, #tpu.memory_space<vmem>>, vector<16xf32>,
    tpu.vector_store %arg14[%swap3A_118, %swap3A_119], %broadcast_in_dim3A_3 {strides = array<i32>} : memref<16x256xf32, #tpu.memory_space<vmem>>, vector<16xf32>,
    %swap3A_121 = arith.constant 1 : i32
    %swap3A_122 = arith.index_cast %swap3A_121 : i32 to index
    %swap3A_123 = arith.constant 208 : index
    %swap3A_124 = tpu.vector_load %arg14[%swap3A_122, %swap3A_123] {strides = array<i32>} : memref<16x256xf32, #tpu.memory_space<vmem>>, vector<16xf32>,
    tpu.vector_store %arg14[%swap3A_122, %swap3A_123], %broadcast_in_dim3A_3 {strides = array<i32>} : memref<16x256xf32, #tpu.memory_space<vmem>>, vector<16xf32>,
    %swap3A_125 = arith.constant 1 : i32
    %swap3A_126 = arith.index_cast %swap3A_125 : i32 to index
    %swap3A_127 = arith.constant 224 : index
    %swap3A_128 = tpu.vector_load %arg14[%swap3A_126, %swap3A_127] {strides = array<i32>} : memref<16x256xf32, #tpu.memory_space<vmem>>, vector<16xf32>,
    tpu.vector_store %arg14[%swap3A_126, %swap3A_127], %broadcast_in_dim3A_3 {strides = array<i32>} : memref<16x256xf32, #tpu.memory_space<vmem>>, vector<16xf32>,
    %swap3A_129 = arith.constant 1 : i32
    %swap3A_130 = arith.index_cast %swap3A_129 : i32 to index
    %swap3A_131 = arith.constant 240 : index
    %swap3A_132 = tpu.vector_load %arg14[%swap3A_130, %swap3A_131] {strides = array<i32>} : memref<16x256xf32, #tpu.memory_space<vmem>>, vector<16xf32>,
    tpu.vector_store %arg14[%swap3A_130, %swap3A_131], %broadcast_in_dim3A_3 {strides = array<i32>} : memref<16x256xf32, #tpu.memory_space<vmem>>, vector<16xf32>,
    %swap3A_133 = arith.constant 2 : i32
    %swap3A_134 = arith.index_cast %swap3A_133 : i32 to index
    %swap3A_135 = arith.constant 0 : index
    %swap3A_136 = tpu.vector_load %arg14[%swap3A_134, %swap3A_135] {strides = array<i32>} : memref<16x256xf32, #tpu.memory_space<vmem>>, vector<16xf32>,
    tpu.vector_store %arg14[%swap3A_134, %swap3A_135], %broadcast_in_dim3A_3 {strides = array<i32>} : memref<16x256xf32, #tpu.memory_space<vmem>>, vector<16xf32>,
    %swap3A_137 = arith.constant 2 : i32
    %swap3A_138 = arith.index_cast %swap3A_137 : i32 to index
    %swap3A_139 = arith.constant 16 : index
    %swap3A_140 = tpu.vector_load %arg14[%swap3A_138, %swap3A_139] {strides = array<i32>} : memref<16x256xf32, #tpu.memory_space<vmem>>, vector<16xf32>,
    tpu.vector_store %arg14[%swap3A_138, %swap3A_139], %broadcast_in_dim3A_3 {strides = array<i32>} : memref<16x256xf32, #tpu.memory_space<vmem>>, vector<16xf32>,
    %swap3A_141 = arith.constant 2 : i32
    %swap3A_142 = arith.index_cast %swap3A_141 : i32 to index
    %swap3A_143 = arith.constant 32 : index
    %swap3A_144 = tpu.vector_load %arg14[%swap3A_142, %swap3A_143] {strides = array<i32>} : memref<16x256xf32, #tpu.memory_space<vmem>>, vector<16xf32>,
    tpu.vector_store %arg14[%swap3A_142, %swap3A_143], %broadcast_in_dim3A_3 {strides = array<i32>} : memref<16x256xf32, #tpu.memory_space<vmem>>, vector<16xf32>,
    %swap3A_145 = arith.constant 2 : i32
    %swap3A_146 = arith.index_cast %swap3A_145 : i32 to index
    %swap3A_147 = arith.constant 48 : index
    %swap3A_148 = tpu.vector_load %arg14[%swap3A_146, %swap3A_147] {strides = array<i32>} : memref<16x256xf32, #tpu.memory_space<vmem>>, vector<16xf32>,
    tpu.vector_store %arg14[%swap3A_146, %swap3A_147], %broadcast_in_dim3A_3 {strides = array<i32>} : memref<16x256xf32, #tpu.memory_space<vmem>>, vector<16xf32>,
    %swap3A_149 = arith.constant 2 : i32
    %swap3A_150 = arith.index_cast %swap3A_149 : i32 to index
    %swap3A_151 = arith.constant 64 : index
    %swap3A_152 = tpu.vector_load %arg14[%swap3A_150, %swap3A_151] {strides = array<i32>} : memref<16x256xf32, #tpu.memory_space<vmem>>, vector<16xf32>,
    tpu.vector_store %arg14[%swap3A_150, %swap3A_151], %broadcast_in_dim3A_3 {strides = array<i32>} : memref<16x256xf32, #tpu.memory_space<vmem>>, vector<16xf32>,
    %swap3A_153 = arith.constant 2 : i32
    %swap3A_154 = arith.index_cast %swap3A_153 : i32 to index
    %swap3A_155 = arith.constant 80 : index
    %swap3A_156 = tpu.vector_load %arg14[%swap3A_154, %swap3A_155] {strides = array<i32>} : memref<16x256xf32, #tpu.memory_space<vmem>>, vector<16xf32>,
    tpu.vector_store %arg14[%swap3A_154, %swap3A_155], %broadcast_in_dim3A_3 {strides = array<i32>} : memref<16x256xf32, #tpu.memory_space<vmem>>, vector<16xf32>,
    %swap3A_157 = arith.constant 2 : i32
    %swap3A_158 = arith.index_cast %swap3A_157 : i32 to index
    %swap3A_159 = arith.constant 96 : index
    %swap3A_160 = tpu.vector_load %arg14[%swap3A_158, %swap3A_159] {strides = array<i32>} : memref<16x256xf32, #tpu.memory_space<vmem>>, vector<16xf32>,
    tpu.vector_store %arg14[%swap3A_158, %swap3A_159], %broadcast_in_dim3A_3 {strides = array<i32>} : memref<16x256xf32, #tpu.memory_space<vmem>>, vector<16xf32>,
    %swap3A_161 = arith.constant 2 : i32
    %swap3A_162 = arith.index_cast %swap3A_161 : i32 to index
    %swap3A_163 = arith.constant 112 : index
    %swap3A_164 = tpu.vector_load %arg14[%swap3A_162, %swap3A_163] {strides = array<i32>} : memref<16x256xf32, #tpu.memory_space<vmem>>, vector<16xf32>,
    tpu.vector_store %arg14[%swap3A_162, %swap3A_163], %broadcast_in_dim3A_3 {strides = array<i32>} : memref<16x256xf32, #tpu.memory_space<vmem>>, vector<16xf32>,
    %swap3A_165 = arith.constant 2 : i32
    %swap3A_166 = arith.index_cast %swap3A_165 : i32 to index
    %swap3A_167 = arith.constant 128 : index
    %swap3A_168 = tpu.vector_load %arg14[%swap3A_166, %swap3A_167] {strides = array<i32>} : memref<16x256xf32, #tpu.memory_space<vmem>>, vector<16xf32>,
    tpu.vector_store %arg14[%swap3A_166, %swap3A_167], %broadcast_in_dim3A_3 {strides = array<i32>} : memref<16x256xf32, #tpu.memory_space<vmem>>, vector<16xf32>,
    %swap3A_169 = arith.constant 2 : i32
    %swap3A_170 = arith.index_cast %swap3A_169 : i32 to index
    %swap3A_171 = arith.constant 144 : index
    %swap3A_172 = tpu.vector_load %arg14[%swap3A_170, %swap3A_171] {strides = array<i32>} : memref<16x256xf32, #tpu.memory_space<vmem>>, vector<16xf32>,
    tpu.vector_store %arg14[%swap3A_170, %swap3A_171], %broadcast_in_dim3A_3 {strides = array<i32>} : memref<16x256xf32, #tpu.memory_space<vmem>>, vector<16xf32>,
    %swap3A_173 = arith.constant 2 : i32
    %swap3A_174 = arith.index_cast %swap3A_173 : i32 to index
    %swap3A_175 = arith.constant 160 : index
    %swap3A_176 = tpu.vector_load %arg14[%swap3A_174, %swap3A_175] {strides = array<i32>} : memref<16x256xf32, #tpu.memory_space<vmem>>, vector<16xf32>,
    tpu.vector_store %arg14[%swap3A_174, %swap3A_175], %broadcast_in_dim3A_3 {strides = array<i32>} : memref<16x256xf32, #tpu.memory_space<vmem>>, vector<16xf32>,
    %swap3A_177 = arith.constant 2 : i32
    %swap3A_178 = arith.index_cast %swap3A_177 : i32 to index
    %swap3A_179 = arith.constant 176 : index
    %swap3A_180 = tpu.vector_load %arg14[%swap3A_178, %swap3A_179] {strides = array<i32>} : memref<16x256xf32, #tpu.memory_space<vmem>>, vector<16xf32>,
    tpu.vector_store %arg14[%swap3A_178, %swap3A_179], %broadcast_in_dim3A_3 {strides = array<i32>} : memref<16x256xf32, #tpu.memory_space<vmem>>, vector<16xf32>,
    %swap3A_181 = arith.constant 2 : i32
    %swap3A_182 = arith.index_cast %swap3A_181 : i32 to index
    %swap3A_183 = arith.constant 192 : index
    %swap3A_184 = tpu.vector_load %arg14[%swap3A_182, %swap3A_183] {strides = array<i32>} : memref<16x256xf32, #tpu.memory_space<vmem>>, vector<16xf32>,
    tpu.vector_store %arg14[%swap3A_182, %swap3A_183], %broadcast_in_dim3A_3 {strides = array<i32>} : memref<16x256xf32, #tpu.memory_space<vmem>>, vector<16xf32>,
    %swap3A_185 = arith.constant 2 : i32
    %swap3A_186 = arith.index_cast %swap3A_185 : i32 to index
    %swap3A_187 = arith.constant 208 : index
    %swap3A_188 = tpu.vector_load %arg14[%swap3A_186, %swap3A_187] {strides = array<i32>} : memref<16x256xf32, #tpu.memory_space<vmem>>, vector<16xf32>,
    tpu.vector_store %arg14[%swap3A_186, %swap3A_187], %broadcast_in_dim3A_3 {strides = array<i32>} : memref<16x256xf32, #tpu.memory_space<vmem>>, vector<16xf32>,
    %swap3A_189 = arith.constant 2 : i32
    %swap3A_190 = arith.index_cast %swap3A_189 : i32 to index
    %swap3A_191 = arith.constant 224 : index
    %swap3A_192 = tpu.vector_load %arg14[%swap3A_190, %swap3A_191] {strides = array<i32>} : memref<16x256xf32, #tpu.memory_space<vmem>>, vector<16xf32>,
    tpu.vector_store %arg14[%swap3A_190, %swap3A_191], %broadcast_in_dim3A_3 {strides = array<i32>} : memref<16x256xf32, #tpu.memory_space<vmem>>, vector<16xf32>,
    %swap3A_193 = arith.constant 2 : i32
    %swap3A_194 = arith.index_cast %swap3A_193 : i32 to index
    %swap3A_195 = arith.constant 240 : index
    %swap3A_196 = tpu.vector_load %arg14[%swap3A_194, %swap3A_195] {strides = array<i32>} : memref<16x256xf32, #tpu.memory_space<vmem>>, vector<16xf32>,
    tpu.vector_store %arg14[%swap3A_194, %swap3A_195], %broadcast_in_dim3A_3 {strides = array<i32>} : memref<16x256xf32, #tpu.memory_space<vmem>>, vector<16xf32>,
    %swap3A_197 = arith.constant 3 : i32
    %swap3A_198 = arith.index_cast %swap3A_197 : i32 to index
    %swap3A_199 = arith.constant 0 : index
    %swap3A_200 = tpu.vector_load %arg14[%swap3A_198, %swap3A_199] {strides = array<i32>} : memref<16x256xf32, #tpu.memory_space<vmem>>, vector<16xf32>,
    tpu.vector_store %arg14[%swap3A_198, %swap3A_199], %broadcast_in_dim3A_3 {strides = array<i32>} : memref<16x256xf32, #tpu.memory_space<vmem>>, vector<16xf32>,
    %swap3A_201 = arith.constant 3 : i32
    %swap3A_202 = arith.index_cast %swap3A_201 : i32 to index
    %swap3A_203 = arith.constant 16 : index
    %swap3A_204 = tpu.vector_load %arg14[%swap3A_202, %swap3A_203] {strides = array<i32>} : memref<16x256xf32, #tpu.memory_space<vmem>>, vector<16xf32>,
    tpu.vector_store %arg14[%swap3A_202, %swap3A_203], %broadcast_in_dim3A_3 {strides = array<i32>} : memref<16x256xf32, #tpu.memory_space<vmem>>, vector<16xf32>,
    %swap3A_205 = arith.constant 3 : i32
    %swap3A_206 = arith.index_cast %swap3A_205 : i32 to index
    %swap3A_207 = arith.constant 32 : index
    %swap3A_208 = tpu.vector_load %arg14[%swap3A_206, %swap3A_207] {strides = array<i32>} : memref<16x256xf32, #tpu.memory_space<vmem>>, vector<16xf32>,
    tpu.vector_store %arg14[%swap3A_206, %swap3A_207], %broadcast_in_dim3A_3 {strides = array<i32>} : memref<16x256xf32, #tpu.memory_space<vmem>>, vector<16xf32>,
    %swap3A_209 = arith.constant 3 : i32
    %swap3A_210 = arith.index_cast %swap3A_209 : i32 to index
    %swap3A_211 = arith.constant 48 : index
    %swap3A_212 = tpu.vector_load %arg14[%swap3A_210, %swap3A_211] {strides = array<i32>} : memref<16x256xf32, #tpu.memory_space<vmem>>, vector<16xf32>,
    tpu.vector_store %arg14[%swap3A_210, %swap3A_211], %broadcast_in_dim3A_3 {strides = array<i32>} : memref<16x256xf32, #tpu.memory_space<vmem>>, vector<16xf32>,
    %swap3A_213 = arith.constant 3 : i32
    %swap3A_214 = arith.index_cast %swap3A_213 : i32 to index
    %swap3A_215 = arith.constant 64 : index
    %swap3A_216 = tpu.vector_load %arg14[%swap3A_214, %swap3A_215] {strides = array<i32>} : memref<16x256xf32, #tpu.memory_space<vmem>>, vector<16xf32>,
    tpu.vector_store %arg14[%swap3A_214, %swap3A_215], %broadcast_in_dim3A_3 {strides = array<i32>} : memref<16x256xf32, #tpu.memory_space<vmem>>, vector<16xf32>,
    %swap3A_217 = arith.constant 3 : i32
    %swap3A_218 = arith.index_cast %swap3A_217 : i32 to index
    %swap3A_219 = arith.constant 80 : index
    %swap3A_220 = tpu.vector_load %arg14[%swap3A_218, %swap3A_219] {strides = array<i32>} : memref<16x256xf32, #tpu.memory_space<vmem>>, vector<16xf32>,
    tpu.vector_store %arg14[%swap3A_218, %swap3A_219], %broadcast_in_dim3A_3 {strides = array<i32>} : memref<16x256xf32, #tpu.memory_space<vmem>>, vector<16xf32>,
    %swap3A_221 = arith.constant 3 : i32
    %swap3A_222 = arith.index_cast %swap3A_221 : i32 to index
    %swap3A_223 = arith.constant 96 : index
    %swap3A_224 = tpu.vector_load %arg14[%swap3A_222, %swap3A_223] {strides = array<i32>} : memref<16x256xf32, #tpu.memory_space<vmem>>, vector<16xf32>,
    tpu.vector_store %arg14[%swap3A_222, %swap3A_223], %broadcast_in_dim3A_3 {strides = array<i32>} : memref<16x256xf32, #tpu.memory_space<vmem>>, vector<16xf32>,
    %swap3A_225 = arith.constant 3 : i32
    %swap3A_226 = arith.index_cast %swap3A_225 : i32 to index
    %swap3A_227 = arith.constant 112 : index
    %swap3A_228 = tpu.vector_load %arg14[%swap3A_226, %swap3A_227] {strides = array<i32>} : memref<16x256xf32, #tpu.memory_space<vmem>>, vector<16xf32>,
    tpu.vector_store %arg14[%swap3A_226, %swap3A_227], %broadcast_in_dim3A_3 {strides = array<i32>} : memref<16x256xf32, #tpu.memory_space<vmem>>, vector<16xf32>,
    %swap3A_229 = arith.constant 3 : i32
    %swap3A_230 = arith.index_cast %swap3A_229 : i32 to index
    %swap3A_231 = arith.constant 128 : index
    %swap3A_232 = tpu.vector_load %arg14[%swap3A_230, %swap3A_231] {strides = array<i32>} : memref<16x256xf32, #tpu.memory_space<vmem>>, vector<16xf32>,
    tpu.vector_store %arg14[%swap3A_230, %swap3A_231], %broadcast_in_dim3A_3 {strides = array<i32>} : memref<16x256xf32, #tpu.memory_space<vmem>>, vector<16xf32>,
    %swap3A_233 = arith.constant 3 : i32
    %swap3A_234 = arith.index_cast %swap3A_233 : i32 to index
    %swap3A_235 = arith.constant 144 : index
    %swap3A_236 = tpu.vector_load %arg14[%swap3A_234, %swap3A_235] {strides = array<i32>} : memref<16x256xf32, #tpu.memory_space<vmem>>, vector<16xf32>,
    tpu.vector_store %arg14[%swap3A_234, %swap3A_235], %broadcast_in_dim3A_3 {strides = array<i32>} : memref<16x256xf32, #tpu.memory_space<vmem>>, vector<16xf32>,
    %swap3A_237 = arith.constant 3 : i32
    %swap3A_238 = arith.index_cast %swap3A_237 : i32 to index
    %swap3A_239 = arith.constant 160 : index
    %swap3A_240 = tpu.vector_load %arg14[%swap3A_238, %swap3A_239] {strides = array<i32>} : memref<16x256xf32, #tpu.memory_space<vmem>>, vector<16xf32>,
    tpu.vector_store %arg14[%swap3A_238, %swap3A_239], %broadcast_in_dim3A_3 {strides = array<i32>} : memref<16x256xf32, #tpu.memory_space<vmem>>, vector<16xf32>,
    %swap3A_241 = arith.constant 3 : i32
    %swap3A_242 = arith.index_cast %swap3A_241 : i32 to index
    %swap3A_243 = arith.constant 176 : index
    %swap3A_244 = tpu.vector_load %arg14[%swap3A_242, %swap3A_243] {strides = array<i32>} : memref<16x256xf32, #tpu.memory_space<vmem>>, vector<16xf32>,
    tpu.vector_store %arg14[%swap3A_242, %swap3A_243], %broadcast_in_dim3A_3 {strides = array<i32>} : memref<16x256xf32, #tpu.memory_space<vmem>>, vector<16xf32>,
    %swap3A_245 = arith.constant 3 : i32
    %swap3A_246 = arith.index_cast %swap3A_245 : i32 to index
    %swap3A_247 = arith.constant 192 : index
    %swap3A_248 = tpu.vector_load %arg14[%swap3A_246, %swap3A_247] {strides = array<i32>} : memref<16x256xf32, #tpu.memory_space<vmem>>, vector<16xf32>,
    tpu.vector_store %arg14[%swap3A_246, %swap3A_247], %broadcast_in_dim3A_3 {strides = array<i32>} : memref<16x256xf32, #tpu.memory_space<vmem>>, vector<16xf32>,
    %swap3A_249 = arith.constant 3 : i32
    %swap3A_250 = arith.index_cast %swap3A_249 : i32 to index
    %swap3A_251 = arith.constant 208 : index
    %swap3A_252 = tpu.vector_load %arg14[%swap3A_250, %swap3A_251] {strides = array<i32>} : memref<16x256xf32, #tpu.memory_space<vmem>>, vector<16xf32>,
    tpu.vector_store %arg14[%swap3A_250, %swap3A_251], %broadcast_in_dim3A_3 {strides = array<i32>} : memref<16x256xf32, #tpu.memory_space<vmem>>, vector<16xf32>,
    %swap3A_253 = arith.constant 3 : i32
    %swap3A_254 = arith.index_cast %swap3A_253 : i32 to index
    %swap3A_255 = arith.constant 224 : index
    %swap3A_256 = tpu.vector_load %arg14[%swap3A_254, %swap3A_255] {strides = array<i32>} : memref<16x256xf32, #tpu.memory_space<vmem>>, vector<16xf32>,
    tpu.vector_store %arg14[%swap3A_254, %swap3A_255], %broadcast_in_dim3A_3 {strides = array<i32>} : memref<16x256xf32, #tpu.memory_space<vmem>>, vector<16xf32>,
    %swap3A_257 = arith.constant 3 : i32
    %swap3A_258 = arith.index_cast %swap3A_257 : i32 to index
    %swap3A_259 = arith.constant 240 : index
    %swap3A_260 = tpu.vector_load %arg14[%swap3A_258, %swap3A_259] {strides = array<i32>} : memref<16x256xf32, #tpu.memory_space<vmem>>, vector<16xf32>,
    tpu.vector_store %arg14[%swap3A_258, %swap3A_259], %broadcast_in_dim3A_3 {strides = array<i32>} : memref<16x256xf32, #tpu.memory_space<vmem>>, vector<16xf32>,
    %swap3A_261 = arith.constant 4 : i32
    %swap3A_262 = arith.index_cast %swap3A_261 : i32 to index
    %swap3A_263 = arith.constant 0 : index
    %swap3A_264 = tpu.vector_load %arg14[%swap3A_262, %swap3A_263] {strides = array<i32>} : memref<16x256xf32, #tpu.memory_space<vmem>>, vector<16xf32>,
    tpu.vector_store %arg14[%swap3A_262, %swap3A_263], %broadcast_in_dim3A_3 {strides = array<i32>} : memref<16x256xf32, #tpu.memory_space<vmem>>, vector<16xf32>,
    %swap3A_265 = arith.constant 4 : i32
    %swap3A_266 = arith.index_cast %swap3A_265 : i32 to index
    %swap3A_267 = arith.constant 16 : index
    %swap3A_268 = tpu.vector_load %arg14[%swap3A_266, %swap3A_267] {strides = array<i32>} : memref<16x256xf32, #tpu.memory_space<vmem>>, vector<16xf32>,
    tpu.vector_store %arg14[%swap3A_266, %swap3A_267], %broadcast_in_dim3A_3 {strides = array<i32>} : memref<16x256xf32, #tpu.memory_space<vmem>>, vector<16xf32>,
    %swap3A_269 = arith.constant 4 : i32
    %swap3A_270 = arith.index_cast %swap3A_269 : i32 to index
    %swap3A_271 = arith.constant 32 : index
    %swap3A_272 = tpu.vector_load %arg14[%swap3A_270, %swap3A_271] {strides = array<i32>} : memref<16x256xf32, #tpu.memory_space<vmem>>, vector<16xf32>,
    tpu.vector_store %arg14[%swap3A_270, %swap3A_271], %broadcast_in_dim3A_3 {strides = array<i32>} : memref<16x256xf32, #tpu.memory_space<vmem>>, vector<16xf32>,
    %swap3A_273 = arith.constant 4 : i32
    %swap3A_274 = arith.index_cast %swap3A_273 : i32 to index
    %swap3A_275 = arith.constant 48 : index
    %swap3A_276 = tpu.vector_load %arg14[%swap3A_274, %swap3A_275] {strides = array<i32>} : memref<16x256xf32, #tpu.memory_space<vmem>>, vector<16xf32>,
    tpu.vector_store %arg14[%swap3A_274, %swap3A_275], %broadcast_in_dim3A_3 {strides = array<i32>} : memref<16x256xf32, #tpu.memory_space<vmem>>, vector<16xf32>,
    %swap3A_277 = arith.constant 4 : i32
    %swap3A_278 = arith.index_cast %swap3A_277 : i32 to index
    %swap3A_279 = arith.constant 64 : index
    %swap3A_280 = tpu.vector_load %arg14[%swap3A_278, %swap3A_279] {strides = array<i32>} : memref<16x256xf32, #tpu.memory_space<vmem>>, vector<16xf32>,
    tpu.vector_store %arg14[%swap3A_278, %swap3A_279], %broadcast_in_dim3A_3 {strides = array<i32>} : memref<16x256xf32, #tpu.memory_space<vmem>>, vector<16xf32>,
    %swap3A_281 = arith.constant 4 : i32
    %swap3A_282 = arith.index_cast %swap3A_281 : i32 to index
    %swap3A_283 = arith.constant 80 : index
    %swap3A_284 = tpu.vector_load %arg14[%swap3A_282, %swap3A_283] {strides = array<i32>} : memref<16x256xf32, #tpu.memory_space<vmem>>, vector<16xf32>,
    tpu.vector_store %arg14[%swap3A_282, %swap3A_283], %broadcast_in_dim3A_3 {strides = array<i32>} : memref<16x256xf32, #tpu.memory_space<vmem>>, vector<16xf32>,
    %swap3A_285 = arith.constant 4 : i32
    %swap3A_286 = arith.index_cast %swap3A_285 : i32 to index
    %swap3A_287 = arith.constant 96 : index
    %swap3A_288 = tpu.vector_load %arg14[%swap3A_286, %swap3A_287] {strides = array<i32>} : memref<16x256xf32, #tpu.memory_space<vmem>>, vector<16xf32>,
    tpu.vector_store %arg14[%swap3A_286, %swap3A_287], %broadcast_in_dim3A_3 {strides = array<i32>} : memref<16x256xf32, #tpu.memory_space<vmem>>, vector<16xf32>,
    %swap3A_289 = arith.constant 4 : i32
    %swap3A_290 = arith.index_cast %swap3A_289 : i32 to index
    %swap3A_291 = arith.constant 112 : index
    %swap3A_292 = tpu.vector_load %arg14[%swap3A_290, %swap3A_291] {strides = array<i32>} : memref<16x256xf32, #tpu.memory_space<vmem>>, vector<16xf32>,
    tpu.vector_store %arg14[%swap3A_290, %swap3A_291], %broadcast_in_dim3A_3 {strides = array<i32>} : memref<16x256xf32, #tpu.memory_space<vmem>>, vector<16xf32>,
    %swap3A_293 = arith.constant 4 : i32
    %swap3A_294 = arith.index_cast %swap3A_293 : i32 to index
    %swap3A_295 = arith.constant 128 : index
    %swap3A_296 = tpu.vector_load %arg14[%swap3A_294, %swap3A_295] {strides = array<i32>} : memref<16x256xf32, #tpu.memory_space<vmem>>, vector<16xf32>,
    tpu.vector_store %arg14[%swap3A_294, %swap3A_295], %broadcast_in_dim3A_3 {strides = array<i32>} : memref<16x256xf32, #tpu.memory_space<vmem>>, vector<16xf32>,
    %swap3A_297 = arith.constant 4 : i32
    %swap3A_298 = arith.index_cast %swap3A_297 : i32 to index
    %swap3A_299 = arith.constant 144 : index
    %swap3A_300 = tpu.vector_load %arg14[%swap3A_298, %swap3A_299] {strides = array<i32>} : memref<16x256xf32, #tpu.memory_space<vmem>>, vector<16xf32>,
    tpu.vector_store %arg14[%swap3A_298, %swap3A_299], %broadcast_in_dim3A_3 {strides = array<i32>} : memref<16x256xf32, #tpu.memory_space<vmem>>, vector<16xf32>,
    %swap3A_301 = arith.constant 4 : i32
    %swap3A_302 = arith.index_cast %swap3A_301 : i32 to index
    %swap3A_303 = arith.constant 160 : index
    %swap3A_304 = tpu.vector_load %arg14[%swap3A_302, %swap3A_303] {strides = array<i32>} : memref<16x256xf32, #tpu.memory_space<vmem>>, vector<16xf32>,
    tpu.vector_store %arg14[%swap3A_302, %swap3A_303], %broadcast_in_dim3A_3 {strides = array<i32>} : memref<16x256xf32, #tpu.memory_space<vmem>>, vector<16xf32>,
    %swap3A_305 = arith.constant 4 : i32
    %swap3A_306 = arith.index_cast %swap3A_305 : i32 to index
    %swap3A_307 = arith.constant 176 : index
    %swap3A_308 = tpu.vector_load %arg14[%swap3A_306, %swap3A_307] {strides = array<i32>} : memref<16x256xf32, #tpu.memory_space<vmem>>, vector<16xf32>,
    tpu.vector_store %arg14[%swap3A_306, %swap3A_307], %broadcast_in_dim3A_3 {strides = array<i32>} : memref<16x256xf32, #tpu.memory_space<vmem>>, vector<16xf32>,
    %swap3A_309 = arith.constant 4 : i32
    %swap3A_310 = arith.index_cast %swap3A_309 : i32 to index
    %swap3A_311 = arith.constant 192 : index
    %swap3A_312 = tpu.vector_load %arg14[%swap3A_310, %swap3A_311] {strides = array<i32>} : memref<16x256xf32, #tpu.memory_space<vmem>>, vector<16xf32>,
    tpu.vector_store %arg14[%swap3A_310, %swap3A_311], %broadcast_in_dim3A_3 {strides = array<i32>} : memref<16x256xf32, #tpu.memory_space<vmem>>, vector<16xf32>,
    %swap3A_313 = arith.constant 4 : i32
    %swap3A_314 = arith.index_cast %swap3A_313 : i32 to index
    %swap3A_315 = arith.constant 208 : index
    %swap3A_316 = tpu.vector_load %arg14[%swap3A_314, %swap3A_315] {strides = array<i32>} : memref<16x256xf32, #tpu.memory_space<vmem>>, vector<16xf32>,
    tpu.vector_store %arg14[%swap3A_314, %swap3A_315], %broadcast_in_dim3A_3 {strides = array<i32>} : memref<16x256xf32, #tpu.memory_space<vmem>>, vector<16xf32>,
    %swap3A_317 = arith.constant 4 : i32
    %swap3A_318 = arith.index_cast %swap3A_317 : i32 to index
    %swap3A_319 = arith.constant 224 : index
    %swap3A_320 = tpu.vector_load %arg14[%swap3A_318, %swap3A_319] {strides = array<i32>} : memref<16x256xf32, #tpu.memory_space<vmem>>, vector<16xf32>,
    tpu.vector_store %arg14[%swap3A_318, %swap3A_319], %broadcast_in_dim3A_3 {strides = array<i32>} : memref<16x256xf32, #tpu.memory_space<vmem>>, vector<16xf32>,
    %swap3A_321 = arith.constant 4 : i32
    %swap3A_322 = arith.index_cast %swap3A_321 : i32 to index
    %swap3A_323 = arith.constant 240 : index
    %swap3A_324 = tpu.vector_load %arg14[%swap3A_322, %swap3A_323] {strides = array<i32>} : memref<16x256xf32, #tpu.memory_space<vmem>>, vector<16xf32>,
    tpu.vector_store %arg14[%swap3A_322, %swap3A_323], %broadcast_in_dim3A_3 {strides = array<i32>} : memref<16x256xf32, #tpu.memory_space<vmem>>, vector<16xf32>,
    %swap3A_325 = arith.constant 5 : i32
    %swap3A_326 = arith.index_cast %swap3A_325 : i32 to index
    %swap3A_327 = arith.constant 0 : index
    %swap3A_328 = tpu.vector_load %arg14[%swap3A_326, %swap3A_327] {strides = array<i32>} : memref<16x256xf32, #tpu.memory_space<vmem>>, vector<16xf32>,
    tpu.vector_store %arg14[%swap3A_326, %swap3A_327], %broadcast_in_dim3A_3 {strides = array<i32>} : memref<16x256xf32, #tpu.memory_space<vmem>>, vector<16xf32>,
    %swap3A_329 = arith.constant 5 : i32
    %swap3A_330 = arith.index_cast %swap3A_329 : i32 to index
    %swap3A_331 = arith.constant 16 : index
    %swap3A_332 = tpu.vector_load %arg14[%swap3A_330, %swap3A_331] {strides = array<i32>} : memref<16x256xf32, #tpu.memory_space<vmem>>, vector<16xf32>,
    tpu.vector_store %arg14[%swap3A_330, %swap3A_331], %broadcast_in_dim3A_3 {strides = array<i32>} : memref<16x256xf32, #tpu.memory_space<vmem>>, vector<16xf32>,
    %swap3A_333 = arith.constant 5 : i32
    %swap3A_334 = arith.index_cast %swap3A_333 : i32 to index
    %swap3A_335 = arith.constant 32 : index
    %swap3A_336 = tpu.vector_load %arg14[%swap3A_334, %swap3A_335] {strides = array<i32>} : memref<16x256xf32, #tpu.memory_space<vmem>>, vector<16xf32>,
    tpu.vector_store %arg14[%swap3A_334, %swap3A_335], %broadcast_in_dim3A_3 {strides = array<i32>} : memref<16x256xf32, #tpu.memory_space<vmem>>, vector<16xf32>,
    %swap3A_337 = arith.constant 5 : i32
    %swap3A_338 = arith.index_cast %swap3A_337 : i32 to index
    %swap3A_339 = arith.constant 48 : index
    %swap3A_340 = tpu.vector_load %arg14[%swap3A_338, %swap3A_339] {strides = array<i32>} : memref<16x256xf32, #tpu.memory_space<vmem>>, vector<16xf32>,
    tpu.vector_store %arg14[%swap3A_338, %swap3A_339], %broadcast_in_dim3A_3 {strides = array<i32>} : memref<16x256xf32, #tpu.memory_space<vmem>>, vector<16xf32>,
    %swap3A_341 = arith.constant 5 : i32
    %swap3A_342 = arith.index_cast %swap3A_341 : i32 to index
    %swap3A_343 = arith.constant 64 : index
    %swap3A_344 = tpu.vector_load %arg14[%swap3A_342, %swap3A_343] {strides = array<i32>} : memref<16x256xf32, #tpu.memory_space<vmem>>, vector<16xf32>,
    tpu.vector_store %arg14[%swap3A_342, %swap3A_343], %broadcast_in_dim3A_3 {strides = array<i32>} : memref<16x256xf32, #tpu.memory_space<vmem>>, vector<16xf32>,
    %swap3A_345 = arith.constant 5 : i32
    %swap3A_346 = arith.index_cast %swap3A_345 : i32 to index
    %swap3A_347 = arith.constant 80 : index
    %swap3A_348 = tpu.vector_load %arg14[%swap3A_346, %swap3A_347] {strides = array<i32>} : memref<16x256xf32, #tpu.memory_space<vmem>>, vector<16xf32>,
    tpu.vector_store %arg14[%swap3A_346, %swap3A_347], %broadcast_in_dim3A_3 {strides = array<i32>} : memref<16x256xf32, #tpu.memory_space<vmem>>, vector<16xf32>,
    %swap3A_349 = arith.constant 5 : i32
    %swap3A_350 = arith.index_cast %swap3A_349 : i32 to index
    %swap3A_351 = arith.constant 96 : index
    %swap3A_352 = tpu.vector_load %arg14[%swap3A_350, %swap3A_351] {strides = array<i32>} : memref<16x256xf32, #tpu.memory_space<vmem>>, vector<16xf32>,
    tpu.vector_store %arg14[%swap3A_350, %swap3A_351], %broadcast_in_dim3A_3 {strides = array<i32>} : memref<16x256xf32, #tpu.memory_space<vmem>>, vector<16xf32>,
    %swap3A_353 = arith.constant 5 : i32
    %swap3A_354 = arith.index_cast %swap3A_353 : i32 to index
    %swap3A_355 = arith.constant 112 : index
    %swap3A_356 = tpu.vector_load %arg14[%swap3A_354, %swap3A_355] {strides = array<i32>} : memref<16x256xf32, #tpu.memory_space<vmem>>, vector<16xf32>,
    tpu.vector_store %arg14[%swap3A_354, %swap3A_355], %broadcast_in_dim3A_3 {strides = array<i32>} : memref<16x256xf32, #tpu.memory_space<vmem>>, vector<16xf32>,
    %swap3A_357 = arith.constant 5 : i32
    %swap3A_358 = arith.index_cast %swap3A_357 : i32 to index
    %swap3A_359 = arith.constant 128 : index
    %swap3A_360 = tpu.vector_load %arg14[%swap3A_358, %swap3A_359] {strides = array<i32>} : memref<16x256xf32, #tpu.memory_space<vmem>>, vector<16xf32>,
    tpu.vector_store %arg14[%swap3A_358, %swap3A_359], %broadcast_in_dim3A_3 {strides = array<i32>} : memref<16x256xf32, #tpu.memory_space<vmem>>, vector<16xf32>,
    %swap3A_361 = arith.constant 5 : i32
    %swap3A_362 = arith.index_cast %swap3A_361 : i32 to index
    %swap3A_363 = arith.constant 144 : index
    %swap3A_364 = tpu.vector_load %arg14[%swap3A_362, %swap3A_363] {strides = array<i32>} : memref<16x256xf32, #tpu.memory_space<vmem>>, vector<16xf32>,
    tpu.vector_store %arg14[%swap3A_362, %swap3A_363], %broadcast_in_dim3A_3 {strides = array<i32>} : memref<16x256xf32, #tpu.memory_space<vmem>>, vector<16xf32>,
    %swap3A_365 = arith.constant 5 : i32
    %swap3A_366 = arith.index_cast %swap3A_365 : i32 to index
    %swap3A_367 = arith.constant 160 : index
    %swap3A_368 = tpu.vector_load %arg14[%swap3A_366, %swap3A_367] {strides = array<i32>} : memref<16x256xf32, #tpu.memory_space<vmem>>, vector<16xf32>,
    tpu.vector_store %arg14[%swap3A_366, %swap3A_367], %broadcast_in_dim3A_3 {strides = array<i32>} : memref<16x256xf32, #tpu.memory_space<vmem>>, vector<16xf32>,
    %swap3A_369 = arith.constant 5 : i32
    %swap3A_370 = arith.index_cast %swap3A_369 : i32 to index
    %swap3A_371 = arith.constant 176 : index
    %swap3A_372 = tpu.vector_load %arg14[%swap3A_370, %swap3A_371] {strides = array<i32>} : memref<16x256xf32, #tpu.memory_space<vmem>>, vector<16xf32>,
    tpu.vector_store %arg14[%swap3A_370, %swap3A_371], %broadcast_in_dim3A_3 {strides = array<i32>} : memref<16x256xf32, #tpu.memory_space<vmem>>, vector<16xf32>,
    %swap3A_373 = arith.constant 5 : i32
    %swap3A_374 = arith.index_cast %swap3A_373 : i32 to index
    %swap3A_375 = arith.constant 192 : index
    %swap3A_376 = tpu.vector_load %arg14[%swap3A_374, %swap3A_375] {strides = array<i32>} : memref<16x256xf32, #tpu.memory_space<vmem>>, vector<16xf32>,
    tpu.vector_store %arg14[%swap3A_374, %swap3A_375], %broadcast_in_dim3A_3 {strides = array<i32>} : memref<16x256xf32, #tpu.memory_space<vmem>>, vector<16xf32>,
    %swap3A_377 = arith.constant 5 : i32
    %swap3A_378 = arith.index_cast %swap3A_377 : i32 to index
    %swap3A_379 = arith.constant 208 : index
    %swap3A_380 = tpu.vector_load %arg14[%swap3A_378, %swap3A_379] {strides = array<i32>} : memref<16x256xf32, #tpu.memory_space<vmem>>, vector<16xf32>,
    tpu.vector_store %arg14[%swap3A_378, %swap3A_379], %broadcast_in_dim3A_3 {strides = array<i32>} : memref<16x256xf32, #tpu.memory_space<vmem>>, vector<16xf32>,
    %swap3A_381 = arith.constant 5 : i32
    %swap3A_382 = arith.index_cast %swap3A_381 : i32 to index
    %swap3A_383 = arith.constant 224 : index
    %swap3A_384 = tpu.vector_load %arg14[%swap3A_382, %swap3A_383] {strides = array<i32>} : memref<16x256xf32, #tpu.memory_space<vmem>>, vector<16xf32>,
    tpu.vector_store %arg14[%swap3A_382, %swap3A_383], %broadcast_in_dim3A_3 {strides = array<i32>} : memref<16x256xf32, #tpu.memory_space<vmem>>, vector<16xf32>,
    %swap3A_385 = arith.constant 5 : i32
    %swap3A_386 = arith.index_cast %swap3A_385 : i32 to index
    %swap3A_387 = arith.constant 240 : index
    %swap3A_388 = tpu.vector_load %arg14[%swap3A_386, %swap3A_387] {strides = array<i32>} : memref<16x256xf32, #tpu.memory_space<vmem>>, vector<16xf32>,
    tpu.vector_store %arg14[%swap3A_386, %swap3A_387], %broadcast_in_dim3A_3 {strides = array<i32>} : memref<16x256xf32, #tpu.memory_space<vmem>>, vector<16xf32>,
    %swap3A_389 = arith.constant 6 : i32
    %swap3A_390 = arith.index_cast %swap3A_389 : i32 to index
    %swap3A_391 = arith.constant 0 : index
    %swap3A_392 = tpu.vector_load %arg14[%swap3A_390, %swap3A_391] {strides = array<i32>} : memref<16x256xf32, #tpu.memory_space<vmem>>, vector<16xf32>,
    tpu.vector_store %arg14[%swap3A_390, %swap3A_391], %broadcast_in_dim3A_3 {strides = array<i32>} : memref<16x256xf32, #tpu.memory_space<vmem>>, vector<16xf32>,
    %swap3A_393 = arith.constant 6 : i32
    %swap3A_394 = arith.index_cast %swap3A_393 : i32 to index
    %swap3A_395 = arith.constant 16 : index
    %swap3A_396 = tpu.vector_load %arg14[%swap3A_394, %swap3A_395] {strides = array<i32>} : memref<16x256xf32, #tpu.memory_space<vmem>>, vector<16xf32>,
    tpu.vector_store %arg14[%swap3A_394, %swap3A_395], %broadcast_in_dim3A_3 {strides = array<i32>} : memref<16x256xf32, #tpu.memory_space<vmem>>, vector<16xf32>,
    %swap3A_397 = arith.constant 6 : i32
    %swap3A_398 = arith.index_cast %swap3A_397 : i32 to index
    %swap3A_399 = arith.constant 32 : index
    %swap3A_400 = tpu.vector_load %arg14[%swap3A_398, %swap3A_399] {strides = array<i32>} : memref<16x256xf32, #tpu.memory_space<vmem>>, vector<16xf32>,
    tpu.vector_store %arg14[%swap3A_398, %swap3A_399], %broadcast_in_dim3A_3 {strides = array<i32>} : memref<16x256xf32, #tpu.memory_space<vmem>>, vector<16xf32>,
    %swap3A_401 = arith.constant 6 : i32
    %swap3A_402 = arith.index_cast %swap3A_401 : i32 to index
    %swap3A_403 = arith.constant 48 : index
    %swap3A_404 = tpu.vector_load %arg14[%swap3A_402, %swap3A_403] {strides = array<i32>} : memref<16x256xf32, #tpu.memory_space<vmem>>, vector<16xf32>,
    tpu.vector_store %arg14[%swap3A_402, %swap3A_403], %broadcast_in_dim3A_3 {strides = array<i32>} : memref<16x256xf32, #tpu.memory_space<vmem>>, vector<16xf32>,
    %swap3A_405 = arith.constant 6 : i32
    %swap3A_406 = arith.index_cast %swap3A_405 : i32 to index
    %swap3A_407 = arith.constant 64 : index
    %swap3A_408 = tpu.vector_load %arg14[%swap3A_406, %swap3A_407] {strides = array<i32>} : memref<16x256xf32, #tpu.memory_space<vmem>>, vector<16xf32>,
    tpu.vector_store %arg14[%swap3A_406, %swap3A_407], %broadcast_in_dim3A_3 {strides = array<i32>} : memref<16x256xf32, #tpu.memory_space<vmem>>, vector<16xf32>,
    %swap3A_409 = arith.constant 6 : i32
    %swap3A_410 = arith.index_cast %swap3A_409 : i32 to index
    %swap3A_411 = arith.constant 80 : index
    %swap3A_412 = tpu.vector_load %arg14[%swap3A_410, %swap3A_411] {strides = array<i32>} : memref<16x256xf32, #tpu.memory_space<vmem>>, vector<16xf32>,
    tpu.vector_store %arg14[%swap3A_410, %swap3A_411], %broadcast_in_dim3A_3 {strides = array<i32>} : memref<16x256xf32, #tpu.memory_space<vmem>>, vector<16xf32>,
    %swap3A_413 = arith.constant 6 : i32
    %swap3A_414 = arith.index_cast %swap3A_413 : i32 to index
    %swap3A_415 = arith.constant 96 : index
    %swap3A_416 = tpu.vector_load %arg14[%swap3A_414, %swap3A_415] {strides = array<i32>} : memref<16x256xf32, #tpu.memory_space<vmem>>, vector<16xf32>,
    tpu.vector_store %arg14[%swap3A_414, %swap3A_415], %broadcast_in_dim3A_3 {strides = array<i32>} : memref<16x256xf32, #tpu.memory_space<vmem>>, vector<16xf32>,
    %swap3A_417 = arith.constant 6 : i32
    %swap3A_418 = arith.index_cast %swap3A_417 : i32 to index
    %swap3A_419 = arith.constant 112 : index
    %swap3A_420 = tpu.vector_load %arg14[%swap3A_418, %swap3A_419] {strides = array<i32>} : memref<16x256xf32, #tpu.memory_space<vmem>>, vector<16xf32>,
    tpu.vector_store %arg14[%swap3A_418, %swap3A_419], %broadcast_in_dim3A_3 {strides = array<i32>} : memref<16x256xf32, #tpu.memory_space<vmem>>, vector<16xf32>,
    %swap3A_421 = arith.constant 6 : i32
    %swap3A_422 = arith.index_cast %swap3A_421 : i32 to index
    %swap3A_423 = arith.constant 128 : index
    %swap3A_424 = tpu.vector_load %arg14[%swap3A_422, %swap3A_423] {strides = array<i32>} : memref<16x256xf32, #tpu.memory_space<vmem>>, vector<16xf32>,
    tpu.vector_store %arg14[%swap3A_422, %swap3A_423], %broadcast_in_dim3A_3 {strides = array<i32>} : memref<16x256xf32, #tpu.memory_space<vmem>>, vector<16xf32>,
    %swap3A_425 = arith.constant 6 : i32
    %swap3A_426 = arith.index_cast %swap3A_425 : i32 to index
    %swap3A_427 = arith.constant 144 : index
    %swap3A_428 = tpu.vector_load %arg14[%swap3A_426, %swap3A_427] {strides = array<i32>} : memref<16x256xf32, #tpu.memory_space<vmem>>, vector<16xf32>,
    tpu.vector_store %arg14[%swap3A_426, %swap3A_427], %broadcast_in_dim3A_3 {strides = array<i32>} : memref<16x256xf32, #tpu.memory_space<vmem>>, vector<16xf32>,
    %swap3A_429 = arith.constant 6 : i32
    %swap3A_430 = arith.index_cast %swap3A_429 : i32 to index
    %swap3A_431 = arith.constant 160 : index
    %swap3A_432 = tpu.vector_load %arg14[%swap3A_430, %swap3A_431] {strides = array<i32>} : memref<16x256xf32, #tpu.memory_space<vmem>>, vector<16xf32>,
    tpu.vector_store %arg14[%swap3A_430, %swap3A_431], %broadcast_in_dim3A_3 {strides = array<i32>} : memref<16x256xf32, #tpu.memory_space<vmem>>, vector<16xf32>,
    %swap3A_433 = arith.constant 6 : i32
    %swap3A_434 = arith.index_cast %swap3A_433 : i32 to index
    %swap3A_435 = arith.constant 176 : index
    %swap3A_436 = tpu.vector_load %arg14[%swap3A_434, %swap3A_435] {strides = array<i32>} : memref<16x256xf32, #tpu.memory_space<vmem>>, vector<16xf32>,
    tpu.vector_store %arg14[%swap3A_434, %swap3A_435], %broadcast_in_dim3A_3 {strides = array<i32>} : memref<16x256xf32, #tpu.memory_space<vmem>>, vector<16xf32>,
    %swap3A_437 = arith.constant 6 : i32
    %swap3A_438 = arith.index_cast %swap3A_437 : i32 to index
    %swap3A_439 = arith.constant 192 : index
    %swap3A_440 = tpu.vector_load %arg14[%swap3A_438, %swap3A_439] {strides = array<i32>} : memref<16x256xf32, #tpu.memory_space<vmem>>, vector<16xf32>,
    tpu.vector_store %arg14[%swap3A_438, %swap3A_439], %broadcast_in_dim3A_3 {strides = array<i32>} : memref<16x256xf32, #tpu.memory_space<vmem>>, vector<16xf32>,
    %swap3A_441 = arith.constant 6 : i32
    %swap3A_442 = arith.index_cast %swap3A_441 : i32 to index
    %swap3A_443 = arith.constant 208 : index
    %swap3A_444 = tpu.vector_load %arg14[%swap3A_442, %swap3A_443] {strides = array<i32>} : memref<16x256xf32, #tpu.memory_space<vmem>>, vector<16xf32>,
    tpu.vector_store %arg14[%swap3A_442, %swap3A_443], %broadcast_in_dim3A_3 {strides = array<i32>} : memref<16x256xf32, #tpu.memory_space<vmem>>, vector<16xf32>,
    %swap3A_445 = arith.constant 6 : i32
    %swap3A_446 = arith.index_cast %swap3A_445 : i32 to index
    %swap3A_447 = arith.constant 224 : index
    %swap3A_448 = tpu.vector_load %arg14[%swap3A_446, %swap3A_447] {strides = array<i32>} : memref<16x256xf32, #tpu.memory_space<vmem>>, vector<16xf32>,
    tpu.vector_store %arg14[%swap3A_446, %swap3A_447], %broadcast_in_dim3A_3 {strides = array<i32>} : memref<16x256xf32, #tpu.memory_space<vmem>>, vector<16xf32>,
    %swap3A_449 = arith.constant 6 : i32
    %swap3A_450 = arith.index_cast %swap3A_449 : i32 to index
    %swap3A_451 = arith.constant 240 : index
    %swap3A_452 = tpu.vector_load %arg14[%swap3A_450, %swap3A_451] {strides = array<i32>} : memref<16x256xf32, #tpu.memory_space<vmem>>, vector<16xf32>,
    tpu.vector_store %arg14[%swap3A_450, %swap3A_451], %broadcast_in_dim3A_3 {strides = array<i32>} : memref<16x256xf32, #tpu.memory_space<vmem>>, vector<16xf32>,
    %swap3A_453 = arith.constant 7 : i32
    %swap3A_454 = arith.index_cast %swap3A_453 : i32 to index
    %swap3A_455 = arith.constant 0 : index
    %swap3A_456 = tpu.vector_load %arg14[%swap3A_454, %swap3A_455] {strides = array<i32>} : memref<16x256xf32, #tpu.memory_space<vmem>>, vector<16xf32>,
    tpu.vector_store %arg14[%swap3A_454, %swap3A_455], %broadcast_in_dim3A_3 {strides = array<i32>} : memref<16x256xf32, #tpu.memory_space<vmem>>, vector<16xf32>,
    %swap3A_457 = arith.constant 7 : i32
    %swap3A_458 = arith.index_cast %swap3A_457 : i32 to index
    %swap3A_459 = arith.constant 16 : index
    %swap3A_460 = tpu.vector_load %arg14[%swap3A_458, %swap3A_459] {strides = array<i32>} : memref<16x256xf32, #tpu.memory_space<vmem>>, vector<16xf32>,
    tpu.vector_store %arg14[%swap3A_458, %swap3A_459], %broadcast_in_dim3A_3 {strides = array<i32>} : memref<16x256xf32, #tpu.memory_space<vmem>>, vector<16xf32>,
    %swap3A_461 = arith.constant 7 : i32
    %swap3A_462 = arith.index_cast %swap3A_461 : i32 to index
    %swap3A_463 = arith.constant 32 : index
    %swap3A_464 = tpu.vector_load %arg14[%swap3A_462, %swap3A_463] {strides = array<i32>} : memref<16x256xf32, #tpu.memory_space<vmem>>, vector<16xf32>,
    tpu.vector_store %arg14[%swap3A_462, %swap3A_463], %broadcast_in_dim3A_3 {strides = array<i32>} : memref<16x256xf32, #tpu.memory_space<vmem>>, vector<16xf32>,
    %swap3A_465 = arith.constant 7 : i32
    %swap3A_466 = arith.index_cast %swap3A_465 : i32 to index
    %swap3A_467 = arith.constant 48 : index
    %swap3A_468 = tpu.vector_load %arg14[%swap3A_466, %swap3A_467] {strides = array<i32>} : memref<16x256xf32, #tpu.memory_space<vmem>>, vector<16xf32>,
    tpu.vector_store %arg14[%swap3A_466, %swap3A_467], %broadcast_in_dim3A_3 {strides = array<i32>} : memref<16x256xf32, #tpu.memory_space<vmem>>, vector<16xf32>,
    %swap3A_469 = arith.constant 7 : i32
    %swap3A_470 = arith.index_cast %swap3A_469 : i32 to index
    %swap3A_471 = arith.constant 64 : index
    %swap3A_472 = tpu.vector_load %arg14[%swap3A_470, %swap3A_471] {strides = array<i32>} : memref<16x256xf32, #tpu.memory_space<vmem>>, vector<16xf32>,
    tpu.vector_store %arg14[%swap3A_470, %swap3A_471], %broadcast_in_dim3A_3 {strides = array<i32>} : memref<16x256xf32, #tpu.memory_space<vmem>>, vector<16xf32>,
    %swap3A_473 = arith.constant 7 : i32
    %swap3A_474 = arith.index_cast %swap3A_473 : i32 to index
    %swap3A_475 = arith.constant 80 : index
    %swap3A_476 = tpu.vector_load %arg14[%swap3A_474, %swap3A_475] {strides = array<i32>} : memref<16x256xf32, #tpu.memory_space<vmem>>, vector<16xf32>,
    tpu.vector_store %arg14[%swap3A_474, %swap3A_475], %broadcast_in_dim3A_3 {strides = array<i32>} : memref<16x256xf32, #tpu.memory_space<vmem>>, vector<16xf32>,
    %swap3A_477 = arith.constant 7 : i32
    %swap3A_478 = arith.index_cast %swap3A_477 : i32 to index
    %swap3A_479 = arith.constant 96 : index
    %swap3A_480 = tpu.vector_load %arg14[%swap3A_478, %swap3A_479] {strides = array<i32>} : memref<16x256xf32, #tpu.memory_space<vmem>>, vector<16xf32>,
    tpu.vector_store %arg14[%swap3A_478, %swap3A_479], %broadcast_in_dim3A_3 {strides = array<i32>} : memref<16x256xf32, #tpu.memory_space<vmem>>, vector<16xf32>,
    %swap3A_481 = arith.constant 7 : i32
    %swap3A_482 = arith.index_cast %swap3A_481 : i32 to index
    %swap3A_483 = arith.constant 112 : index
    %swap3A_484 = tpu.vector_load %arg14[%swap3A_482, %swap3A_483] {strides = array<i32>} : memref<16x256xf32, #tpu.memory_space<vmem>>, vector<16xf32>,
    tpu.vector_store %arg14[%swap3A_482, %swap3A_483], %broadcast_in_dim3A_3 {strides = array<i32>} : memref<16x256xf32, #tpu.memory_space<vmem>>, vector<16xf32>,
    %swap3A_485 = arith.constant 7 : i32
    %swap3A_486 = arith.index_cast %swap3A_485 : i32 to index
    %swap3A_487 = arith.constant 128 : index
    %swap3A_488 = tpu.vector_load %arg14[%swap3A_486, %swap3A_487] {strides = array<i32>} : memref<16x256xf32, #tpu.memory_space<vmem>>, vector<16xf32>,
    tpu.vector_store %arg14[%swap3A_486, %swap3A_487], %broadcast_in_dim3A_3 {strides = array<i32>} : memref<16x256xf32, #tpu.memory_space<vmem>>, vector<16xf32>,
    %swap3A_489 = arith.constant 7 : i32
    %swap3A_490 = arith.index_cast %swap3A_489 : i32 to index
    %swap3A_491 = arith.constant 144 : index
    %swap3A_492 = tpu.vector_load %arg14[%swap3A_490, %swap3A_491] {strides = array<i32>} : memref<16x256xf32, #tpu.memory_space<vmem>>, vector<16xf32>,
    tpu.vector_store %arg14[%swap3A_490, %swap3A_491], %broadcast_in_dim3A_3 {strides = array<i32>} : memref<16x256xf32, #tpu.memory_space<vmem>>, vector<16xf32>,
    %swap3A_493 = arith.constant 7 : i32
    %swap3A_494 = arith.index_cast %swap3A_493 : i32 to index
    %swap3A_495 = arith.constant 160 : index
    %swap3A_496 = tpu.vector_load %arg14[%swap3A_494, %swap3A_495] {strides = array<i32>} : memref<16x256xf32, #tpu.memory_space<vmem>>, vector<16xf32>,
    tpu.vector_store %arg14[%swap3A_494, %swap3A_495], %broadcast_in_dim3A_3 {strides = array<i32>} : memref<16x256xf32, #tpu.memory_space<vmem>>, vector<16xf32>,
    %swap3A_497 = arith.constant 7 : i32
    %swap3A_498 = arith.index_cast %swap3A_497 : i32 to index
    %swap3A_499 = arith.constant 176 : index
    %swap3A_500 = tpu.vector_load %arg14[%swap3A_498, %swap3A_499] {strides = array<i32>} : memref<16x256xf32, #tpu.memory_space<vmem>>, vector<16xf32>,
    tpu.vector_store %arg14[%swap3A_498, %swap3A_499], %broadcast_in_dim3A_3 {strides = array<i32>} : memref<16x256xf32, #tpu.memory_space<vmem>>, vector<16xf32>,
    %swap3A_501 = arith.constant 7 : i32
    %swap3A_502 = arith.index_cast %swap3A_501 : i32 to index
    %swap3A_503 = arith.constant 192 : index
    %swap3A_504 = tpu.vector_load %arg14[%swap3A_502, %swap3A_503] {strides = array<i32>} : memref<16x256xf32, #tpu.memory_space<vmem>>, vector<16xf32>,
    tpu.vector_store %arg14[%swap3A_502, %swap3A_503], %broadcast_in_dim3A_3 {strides = array<i32>} : memref<16x256xf32, #tpu.memory_space<vmem>>, vector<16xf32>,
    %swap3A_505 = arith.constant 7 : i32
    %swap3A_506 = arith.index_cast %swap3A_505 : i32 to index
    %swap3A_507 = arith.constant 208 : index
    %swap3A_508 = tpu.vector_load %arg14[%swap3A_506, %swap3A_507] {strides = array<i32>} : memref<16x256xf32, #tpu.memory_space<vmem>>, vector<16xf32>,
    tpu.vector_store %arg14[%swap3A_506, %swap3A_507], %broadcast_in_dim3A_3 {strides = array<i32>} : memref<16x256xf32, #tpu.memory_space<vmem>>, vector<16xf32>,
    %swap3A_509 = arith.constant 7 : i32
    %swap3A_510 = arith.index_cast %swap3A_509 : i32 to index
    %swap3A_511 = arith.constant 224 : index
    %swap3A_512 = tpu.vector_load %arg14[%swap3A_510, %swap3A_511] {strides = array<i32>} : memref<16x256xf32, #tpu.memory_space<vmem>>, vector<16xf32>,
    tpu.vector_store %arg14[%swap3A_510, %swap3A_511], %broadcast_in_dim3A_3 {strides = array<i32>} : memref<16x256xf32, #tpu.memory_space<vmem>>, vector<16xf32>,
    %swap3A_513 = arith.constant 7 : i32
    %swap3A_514 = arith.index_cast %swap3A_513 : i32 to index
    %swap3A_515 = arith.constant 240 : index
    %swap3A_516 = tpu.vector_load %arg14[%swap3A_514, %swap3A_515] {strides = array<i32>} : memref<16x256xf32, #tpu.memory_space<vmem>>, vector<16xf32>,
    tpu.vector_store %arg14[%swap3A_514, %swap3A_515], %broadcast_in_dim3A_3 {strides = array<i32>} : memref<16x256xf32, #tpu.memory_space<vmem>>, vector<16xf32>,
    %swap3A_517 = arith.constant 8 : i32
    %swap3A_518 = arith.index_cast %swap3A_517 : i32 to index
    %swap3A_519 = arith.constant 0 : index
    %swap3A_520 = tpu.vector_load %arg14[%swap3A_518, %swap3A_519] {strides = array<i32>} : memref<16x256xf32, #tpu.memory_space<vmem>>, vector<16xf32>,
    tpu.vector_store %arg14[%swap3A_518, %swap3A_519], %broadcast_in_dim3A_3 {strides = array<i32>} : memref<16x256xf32, #tpu.memory_space<vmem>>, vector<16xf32>,
    %swap3A_521 = arith.constant 8 : i32
    %swap3A_522 = arith.index_cast %swap3A_521 : i32 to index
    %swap3A_523 = arith.constant 16 : index
    %swap3A_524 = tpu.vector_load %arg14[%swap3A_522, %swap3A_523] {strides = array<i32>} : memref<16x256xf32, #tpu.memory_space<vmem>>, vector<16xf32>,
    tpu.vector_store %arg14[%swap3A_522, %swap3A_523], %broadcast_in_dim3A_3 {strides = array<i32>} : memref<16x256xf32, #tpu.memory_space<vmem>>, vector<16xf32>,
    %swap3A_525 = arith.constant 8 : i32
    %swap3A_526 = arith.index_cast %swap3A_525 : i32 to index
    %swap3A_527 = arith.constant 32 : index
    %swap3A_528 = tpu.vector_load %arg14[%swap3A_526, %swap3A_527] {strides = array<i32>} : memref<16x256xf32, #tpu.memory_space<vmem>>, vector<16xf32>,
    tpu.vector_store %arg14[%swap3A_526, %swap3A_527], %broadcast_in_dim3A_3 {strides = array<i32>} : memref<16x256xf32, #tpu.memory_space<vmem>>, vector<16xf32>,
    %swap3A_529 = arith.constant 8 : i32
    %swap3A_530 = arith.index_cast %swap3A_529 : i32 to index
    %swap3A_531 = arith.constant 48 : index
    %swap3A_532 = tpu.vector_load %arg14[%swap3A_530, %swap3A_531] {strides = array<i32>} : memref<16x256xf32, #tpu.memory_space<vmem>>, vector<16xf32>,
    tpu.vector_store %arg14[%swap3A_530, %swap3A_531], %broadcast_in_dim3A_3 {strides = array<i32>} : memref<16x256xf32, #tpu.memory_space<vmem>>, vector<16xf32>,
    %swap3A_533 = arith.constant 8 : i32
    %swap3A_534 = arith.index_cast %swap3A_533 : i32 to index
    %swap3A_535 = arith.constant 64 : index
    %swap3A_536 = tpu.vector_load %arg14[%swap3A_534, %swap3A_535] {strides = array<i32>} : memref<16x256xf32, #tpu.memory_space<vmem>>, vector<16xf32>,
    tpu.vector_store %arg14[%swap3A_534, %swap3A_535], %broadcast_in_dim3A_3 {strides = array<i32>} : memref<16x256xf32, #tpu.memory_space<vmem>>, vector<16xf32>,
    %swap3A_537 = arith.constant 8 : i32
    %swap3A_538 = arith.index_cast %swap3A_537 : i32 to index
    %swap3A_539 = arith.constant 80 : index
    %swap3A_540 = tpu.vector_load %arg14[%swap3A_538, %swap3A_539] {strides = array<i32>} : memref<16x256xf32, #tpu.memory_space<vmem>>, vector<16xf32>,
    tpu.vector_store %arg14[%swap3A_538, %swap3A_539], %broadcast_in_dim3A_3 {strides = array<i32>} : memref<16x256xf32, #tpu.memory_space<vmem>>, vector<16xf32>,
    %swap3A_541 = arith.constant 8 : i32
    %swap3A_542 = arith.index_cast %swap3A_541 : i32 to index
    %swap3A_543 = arith.constant 96 : index
    %swap3A_544 = tpu.vector_load %arg14[%swap3A_542, %swap3A_543] {strides = array<i32>} : memref<16x256xf32, #tpu.memory_space<vmem>>, vector<16xf32>,
    tpu.vector_store %arg14[%swap3A_542, %swap3A_543], %broadcast_in_dim3A_3 {strides = array<i32>} : memref<16x256xf32, #tpu.memory_space<vmem>>, vector<16xf32>,
    %swap3A_545 = arith.constant 8 : i32
    %swap3A_546 = arith.index_cast %swap3A_545 : i32 to index
    %swap3A_547 = arith.constant 112 : index
    %swap3A_548 = tpu.vector_load %arg14[%swap3A_546, %swap3A_547] {strides = array<i32>} : memref<16x256xf32, #tpu.memory_space<vmem>>, vector<16xf32>,
    tpu.vector_store %arg14[%swap3A_546, %swap3A_547], %broadcast_in_dim3A_3 {strides = array<i32>} : memref<16x256xf32, #tpu.memory_space<vmem>>, vector<16xf32>,
    %swap3A_549 = arith.constant 8 : i32
    %swap3A_550 = arith.index_cast %swap3A_549 : i32 to index
    %swap3A_551 = arith.constant 128 : index
    %swap3A_552 = tpu.vector_load %arg14[%swap3A_550, %swap3A_551] {strides = array<i32>} : memref<16x256xf32, #tpu.memory_space<vmem>>, vector<16xf32>,
    tpu.vector_store %arg14[%swap3A_550, %swap3A_551], %broadcast_in_dim3A_3 {strides = array<i32>} : memref<16x256xf32, #tpu.memory_space<vmem>>, vector<16xf32>,
    %swap3A_553 = arith.constant 8 : i32
    %swap3A_554 = arith.index_cast %swap3A_553 : i32 to index
    %swap3A_555 = arith.constant 144 : index
    %swap3A_556 = tpu.vector_load %arg14[%swap3A_554, %swap3A_555] {strides = array<i32>} : memref<16x256xf32, #tpu.memory_space<vmem>>, vector<16xf32>,
    tpu.vector_store %arg14[%swap3A_554, %swap3A_555], %broadcast_in_dim3A_3 {strides = array<i32>} : memref<16x256xf32, #tpu.memory_space<vmem>>, vector<16xf32>,
    %swap3A_557 = arith.constant 8 : i32
    %swap3A_558 = arith.index_cast %swap3A_557 : i32 to index
    %swap3A_559 = arith.constant 160 : index
    %swap3A_560 = tpu.vector_load %arg14[%swap3A_558, %swap3A_559] {strides = array<i32>} : memref<16x256xf32, #tpu.memory_space<vmem>>, vector<16xf32>,
    tpu.vector_store %arg14[%swap3A_558, %swap3A_559], %broadcast_in_dim3A_3 {strides = array<i32>} : memref<16x256xf32, #tpu.memory_space<vmem>>, vector<16xf32>,
    %swap3A_561 = arith.constant 8 : i32
    %swap3A_562 = arith.index_cast %swap3A_561 : i32 to index
    %swap3A_563 = arith.constant 176 : index
    %swap3A_564 = tpu.vector_load %arg14[%swap3A_562, %swap3A_563] {strides = array<i32>} : memref<16x256xf32, #tpu.memory_space<vmem>>, vector<16xf32>,
    tpu.vector_store %arg14[%swap3A_562, %swap3A_563], %broadcast_in_dim3A_3 {strides = array<i32>} : memref<16x256xf32, #tpu.memory_space<vmem>>, vector<16xf32>,
    %swap3A_565 = arith.constant 8 : i32
    %swap3A_566 = arith.index_cast %swap3A_565 : i32 to index
    %swap3A_567 = arith.constant 192 : index
    %swap3A_568 = tpu.vector_load %arg14[%swap3A_566, %swap3A_567] {strides = array<i32>} : memref<16x256xf32, #tpu.memory_space<vmem>>, vector<16xf32>,
    tpu.vector_store %arg14[%swap3A_566, %swap3A_567], %broadcast_in_dim3A_3 {strides = array<i32>} : memref<16x256xf32, #tpu.memory_space<vmem>>, vector<16xf32>,
    %swap3A_569 = arith.constant 8 : i32
    %swap3A_570 = arith.index_cast %swap3A_569 : i32 to index
    %swap3A_571 = arith.constant 208 : index
    %swap3A_572 = tpu.vector_load %arg14[%swap3A_570, %swap3A_571] {strides = array<i32>} : memref<16x256xf32, #tpu.memory_space<vmem>>, vector<16xf32>,
    tpu.vector_store %arg14[%swap3A_570, %swap3A_571], %broadcast_in_dim3A_3 {strides = array<i32>} : memref<16x256xf32, #tpu.memory_space<vmem>>, vector<16xf32>,
    %swap3A_573 = arith.constant 8 : i32
    %swap3A_574 = arith.index_cast %swap3A_573 : i32 to index
    %swap3A_575 = arith.constant 224 : index
    %swap3A_576 = tpu.vector_load %arg14[%swap3A_574, %swap3A_575] {strides = array<i32>} : memref<16x256xf32, #tpu.memory_space<vmem>>, vector<16xf32>,
    tpu.vector_store %arg14[%swap3A_574, %swap3A_575], %broadcast_in_dim3A_3 {strides = array<i32>} : memref<16x256xf32, #tpu.memory_space<vmem>>, vector<16xf32>,
    %swap3A_577 = arith.constant 8 : i32
    %swap3A_578 = arith.index_cast %swap3A_577 : i32 to index
    %swap3A_579 = arith.constant 240 : index
    %swap3A_580 = tpu.vector_load %arg14[%swap3A_578, %swap3A_579] {strides = array<i32>} : memref<16x256xf32, #tpu.memory_space<vmem>>, vector<16xf32>,
    tpu.vector_store %arg14[%swap3A_578, %swap3A_579], %broadcast_in_dim3A_3 {strides = array<i32>} : memref<16x256xf32, #tpu.memory_space<vmem>>, vector<16xf32>,
    %swap3A_581 = arith.constant 9 : i32
    %swap3A_582 = arith.index_cast %swap3A_581 : i32 to index
    %swap3A_583 = arith.constant 0 : index
    %swap3A_584 = tpu.vector_load %arg14[%swap3A_582, %swap3A_583] {strides = array<i32>} : memref<16x256xf32, #tpu.memory_space<vmem>>, vector<16xf32>,
    tpu.vector_store %arg14[%swap3A_582, %swap3A_583], %broadcast_in_dim3A_3 {strides = array<i32>} : memref<16x256xf32, #tpu.memory_space<vmem>>, vector<16xf32>,
    %swap3A_585 = arith.constant 9 : i32
    %swap3A_586 = arith.index_cast %swap3A_585 : i32 to index
    %swap3A_587 = arith.constant 16 : index
    %swap3A_588 = tpu.vector_load %arg14[%swap3A_586, %swap3A_587] {strides = array<i32>} : memref<16x256xf32, #tpu.memory_space<vmem>>, vector<16xf32>,
    tpu.vector_store %arg14[%swap3A_586, %swap3A_587], %broadcast_in_dim3A_3 {strides = array<i32>} : memref<16x256xf32, #tpu.memory_space<vmem>>, vector<16xf32>,
    %swap3A_589 = arith.constant 9 : i32
    %swap3A_590 = arith.index_cast %swap3A_589 : i32 to index
    %swap3A_591 = arith.constant 32 : index
    %swap3A_592 = tpu.vector_load %arg14[%swap3A_590, %swap3A_591] {strides = array<i32>} : memref<16x256xf32, #tpu.memory_space<vmem>>, vector<16xf32>,
    tpu.vector_store %arg14[%swap3A_590, %swap3A_591], %broadcast_in_dim3A_3 {strides = array<i32>} : memref<16x256xf32, #tpu.memory_space<vmem>>, vector<16xf32>,
    %swap3A_593 = arith.constant 9 : i32
    %swap3A_594 = arith.index_cast %swap3A_593 : i32 to index
    %swap3A_595 = arith.constant 48 : index
    %swap3A_596 = tpu.vector_load %arg14[%swap3A_594, %swap3A_595] {strides = array<i32>} : memref<16x256xf32, #tpu.memory_space<vmem>>, vector<16xf32>,
    tpu.vector_store %arg14[%swap3A_594, %swap3A_595], %broadcast_in_dim3A_3 {strides = array<i32>} : memref<16x256xf32, #tpu.memory_space<vmem>>, vector<16xf32>,
    %swap3A_597 = arith.constant 9 : i32
    %swap3A_598 = arith.index_cast %swap3A_597 : i32 to index
    %swap3A_599 = arith.constant 64 : index
    %swap3A_600 = tpu.vector_load %arg14[%swap3A_598, %swap3A_599] {strides = array<i32>} : memref<16x256xf32, #tpu.memory_space<vmem>>, vector<16xf32>,
    tpu.vector_store %arg14[%swap3A_598, %swap3A_599], %broadcast_in_dim3A_3 {strides = array<i32>} : memref<16x256xf32, #tpu.memory_space<vmem>>, vector<16xf32>,
    %swap3A_601 = arith.constant 9 : i32
    %swap3A_602 = arith.index_cast %swap3A_601 : i32 to index
    %swap3A_603 = arith.constant 80 : index
    %swap3A_604 = tpu.vector_load %arg14[%swap3A_602, %swap3A_603] {strides = array<i32>} : memref<16x256xf32, #tpu.memory_space<vmem>>, vector<16xf32>,
    tpu.vector_store %arg14[%swap3A_602, %swap3A_603], %broadcast_in_dim3A_3 {strides = array<i32>} : memref<16x256xf32, #tpu.memory_space<vmem>>, vector<16xf32>,
    %swap3A_605 = arith.constant 9 : i32
    %swap3A_606 = arith.index_cast %swap3A_605 : i32 to index
    %swap3A_607 = arith.constant 96 : index
    %swap3A_608 = tpu.vector_load %arg14[%swap3A_606, %swap3A_607] {strides = array<i32>} : memref<16x256xf32, #tpu.memory_space<vmem>>, vector<16xf32>,
    tpu.vector_store %arg14[%swap3A_606, %swap3A_607], %broadcast_in_dim3A_3 {strides = array<i32>} : memref<16x256xf32, #tpu.memory_space<vmem>>, vector<16xf32>,
    %swap3A_609 = arith.constant 9 : i32
    %swap3A_610 = arith.index_cast %swap3A_609 : i32 to index
    %swap3A_611 = arith.constant 112 : index
    %swap3A_612 = tpu.vector_load %arg14[%swap3A_610, %swap3A_611] {strides = array<i32>} : memref<16x256xf32, #tpu.memory_space<vmem>>, vector<16xf32>,
    tpu.vector_store %arg14[%swap3A_610, %swap3A_611], %broadcast_in_dim3A_3 {strides = array<i32>} : memref<16x256xf32, #tpu.memory_space<vmem>>, vector<16xf32>,
    %swap3A_613 = arith.constant 9 : i32
    %swap3A_614 = arith.index_cast %swap3A_613 : i32 to index
    %swap3A_615 = arith.constant 128 : index
    %swap3A_616 = tpu.vector_load %arg14[%swap3A_614, %swap3A_615] {strides = array<i32>} : memref<16x256xf32, #tpu.memory_space<vmem>>, vector<16xf32>,
    tpu.vector_store %arg14[%swap3A_614, %swap3A_615], %broadcast_in_dim3A_3 {strides = array<i32>} : memref<16x256xf32, #tpu.memory_space<vmem>>, vector<16xf32>,
    %swap3A_617 = arith.constant 9 : i32
    %swap3A_618 = arith.index_cast %swap3A_617 : i32 to index
    %swap3A_619 = arith.constant 144 : index
    %swap3A_620 = tpu.vector_load %arg14[%swap3A_618, %swap3A_619] {strides = array<i32>} : memref<16x256xf32, #tpu.memory_space<vmem>>, vector<16xf32>,
    tpu.vector_store %arg14[%swap3A_618, %swap3A_619], %broadcast_in_dim3A_3 {strides = array<i32>} : memref<16x256xf32, #tpu.memory_space<vmem>>, vector<16xf32>,
    %swap3A_621 = arith.constant 9 : i32
    %swap3A_622 = arith.index_cast %swap3A_621 : i32 to index
    %swap3A_623 = arith.constant 160 : index
    %swap3A_624 = tpu.vector_load %arg14[%swap3A_622, %swap3A_623] {strides = array<i32>} : memref<16x256xf32, #tpu.memory_space<vmem>>, vector<16xf32>,
    tpu.vector_store %arg14[%swap3A_622, %swap3A_623], %broadcast_in_dim3A_3 {strides = array<i32>} : memref<16x256xf32, #tpu.memory_space<vmem>>, vector<16xf32>,
    %swap3A_625 = arith.constant 9 : i32
    %swap3A_626 = arith.index_cast %swap3A_625 : i32 to index
    %swap3A_627 = arith.constant 176 : index
    %swap3A_628 = tpu.vector_load %arg14[%swap3A_626, %swap3A_627] {strides = array<i32>} : memref<16x256xf32, #tpu.memory_space<vmem>>, vector<16xf32>,
    tpu.vector_store %arg14[%swap3A_626, %swap3A_627], %broadcast_in_dim3A_3 {strides = array<i32>} : memref<16x256xf32, #tpu.memory_space<vmem>>, vector<16xf32>,
    %swap3A_629 = arith.constant 9 : i32
    %swap3A_630 = arith.index_cast %swap3A_629 : i32 to index
    %swap3A_631 = arith.constant 192 : index
    %swap3A_632 = tpu.vector_load %arg14[%swap3A_630, %swap3A_631] {strides = array<i32>} : memref<16x256xf32, #tpu.memory_space<vmem>>, vector<16xf32>,
    tpu.vector_store %arg14[%swap3A_630, %swap3A_631], %broadcast_in_dim3A_3 {strides = array<i32>} : memref<16x256xf32, #tpu.memory_space<vmem>>, vector<16xf32>,
    %swap3A_633 = arith.constant 9 : i32
    %swap3A_634 = arith.index_cast %swap3A_633 : i32 to index
    %swap3A_635 = arith.constant 208 : index
    %swap3A_636 = tpu.vector_load %arg14[%swap3A_634, %swap3A_635] {strides = array<i32>} : memref<16x256xf32, #tpu.memory_space<vmem>>, vector<16xf32>,
    tpu.vector_store %arg14[%swap3A_634, %swap3A_635], %broadcast_in_dim3A_3 {strides = array<i32>} : memref<16x256xf32, #tpu.memory_space<vmem>>, vector<16xf32>,
    %swap3A_637 = arith.constant 9 : i32
    %swap3A_638 = arith.index_cast %swap3A_637 : i32 to index
    %swap3A_639 = arith.constant 224 : index
    %swap3A_640 = tpu.vector_load %arg14[%swap3A_638, %swap3A_639] {strides = array<i32>} : memref<16x256xf32, #tpu.memory_space<vmem>>, vector<16xf32>,
    tpu.vector_store %arg14[%swap3A_638, %swap3A_639], %broadcast_in_dim3A_3 {strides = array<i32>} : memref<16x256xf32, #tpu.memory_space<vmem>>, vector<16xf32>,
    %swap3A_641 = arith.constant 9 : i32
    %swap3A_642 = arith.index_cast %swap3A_641 : i32 to index
    %swap3A_643 = arith.constant 240 : index
    %swap3A_644 = tpu.vector_load %arg14[%swap3A_642, %swap3A_643] {strides = array<i32>} : memref<16x256xf32, #tpu.memory_space<vmem>>, vector<16xf32>,
    tpu.vector_store %arg14[%swap3A_642, %swap3A_643], %broadcast_in_dim3A_3 {strides = array<i32>} : memref<16x256xf32, #tpu.memory_space<vmem>>, vector<16xf32>,
    %swap3A_645 = arith.constant 10 : i32
    %swap3A_646 = arith.index_cast %swap3A_645 : i32 to index
    %swap3A_647 = arith.constant 0 : index
    %swap3A_648 = tpu.vector_load %arg14[%swap3A_646, %swap3A_647] {strides = array<i32>} : memref<16x256xf32, #tpu.memory_space<vmem>>, vector<16xf32>,
    tpu.vector_store %arg14[%swap3A_646, %swap3A_647], %broadcast_in_dim3A_3 {strides = array<i32>} : memref<16x256xf32, #tpu.memory_space<vmem>>, vector<16xf32>,
    %swap3A_649 = arith.constant 10 : i32
    %swap3A_650 = arith.index_cast %swap3A_649 : i32 to index
    %swap3A_651 = arith.constant 16 : index
    %swap3A_652 = tpu.vector_load %arg14[%swap3A_650, %swap3A_651] {strides = array<i32>} : memref<16x256xf32, #tpu.memory_space<vmem>>, vector<16xf32>,
    tpu.vector_store %arg14[%swap3A_650, %swap3A_651], %broadcast_in_dim3A_3 {strides = array<i32>} : memref<16x256xf32, #tpu.memory_space<vmem>>, vector<16xf32>,
    %swap3A_653 = arith.constant 10 : i32
    %swap3A_654 = arith.index_cast %swap3A_653 : i32 to index
    %swap3A_655 = arith.constant 32 : index
    %swap3A_656 = tpu.vector_load %arg14[%swap3A_654, %swap3A_655] {strides = array<i32>} : memref<16x256xf32, #tpu.memory_space<vmem>>, vector<16xf32>,
    tpu.vector_store %arg14[%swap3A_654, %swap3A_655], %broadcast_in_dim3A_3 {strides = array<i32>} : memref<16x256xf32, #tpu.memory_space<vmem>>, vector<16xf32>,
    %swap3A_657 = arith.constant 10 : i32
    %swap3A_658 = arith.index_cast %swap3A_657 : i32 to index
    %swap3A_659 = arith.constant 48 : index
    %swap3A_660 = tpu.vector_load %arg14[%swap3A_658, %swap3A_659] {strides = array<i32>} : memref<16x256xf32, #tpu.memory_space<vmem>>, vector<16xf32>,
    tpu.vector_store %arg14[%swap3A_658, %swap3A_659], %broadcast_in_dim3A_3 {strides = array<i32>} : memref<16x256xf32, #tpu.memory_space<vmem>>, vector<16xf32>,
    %swap3A_661 = arith.constant 10 : i32
    %swap3A_662 = arith.index_cast %swap3A_661 : i32 to index
    %swap3A_663 = arith.constant 64 : index
    %swap3A_664 = tpu.vector_load %arg14[%swap3A_662, %swap3A_663] {strides = array<i32>} : memref<16x256xf32, #tpu.memory_space<vmem>>, vector<16xf32>,
    tpu.vector_store %arg14[%swap3A_662, %swap3A_663], %broadcast_in_dim3A_3 {strides = array<i32>} : memref<16x256xf32, #tpu.memory_space<vmem>>, vector<16xf32>,
    %swap3A_665 = arith.constant 10 : i32
    %swap3A_666 = arith.index_cast %swap3A_665 : i32 to index
    %swap3A_667 = arith.constant 80 : index
    %swap3A_668 = tpu.vector_load %arg14[%swap3A_666, %swap3A_667] {strides = array<i32>} : memref<16x256xf32, #tpu.memory_space<vmem>>, vector<16xf32>,
    tpu.vector_store %arg14[%swap3A_666, %swap3A_667], %broadcast_in_dim3A_3 {strides = array<i32>} : memref<16x256xf32, #tpu.memory_space<vmem>>, vector<16xf32>,
    %swap3A_669 = arith.constant 10 : i32
    %swap3A_670 = arith.index_cast %swap3A_669 : i32 to index
    %swap3A_671 = arith.constant 96 : index
    %swap3A_672 = tpu.vector_load %arg14[%swap3A_670, %swap3A_671] {strides = array<i32>} : memref<16x256xf32, #tpu.memory_space<vmem>>, vector<16xf32>,
    tpu.vector_store %arg14[%swap3A_670, %swap3A_671], %broadcast_in_dim3A_3 {strides = array<i32>} : memref<16x256xf32, #tpu.memory_space<vmem>>, vector<16xf32>,
    %swap3A_673 = arith.constant 10 : i32
    %swap3A_674 = arith.index_cast %swap3A_673 : i32 to index
    %swap3A_675 = arith.constant 112 : index
    %swap3A_676 = tpu.vector_load %arg14[%swap3A_674, %swap3A_675] {strides = array<i32>} : memref<16x256xf32, #tpu.memory_space<vmem>>, vector<16xf32>,
    tpu.vector_store %arg14[%swap3A_674, %swap3A_675], %broadcast_in_dim3A_3 {strides = array<i32>} : memref<16x256xf32, #tpu.memory_space<vmem>>, vector<16xf32>,
    %swap3A_677 = arith.constant 10 : i32
    %swap3A_678 = arith.index_cast %swap3A_677 : i32 to index
    %swap3A_679 = arith.constant 128 : index
    %swap3A_680 = tpu.vector_load %arg14[%swap3A_678, %swap3A_679] {strides = array<i32>} : memref<16x256xf32, #tpu.memory_space<vmem>>, vector<16xf32>,
    tpu.vector_store %arg14[%swap3A_678, %swap3A_679], %broadcast_in_dim3A_3 {strides = array<i32>} : memref<16x256xf32, #tpu.memory_space<vmem>>, vector<16xf32>,
    %swap3A_681 = arith.constant 10 : i32
    %swap3A_682 = arith.index_cast %swap3A_681 : i32 to index
    %swap3A_683 = arith.constant 144 : index
    %swap3A_684 = tpu.vector_load %arg14[%swap3A_682, %swap3A_683] {strides = array<i32>} : memref<16x256xf32, #tpu.memory_space<vmem>>, vector<16xf32>,
    tpu.vector_store %arg14[%swap3A_682, %swap3A_683], %broadcast_in_dim3A_3 {strides = array<i32>} : memref<16x256xf32, #tpu.memory_space<vmem>>, vector<16xf32>,
    %swap3A_685 = arith.constant 10 : i32
    %swap3A_686 = arith.index_cast %swap3A_685 : i32 to index
    %swap3A_687 = arith.constant 160 : index
    %swap3A_688 = tpu.vector_load %arg14[%swap3A_686, %swap3A_687] {strides = array<i32>} : memref<16x256xf32, #tpu.memory_space<vmem>>, vector<16xf32>,
    tpu.vector_store %arg14[%swap3A_686, %swap3A_687], %broadcast_in_dim3A_3 {strides = array<i32>} : memref<16x256xf32, #tpu.memory_space<vmem>>, vector<16xf32>,
    %swap3A_689 = arith.constant 10 : i32
    %swap3A_690 = arith.index_cast %swap3A_689 : i32 to index
    %swap3A_691 = arith.constant 176 : index
    %swap3A_692 = tpu.vector_load %arg14[%swap3A_690, %swap3A_691] {strides = array<i32>} : memref<16x256xf32, #tpu.memory_space<vmem>>, vector<16xf32>,
    tpu.vector_store %arg14[%swap3A_690, %swap3A_691], %broadcast_in_dim3A_3 {strides = array<i32>} : memref<16x256xf32, #tpu.memory_space<vmem>>, vector<16xf32>,
    %swap3A_693 = arith.constant 10 : i32
    %swap3A_694 = arith.index_cast %swap3A_693 : i32 to index
    %swap3A_695 = arith.constant 192 : index
    %swap3A_696 = tpu.vector_load %arg14[%swap3A_694, %swap3A_695] {strides = array<i32>} : memref<16x256xf32, #tpu.memory_space<vmem>>, vector<16xf32>,
    tpu.vector_store %arg14[%swap3A_694, %swap3A_695], %broadcast_in_dim3A_3 {strides = array<i32>} : memref<16x256xf32, #tpu.memory_space<vmem>>, vector<16xf32>,
    %swap3A_697 = arith.constant 10 : i32
    %swap3A_698 = arith.index_cast %swap3A_697 : i32 to index
    %swap3A_699 = arith.constant 208 : index
    %swap3A_700 = tpu.vector_load %arg14[%swap3A_698, %swap3A_699] {strides = array<i32>} : memref<16x256xf32, #tpu.memory_space<vmem>>, vector<16xf32>,
    tpu.vector_store %arg14[%swap3A_698, %swap3A_699], %broadcast_in_dim3A_3 {strides = array<i32>} : memref<16x256xf32, #tpu.memory_space<vmem>>, vector<16xf32>,
    %swap3A_701 = arith.constant 10 : i32
    %swap3A_702 = arith.index_cast %swap3A_701 : i32 to index
    %swap3A_703 = arith.constant 224 : index
    %swap3A_704 = tpu.vector_load %arg14[%swap3A_702, %swap3A_703] {strides = array<i32>} : memref<16x256xf32, #tpu.memory_space<vmem>>, vector<16xf32>,
    tpu.vector_store %arg14[%swap3A_702, %swap3A_703], %broadcast_in_dim3A_3 {strides = array<i32>} : memref<16x256xf32, #tpu.memory_space<vmem>>, vector<16xf32>,
    %swap3A_705 = arith.constant 10 : i32
    %swap3A_706 = arith.index_cast %swap3A_705 : i32 to index
    %swap3A_707 = arith.constant 240 : index
    %swap3A_708 = tpu.vector_load %arg14[%swap3A_706, %swap3A_707] {strides = array<i32>} : memref<16x256xf32, #tpu.memory_space<vmem>>, vector<16xf32>,
    tpu.vector_store %arg14[%swap3A_706, %swap3A_707], %broadcast_in_dim3A_3 {strides = array<i32>} : memref<16x256xf32, #tpu.memory_space<vmem>>, vector<16xf32>,
    %swap3A_709 = arith.constant 11 : i32
    %swap3A_710 = arith.index_cast %swap3A_709 : i32 to index
    %swap3A_711 = arith.constant 0 : index
    %swap3A_712 = tpu.vector_load %arg14[%swap3A_710, %swap3A_711] {strides = array<i32>} : memref<16x256xf32, #tpu.memory_space<vmem>>, vector<16xf32>,
    tpu.vector_store %arg14[%swap3A_710, %swap3A_711], %broadcast_in_dim3A_3 {strides = array<i32>} : memref<16x256xf32, #tpu.memory_space<vmem>>, vector<16xf32>,
    %swap3A_713 = arith.constant 11 : i32
    %swap3A_714 = arith.index_cast %swap3A_713 : i32 to index
    %swap3A_715 = arith.constant 16 : index
    %swap3A_716 = tpu.vector_load %arg14[%swap3A_714, %swap3A_715] {strides = array<i32>} : memref<16x256xf32, #tpu.memory_space<vmem>>, vector<16xf32>,
    tpu.vector_store %arg14[%swap3A_714, %swap3A_715], %broadcast_in_dim3A_3 {strides = array<i32>} : memref<16x256xf32, #tpu.memory_space<vmem>>, vector<16xf32>,
    %swap3A_717 = arith.constant 11 : i32
    %swap3A_718 = arith.index_cast %swap3A_717 : i32 to index
    %swap3A_719 = arith.constant 32 : index
    %swap3A_720 = tpu.vector_load %arg14[%swap3A_718, %swap3A_719] {strides = array<i32>} : memref<16x256xf32, #tpu.memory_space<vmem>>, vector<16xf32>,
    tpu.vector_store %arg14[%swap3A_718, %swap3A_719], %broadcast_in_dim3A_3 {strides = array<i32>} : memref<16x256xf32, #tpu.memory_space<vmem>>, vector<16xf32>,
    %swap3A_721 = arith.constant 11 : i32
    %swap3A_722 = arith.index_cast %swap3A_721 : i32 to index
    %swap3A_723 = arith.constant 48 : index
    %swap3A_724 = tpu.vector_load %arg14[%swap3A_722, %swap3A_723] {strides = array<i32>} : memref<16x256xf32, #tpu.memory_space<vmem>>, vector<16xf32>,
    tpu.vector_store %arg14[%swap3A_722, %swap3A_723], %broadcast_in_dim3A_3 {strides = array<i32>} : memref<16x256xf32, #tpu.memory_space<vmem>>, vector<16xf32>,
    %swap3A_725 = arith.constant 11 : i32
    %swap3A_726 = arith.index_cast %swap3A_725 : i32 to index
    %swap3A_727 = arith.constant 64 : index
    %swap3A_728 = tpu.vector_load %arg14[%swap3A_726, %swap3A_727] {strides = array<i32>} : memref<16x256xf32, #tpu.memory_space<vmem>>, vector<16xf32>,
    tpu.vector_store %arg14[%swap3A_726, %swap3A_727], %broadcast_in_dim3A_3 {strides = array<i32>} : memref<16x256xf32, #tpu.memory_space<vmem>>, vector<16xf32>,
    %swap3A_729 = arith.constant 11 : i32
    %swap3A_730 = arith.index_cast %swap3A_729 : i32 to index
    %swap3A_731 = arith.constant 80 : index
    %swap3A_732 = tpu.vector_load %arg14[%swap3A_730, %swap3A_731] {strides = array<i32>} : memref<16x256xf32, #tpu.memory_space<vmem>>, vector<16xf32>,
    tpu.vector_store %arg14[%swap3A_730, %swap3A_731], %broadcast_in_dim3A_3 {strides = array<i32>} : memref<16x256xf32, #tpu.memory_space<vmem>>, vector<16xf32>,
    %swap3A_733 = arith.constant 11 : i32
    %swap3A_734 = arith.index_cast %swap3A_733 : i32 to index
    %swap3A_735 = arith.constant 96 : index
    %swap3A_736 = tpu.vector_load %arg14[%swap3A_734, %swap3A_735] {strides = array<i32>} : memref<16x256xf32, #tpu.memory_space<vmem>>, vector<16xf32>,
    tpu.vector_store %arg14[%swap3A_734, %swap3A_735], %broadcast_in_dim3A_3 {strides = array<i32>} : memref<16x256xf32, #tpu.memory_space<vmem>>, vector<16xf32>,
    %swap3A_737 = arith.constant 11 : i32
    %swap3A_738 = arith.index_cast %swap3A_737 : i32 to index
    %swap3A_739 = arith.constant 112 : index
    %swap3A_740 = tpu.vector_load %arg14[%swap3A_738, %swap3A_739] {strides = array<i32>} : memref<16x256xf32, #tpu.memory_space<vmem>>, vector<16xf32>,
    tpu.vector_store %arg14[%swap3A_738, %swap3A_739], %broadcast_in_dim3A_3 {strides = array<i32>} : memref<16x256xf32, #tpu.memory_space<vmem>>, vector<16xf32>,
    %swap3A_741 = arith.constant 11 : i32
    %swap3A_742 = arith.index_cast %swap3A_741 : i32 to index
    %swap3A_743 = arith.constant 128 : index
    %swap3A_744 = tpu.vector_load %arg14[%swap3A_742, %swap3A_743] {strides = array<i32>} : memref<16x256xf32, #tpu.memory_space<vmem>>, vector<16xf32>,
    tpu.vector_store %arg14[%swap3A_742, %swap3A_743], %broadcast_in_dim3A_3 {strides = array<i32>} : memref<16x256xf32, #tpu.memory_space<vmem>>, vector<16xf32>,
    %swap3A_745 = arith.constant 11 : i32
    %swap3A_746 = arith.index_cast %swap3A_745 : i32 to index
    %swap3A_747 = arith.constant 144 : index
    %swap3A_748 = tpu.vector_load %arg14[%swap3A_746, %swap3A_747] {strides = array<i32>} : memref<16x256xf32, #tpu.memory_space<vmem>>, vector<16xf32>,
    tpu.vector_store %arg14[%swap3A_746, %swap3A_747], %broadcast_in_dim3A_3 {strides = array<i32>} : memref<16x256xf32, #tpu.memory_space<vmem>>, vector<16xf32>,
    %swap3A_749 = arith.constant 11 : i32
    %swap3A_750 = arith.index_cast %swap3A_749 : i32 to index
    %swap3A_751 = arith.constant 160 : index
    %swap3A_752 = tpu.vector_load %arg14[%swap3A_750, %swap3A_751] {strides = array<i32>} : memref<16x256xf32, #tpu.memory_space<vmem>>, vector<16xf32>,
    tpu.vector_store %arg14[%swap3A_750, %swap3A_751], %broadcast_in_dim3A_3 {strides = array<i32>} : memref<16x256xf32, #tpu.memory_space<vmem>>, vector<16xf32>,
    %swap3A_753 = arith.constant 11 : i32
    %swap3A_754 = arith.index_cast %swap3A_753 : i32 to index
    %swap3A_755 = arith.constant 176 : index
    %swap3A_756 = tpu.vector_load %arg14[%swap3A_754, %swap3A_755] {strides = array<i32>} : memref<16x256xf32, #tpu.memory_space<vmem>>, vector<16xf32>,
    tpu.vector_store %arg14[%swap3A_754, %swap3A_755], %broadcast_in_dim3A_3 {strides = array<i32>} : memref<16x256xf32, #tpu.memory_space<vmem>>, vector<16xf32>,
    %swap3A_757 = arith.constant 11 : i32
    %swap3A_758 = arith.index_cast %swap3A_757 : i32 to index
    %swap3A_759 = arith.constant 192 : index
    %swap3A_760 = tpu.vector_load %arg14[%swap3A_758, %swap3A_759] {strides = array<i32>} : memref<16x256xf32, #tpu.memory_space<vmem>>, vector<16xf32>,
    tpu.vector_store %arg14[%swap3A_758, %swap3A_759], %broadcast_in_dim3A_3 {strides = array<i32>} : memref<16x256xf32, #tpu.memory_space<vmem>>, vector<16xf32>,
    %swap3A_761 = arith.constant 11 : i32
    %swap3A_762 = arith.index_cast %swap3A_761 : i32 to index
    %swap3A_763 = arith.constant 208 : index
    %swap3A_764 = tpu.vector_load %arg14[%swap3A_762, %swap3A_763] {strides = array<i32>} : memref<16x256xf32, #tpu.memory_space<vmem>>, vector<16xf32>,
    tpu.vector_store %arg14[%swap3A_762, %swap3A_763], %broadcast_in_dim3A_3 {strides = array<i32>} : memref<16x256xf32, #tpu.memory_space<vmem>>, vector<16xf32>,
    %swap3A_765 = arith.constant 11 : i32
    %swap3A_766 = arith.index_cast %swap3A_765 : i32 to index
    %swap3A_767 = arith.constant 224 : index
    %swap3A_768 = tpu.vector_load %arg14[%swap3A_766, %swap3A_767] {strides = array<i32>} : memref<16x256xf32, #tpu.memory_space<vmem>>, vector<16xf32>,
    tpu.vector_store %arg14[%swap3A_766, %swap3A_767], %broadcast_in_dim3A_3 {strides = array<i32>} : memref<16x256xf32, #tpu.memory_space<vmem>>, vector<16xf32>,
    %swap3A_769 = arith.constant 11 : i32
    %swap3A_770 = arith.index_cast %swap3A_769 : i32 to index
    %swap3A_771 = arith.constant 240 : index
    %swap3A_772 = tpu.vector_load %arg14[%swap3A_770, %swap3A_771] {strides = array<i32>} : memref<16x256xf32, #tpu.memory_space<vmem>>, vector<16xf32>,
    tpu.vector_store %arg14[%swap3A_770, %swap3A_771], %broadcast_in_dim3A_3 {strides = array<i32>} : memref<16x256xf32, #tpu.memory_space<vmem>>, vector<16xf32>,
    %swap3A_773 = arith.constant 12 : i32
    %swap3A_774 = arith.index_cast %swap3A_773 : i32 to index
    %swap3A_775 = arith.constant 0 : index
    %swap3A_776 = tpu.vector_load %arg14[%swap3A_774, %swap3A_775] {strides = array<i32>} : memref<16x256xf32, #tpu.memory_space<vmem>>, vector<16xf32>,
    tpu.vector_store %arg14[%swap3A_774, %swap3A_775], %broadcast_in_dim3A_3 {strides = array<i32>} : memref<16x256xf32, #tpu.memory_space<vmem>>, vector<16xf32>,
    %swap3A_777 = arith.constant 12 : i32
    %swap3A_778 = arith.index_cast %swap3A_777 : i32 to index
    %swap3A_779 = arith.constant 16 : index
    %swap3A_780 = tpu.vector_load %arg14[%swap3A_778, %swap3A_779] {strides = array<i32>} : memref<16x256xf32, #tpu.memory_space<vmem>>, vector<16xf32>,
    tpu.vector_store %arg14[%swap3A_778, %swap3A_779], %broadcast_in_dim3A_3 {strides = array<i32>} : memref<16x256xf32, #tpu.memory_space<vmem>>, vector<16xf32>,
    %swap3A_781 = arith.constant 12 : i32
    %swap3A_782 = arith.index_cast %swap3A_781 : i32 to index
    %swap3A_783 = arith.constant 32 : index
    %swap3A_784 = tpu.vector_load %arg14[%swap3A_782, %swap3A_783] {strides = array<i32>} : memref<16x256xf32, #tpu.memory_space<vmem>>, vector<16xf32>,
    tpu.vector_store %arg14[%swap3A_782, %swap3A_783], %broadcast_in_dim3A_3 {strides = array<i32>} : memref<16x256xf32, #tpu.memory_space<vmem>>, vector<16xf32>,
    %swap3A_785 = arith.constant 12 : i32
    %swap3A_786 = arith.index_cast %swap3A_785 : i32 to index
    %swap3A_787 = arith.constant 48 : index
    %swap3A_788 = tpu.vector_load %arg14[%swap3A_786, %swap3A_787] {strides = array<i32>} : memref<16x256xf32, #tpu.memory_space<vmem>>, vector<16xf32>,
    tpu.vector_store %arg14[%swap3A_786, %swap3A_787], %broadcast_in_dim3A_3 {strides = array<i32>} : memref<16x256xf32, #tpu.memory_space<vmem>>, vector<16xf32>,
    %swap3A_789 = arith.constant 12 : i32
    %swap3A_790 = arith.index_cast %swap3A_789 : i32 to index
    %swap3A_791 = arith.constant 64 : index
    %swap3A_792 = tpu.vector_load %arg14[%swap3A_790, %swap3A_791] {strides = array<i32>} : memref<16x256xf32, #tpu.memory_space<vmem>>, vector<16xf32>,
    tpu.vector_store %arg14[%swap3A_790, %swap3A_791], %broadcast_in_dim3A_3 {strides = array<i32>} : memref<16x256xf32, #tpu.memory_space<vmem>>, vector<16xf32>,
    %swap3A_793 = arith.constant 12 : i32
    %swap3A_794 = arith.index_cast %swap3A_793 : i32 to index
    %swap3A_795 = arith.constant 80 : index
    %swap3A_796 = tpu.vector_load %arg14[%swap3A_794, %swap3A_795] {strides = array<i32>} : memref<16x256xf32, #tpu.memory_space<vmem>>, vector<16xf32>,
    tpu.vector_store %arg14[%swap3A_794, %swap3A_795], %broadcast_in_dim3A_3 {strides = array<i32>} : memref<16x256xf32, #tpu.memory_space<vmem>>, vector<16xf32>,
    %swap3A_797 = arith.constant 12 : i32
    %swap3A_798 = arith.index_cast %swap3A_797 : i32 to index
    %swap3A_799 = arith.constant 96 : index
    %swap3A_800 = tpu.vector_load %arg14[%swap3A_798, %swap3A_799] {strides = array<i32>} : memref<16x256xf32, #tpu.memory_space<vmem>>, vector<16xf32>,
    tpu.vector_store %arg14[%swap3A_798, %swap3A_799], %broadcast_in_dim3A_3 {strides = array<i32>} : memref<16x256xf32, #tpu.memory_space<vmem>>, vector<16xf32>,
    %swap3A_801 = arith.constant 12 : i32
    %swap3A_802 = arith.index_cast %swap3A_801 : i32 to index
    %swap3A_803 = arith.constant 112 : index
    %swap3A_804 = tpu.vector_load %arg14[%swap3A_802, %swap3A_803] {strides = array<i32>} : memref<16x256xf32, #tpu.memory_space<vmem>>, vector<16xf32>,
    tpu.vector_store %arg14[%swap3A_802, %swap3A_803], %broadcast_in_dim3A_3 {strides = array<i32>} : memref<16x256xf32, #tpu.memory_space<vmem>>, vector<16xf32>,
    %swap3A_805 = arith.constant 12 : i32
    %swap3A_806 = arith.index_cast %swap3A_805 : i32 to index
    %swap3A_807 = arith.constant 128 : index
    %swap3A_808 = tpu.vector_load %arg14[%swap3A_806, %swap3A_807] {strides = array<i32>} : memref<16x256xf32, #tpu.memory_space<vmem>>, vector<16xf32>,
    tpu.vector_store %arg14[%swap3A_806, %swap3A_807], %broadcast_in_dim3A_3 {strides = array<i32>} : memref<16x256xf32, #tpu.memory_space<vmem>>, vector<16xf32>,
    %swap3A_809 = arith.constant 12 : i32
    %swap3A_810 = arith.index_cast %swap3A_809 : i32 to index
    %swap3A_811 = arith.constant 144 : index
    %swap3A_812 = tpu.vector_load %arg14[%swap3A_810, %swap3A_811] {strides = array<i32>} : memref<16x256xf32, #tpu.memory_space<vmem>>, vector<16xf32>,
    tpu.vector_store %arg14[%swap3A_810, %swap3A_811], %broadcast_in_dim3A_3 {strides = array<i32>} : memref<16x256xf32, #tpu.memory_space<vmem>>, vector<16xf32>,
    %swap3A_813 = arith.constant 12 : i32
    %swap3A_814 = arith.index_cast %swap3A_813 : i32 to index
    %swap3A_815 = arith.constant 160 : index
    %swap3A_816 = tpu.vector_load %arg14[%swap3A_814, %swap3A_815] {strides = array<i32>} : memref<16x256xf32, #tpu.memory_space<vmem>>, vector<16xf32>,
    tpu.vector_store %arg14[%swap3A_814, %swap3A_815], %broadcast_in_dim3A_3 {strides = array<i32>} : memref<16x256xf32, #tpu.memory_space<vmem>>, vector<16xf32>,
    %swap3A_817 = arith.constant 12 : i32
    %swap3A_818 = arith.index_cast %swap3A_817 : i32 to index
    %swap3A_819 = arith.constant 176 : index
    %swap3A_820 = tpu.vector_load %arg14[%swap3A_818, %swap3A_819] {strides = array<i32>} : memref<16x256xf32, #tpu.memory_space<vmem>>, vector<16xf32>,
    tpu.vector_store %arg14[%swap3A_818, %swap3A_819], %broadcast_in_dim3A_3 {strides = array<i32>} : memref<16x256xf32, #tpu.memory_space<vmem>>, vector<16xf32>,
    %swap3A_821 = arith.constant 12 : i32
    %swap3A_822 = arith.index_cast %swap3A_821 : i32 to index
    %swap3A_823 = arith.constant 192 : index
    %swap3A_824 = tpu.vector_load %arg14[%swap3A_822, %swap3A_823] {strides = array<i32>} : memref<16x256xf32, #tpu.memory_space<vmem>>, vector<16xf32>,
    tpu.vector_store %arg14[%swap3A_822, %swap3A_823], %broadcast_in_dim3A_3 {strides = array<i32>} : memref<16x256xf32, #tpu.memory_space<vmem>>, vector<16xf32>,
    %swap3A_825 = arith.constant 12 : i32
    %swap3A_826 = arith.index_cast %swap3A_825 : i32 to index
    %swap3A_827 = arith.constant 208 : index
    %swap3A_828 = tpu.vector_load %arg14[%swap3A_826, %swap3A_827] {strides = array<i32>} : memref<16x256xf32, #tpu.memory_space<vmem>>, vector<16xf32>,
    tpu.vector_store %arg14[%swap3A_826, %swap3A_827], %broadcast_in_dim3A_3 {strides = array<i32>} : memref<16x256xf32, #tpu.memory_space<vmem>>, vector<16xf32>,
    %swap3A_829 = arith.constant 12 : i32
    %swap3A_830 = arith.index_cast %swap3A_829 : i32 to index
    %swap3A_831 = arith.constant 224 : index
    %swap3A_832 = tpu.vector_load %arg14[%swap3A_830, %swap3A_831] {strides = array<i32>} : memref<16x256xf32, #tpu.memory_space<vmem>>, vector<16xf32>,
    tpu.vector_store %arg14[%swap3A_830, %swap3A_831], %broadcast_in_dim3A_3 {strides = array<i32>} : memref<16x256xf32, #tpu.memory_space<vmem>>, vector<16xf32>,
    %swap3A_833 = arith.constant 12 : i32
    %swap3A_834 = arith.index_cast %swap3A_833 : i32 to index
    %swap3A_835 = arith.constant 240 : index
    %swap3A_836 = tpu.vector_load %arg14[%swap3A_834, %swap3A_835] {strides = array<i32>} : memref<16x256xf32, #tpu.memory_space<vmem>>, vector<16xf32>,
    tpu.vector_store %arg14[%swap3A_834, %swap3A_835], %broadcast_in_dim3A_3 {strides = array<i32>} : memref<16x256xf32, #tpu.memory_space<vmem>>, vector<16xf32>,
    %swap3A_837 = arith.constant 13 : i32
    %swap3A_838 = arith.index_cast %swap3A_837 : i32 to index
    %swap3A_839 = arith.constant 0 : index
    %swap3A_840 = tpu.vector_load %arg14[%swap3A_838, %swap3A_839] {strides = array<i32>} : memref<16x256xf32, #tpu.memory_space<vmem>>, vector<16xf32>,
    tpu.vector_store %arg14[%swap3A_838, %swap3A_839], %broadcast_in_dim3A_3 {strides = array<i32>} : memref<16x256xf32, #tpu.memory_space<vmem>>, vector<16xf32>,
    %swap3A_841 = arith.constant 13 : i32
    %swap3A_842 = arith.index_cast %swap3A_841 : i32 to index
    %swap3A_843 = arith.constant 16 : index
    %swap3A_844 = tpu.vector_load %arg14[%swap3A_842, %swap3A_843] {strides = array<i32>} : memref<16x256xf32, #tpu.memory_space<vmem>>, vector<16xf32>,
    tpu.vector_store %arg14[%swap3A_842, %swap3A_843], %broadcast_in_dim3A_3 {strides = array<i32>} : memref<16x256xf32, #tpu.memory_space<vmem>>, vector<16xf32>,
    %swap3A_845 = arith.constant 13 : i32
    %swap3A_846 = arith.index_cast %swap3A_845 : i32 to index
    %swap3A_847 = arith.constant 32 : index
    %swap3A_848 = tpu.vector_load %arg14[%swap3A_846, %swap3A_847] {strides = array<i32>} : memref<16x256xf32, #tpu.memory_space<vmem>>, vector<16xf32>,
    tpu.vector_store %arg14[%swap3A_846, %swap3A_847], %broadcast_in_dim3A_3 {strides = array<i32>} : memref<16x256xf32, #tpu.memory_space<vmem>>, vector<16xf32>,
    %swap3A_849 = arith.constant 13 : i32
    %swap3A_850 = arith.index_cast %swap3A_849 : i32 to index
    %swap3A_851 = arith.constant 48 : index
    %swap3A_852 = tpu.vector_load %arg14[%swap3A_850, %swap3A_851] {strides = array<i32>} : memref<16x256xf32, #tpu.memory_space<vmem>>, vector<16xf32>,
    tpu.vector_store %arg14[%swap3A_850, %swap3A_851], %broadcast_in_dim3A_3 {strides = array<i32>} : memref<16x256xf32, #tpu.memory_space<vmem>>, vector<16xf32>,
    %swap3A_853 = arith.constant 13 : i32
    %swap3A_854 = arith.index_cast %swap3A_853 : i32 to index
    %swap3A_855 = arith.constant 64 : index
    %swap3A_856 = tpu.vector_load %arg14[%swap3A_854, %swap3A_855] {strides = array<i32>} : memref<16x256xf32, #tpu.memory_space<vmem>>, vector<16xf32>,
    tpu.vector_store %arg14[%swap3A_854, %swap3A_855], %broadcast_in_dim3A_3 {strides = array<i32>} : memref<16x256xf32, #tpu.memory_space<vmem>>, vector<16xf32>,
    %swap3A_857 = arith.constant 13 : i32
    %swap3A_858 = arith.index_cast %swap3A_857 : i32 to index
    %swap3A_859 = arith.constant 80 : index
    %swap3A_860 = tpu.vector_load %arg14[%swap3A_858, %swap3A_859] {strides = array<i32>} : memref<16x256xf32, #tpu.memory_space<vmem>>, vector<16xf32>,
    tpu.vector_store %arg14[%swap3A_858, %swap3A_859], %broadcast_in_dim3A_3 {strides = array<i32>} : memref<16x256xf32, #tpu.memory_space<vmem>>, vector<16xf32>,
    %swap3A_861 = arith.constant 13 : i32
    %swap3A_862 = arith.index_cast %swap3A_861 : i32 to index
    %swap3A_863 = arith.constant 96 : index
    %swap3A_864 = tpu.vector_load %arg14[%swap3A_862, %swap3A_863] {strides = array<i32>} : memref<16x256xf32, #tpu.memory_space<vmem>>, vector<16xf32>,
    tpu.vector_store %arg14[%swap3A_862, %swap3A_863], %broadcast_in_dim3A_3 {strides = array<i32>} : memref<16x256xf32, #tpu.memory_space<vmem>>, vector<16xf32>,
    %swap3A_865 = arith.constant 13 : i32
    %swap3A_866 = arith.index_cast %swap3A_865 : i32 to index
    %swap3A_867 = arith.constant 112 : index
    %swap3A_868 = tpu.vector_load %arg14[%swap3A_866, %swap3A_867] {strides = array<i32>} : memref<16x256xf32, #tpu.memory_space<vmem>>, vector<16xf32>,
    tpu.vector_store %arg14[%swap3A_866, %swap3A_867], %broadcast_in_dim3A_3 {strides = array<i32>} : memref<16x256xf32, #tpu.memory_space<vmem>>, vector<16xf32>,
    %swap3A_869 = arith.constant 13 : i32
    %swap3A_870 = arith.index_cast %swap3A_869 : i32 to index
    %swap3A_871 = arith.constant 128 : index
    %swap3A_872 = tpu.vector_load %arg14[%swap3A_870, %swap3A_871] {strides = array<i32>} : memref<16x256xf32, #tpu.memory_space<vmem>>, vector<16xf32>,
    tpu.vector_store %arg14[%swap3A_870, %swap3A_871], %broadcast_in_dim3A_3 {strides = array<i32>} : memref<16x256xf32, #tpu.memory_space<vmem>>, vector<16xf32>,
    %swap3A_873 = arith.constant 13 : i32
    %swap3A_874 = arith.index_cast %swap3A_873 : i32 to index
    %swap3A_875 = arith.constant 144 : index
    %swap3A_876 = tpu.vector_load %arg14[%swap3A_874, %swap3A_875] {strides = array<i32>} : memref<16x256xf32, #tpu.memory_space<vmem>>, vector<16xf32>,
    tpu.vector_store %arg14[%swap3A_874, %swap3A_875], %broadcast_in_dim3A_3 {strides = array<i32>} : memref<16x256xf32, #tpu.memory_space<vmem>>, vector<16xf32>,
    %swap3A_877 = arith.constant 13 : i32
    %swap3A_878 = arith.index_cast %swap3A_877 : i32 to index
    %swap3A_879 = arith.constant 160 : index
    %swap3A_880 = tpu.vector_load %arg14[%swap3A_878, %swap3A_879] {strides = array<i32>} : memref<16x256xf32, #tpu.memory_space<vmem>>, vector<16xf32>,
    tpu.vector_store %arg14[%swap3A_878, %swap3A_879], %broadcast_in_dim3A_3 {strides = array<i32>} : memref<16x256xf32, #tpu.memory_space<vmem>>, vector<16xf32>,
    %swap3A_881 = arith.constant 13 : i32
    %swap3A_882 = arith.index_cast %swap3A_881 : i32 to index
    %swap3A_883 = arith.constant 176 : index
    %swap3A_884 = tpu.vector_load %arg14[%swap3A_882, %swap3A_883] {strides = array<i32>} : memref<16x256xf32, #tpu.memory_space<vmem>>, vector<16xf32>,
    tpu.vector_store %arg14[%swap3A_882, %swap3A_883], %broadcast_in_dim3A_3 {strides = array<i32>} : memref<16x256xf32, #tpu.memory_space<vmem>>, vector<16xf32>,
    %swap3A_885 = arith.constant 13 : i32
    %swap3A_886 = arith.index_cast %swap3A_885 : i32 to index
    %swap3A_887 = arith.constant 192 : index
    %swap3A_888 = tpu.vector_load %arg14[%swap3A_886, %swap3A_887] {strides = array<i32>} : memref<16x256xf32, #tpu.memory_space<vmem>>, vector<16xf32>,
    tpu.vector_store %arg14[%swap3A_886, %swap3A_887], %broadcast_in_dim3A_3 {strides = array<i32>} : memref<16x256xf32, #tpu.memory_space<vmem>>, vector<16xf32>,
    %swap3A_889 = arith.constant 13 : i32
    %swap3A_890 = arith.index_cast %swap3A_889 : i32 to index
    %swap3A_891 = arith.constant 208 : index
    %swap3A_892 = tpu.vector_load %arg14[%swap3A_890, %swap3A_891] {strides = array<i32>} : memref<16x256xf32, #tpu.memory_space<vmem>>, vector<16xf32>,
    tpu.vector_store %arg14[%swap3A_890, %swap3A_891], %broadcast_in_dim3A_3 {strides = array<i32>} : memref<16x256xf32, #tpu.memory_space<vmem>>, vector<16xf32>,
    %swap3A_893 = arith.constant 13 : i32
    %swap3A_894 = arith.index_cast %swap3A_893 : i32 to index
    %swap3A_895 = arith.constant 224 : index
    %swap3A_896 = tpu.vector_load %arg14[%swap3A_894, %swap3A_895] {strides = array<i32>} : memref<16x256xf32, #tpu.memory_space<vmem>>, vector<16xf32>,
    tpu.vector_store %arg14[%swap3A_894, %swap3A_895], %broadcast_in_dim3A_3 {strides = array<i32>} : memref<16x256xf32, #tpu.memory_space<vmem>>, vector<16xf32>,
    %swap3A_897 = arith.constant 13 : i32
    %swap3A_898 = arith.index_cast %swap3A_897 : i32 to index
    %swap3A_899 = arith.constant 240 : index
    %swap3A_900 = tpu.vector_load %arg14[%swap3A_898, %swap3A_899] {strides = array<i32>} : memref<16x256xf32, #tpu.memory_space<vmem>>, vector<16xf32>,
    tpu.vector_store %arg14[%swap3A_898, %swap3A_899], %broadcast_in_dim3A_3 {strides = array<i32>} : memref<16x256xf32, #tpu.memory_space<vmem>>, vector<16xf32>,
    %swap3A_901 = arith.constant 14 : i32
    %swap3A_902 = arith.index_cast %swap3A_901 : i32 to index
    %swap3A_903 = arith.constant 0 : index
    %swap3A_904 = tpu.vector_load %arg14[%swap3A_902, %swap3A_903] {strides = array<i32>} : memref<16x256xf32, #tpu.memory_space<vmem>>, vector<16xf32>,
    tpu.vector_store %arg14[%swap3A_902, %swap3A_903], %broadcast_in_dim3A_3 {strides = array<i32>} : memref<16x256xf32, #tpu.memory_space<vmem>>, vector<16xf32>,
    %swap3A_905 = arith.constant 14 : i32
    %swap3A_906 = arith.index_cast %swap3A_905 : i32 to index
    %swap3A_907 = arith.constant 16 : index
    %swap3A_908 = tpu.vector_load %arg14[%swap3A_906, %swap3A_907] {strides = array<i32>} : memref<16x256xf32, #tpu.memory_space<vmem>>, vector<16xf32>,
    tpu.vector_store %arg14[%swap3A_906, %swap3A_907], %broadcast_in_dim3A_3 {strides = array<i32>} : memref<16x256xf32, #tpu.memory_space<vmem>>, vector<16xf32>,
    %swap3A_909 = arith.constant 14 : i32
    %swap3A_910 = arith.index_cast %swap3A_909 : i32 to index
    %swap3A_911 = arith.constant 32 : index
    %swap3A_912 = tpu.vector_load %arg14[%swap3A_910, %swap3A_911] {strides = array<i32>} : memref<16x256xf32, #tpu.memory_space<vmem>>, vector<16xf32>,
    tpu.vector_store %arg14[%swap3A_910, %swap3A_911], %broadcast_in_dim3A_3 {strides = array<i32>} : memref<16x256xf32, #tpu.memory_space<vmem>>, vector<16xf32>,
    %swap3A_913 = arith.constant 14 : i32
    %swap3A_914 = arith.index_cast %swap3A_913 : i32 to index
    %swap3A_915 = arith.constant 48 : index
    %swap3A_916 = tpu.vector_load %arg14[%swap3A_914, %swap3A_915] {strides = array<i32>} : memref<16x256xf32, #tpu.memory_space<vmem>>, vector<16xf32>,
    tpu.vector_store %arg14[%swap3A_914, %swap3A_915], %broadcast_in_dim3A_3 {strides = array<i32>} : memref<16x256xf32, #tpu.memory_space<vmem>>, vector<16xf32>,
    %swap3A_917 = arith.constant 14 : i32
    %swap3A_918 = arith.index_cast %swap3A_917 : i32 to index
    %swap3A_919 = arith.constant 64 : index
    %swap3A_920 = tpu.vector_load %arg14[%swap3A_918, %swap3A_919] {strides = array<i32>} : memref<16x256xf32, #tpu.memory_space<vmem>>, vector<16xf32>,
    tpu.vector_store %arg14[%swap3A_918, %swap3A_919], %broadcast_in_dim3A_3 {strides = array<i32>} : memref<16x256xf32, #tpu.memory_space<vmem>>, vector<16xf32>,
    %swap3A_921 = arith.constant 14 : i32
    %swap3A_922 = arith.index_cast %swap3A_921 : i32 to index
    %swap3A_923 = arith.constant 80 : index
    %swap3A_924 = tpu.vector_load %arg14[%swap3A_922, %swap3A_923] {strides = array<i32>} : memref<16x256xf32, #tpu.memory_space<vmem>>, vector<16xf32>,
    tpu.vector_store %arg14[%swap3A_922, %swap3A_923], %broadcast_in_dim3A_3 {strides = array<i32>} : memref<16x256xf32, #tpu.memory_space<vmem>>, vector<16xf32>,
    %swap3A_925 = arith.constant 14 : i32
    %swap3A_926 = arith.index_cast %swap3A_925 : i32 to index
    %swap3A_927 = arith.constant 96 : index
    %swap3A_928 = tpu.vector_load %arg14[%swap3A_926, %swap3A_927] {strides = array<i32>} : memref<16x256xf32, #tpu.memory_space<vmem>>, vector<16xf32>,
    tpu.vector_store %arg14[%swap3A_926, %swap3A_927], %broadcast_in_dim3A_3 {strides = array<i32>} : memref<16x256xf32, #tpu.memory_space<vmem>>, vector<16xf32>,
    %swap3A_929 = arith.constant 14 : i32
    %swap3A_930 = arith.index_cast %swap3A_929 : i32 to index
    %swap3A_931 = arith.constant 112 : index
    %swap3A_932 = tpu.vector_load %arg14[%swap3A_930, %swap3A_931] {strides = array<i32>} : memref<16x256xf32, #tpu.memory_space<vmem>>, vector<16xf32>,
    tpu.vector_store %arg14[%swap3A_930, %swap3A_931], %broadcast_in_dim3A_3 {strides = array<i32>} : memref<16x256xf32, #tpu.memory_space<vmem>>, vector<16xf32>,
    %swap3A_933 = arith.constant 14 : i32
    %swap3A_934 = arith.index_cast %swap3A_933 : i32 to index
    %swap3A_935 = arith.constant 128 : index
    %swap3A_936 = tpu.vector_load %arg14[%swap3A_934, %swap3A_935] {strides = array<i32>} : memref<16x256xf32, #tpu.memory_space<vmem>>, vector<16xf32>,
    tpu.vector_store %arg14[%swap3A_934, %swap3A_935], %broadcast_in_dim3A_3 {strides = array<i32>} : memref<16x256xf32, #tpu.memory_space<vmem>>, vector<16xf32>,
    %swap3A_937 = arith.constant 14 : i32
    %swap3A_938 = arith.index_cast %swap3A_937 : i32 to index
    %swap3A_939 = arith.constant 144 : index
    %swap3A_940 = tpu.vector_load %arg14[%swap3A_938, %swap3A_939] {strides = array<i32>} : memref<16x256xf32, #tpu.memory_space<vmem>>, vector<16xf32>,
    tpu.vector_store %arg14[%swap3A_938, %swap3A_939], %broadcast_in_dim3A_3 {strides = array<i32>} : memref<16x256xf32, #tpu.memory_space<vmem>>, vector<16xf32>,
    %swap3A_941 = arith.constant 14 : i32
    %swap3A_942 = arith.index_cast %swap3A_941 : i32 to index
    %swap3A_943 = arith.constant 160 : index
    %swap3A_944 = tpu.vector_load %arg14[%swap3A_942, %swap3A_943] {strides = array<i32>} : memref<16x256xf32, #tpu.memory_space<vmem>>, vector<16xf32>,
    tpu.vector_store %arg14[%swap3A_942, %swap3A_943], %broadcast_in_dim3A_3 {strides = array<i32>} : memref<16x256xf32, #tpu.memory_space<vmem>>, vector<16xf32>,
    %swap3A_945 = arith.constant 14 : i32
    %swap3A_946 = arith.index_cast %swap3A_945 : i32 to index
    %swap3A_947 = arith.constant 176 : index
    %swap3A_948 = tpu.vector_load %arg14[%swap3A_946, %swap3A_947] {strides = array<i32>} : memref<16x256xf32, #tpu.memory_space<vmem>>, vector<16xf32>,
    tpu.vector_store %arg14[%swap3A_946, %swap3A_947], %broadcast_in_dim3A_3 {strides = array<i32>} : memref<16x256xf32, #tpu.memory_space<vmem>>, vector<16xf32>,
    %swap3A_949 = arith.constant 14 : i32
    %swap3A_950 = arith.index_cast %swap3A_949 : i32 to index
    %swap3A_951 = arith.constant 192 : index
    %swap3A_952 = tpu.vector_load %arg14[%swap3A_950, %swap3A_951] {strides = array<i32>} : memref<16x256xf32, #tpu.memory_space<vmem>>, vector<16xf32>,
    tpu.vector_store %arg14[%swap3A_950, %swap3A_951], %broadcast_in_dim3A_3 {strides = array<i32>} : memref<16x256xf32, #tpu.memory_space<vmem>>, vector<16xf32>,
    %swap3A_953 = arith.constant 14 : i32
    %swap3A_954 = arith.index_cast %swap3A_953 : i32 to index
    %swap3A_955 = arith.constant 208 : index
    %swap3A_956 = tpu.vector_load %arg14[%swap3A_954, %swap3A_955] {strides = array<i32>} : memref<16x256xf32, #tpu.memory_space<vmem>>, vector<16xf32>,
    tpu.vector_store %arg14[%swap3A_954, %swap3A_955], %broadcast_in_dim3A_3 {strides = array<i32>} : memref<16x256xf32, #tpu.memory_space<vmem>>, vector<16xf32>,
    %swap3A_957 = arith.constant 14 : i32
    %swap3A_958 = arith.index_cast %swap3A_957 : i32 to index
    %swap3A_959 = arith.constant 224 : index
    %swap3A_960 = tpu.vector_load %arg14[%swap3A_958, %swap3A_959] {strides = array<i32>} : memref<16x256xf32, #tpu.memory_space<vmem>>, vector<16xf32>,
    tpu.vector_store %arg14[%swap3A_958, %swap3A_959], %broadcast_in_dim3A_3 {strides = array<i32>} : memref<16x256xf32, #tpu.memory_space<vmem>>, vector<16xf32>,
    %swap3A_961 = arith.constant 14 : i32
    %swap3A_962 = arith.index_cast %swap3A_961 : i32 to index
    %swap3A_963 = arith.constant 240 : index
    %swap3A_964 = tpu.vector_load %arg14[%swap3A_962, %swap3A_963] {strides = array<i32>} : memref<16x256xf32, #tpu.memory_space<vmem>>, vector<16xf32>,
    tpu.vector_store %arg14[%swap3A_962, %swap3A_963], %broadcast_in_dim3A_3 {strides = array<i32>} : memref<16x256xf32, #tpu.memory_space<vmem>>, vector<16xf32>,
    %swap3A_965 = arith.constant 15 : i32
    %swap3A_966 = arith.index_cast %swap3A_965 : i32 to index
    %swap3A_967 = arith.constant 0 : index
    %swap3A_968 = tpu.vector_load %arg14[%swap3A_966, %swap3A_967] {strides = array<i32>} : memref<16x256xf32, #tpu.memory_space<vmem>>, vector<16xf32>,
    tpu.vector_store %arg14[%swap3A_966, %swap3A_967], %broadcast_in_dim3A_3 {strides = array<i32>} : memref<16x256xf32, #tpu.memory_space<vmem>>, vector<16xf32>,
    %swap3A_969 = arith.constant 15 : i32
    %swap3A_970 = arith.index_cast %swap3A_969 : i32 to index
    %swap3A_971 = arith.constant 16 : index
    %swap3A_972 = tpu.vector_load %arg14[%swap3A_970, %swap3A_971] {strides = array<i32>} : memref<16x256xf32, #tpu.memory_space<vmem>>, vector<16xf32>,
    tpu.vector_store %arg14[%swap3A_970, %swap3A_971], %broadcast_in_dim3A_3 {strides = array<i32>} : memref<16x256xf32, #tpu.memory_space<vmem>>, vector<16xf32>,
    %swap3A_973 = arith.constant 15 : i32
    %swap3A_974 = arith.index_cast %swap3A_973 : i32 to index
    %swap3A_975 = arith.constant 32 : index
    %swap3A_976 = tpu.vector_load %arg14[%swap3A_974, %swap3A_975] {strides = array<i32>} : memref<16x256xf32, #tpu.memory_space<vmem>>, vector<16xf32>,
    tpu.vector_store %arg14[%swap3A_974, %swap3A_975], %broadcast_in_dim3A_3 {strides = array<i32>} : memref<16x256xf32, #tpu.memory_space<vmem>>, vector<16xf32>,
    %swap3A_977 = arith.constant 15 : i32
    %swap3A_978 = arith.index_cast %swap3A_977 : i32 to index
    %swap3A_979 = arith.constant 48 : index
    %swap3A_980 = tpu.vector_load %arg14[%swap3A_978, %swap3A_979] {strides = array<i32>} : memref<16x256xf32, #tpu.memory_space<vmem>>, vector<16xf32>,
    tpu.vector_store %arg14[%swap3A_978, %swap3A_979], %broadcast_in_dim3A_3 {strides = array<i32>} : memref<16x256xf32, #tpu.memory_space<vmem>>, vector<16xf32>,
    %swap3A_981 = arith.constant 15 : i32
    %swap3A_982 = arith.index_cast %swap3A_981 : i32 to index
    %swap3A_983 = arith.constant 64 : index
    %swap3A_984 = tpu.vector_load %arg14[%swap3A_982, %swap3A_983] {strides = array<i32>} : memref<16x256xf32, #tpu.memory_space<vmem>>, vector<16xf32>,
    tpu.vector_store %arg14[%swap3A_982, %swap3A_983], %broadcast_in_dim3A_3 {strides = array<i32>} : memref<16x256xf32, #tpu.memory_space<vmem>>, vector<16xf32>,
    %swap3A_985 = arith.constant 15 : i32
    %swap3A_986 = arith.index_cast %swap3A_985 : i32 to index
    %swap3A_987 = arith.constant 80 : index
    %swap3A_988 = tpu.vector_load %arg14[%swap3A_986, %swap3A_987] {strides = array<i32>} : memref<16x256xf32, #tpu.memory_space<vmem>>, vector<16xf32>,
    tpu.vector_store %arg14[%swap3A_986, %swap3A_987], %broadcast_in_dim3A_3 {strides = array<i32>} : memref<16x256xf32, #tpu.memory_space<vmem>>, vector<16xf32>,
    %swap3A_989 = arith.constant 15 : i32
    %swap3A_990 = arith.index_cast %swap3A_989 : i32 to index
    %swap3A_991 = arith.constant 96 : index
    %swap3A_992 = tpu.vector_load %arg14[%swap3A_990, %swap3A_991] {strides = array<i32>} : memref<16x256xf32, #tpu.memory_space<vmem>>, vector<16xf32>,
    tpu.vector_store %arg14[%swap3A_990, %swap3A_991], %broadcast_in_dim3A_3 {strides = array<i32>} : memref<16x256xf32, #tpu.memory_space<vmem>>, vector<16xf32>,
    %swap3A_993 = arith.constant 15 : i32
    %swap3A_994 = arith.index_cast %swap3A_993 : i32 to index
    %swap3A_995 = arith.constant 112 : index
    %swap3A_996 = tpu.vector_load %arg14[%swap3A_994, %swap3A_995] {strides = array<i32>} : memref<16x256xf32, #tpu.memory_space<vmem>>, vector<16xf32>,
    tpu.vector_store %arg14[%swap3A_994, %swap3A_995], %broadcast_in_dim3A_3 {strides = array<i32>} : memref<16x256xf32, #tpu.memory_space<vmem>>, vector<16xf32>,
    %swap3A_997 = arith.constant 15 : i32
    %swap3A_998 = arith.index_cast %swap3A_997 : i32 to index
    %swap3A_999 = arith.constant 128 : index
    %swap3A_1000 = tpu.vector_load %arg14[%swap3A_998, %swap3A_999] {strides = array<i32>} : memref<16x256xf32, #tpu.memory_space<vmem>>, vector<16xf32>,
    tpu.vector_store %arg14[%swap3A_998, %swap3A_999], %broadcast_in_dim3A_3 {strides = array<i32>} : memref<16x256xf32, #tpu.memory_space<vmem>>, vector<16xf32>,
    %swap3A_1001 = arith.constant 15 : i32
    %swap3A_1002 = arith.index_cast %swap3A_1001 : i32 to index
    %swap3A_1003 = arith.constant 144 : index
    %swap3A_1004 = tpu.vector_load %arg14[%swap3A_1002, %swap3A_1003] {strides = array<i32>} : memref<16x256xf32, #tpu.memory_space<vmem>>, vector<16xf32>,
    tpu.vector_store %arg14[%swap3A_1002, %swap3A_1003], %broadcast_in_dim3A_3 {strides = array<i32>} : memref<16x256xf32, #tpu.memory_space<vmem>>, vector<16xf32>,
    %swap3A_1005 = arith.constant 15 : i32
    %swap3A_1006 = arith.index_cast %swap3A_1005 : i32 to index
    %swap3A_1007 = arith.constant 160 : index
    %swap3A_1008 = tpu.vector_load %arg14[%swap3A_1006, %swap3A_1007] {strides = array<i32>} : memref<16x256xf32, #tpu.memory_space<vmem>>, vector<16xf32>,
    tpu.vector_store %arg14[%swap3A_1006, %swap3A_1007], %broadcast_in_dim3A_3 {strides = array<i32>} : memref<16x256xf32, #tpu.memory_space<vmem>>, vector<16xf32>,
    %swap3A_1009 = arith.constant 15 : i32
    %swap3A_1010 = arith.index_cast %swap3A_1009 : i32 to index
    %swap3A_1011 = arith.constant 176 : index
    %swap3A_1012 = tpu.vector_load %arg14[%swap3A_1010, %swap3A_1011] {strides = array<i32>} : memref<16x256xf32, #tpu.memory_space<vmem>>, vector<16xf32>,
    tpu.vector_store %arg14[%swap3A_1010, %swap3A_1011], %broadcast_in_dim3A_3 {strides = array<i32>} : memref<16x256xf32, #tpu.memory_space<vmem>>, vector<16xf32>,
    %swap3A_1013 = arith.constant 15 : i32
    %swap3A_1014 = arith.index_cast %swap3A_1013 : i32 to index
    %swap3A_1015 = arith.constant 192 : index
    %swap3A_1016 = tpu.vector_load %arg14[%swap3A_1014, %swap3A_1015] {strides = array<i32>} : memref<16x256xf32, #tpu.memory_space<vmem>>, vector<16xf32>,
    tpu.vector_store %arg14[%swap3A_1014, %swap3A_1015], %broadcast_in_dim3A_3 {strides = array<i32>} : memref<16x256xf32, #tpu.memory_space<vmem>>, vector<16xf32>,
    %swap3A_1017 = arith.constant 15 : i32
    %swap3A_1018 = arith.index_cast %swap3A_1017 : i32 to index
    %swap3A_1019 = arith.constant 208 : index
    %swap3A_1020 = tpu.vector_load %arg14[%swap3A_1018, %swap3A_1019] {strides = array<i32>} : memref<16x256xf32, #tpu.memory_space<vmem>>, vector<16xf32>,
    tpu.vector_store %arg14[%swap3A_1018, %swap3A_1019], %broadcast_in_dim3A_3 {strides = array<i32>} : memref<16x256xf32, #tpu.memory_space<vmem>>, vector<16xf32>,
    %swap3A_1021 = arith.constant 15 : i32
    %swap3A_1022 = arith.index_cast %swap3A_1021 : i32 to index
    %swap3A_1023 = arith.constant 224 : index
    %swap3A_1024 = tpu.vector_load %arg14[%swap3A_1022, %swap3A_1023] {strides = array<i32>} : memref<16x256xf32, #tpu.memory_space<vmem>>, vector<16xf32>,
    tpu.vector_store %arg14[%swap3A_1022, %swap3A_1023], %broadcast_in_dim3A_3 {strides = array<i32>} : memref<16x256xf32, #tpu.memory_space<vmem>>, vector<16xf32>,
    %swap3A_1025 = arith.constant 15 : i32
    %swap3A_1026 = arith.index_cast %swap3A_1025 : i32 to index
    %swap3A_1027 = arith.constant 240 : index
    %swap3A_1028 = tpu.vector_load %arg14[%swap3A_1026, %swap3A_1027] {strides = array<i32>} : memref<16x256xf32, #tpu.memory_space<vmem>>, vector<16xf32>,
    tpu.vector_store %arg14[%swap3A_1026, %swap3A_1027], %broadcast_in_dim3A_3 {strides = array<i32>} : memref<16x256xf32, #tpu.memory_space<vmem>>, vector<16xf32>,
    %scan3A = arith.constant 0 : i32
    %scan3A_1029 = arith.constant 0 : i32
    %scan3A_1030 = arith.constant 128 : i32
    %scan3A_1031 = arith.addi %scan3A_1029, %scan3A_1030 : i32
    %scan3A_1032 = arith.constant 1 : i32
    scf.for %scan3A_1150 = %scan3A_1029 to %scan3A_1031 step %scan3A_1032  : i32 {
      %mul3A_1151 = arith.constant 16 : i32
      %mul3A_1152 = arith.muli %scan3A_1150, %mul3A_1151 : i32
      %swap3A_1153 = arith.constant 0 : i32
      %swap3A_1154 = arith.index_cast %swap3A_1153 : i32 to index
      %swap3A_1155 = arith.index_cast %mul3A_1152 : i32 to index
      %swap3A_1156 = tpu.vector_load %arg12[%swap3A_1154, %swap3A_1155] {strides = array<i32>} : memref<16x2048xf32, #tpu.memory_space<vmem>>, vector<16xf32>,
      tpu.vector_store %arg12[%swap3A_1154, %swap3A_1155], %broadcast_in_dim3A_3 {strides = array<i32>} : memref<16x2048xf32, #tpu.memory_space<vmem>>, vector<16xf32>,
      %mul3A_1157 = arith.constant 16 : i32
      %mul3A_1158 = arith.muli %scan3A_1150, %mul3A_1157 : i32
      %swap3A_1159 = arith.constant 1 : i32
      %swap3A_1160 = arith.index_cast %swap3A_1159 : i32 to index
      %swap3A_1161 = arith.index_cast %mul3A_1158 : i32 to index
      %swap3A_1162 = tpu.vector_load %arg12[%swap3A_1160, %swap3A_1161] {strides = array<i32>} : memref<16x2048xf32, #tpu.memory_space<vmem>>, vector<16xf32>,
      tpu.vector_store %arg12[%swap3A_1160, %swap3A_1161], %broadcast_in_dim3A_3 {strides = array<i32>} : memref<16x2048xf32, #tpu.memory_space<vmem>>, vector<16xf32>,
      %mul3A_1163 = arith.constant 16 : i32
      %mul3A_1164 = arith.muli %scan3A_1150, %mul3A_1163 : i32
      %swap3A_1165 = arith.constant 2 : i32
      %swap3A_1166 = arith.index_cast %swap3A_1165 : i32 to index
      %swap3A_1167 = arith.index_cast %mul3A_1164 : i32 to index
      %swap3A_1168 = tpu.vector_load %arg12[%swap3A_1166, %swap3A_1167] {strides = array<i32>} : memref<16x2048xf32, #tpu.memory_space<vmem>>, vector<16xf32>,
      tpu.vector_store %arg12[%swap3A_1166, %swap3A_1167], %broadcast_in_dim3A_3 {strides = array<i32>} : memref<16x2048xf32, #tpu.memory_space<vmem>>, vector<16xf32>,
      %mul3A_1169 = arith.constant 16 : i32
      %mul3A_1170 = arith.muli %scan3A_1150, %mul3A_1169 : i32
      %swap3A_1171 = arith.constant 3 : i32
      %swap3A_1172 = arith.index_cast %swap3A_1171 : i32 to index
      %swap3A_1173 = arith.index_cast %mul3A_1170 : i32 to index
      %swap3A_1174 = tpu.vector_load %arg12[%swap3A_1172, %swap3A_1173] {strides = array<i32>} : memref<16x2048xf32, #tpu.memory_space<vmem>>, vector<16xf32>,
      tpu.vector_store %arg12[%swap3A_1172, %swap3A_1173], %broadcast_in_dim3A_3 {strides = array<i32>} : memref<16x2048xf32, #tpu.memory_space<vmem>>, vector<16xf32>,
      %mul3A_1175 = arith.constant 16 : i32
      %mul3A_1176 = arith.muli %scan3A_1150, %mul3A_1175 : i32
      %swap3A_1177 = arith.constant 4 : i32
      %swap3A_1178 = arith.index_cast %swap3A_1177 : i32 to index
      %swap3A_1179 = arith.index_cast %mul3A_1176 : i32 to index
      %swap3A_1180 = tpu.vector_load %arg12[%swap3A_1178, %swap3A_1179] {strides = array<i32>} : memref<16x2048xf32, #tpu.memory_space<vmem>>, vector<16xf32>,
      tpu.vector_store %arg12[%swap3A_1178, %swap3A_1179], %broadcast_in_dim3A_3 {strides = array<i32>} : memref<16x2048xf32, #tpu.memory_space<vmem>>, vector<16xf32>,
      %mul3A_1181 = arith.constant 16 : i32
      %mul3A_1182 = arith.muli %scan3A_1150, %mul3A_1181 : i32
      %swap3A_1183 = arith.constant 5 : i32
      %swap3A_1184 = arith.index_cast %swap3A_1183 : i32 to index
      %swap3A_1185 = arith.index_cast %mul3A_1182 : i32 to index
      %swap3A_1186 = tpu.vector_load %arg12[%swap3A_1184, %swap3A_1185] {strides = array<i32>} : memref<16x2048xf32, #tpu.memory_space<vmem>>, vector<16xf32>,
      tpu.vector_store %arg12[%swap3A_1184, %swap3A_1185], %broadcast_in_dim3A_3 {strides = array<i32>} : memref<16x2048xf32, #tpu.memory_space<vmem>>, vector<16xf32>,
      %mul3A_1187 = arith.constant 16 : i32
      %mul3A_1188 = arith.muli %scan3A_1150, %mul3A_1187 : i32
      %swap3A_1189 = arith.constant 6 : i32
      %swap3A_1190 = arith.index_cast %swap3A_1189 : i32 to index
      %swap3A_1191 = arith.index_cast %mul3A_1188 : i32 to index
      %swap3A_1192 = tpu.vector_load %arg12[%swap3A_1190, %swap3A_1191] {strides = array<i32>} : memref<16x2048xf32, #tpu.memory_space<vmem>>, vector<16xf32>,
      tpu.vector_store %arg12[%swap3A_1190, %swap3A_1191], %broadcast_in_dim3A_3 {strides = array<i32>} : memref<16x2048xf32, #tpu.memory_space<vmem>>, vector<16xf32>,
      %mul3A_1193 = arith.constant 16 : i32
      %mul3A_1194 = arith.muli %scan3A_1150, %mul3A_1193 : i32
      %swap3A_1195 = arith.constant 7 : i32
      %swap3A_1196 = arith.index_cast %swap3A_1195 : i32 to index
      %swap3A_1197 = arith.index_cast %mul3A_1194 : i32 to index
      %swap3A_1198 = tpu.vector_load %arg12[%swap3A_1196, %swap3A_1197] {strides = array<i32>} : memref<16x2048xf32, #tpu.memory_space<vmem>>, vector<16xf32>,
      tpu.vector_store %arg12[%swap3A_1196, %swap3A_1197], %broadcast_in_dim3A_3 {strides = array<i32>} : memref<16x2048xf32, #tpu.memory_space<vmem>>, vector<16xf32>,
      %mul3A_1199 = arith.constant 16 : i32
      %mul3A_1200 = arith.muli %scan3A_1150, %mul3A_1199 : i32
      %swap3A_1201 = arith.constant 8 : i32
      %swap3A_1202 = arith.index_cast %swap3A_1201 : i32 to index
      %swap3A_1203 = arith.index_cast %mul3A_1200 : i32 to index
      %swap3A_1204 = tpu.vector_load %arg12[%swap3A_1202, %swap3A_1203] {strides = array<i32>} : memref<16x2048xf32, #tpu.memory_space<vmem>>, vector<16xf32>,
      tpu.vector_store %arg12[%swap3A_1202, %swap3A_1203], %broadcast_in_dim3A_3 {strides = array<i32>} : memref<16x2048xf32, #tpu.memory_space<vmem>>, vector<16xf32>,
      %mul3A_1205 = arith.constant 16 : i32
      %mul3A_1206 = arith.muli %scan3A_1150, %mul3A_1205 : i32
      %swap3A_1207 = arith.constant 9 : i32
      %swap3A_1208 = arith.index_cast %swap3A_1207 : i32 to index
      %swap3A_1209 = arith.index_cast %mul3A_1206 : i32 to index
      %swap3A_1210 = tpu.vector_load %arg12[%swap3A_1208, %swap3A_1209] {strides = array<i32>} : memref<16x2048xf32, #tpu.memory_space<vmem>>, vector<16xf32>,
      tpu.vector_store %arg12[%swap3A_1208, %swap3A_1209], %broadcast_in_dim3A_3 {strides = array<i32>} : memref<16x2048xf32, #tpu.memory_space<vmem>>, vector<16xf32>,
      %mul3A_1211 = arith.constant 16 : i32
      %mul3A_1212 = arith.muli %scan3A_1150, %mul3A_1211 : i32
      %swap3A_1213 = arith.constant 10 : i32
      %swap3A_1214 = arith.index_cast %swap3A_1213 : i32 to index
      %swap3A_1215 = arith.index_cast %mul3A_1212 : i32 to index
      %swap3A_1216 = tpu.vector_load %arg12[%swap3A_1214, %swap3A_1215] {strides = array<i32>} : memref<16x2048xf32, #tpu.memory_space<vmem>>, vector<16xf32>,
      tpu.vector_store %arg12[%swap3A_1214, %swap3A_1215], %broadcast_in_dim3A_3 {strides = array<i32>} : memref<16x2048xf32, #tpu.memory_space<vmem>>, vector<16xf32>,
      %mul3A_1217 = arith.constant 16 : i32
      %mul3A_1218 = arith.muli %scan3A_1150, %mul3A_1217 : i32
      %swap3A_1219 = arith.constant 11 : i32
      %swap3A_1220 = arith.index_cast %swap3A_1219 : i32 to index
      %swap3A_1221 = arith.index_cast %mul3A_1218 : i32 to index
      %swap3A_1222 = tpu.vector_load %arg12[%swap3A_1220, %swap3A_1221] {strides = array<i32>} : memref<16x2048xf32, #tpu.memory_space<vmem>>, vector<16xf32>,
      tpu.vector_store %arg12[%swap3A_1220, %swap3A_1221], %broadcast_in_dim3A_3 {strides = array<i32>} : memref<16x2048xf32, #tpu.memory_space<vmem>>, vector<16xf32>,
      %mul3A_1223 = arith.constant 16 : i32
      %mul3A_1224 = arith.muli %scan3A_1150, %mul3A_1223 : i32
      %swap3A_1225 = arith.constant 12 : i32
      %swap3A_1226 = arith.index_cast %swap3A_1225 : i32 to index
      %swap3A_1227 = arith.index_cast %mul3A_1224 : i32 to index
      %swap3A_1228 = tpu.vector_load %arg12[%swap3A_1226, %swap3A_1227] {strides = array<i32>} : memref<16x2048xf32, #tpu.memory_space<vmem>>, vector<16xf32>,
      tpu.vector_store %arg12[%swap3A_1226, %swap3A_1227], %broadcast_in_dim3A_3 {strides = array<i32>} : memref<16x2048xf32, #tpu.memory_space<vmem>>, vector<16xf32>,
      %mul3A_1229 = arith.constant 16 : i32
      %mul3A_1230 = arith.muli %scan3A_1150, %mul3A_1229 : i32
      %swap3A_1231 = arith.constant 13 : i32
      %swap3A_1232 = arith.index_cast %swap3A_1231 : i32 to index
      %swap3A_1233 = arith.index_cast %mul3A_1230 : i32 to index
      %swap3A_1234 = tpu.vector_load %arg12[%swap3A_1232, %swap3A_1233] {strides = array<i32>} : memref<16x2048xf32, #tpu.memory_space<vmem>>, vector<16xf32>,
      tpu.vector_store %arg12[%swap3A_1232, %swap3A_1233], %broadcast_in_dim3A_3 {strides = array<i32>} : memref<16x2048xf32, #tpu.memory_space<vmem>>, vector<16xf32>,
      %mul3A_1235 = arith.constant 16 : i32
      %mul3A_1236 = arith.muli %scan3A_1150, %mul3A_1235 : i32
      %swap3A_1237 = arith.constant 14 : i32
      %swap3A_1238 = arith.index_cast %swap3A_1237 : i32 to index
      %swap3A_1239 = arith.index_cast %mul3A_1236 : i32 to index
      %swap3A_1240 = tpu.vector_load %arg12[%swap3A_1238, %swap3A_1239] {strides = array<i32>} : memref<16x2048xf32, #tpu.memory_space<vmem>>, vector<16xf32>,
      tpu.vector_store %arg12[%swap3A_1238, %swap3A_1239], %broadcast_in_dim3A_3 {strides = array<i32>} : memref<16x2048xf32, #tpu.memory_space<vmem>>, vector<16xf32>,
      %mul3A_1241 = arith.constant 16 : i32
      %mul3A_1242 = arith.muli %scan3A_1150, %mul3A_1241 : i32
      %swap3A_1243 = arith.constant 15 : i32
      %swap3A_1244 = arith.index_cast %swap3A_1243 : i32 to index
      %swap3A_1245 = arith.index_cast %mul3A_1242 : i32 to index
      %swap3A_1246 = tpu.vector_load %arg12[%swap3A_1244, %swap3A_1245] {strides = array<i32>} : memref<16x2048xf32, #tpu.memory_space<vmem>>, vector<16xf32>,
      tpu.vector_store %arg12[%swap3A_1244, %swap3A_1245], %broadcast_in_dim3A_3 {strides = array<i32>} : memref<16x2048xf32, #tpu.memory_space<vmem>>, vector<16xf32>,
    }
    %scan3A_1033 = arith.constant 128 : i32
    %scan3A_1034 = arith.constant 0 : i32
    %scan3A_1035 = arith.constant 0 : i32
    %scan3A_1036 = arith.constant 8 : i32
    %scan3A_1037 = arith.addi %scan3A_1035, %scan3A_1036 : i32
    %scan3A_1038 = arith.constant 1 : i32
    scf.for %scan3A_1150 = %scan3A_1035 to %scan3A_1037 step %scan3A_1038  : i32 {
      %mul3A_1151 = arith.constant 128 : i32
      %mul3A_1152 = arith.muli %arg1, %mul3A_1151 : i32
      %mul3A_1153 = arith.constant 16 : i32
      %mul3A_1154 = arith.muli %scan3A_1150, %mul3A_1153 : i32
      %add3A_1155 = arith.addi %mul3A_1152, %mul3A_1154 : i32
      "tpu.region"() ({
        %run_scoped3A = tpu.sem_alloc : memref<!tpu.dma_semaphore, #tpu.memory_space<semaphore_mem>>
        %dma_start3A_1156 = arith.constant 0 : i32
        %dma_start3A_1157 = tpu.memref_slice %arg16[%add3A_1155, %dma_start3A_1156] : memref<2048x256xf32, #tpu.memory_space<vmem_shared>> -> memref<16x256xf32, #tpu.memory_space<vmem_shared>>
        %dma_start3A_1158 = arith.constant 0 : i32
        %dma_start3A_1159 = tpu.memref_slice %arg16[%add3A_1155, %dma_start3A_1158] : memref<2048x256xf32, #tpu.memory_space<vmem_shared>> -> memref<16x256xf32, #tpu.memory_space<vmem_shared>>
        tpu.enqueue_dma source(%arg14 : memref<16x256xf32, #tpu.memory_space<vmem>>) target(%dma_start3A_1159 : memref<16x256xf32, #tpu.memory_space<vmem_shared>>) target_semaphore(%run_scoped3A : memref<!tpu.dma_semaphore, #tpu.memory_space<semaphore_mem>>)
        %dma_wait3A_1160 = arith.constant 0 : i32
        %dma_wait3A_1161 = tpu.memref_slice %arg16[%add3A_1155, %dma_wait3A_1160] : memref<2048x256xf32, #tpu.memory_space<vmem_shared>> -> memref<16x256xf32, #tpu.memory_space<vmem_shared>>
        %dma_wait3A_1162 = arith.constant 0 : i32
        %dma_wait3A_1163 = tpu.memref_slice %arg16[%add3A_1155, %dma_wait3A_1162] : memref<2048x256xf32, #tpu.memory_space<vmem_shared>> -> memref<16x256xf32, #tpu.memory_space<vmem_shared>>
        tpu.wait_dma2 semaphore(%run_scoped3A : memref<!tpu.dma_semaphore, #tpu.memory_space<semaphore_mem>>) src(%arg14 : memref<16x256xf32, #tpu.memory_space<vmem>>) dst(%dma_wait3A_1163 : memref<16x256xf32, #tpu.memory_space<vmem_shared>>)
        tpu.yield
      }) : () -> ()
    }
    %scan3A_1039 = arith.constant 8 : i32
    %barrier3A = arith.constant 0 : index
    tpu.barrier barrier_id(%barrier3A)
    %add3A_1040 = arith.constant 0 : i32
    %add3A_1041 = arith.addi %mul3A_2, %add3A_1040 : i32
    %dma_start3A = arith.constant 0 : i32
    %dma_start3A_1042 = tpu.memref_slice %arg2[%add3A_1041, %dma_start3A] : memref<16384x256xf32, #tpu.memory_space<hbm>> -> memref<64x256xf32, #tpu.memory_space<hbm>>
    %dma_start3A_1043 = arith.constant 0 : i32
    %dma_start3A_1044 = tpu.memref_slice %arg2[%add3A_1041, %dma_start3A_1043] : memref<16384x256xf32, #tpu.memory_space<hbm>> -> memref<64x256xf32, #tpu.memory_space<hbm>>
    tpu.enqueue_dma source(%dma_start3A_1044 : memref<64x256xf32, #tpu.memory_space<hbm>>) target(%arg6 : memref<64x256xf32, #tpu.memory_space<vmem>>) target_semaphore(%arg17 : memref<!tpu.dma_semaphore, #tpu.memory_space<semaphore_mem>>)
    %dma_start3A_1045 = tpu.memref_slice %arg3[%add3A_1041] : memref<16384xi32, #tpu.memory_space<hbm>> -> memref<64xi32, #tpu.memory_space<hbm>>
    %dma_start3A_1046 = tpu.memref_slice %arg3[%add3A_1041] : memref<16384xi32, #tpu.memory_space<hbm>> -> memref<64xi32, #tpu.memory_space<hbm>>
    tpu.enqueue_dma source(%dma_start3A_1046 : memref<64xi32, #tpu.memory_space<hbm>>) target(%arg9 : memref<64xi32, #tpu.memory_space<vmem>>) target_semaphore(%arg17 : memref<!tpu.dma_semaphore, #tpu.memory_space<semaphore_mem>>)
    %add3A_1047 = arith.constant 64 : i32
    %add3A_1048 = arith.addi %mul3A_2, %add3A_1047 : i32
    %dma_start3A_1049 = arith.constant 0 : i32
    %dma_start3A_1050 = tpu.memref_slice %arg2[%add3A_1048, %dma_start3A_1049] : memref<16384x256xf32, #tpu.memory_space<hbm>> -> memref<64x256xf32, #tpu.memory_space<hbm>>
    %dma_start3A_1051 = arith.constant 0 : i32
    %dma_start3A_1052 = tpu.memref_slice %arg2[%add3A_1048, %dma_start3A_1051] : memref<16384x256xf32, #tpu.memory_space<hbm>> -> memref<64x256xf32, #tpu.memory_space<hbm>>
    tpu.enqueue_dma source(%dma_start3A_1052 : memref<64x256xf32, #tpu.memory_space<hbm>>) target(%arg7 : memref<64x256xf32, #tpu.memory_space<vmem>>) target_semaphore(%arg17 : memref<!tpu.dma_semaphore, #tpu.memory_space<semaphore_mem>>)
    %dma_start3A_1053 = tpu.memref_slice %arg3[%add3A_1048] : memref<16384xi32, #tpu.memory_space<hbm>> -> memref<64xi32, #tpu.memory_space<hbm>>
    %dma_start3A_1054 = tpu.memref_slice %arg3[%add3A_1048] : memref<16384xi32, #tpu.memory_space<hbm>> -> memref<64xi32, #tpu.memory_space<hbm>>
    tpu.enqueue_dma source(%dma_start3A_1054 : memref<64xi32, #tpu.memory_space<hbm>>) target(%arg10 : memref<64xi32, #tpu.memory_space<vmem>>) target_semaphore(%arg17 : memref<!tpu.dma_semaphore, #tpu.memory_space<semaphore_mem>>)
    %add3A_1055 = arith.constant 128 : i32
    %add3A_1056 = arith.addi %mul3A_2, %add3A_1055 : i32
    %dma_start3A_1057 = arith.constant 0 : i32
    %dma_start3A_1058 = tpu.memref_slice %arg2[%add3A_1056, %dma_start3A_1057] : memref<16384x256xf32, #tpu.memory_space<hbm>> -> memref<64x256xf32, #tpu.memory_space<hbm>>
    %dma_start3A_1059 = arith.constant 0 : i32
    %dma_start3A_1060 = tpu.memref_slice %arg2[%add3A_1056, %dma_start3A_1059] : memref<16384x256xf32, #tpu.memory_space<hbm>> -> memref<64x256xf32, #tpu.memory_space<hbm>>
    tpu.enqueue_dma source(%dma_start3A_1060 : memref<64x256xf32, #tpu.memory_space<hbm>>) target(%arg8 : memref<64x256xf32, #tpu.memory_space<vmem>>) target_semaphore(%arg17 : memref<!tpu.dma_semaphore, #tpu.memory_space<semaphore_mem>>)
    %dma_start3A_1061 = tpu.memref_slice %arg3[%add3A_1056] : memref<16384xi32, #tpu.memory_space<hbm>> -> memref<64xi32, #tpu.memory_space<hbm>>
    %dma_start3A_1062 = tpu.memref_slice %arg3[%add3A_1056] : memref<16384xi32, #tpu.memory_space<hbm>> -> memref<64xi32, #tpu.memory_space<hbm>>
    tpu.enqueue_dma source(%dma_start3A_1062 : memref<64xi32, #tpu.memory_space<hbm>>) target(%arg11 : memref<64xi32, #tpu.memory_space<vmem>>) target_semaphore(%arg17 : memref<!tpu.dma_semaphore, #tpu.memory_space<semaphore_mem>>)
    %dma_wait3A = arith.constant 0 : i32
    %dma_wait3A_1063 = tpu.memref_slice %arg2[%add3A_1041, %dma_wait3A] : memref<16384x256xf32, #tpu.memory_space<hbm>> -> memref<64x256xf32, #tpu.memory_space<hbm>>
    %dma_wait3A_1064 = arith.constant 0 : i32
    %dma_wait3A_1065 = tpu.memref_slice %arg2[%add3A_1041, %dma_wait3A_1064] : memref<16384x256xf32, #tpu.memory_space<hbm>> -> memref<64x256xf32, #tpu.memory_space<hbm>>
    tpu.wait_dma2 semaphore(%arg17 : memref<!tpu.dma_semaphore, #tpu.memory_space<semaphore_mem>>) src(%dma_wait3A_1065 : memref<64x256xf32, #tpu.memory_space<hbm>>) dst(%arg6 : memref<64x256xf32, #tpu.memory_space<vmem>>)
    %dma_wait3A_1066 = tpu.memref_slice %arg3[%add3A_1041] : memref<16384xi32, #tpu.memory_space<hbm>> -> memref<64xi32, #tpu.memory_space<hbm>>
    %dma_wait3A_1067 = tpu.memref_slice %arg3[%add3A_1041] : memref<16384xi32, #tpu.memory_space<hbm>> -> memref<64xi32, #tpu.memory_space<hbm>>
    tpu.wait_dma2 semaphore(%arg17 : memref<!tpu.dma_semaphore, #tpu.memory_space<semaphore_mem>>) src(%dma_wait3A_1067 : memref<64xi32, #tpu.memory_space<hbm>>) dst(%arg9 : memref<64xi32, #tpu.memory_space<vmem>>)
    %scan3A_1068 = arith.constant 0 : i32
    %scan3A_1069 = arith.constant 0 : i32
    %scan3A_1070 = arith.constant 64 : i32
    %scan3A_1071 = arith.addi %scan3A_1069, %scan3A_1070 : i32
    %scan3A_1072 = arith.constant 2 : i32
    scf.for %scan3A_1150 = %scan3A_1069 to %scan3A_1071 step %scan3A_1072  : i32 {
      %get3A_1151 = arith.index_cast %scan3A_1150 : i32 to index
      %get3A_1152 = arith.constant 0 : index
      %get3A_1153 = tpu.vector_load %arg6[%get3A_1151, %get3A_1152] {strides = array<i32>} : memref<64x256xf32, #tpu.memory_space<vmem>>, vector<16xf32>,
      %get3A_1154 = arith.index_cast %scan3A_1150 : i32 to index
      %get3A_1155 = arith.constant 16 : index
      %get3A_1156 = tpu.vector_load %arg6[%get3A_1154, %get3A_1155] {strides = array<i32>} : memref<64x256xf32, #tpu.memory_space<vmem>>, vector<16xf32>,
      %get3A_1157 = arith.index_cast %scan3A_1150 : i32 to index
      %get3A_1158 = arith.constant 32 : index
      %get3A_1159 = tpu.vector_load %arg6[%get3A_1157, %get3A_1158] {strides = array<i32>} : memref<64x256xf32, #tpu.memory_space<vmem>>, vector<16xf32>,
      %get3A_1160 = arith.index_cast %scan3A_1150 : i32 to index
      %get3A_1161 = arith.constant 48 : index
      %get3A_1162 = tpu.vector_load %arg6[%get3A_1160, %get3A_1161] {strides = array<i32>} : memref<64x256xf32, #tpu.memory_space<vmem>>, vector<16xf32>,
      %get3A_1163 = arith.index_cast %scan3A_1150 : i32 to index
      %get3A_1164 = arith.constant 64 : index
      %get3A_1165 = tpu.vector_load %arg6[%get3A_1163, %get3A_1164] {strides = array<i32>} : memref<64x256xf32, #tpu.memory_space<vmem>>, vector<16xf32>,
      %get3A_1166 = arith.index_cast %scan3A_1150 : i32 to index
      %get3A_1167 = arith.constant 80 : index
      %get3A_1168 = tpu.vector_load %arg6[%get3A_1166, %get3A_1167] {strides = array<i32>} : memref<64x256xf32, #tpu.memory_space<vmem>>, vector<16xf32>,
      %get3A_1169 = arith.index_cast %scan3A_1150 : i32 to index
      %get3A_1170 = arith.constant 96 : index
      %get3A_1171 = tpu.vector_load %arg6[%get3A_1169, %get3A_1170] {strides = array<i32>} : memref<64x256xf32, #tpu.memory_space<vmem>>, vector<16xf32>,
      %get3A_1172 = arith.index_cast %scan3A_1150 : i32 to index
      %get3A_1173 = arith.constant 112 : index
      %get3A_1174 = tpu.vector_load %arg6[%get3A_1172, %get3A_1173] {strides = array<i32>} : memref<64x256xf32, #tpu.memory_space<vmem>>, vector<16xf32>,
      %get3A_1175 = arith.index_cast %scan3A_1150 : i32 to index
      %get3A_1176 = arith.constant 128 : index
      %get3A_1177 = tpu.vector_load %arg6[%get3A_1175, %get3A_1176] {strides = array<i32>} : memref<64x256xf32, #tpu.memory_space<vmem>>, vector<16xf32>,
      %get3A_1178 = arith.index_cast %scan3A_1150 : i32 to index
      %get3A_1179 = arith.constant 144 : index
      %get3A_1180 = tpu.vector_load %arg6[%get3A_1178, %get3A_1179] {strides = array<i32>} : memref<64x256xf32, #tpu.memory_space<vmem>>, vector<16xf32>,
      %get3A_1181 = arith.index_cast %scan3A_1150 : i32 to index
      %get3A_1182 = arith.constant 160 : index
      %get3A_1183 = tpu.vector_load %arg6[%get3A_1181, %get3A_1182] {strides = array<i32>} : memref<64x256xf32, #tpu.memory_space<vmem>>, vector<16xf32>,
      %get3A_1184 = arith.index_cast %scan3A_1150 : i32 to index
      %get3A_1185 = arith.constant 176 : index
      %get3A_1186 = tpu.vector_load %arg6[%get3A_1184, %get3A_1185] {strides = array<i32>} : memref<64x256xf32, #tpu.memory_space<vmem>>, vector<16xf32>,
      %get3A_1187 = arith.index_cast %scan3A_1150 : i32 to index
      %get3A_1188 = arith.constant 192 : index
      %get3A_1189 = tpu.vector_load %arg6[%get3A_1187, %get3A_1188] {strides = array<i32>} : memref<64x256xf32, #tpu.memory_space<vmem>>, vector<16xf32>,
      %get3A_1190 = arith.index_cast %scan3A_1150 : i32 to index
      %get3A_1191 = arith.constant 208 : index
      %get3A_1192 = tpu.vector_load %arg6[%get3A_1190, %get3A_1191] {strides = array<i32>} : memref<64x256xf32, #tpu.memory_space<vmem>>, vector<16xf32>,
      %get3A_1193 = arith.index_cast %scan3A_1150 : i32 to index
      %get3A_1194 = arith.constant 224 : index
      %get3A_1195 = tpu.vector_load %arg6[%get3A_1193, %get3A_1194] {strides = array<i32>} : memref<64x256xf32, #tpu.memory_space<vmem>>, vector<16xf32>,
      %get3A_1196 = arith.index_cast %scan3A_1150 : i32 to index
      %get3A_1197 = arith.constant 240 : index
      %get3A_1198 = tpu.vector_load %arg6[%get3A_1196, %get3A_1197] {strides = array<i32>} : memref<64x256xf32, #tpu.memory_space<vmem>>, vector<16xf32>,
      %mul3A_1199 = arith.mulf %get3A_1153, %get3A_1153 : vector<16xf32>
      %mul3A_1200 = arith.mulf %get3A_1156, %get3A_1156 : vector<16xf32>
      %mul3A_1201 = arith.mulf %get3A_1159, %get3A_1159 : vector<16xf32>
      %mul3A_1202 = arith.mulf %get3A_1162, %get3A_1162 : vector<16xf32>
      %mul3A_1203 = arith.mulf %get3A_1165, %get3A_1165 : vector<16xf32>
      %mul3A_1204 = arith.mulf %get3A_1168, %get3A_1168 : vector<16xf32>
      %mul3A_1205 = arith.mulf %get3A_1171, %get3A_1171 : vector<16xf32>
      %mul3A_1206 = arith.mulf %get3A_1174, %get3A_1174 : vector<16xf32>
      %mul3A_1207 = arith.mulf %get3A_1177, %get3A_1177 : vector<16xf32>
      %mul3A_1208 = arith.mulf %get3A_1180, %get3A_1180 : vector<16xf32>
      %mul3A_1209 = arith.mulf %get3A_1183, %get3A_1183 : vector<16xf32>
      %mul3A_1210 = arith.mulf %get3A_1186, %get3A_1186 : vector<16xf32>
      %mul3A_1211 = arith.mulf %get3A_1189, %get3A_1189 : vector<16xf32>
      %mul3A_1212 = arith.mulf %get3A_1192, %get3A_1192 : vector<16xf32>
      %mul3A_1213 = arith.mulf %get3A_1195, %get3A_1195 : vector<16xf32>
      %mul3A_1214 = arith.mulf %get3A_1198, %get3A_1198 : vector<16xf32>
      %add3A_1215 = arith.addf %mul3A_1199, %mul3A_1200 : vector<16xf32>
      %add3A_1216 = arith.addf %mul3A_1201, %mul3A_1202 : vector<16xf32>
      %add3A_1217 = arith.addf %mul3A_1203, %mul3A_1204 : vector<16xf32>
      %add3A_1218 = arith.addf %mul3A_1205, %mul3A_1206 : vector<16xf32>
      %add3A_1219 = arith.addf %mul3A_1207, %mul3A_1208 : vector<16xf32>
      %add3A_1220 = arith.addf %mul3A_1209, %mul3A_1210 : vector<16xf32>
      %add3A_1221 = arith.addf %mul3A_1211, %mul3A_1212 : vector<16xf32>
      %add3A_1222 = arith.addf %mul3A_1213, %mul3A_1214 : vector<16xf32>
      %add3A_1223 = arith.addf %add3A_1215, %add3A_1216 : vector<16xf32>
      %add3A_1224 = arith.addf %add3A_1217, %add3A_1218 : vector<16xf32>
      %add3A_1225 = arith.addf %add3A_1219, %add3A_1220 : vector<16xf32>
      %add3A_1226 = arith.addf %add3A_1221, %add3A_1222 : vector<16xf32>
      %add3A_1227 = arith.addf %add3A_1223, %add3A_1224 : vector<16xf32>
      %add3A_1228 = arith.addf %add3A_1225, %add3A_1226 : vector<16xf32>
      %add3A_1229 = arith.addf %add3A_1227, %add3A_1228 : vector<16xf32>
      %xor3A = arith.constant 8 : i32
      %xor3A_1230 = vector.broadcast %xor3A : i32 to vector<16xi32>
      %xor3A_1231 = arith.xori %iota3A, %xor3A_1230 : vector<16xi32>
      %broadcast_in_dim3A_1232 = vector.shape_cast %xor3A_1231 : vector<16xi32> to vector<16x1xi32>
      %gather3A = vector.shape_cast %broadcast_in_dim3A_1232 : vector<16x1xi32> to vector<16xi32>
      %gather3A_1233 = tpu.dynamic_gather %add3A_1229[%gather3A] in [0] : vector<16xf32>, vector<16xi32> -> vector<16xf32>
      %add3A_1234 = arith.addf %add3A_1229, %gather3A_1233 : vector<16xf32>
      %xor3A_1235 = arith.constant 4 : i32
      %xor3A_1236 = vector.broadcast %xor3A_1235 : i32 to vector<16xi32>
      %xor3A_1237 = arith.xori %iota3A, %xor3A_1236 : vector<16xi32>
      %broadcast_in_dim3A_1238 = vector.shape_cast %xor3A_1237 : vector<16xi32> to vector<16x1xi32>
      %gather3A_1239 = vector.shape_cast %broadcast_in_dim3A_1238 : vector<16x1xi32> to vector<16xi32>
      %gather3A_1240 = tpu.dynamic_gather %add3A_1234[%gather3A_1239] in [0] : vector<16xf32>, vector<16xi32> -> vector<16xf32>
      %add3A_1241 = arith.addf %add3A_1234, %gather3A_1240 : vector<16xf32>
      %xor3A_1242 = arith.constant 2 : i32
      %xor3A_1243 = vector.broadcast %xor3A_1242 : i32 to vector<16xi32>
      %xor3A_1244 = arith.xori %iota3A, %xor3A_1243 : vector<16xi32>
      %broadcast_in_dim3A_1245 = vector.shape_cast %xor3A_1244 : vector<16xi32> to vector<16x1xi32>
      %gather3A_1246 = vector.shape_cast %broadcast_in_dim3A_1245 : vector<16x1xi32> to vector<16xi32>
      %gather3A_1247 = tpu.dynamic_gather %add3A_1241[%gather3A_1246] in [0] : vector<16xf32>, vector<16xi32> -> vector<16xf32>
      %add3A_1248 = arith.addf %add3A_1241, %gather3A_1247 : vector<16xf32>
      %xor3A_1249 = arith.constant 1 : i32
      %xor3A_1250 = vector.broadcast %xor3A_1249 : i32 to vector<16xi32>
      %xor3A_1251 = arith.xori %iota3A, %xor3A_1250 : vector<16xi32>
      %broadcast_in_dim3A_1252 = vector.shape_cast %xor3A_1251 : vector<16xi32> to vector<16x1xi32>
      %gather3A_1253 = vector.shape_cast %broadcast_in_dim3A_1252 : vector<16x1xi32> to vector<16xi32>
      %gather3A_1254 = tpu.dynamic_gather %add3A_1248[%gather3A_1253] in [0] : vector<16xf32>, vector<16xi32> -> vector<16xf32>
      %add3A_1255 = arith.addf %add3A_1248, %gather3A_1254 : vector<16xf32>
      %bitcast_convert_type3A = tpu.bitcast %add3A_1255 : vector<16xf32> -> vector<16xi32>
      %shift_right_logical3A = arith.constant 1 : i32
      %shift_right_logical3A_1256 = vector.broadcast %shift_right_logical3A : i32 to vector<16xi32>
      %shift_right_logical3A_1257 = arith.shrui %bitcast_convert_type3A, %shift_right_logical3A_1256 : vector<16xi32>
      %sub3A = arith.constant 1597463007 : i32
      %sub3A_1258 = vector.broadcast %sub3A : i32 to vector<16xi32>
      %sub3A_1259 = arith.subi %sub3A_1258, %shift_right_logical3A_1257 : vector<16xi32>
      %bitcast_convert_type3A_1260 = tpu.bitcast %sub3A_1259 : vector<16xi32> -> vector<16xf32>
      %mul3A_1261 = arith.constant 5.000000e-01 : f32
      %mul3A_1262 = vector.broadcast %mul3A_1261 : f32 to vector<16xf32>
      %mul3A_1263 = arith.mulf %mul3A_1262, %add3A_1255 : vector<16xf32>
      %mul3A_1264 = arith.mulf %mul3A_1263, %bitcast_convert_type3A_1260 : vector<16xf32>
      %mul3A_1265 = arith.mulf %mul3A_1264, %bitcast_convert_type3A_1260 : vector<16xf32>
      %sub3A_1266 = arith.constant 1.500000e+00 : f32
      %sub3A_1267 = vector.broadcast %sub3A_1266 : f32 to vector<16xf32>
      %sub3A_1268 = arith.subf %sub3A_1267, %mul3A_1265 : vector<16xf32>
      %mul3A_1269 = arith.mulf %bitcast_convert_type3A_1260, %sub3A_1268 : vector<16xf32>
      %mul3A_1270 = arith.constant 5.000000e-01 : f32
      %mul3A_1271 = vector.broadcast %mul3A_1270 : f32 to vector<16xf32>
      %mul3A_1272 = arith.mulf %mul3A_1271, %add3A_1255 : vector<16xf32>
      %mul3A_1273 = arith.mulf %mul3A_1272, %mul3A_1269 : vector<16xf32>
      %mul3A_1274 = arith.mulf %mul3A_1273, %mul3A_1269 : vector<16xf32>
      %sub3A_1275 = arith.constant 1.500000e+00 : f32
      %sub3A_1276 = vector.broadcast %sub3A_1275 : f32 to vector<16xf32>
      %sub3A_1277 = arith.subf %sub3A_1276, %mul3A_1274 : vector<16xf32>
      %mul3A_1278 = arith.mulf %mul3A_1269, %sub3A_1277 : vector<16xf32>
      %mul3A_1279 = arith.constant 5.000000e-01 : f32
      %mul3A_1280 = vector.broadcast %mul3A_1279 : f32 to vector<16xf32>
      %mul3A_1281 = arith.mulf %mul3A_1280, %add3A_1255 : vector<16xf32>
      %mul3A_1282 = arith.mulf %mul3A_1281, %mul3A_1278 : vector<16xf32>
      %mul3A_1283 = arith.mulf %mul3A_1282, %mul3A_1278 : vector<16xf32>
      %sub3A_1284 = arith.constant 1.500000e+00 : f32
      %sub3A_1285 = vector.broadcast %sub3A_1284 : f32 to vector<16xf32>
      %sub3A_1286 = arith.subf %sub3A_1285, %mul3A_1283 : vector<16xf32>
      %mul3A_1287 = arith.mulf %mul3A_1278, %sub3A_1286 : vector<16xf32>
      %min3A = arith.constant 9.99999995E+11 : f32
      %min3A_1288 = vector.broadcast %min3A : f32 to vector<16xf32>
      %min3A_1289 = arith.minimumf %mul3A_1287, %min3A_1288 : vector<16xf32>
      %mul3A_1290 = arith.mulf %get3A_1153, %min3A_1289 : vector<16xf32>
      %swap3A_1291 = arith.index_cast %scan3A_1150 : i32 to index
      %swap3A_1292 = arith.constant 0 : index
      %swap3A_1293 = tpu.vector_load %arg6[%swap3A_1291, %swap3A_1292] {strides = array<i32>} : memref<64x256xf32, #tpu.memory_space<vmem>>, vector<16xf32>,
      tpu.vector_store %arg6[%swap3A_1291, %swap3A_1292], %mul3A_1290 {strides = array<i32>} : memref<64x256xf32, #tpu.memory_space<vmem>>, vector<16xf32>,
      %mul3A_1294 = arith.mulf %get3A_1156, %min3A_1289 : vector<16xf32>
      %swap3A_1295 = arith.index_cast %scan3A_1150 : i32 to index
      %swap3A_1296 = arith.constant 16 : index
      %swap3A_1297 = tpu.vector_load %arg6[%swap3A_1295, %swap3A_1296] {strides = array<i32>} : memref<64x256xf32, #tpu.memory_space<vmem>>, vector<16xf32>,
      tpu.vector_store %arg6[%swap3A_1295, %swap3A_1296], %mul3A_1294 {strides = array<i32>} : memref<64x256xf32, #tpu.memory_space<vmem>>, vector<16xf32>,
      %mul3A_1298 = arith.mulf %get3A_1159, %min3A_1289 : vector<16xf32>
      %swap3A_1299 = arith.index_cast %scan3A_1150 : i32 to index
      %swap3A_1300 = arith.constant 32 : index
      %swap3A_1301 = tpu.vector_load %arg6[%swap3A_1299, %swap3A_1300] {strides = array<i32>} : memref<64x256xf32, #tpu.memory_space<vmem>>, vector<16xf32>,
      tpu.vector_store %arg6[%swap3A_1299, %swap3A_1300], %mul3A_1298 {strides = array<i32>} : memref<64x256xf32, #tpu.memory_space<vmem>>, vector<16xf32>,
      %mul3A_1302 = arith.mulf %get3A_1162, %min3A_1289 : vector<16xf32>
      %swap3A_1303 = arith.index_cast %scan3A_1150 : i32 to index
      %swap3A_1304 = arith.constant 48 : index
      %swap3A_1305 = tpu.vector_load %arg6[%swap3A_1303, %swap3A_1304] {strides = array<i32>} : memref<64x256xf32, #tpu.memory_space<vmem>>, vector<16xf32>,
      tpu.vector_store %arg6[%swap3A_1303, %swap3A_1304], %mul3A_1302 {strides = array<i32>} : memref<64x256xf32, #tpu.memory_space<vmem>>, vector<16xf32>,
      %mul3A_1306 = arith.mulf %get3A_1165, %min3A_1289 : vector<16xf32>
      %swap3A_1307 = arith.index_cast %scan3A_1150 : i32 to index
      %swap3A_1308 = arith.constant 64 : index
      %swap3A_1309 = tpu.vector_load %arg6[%swap3A_1307, %swap3A_1308] {strides = array<i32>} : memref<64x256xf32, #tpu.memory_space<vmem>>, vector<16xf32>,
      tpu.vector_store %arg6[%swap3A_1307, %swap3A_1308], %mul3A_1306 {strides = array<i32>} : memref<64x256xf32, #tpu.memory_space<vmem>>, vector<16xf32>,
      %mul3A_1310 = arith.mulf %get3A_1168, %min3A_1289 : vector<16xf32>
      %swap3A_1311 = arith.index_cast %scan3A_1150 : i32 to index
      %swap3A_1312 = arith.constant 80 : index
      %swap3A_1313 = tpu.vector_load %arg6[%swap3A_1311, %swap3A_1312] {strides = array<i32>} : memref<64x256xf32, #tpu.memory_space<vmem>>, vector<16xf32>,
      tpu.vector_store %arg6[%swap3A_1311, %swap3A_1312], %mul3A_1310 {strides = array<i32>} : memref<64x256xf32, #tpu.memory_space<vmem>>, vector<16xf32>,
      %mul3A_1314 = arith.mulf %get3A_1171, %min3A_1289 : vector<16xf32>
      %swap3A_1315 = arith.index_cast %scan3A_1150 : i32 to index
      %swap3A_1316 = arith.constant 96 : index
      %swap3A_1317 = tpu.vector_load %arg6[%swap3A_1315, %swap3A_1316] {strides = array<i32>} : memref<64x256xf32, #tpu.memory_space<vmem>>, vector<16xf32>,
      tpu.vector_store %arg6[%swap3A_1315, %swap3A_1316], %mul3A_1314 {strides = array<i32>} : memref<64x256xf32, #tpu.memory_space<vmem>>, vector<16xf32>,
      %mul3A_1318 = arith.mulf %get3A_1174, %min3A_1289 : vector<16xf32>
      %swap3A_1319 = arith.index_cast %scan3A_1150 : i32 to index
      %swap3A_1320 = arith.constant 112 : index
      %swap3A_1321 = tpu.vector_load %arg6[%swap3A_1319, %swap3A_1320] {strides = array<i32>} : memref<64x256xf32, #tpu.memory_space<vmem>>, vector<16xf32>,
      tpu.vector_store %arg6[%swap3A_1319, %swap3A_1320], %mul3A_1318 {strides = array<i32>} : memref<64x256xf32, #tpu.memory_space<vmem>>, vector<16xf32>,
      %mul3A_1322 = arith.mulf %get3A_1177, %min3A_1289 : vector<16xf32>
      %swap3A_1323 = arith.index_cast %scan3A_1150 : i32 to index
      %swap3A_1324 = arith.constant 128 : index
      %swap3A_1325 = tpu.vector_load %arg6[%swap3A_1323, %swap3A_1324] {strides = array<i32>} : memref<64x256xf32, #tpu.memory_space<vmem>>, vector<16xf32>,
      tpu.vector_store %arg6[%swap3A_1323, %swap3A_1324], %mul3A_1322 {strides = array<i32>} : memref<64x256xf32, #tpu.memory_space<vmem>>, vector<16xf32>,
      %mul3A_1326 = arith.mulf %get3A_1180, %min3A_1289 : vector<16xf32>
      %swap3A_1327 = arith.index_cast %scan3A_1150 : i32 to index
      %swap3A_1328 = arith.constant 144 : index
      %swap3A_1329 = tpu.vector_load %arg6[%swap3A_1327, %swap3A_1328] {strides = array<i32>} : memref<64x256xf32, #tpu.memory_space<vmem>>, vector<16xf32>,
      tpu.vector_store %arg6[%swap3A_1327, %swap3A_1328], %mul3A_1326 {strides = array<i32>} : memref<64x256xf32, #tpu.memory_space<vmem>>, vector<16xf32>,
      %mul3A_1330 = arith.mulf %get3A_1183, %min3A_1289 : vector<16xf32>
      %swap3A_1331 = arith.index_cast %scan3A_1150 : i32 to index
      %swap3A_1332 = arith.constant 160 : index
      %swap3A_1333 = tpu.vector_load %arg6[%swap3A_1331, %swap3A_1332] {strides = array<i32>} : memref<64x256xf32, #tpu.memory_space<vmem>>, vector<16xf32>,
      tpu.vector_store %arg6[%swap3A_1331, %swap3A_1332], %mul3A_1330 {strides = array<i32>} : memref<64x256xf32, #tpu.memory_space<vmem>>, vector<16xf32>,
      %mul3A_1334 = arith.mulf %get3A_1186, %min3A_1289 : vector<16xf32>
      %swap3A_1335 = arith.index_cast %scan3A_1150 : i32 to index
      %swap3A_1336 = arith.constant 176 : index
      %swap3A_1337 = tpu.vector_load %arg6[%swap3A_1335, %swap3A_1336] {strides = array<i32>} : memref<64x256xf32, #tpu.memory_space<vmem>>, vector<16xf32>,
      tpu.vector_store %arg6[%swap3A_1335, %swap3A_1336], %mul3A_1334 {strides = array<i32>} : memref<64x256xf32, #tpu.memory_space<vmem>>, vector<16xf32>,
      %mul3A_1338 = arith.mulf %get3A_1189, %min3A_1289 : vector<16xf32>
      %swap3A_1339 = arith.index_cast %scan3A_1150 : i32 to index
      %swap3A_1340 = arith.constant 192 : index
      %swap3A_1341 = tpu.vector_load %arg6[%swap3A_1339, %swap3A_1340] {strides = array<i32>} : memref<64x256xf32, #tpu.memory_space<vmem>>, vector<16xf32>,
      tpu.vector_store %arg6[%swap3A_1339, %swap3A_1340], %mul3A_1338 {strides = array<i32>} : memref<64x256xf32, #tpu.memory_space<vmem>>, vector<16xf32>,
      %mul3A_1342 = arith.mulf %get3A_1192, %min3A_1289 : vector<16xf32>
      %swap3A_1343 = arith.index_cast %scan3A_1150 : i32 to index
      %swap3A_1344 = arith.constant 208 : index
      %swap3A_1345 = tpu.vector_load %arg6[%swap3A_1343, %swap3A_1344] {strides = array<i32>} : memref<64x256xf32, #tpu.memory_space<vmem>>, vector<16xf32>,
      tpu.vector_store %arg6[%swap3A_1343, %swap3A_1344], %mul3A_1342 {strides = array<i32>} : memref<64x256xf32, #tpu.memory_space<vmem>>, vector<16xf32>,
      %mul3A_1346 = arith.mulf %get3A_1195, %min3A_1289 : vector<16xf32>
      %swap3A_1347 = arith.index_cast %scan3A_1150 : i32 to index
      %swap3A_1348 = arith.constant 224 : index
      %swap3A_1349 = tpu.vector_load %arg6[%swap3A_1347, %swap3A_1348] {strides = array<i32>} : memref<64x256xf32, #tpu.memory_space<vmem>>, vector<16xf32>,
      tpu.vector_store %arg6[%swap3A_1347, %swap3A_1348], %mul3A_1346 {strides = array<i32>} : memref<64x256xf32, #tpu.memory_space<vmem>>, vector<16xf32>,
      %mul3A_1350 = arith.mulf %get3A_1198, %min3A_1289 : vector<16xf32>
      %swap3A_1351 = arith.index_cast %scan3A_1150 : i32 to index
      %swap3A_1352 = arith.constant 240 : index
      %swap3A_1353 = tpu.vector_load %arg6[%swap3A_1351, %swap3A_1352] {strides = array<i32>} : memref<64x256xf32, #tpu.memory_space<vmem>>, vector<16xf32>,
      tpu.vector_store %arg6[%swap3A_1351, %swap3A_1352], %mul3A_1350 {strides = array<i32>} : memref<64x256xf32, #tpu.memory_space<vmem>>, vector<16xf32>,
      %scan3A_1354 = arith.constant 1 : i32
      %scan3A_1355 = arith.addi %scan3A_1150, %scan3A_1354 : i32
      %get3A_1356 = arith.index_cast %scan3A_1355 : i32 to index
      %get3A_1357 = arith.constant 0 : index
      %get3A_1358 = tpu.vector_load %arg6[%get3A_1356, %get3A_1357] {strides = array<i32>} : memref<64x256xf32, #tpu.memory_space<vmem>>, vector<16xf32>,
      %get3A_1359 = arith.index_cast %scan3A_1355 : i32 to index
      %get3A_1360 = arith.constant 16 : index
      %get3A_1361 = tpu.vector_load %arg6[%get3A_1359, %get3A_1360] {strides = array<i32>} : memref<64x256xf32, #tpu.memory_space<vmem>>, vector<16xf32>,
      %get3A_1362 = arith.index_cast %scan3A_1355 : i32 to index
      %get3A_1363 = arith.constant 32 : index
      %get3A_1364 = tpu.vector_load %arg6[%get3A_1362, %get3A_1363] {strides = array<i32>} : memref<64x256xf32, #tpu.memory_space<vmem>>, vector<16xf32>,
      %get3A_1365 = arith.index_cast %scan3A_1355 : i32 to index
      %get3A_1366 = arith.constant 48 : index
      %get3A_1367 = tpu.vector_load %arg6[%get3A_1365, %get3A_1366] {strides = array<i32>} : memref<64x256xf32, #tpu.memory_space<vmem>>, vector<16xf32>,
      %get3A_1368 = arith.index_cast %scan3A_1355 : i32 to index
      %get3A_1369 = arith.constant 64 : index
      %get3A_1370 = tpu.vector_load %arg6[%get3A_1368, %get3A_1369] {strides = array<i32>} : memref<64x256xf32, #tpu.memory_space<vmem>>, vector<16xf32>,
      %get3A_1371 = arith.index_cast %scan3A_1355 : i32 to index
      %get3A_1372 = arith.constant 80 : index
      %get3A_1373 = tpu.vector_load %arg6[%get3A_1371, %get3A_1372] {strides = array<i32>} : memref<64x256xf32, #tpu.memory_space<vmem>>, vector<16xf32>,
      %get3A_1374 = arith.index_cast %scan3A_1355 : i32 to index
      %get3A_1375 = arith.constant 96 : index
      %get3A_1376 = tpu.vector_load %arg6[%get3A_1374, %get3A_1375] {strides = array<i32>} : memref<64x256xf32, #tpu.memory_space<vmem>>, vector<16xf32>,
      %get3A_1377 = arith.index_cast %scan3A_1355 : i32 to index
      %get3A_1378 = arith.constant 112 : index
      %get3A_1379 = tpu.vector_load %arg6[%get3A_1377, %get3A_1378] {strides = array<i32>} : memref<64x256xf32, #tpu.memory_space<vmem>>, vector<16xf32>,
      %get3A_1380 = arith.index_cast %scan3A_1355 : i32 to index
      %get3A_1381 = arith.constant 128 : index
      %get3A_1382 = tpu.vector_load %arg6[%get3A_1380, %get3A_1381] {strides = array<i32>} : memref<64x256xf32, #tpu.memory_space<vmem>>, vector<16xf32>,
      %get3A_1383 = arith.index_cast %scan3A_1355 : i32 to index
      %get3A_1384 = arith.constant 144 : index
      %get3A_1385 = tpu.vector_load %arg6[%get3A_1383, %get3A_1384] {strides = array<i32>} : memref<64x256xf32, #tpu.memory_space<vmem>>, vector<16xf32>,
      %get3A_1386 = arith.index_cast %scan3A_1355 : i32 to index
      %get3A_1387 = arith.constant 160 : index
      %get3A_1388 = tpu.vector_load %arg6[%get3A_1386, %get3A_1387] {strides = array<i32>} : memref<64x256xf32, #tpu.memory_space<vmem>>, vector<16xf32>,
      %get3A_1389 = arith.index_cast %scan3A_1355 : i32 to index
      %get3A_1390 = arith.constant 176 : index
      %get3A_1391 = tpu.vector_load %arg6[%get3A_1389, %get3A_1390] {strides = array<i32>} : memref<64x256xf32, #tpu.memory_space<vmem>>, vector<16xf32>,
      %get3A_1392 = arith.index_cast %scan3A_1355 : i32 to index
      %get3A_1393 = arith.constant 192 : index
      %get3A_1394 = tpu.vector_load %arg6[%get3A_1392, %get3A_1393] {strides = array<i32>} : memref<64x256xf32, #tpu.memory_space<vmem>>, vector<16xf32>,
      %get3A_1395 = arith.index_cast %scan3A_1355 : i32 to index
      %get3A_1396 = arith.constant 208 : index
      %get3A_1397 = tpu.vector_load %arg6[%get3A_1395, %get3A_1396] {strides = array<i32>} : memref<64x256xf32, #tpu.memory_space<vmem>>, vector<16xf32>,
      %get3A_1398 = arith.index_cast %scan3A_1355 : i32 to index
      %get3A_1399 = arith.constant 224 : index
      %get3A_1400 = tpu.vector_load %arg6[%get3A_1398, %get3A_1399] {strides = array<i32>} : memref<64x256xf32, #tpu.memory_space<vmem>>, vector<16xf32>,
      %get3A_1401 = arith.index_cast %scan3A_1355 : i32 to index
      %get3A_1402 = arith.constant 240 : index
      %get3A_1403 = tpu.vector_load %arg6[%get3A_1401, %get3A_1402] {strides = array<i32>} : memref<64x256xf32, #tpu.memory_space<vmem>>, vector<16xf32>,
      %mul3A_1404 = arith.mulf %get3A_1358, %get3A_1358 : vector<16xf32>
      %mul3A_1405 = arith.mulf %get3A_1361, %get3A_1361 : vector<16xf32>
      %mul3A_1406 = arith.mulf %get3A_1364, %get3A_1364 : vector<16xf32>
      %mul3A_1407 = arith.mulf %get3A_1367, %get3A_1367 : vector<16xf32>
      %mul3A_1408 = arith.mulf %get3A_1370, %get3A_1370 : vector<16xf32>
      %mul3A_1409 = arith.mulf %get3A_1373, %get3A_1373 : vector<16xf32>
      %mul3A_1410 = arith.mulf %get3A_1376, %get3A_1376 : vector<16xf32>
      %mul3A_1411 = arith.mulf %get3A_1379, %get3A_1379 : vector<16xf32>
      %mul3A_1412 = arith.mulf %get3A_1382, %get3A_1382 : vector<16xf32>
      %mul3A_1413 = arith.mulf %get3A_1385, %get3A_1385 : vector<16xf32>
      %mul3A_1414 = arith.mulf %get3A_1388, %get3A_1388 : vector<16xf32>
      %mul3A_1415 = arith.mulf %get3A_1391, %get3A_1391 : vector<16xf32>
      %mul3A_1416 = arith.mulf %get3A_1394, %get3A_1394 : vector<16xf32>
      %mul3A_1417 = arith.mulf %get3A_1397, %get3A_1397 : vector<16xf32>
      %mul3A_1418 = arith.mulf %get3A_1400, %get3A_1400 : vector<16xf32>
      %mul3A_1419 = arith.mulf %get3A_1403, %get3A_1403 : vector<16xf32>
      %add3A_1420 = arith.addf %mul3A_1404, %mul3A_1405 : vector<16xf32>
      %add3A_1421 = arith.addf %mul3A_1406, %mul3A_1407 : vector<16xf32>
      %add3A_1422 = arith.addf %mul3A_1408, %mul3A_1409 : vector<16xf32>
      %add3A_1423 = arith.addf %mul3A_1410, %mul3A_1411 : vector<16xf32>
      %add3A_1424 = arith.addf %mul3A_1412, %mul3A_1413 : vector<16xf32>
      %add3A_1425 = arith.addf %mul3A_1414, %mul3A_1415 : vector<16xf32>
      %add3A_1426 = arith.addf %mul3A_1416, %mul3A_1417 : vector<16xf32>
      %add3A_1427 = arith.addf %mul3A_1418, %mul3A_1419 : vector<16xf32>
      %add3A_1428 = arith.addf %add3A_1420, %add3A_1421 : vector<16xf32>
      %add3A_1429 = arith.addf %add3A_1422, %add3A_1423 : vector<16xf32>
      %add3A_1430 = arith.addf %add3A_1424, %add3A_1425 : vector<16xf32>
      %add3A_1431 = arith.addf %add3A_1426, %add3A_1427 : vector<16xf32>
      %add3A_1432 = arith.addf %add3A_1428, %add3A_1429 : vector<16xf32>
      %add3A_1433 = arith.addf %add3A_1430, %add3A_1431 : vector<16xf32>
      %add3A_1434 = arith.addf %add3A_1432, %add3A_1433 : vector<16xf32>
      %xor3A_1435 = arith.constant 8 : i32
      %xor3A_1436 = vector.broadcast %xor3A_1435 : i32 to vector<16xi32>
      %xor3A_1437 = arith.xori %iota3A, %xor3A_1436 : vector<16xi32>
      %broadcast_in_dim3A_1438 = vector.shape_cast %xor3A_1437 : vector<16xi32> to vector<16x1xi32>
      %gather3A_1439 = vector.shape_cast %broadcast_in_dim3A_1438 : vector<16x1xi32> to vector<16xi32>
      %gather3A_1440 = tpu.dynamic_gather %add3A_1434[%gather3A_1439] in [0] : vector<16xf32>, vector<16xi32> -> vector<16xf32>
      %add3A_1441 = arith.addf %add3A_1434, %gather3A_1440 : vector<16xf32>
      %xor3A_1442 = arith.constant 4 : i32
      %xor3A_1443 = vector.broadcast %xor3A_1442 : i32 to vector<16xi32>
      %xor3A_1444 = arith.xori %iota3A, %xor3A_1443 : vector<16xi32>
      %broadcast_in_dim3A_1445 = vector.shape_cast %xor3A_1444 : vector<16xi32> to vector<16x1xi32>
      %gather3A_1446 = vector.shape_cast %broadcast_in_dim3A_1445 : vector<16x1xi32> to vector<16xi32>
      %gather3A_1447 = tpu.dynamic_gather %add3A_1441[%gather3A_1446] in [0] : vector<16xf32>, vector<16xi32> -> vector<16xf32>
      %add3A_1448 = arith.addf %add3A_1441, %gather3A_1447 : vector<16xf32>
      %xor3A_1449 = arith.constant 2 : i32
      %xor3A_1450 = vector.broadcast %xor3A_1449 : i32 to vector<16xi32>
      %xor3A_1451 = arith.xori %iota3A, %xor3A_1450 : vector<16xi32>
      %broadcast_in_dim3A_1452 = vector.shape_cast %xor3A_1451 : vector<16xi32> to vector<16x1xi32>
      %gather3A_1453 = vector.shape_cast %broadcast_in_dim3A_1452 : vector<16x1xi32> to vector<16xi32>
      %gather3A_1454 = tpu.dynamic_gather %add3A_1448[%gather3A_1453] in [0] : vector<16xf32>, vector<16xi32> -> vector<16xf32>
      %add3A_1455 = arith.addf %add3A_1448, %gather3A_1454 : vector<16xf32>
      %xor3A_1456 = arith.constant 1 : i32
      %xor3A_1457 = vector.broadcast %xor3A_1456 : i32 to vector<16xi32>
      %xor3A_1458 = arith.xori %iota3A, %xor3A_1457 : vector<16xi32>
      %broadcast_in_dim3A_1459 = vector.shape_cast %xor3A_1458 : vector<16xi32> to vector<16x1xi32>
      %gather3A_1460 = vector.shape_cast %broadcast_in_dim3A_1459 : vector<16x1xi32> to vector<16xi32>
      %gather3A_1461 = tpu.dynamic_gather %add3A_1455[%gather3A_1460] in [0] : vector<16xf32>, vector<16xi32> -> vector<16xf32>
      %add3A_1462 = arith.addf %add3A_1455, %gather3A_1461 : vector<16xf32>
      %bitcast_convert_type3A_1463 = tpu.bitcast %add3A_1462 : vector<16xf32> -> vector<16xi32>
      %shift_right_logical3A_1464 = arith.constant 1 : i32
      %shift_right_logical3A_1465 = vector.broadcast %shift_right_logical3A_1464 : i32 to vector<16xi32>
      %shift_right_logical3A_1466 = arith.shrui %bitcast_convert_type3A_1463, %shift_right_logical3A_1465 : vector<16xi32>
      %sub3A_1467 = arith.constant 1597463007 : i32
      %sub3A_1468 = vector.broadcast %sub3A_1467 : i32 to vector<16xi32>
      %sub3A_1469 = arith.subi %sub3A_1468, %shift_right_logical3A_1466 : vector<16xi32>
      %bitcast_convert_type3A_1470 = tpu.bitcast %sub3A_1469 : vector<16xi32> -> vector<16xf32>
      %mul3A_1471 = arith.constant 5.000000e-01 : f32
      %mul3A_1472 = vector.broadcast %mul3A_1471 : f32 to vector<16xf32>
      %mul3A_1473 = arith.mulf %mul3A_1472, %add3A_1462 : vector<16xf32>
      %mul3A_1474 = arith.mulf %mul3A_1473, %bitcast_convert_type3A_1470 : vector<16xf32>
      %mul3A_1475 = arith.mulf %mul3A_1474, %bitcast_convert_type3A_1470 : vector<16xf32>
      %sub3A_1476 = arith.constant 1.500000e+00 : f32
      %sub3A_1477 = vector.broadcast %sub3A_1476 : f32 to vector<16xf32>
      %sub3A_1478 = arith.subf %sub3A_1477, %mul3A_1475 : vector<16xf32>
      %mul3A_1479 = arith.mulf %bitcast_convert_type3A_1470, %sub3A_1478 : vector<16xf32>
      %mul3A_1480 = arith.constant 5.000000e-01 : f32
      %mul3A_1481 = vector.broadcast %mul3A_1480 : f32 to vector<16xf32>
      %mul3A_1482 = arith.mulf %mul3A_1481, %add3A_1462 : vector<16xf32>
      %mul3A_1483 = arith.mulf %mul3A_1482, %mul3A_1479 : vector<16xf32>
      %mul3A_1484 = arith.mulf %mul3A_1483, %mul3A_1479 : vector<16xf32>
      %sub3A_1485 = arith.constant 1.500000e+00 : f32
      %sub3A_1486 = vector.broadcast %sub3A_1485 : f32 to vector<16xf32>
      %sub3A_1487 = arith.subf %sub3A_1486, %mul3A_1484 : vector<16xf32>
      %mul3A_1488 = arith.mulf %mul3A_1479, %sub3A_1487 : vector<16xf32>
      %mul3A_1489 = arith.constant 5.000000e-01 : f32
      %mul3A_1490 = vector.broadcast %mul3A_1489 : f32 to vector<16xf32>
      %mul3A_1491 = arith.mulf %mul3A_1490, %add3A_1462 : vector<16xf32>
      %mul3A_1492 = arith.mulf %mul3A_1491, %mul3A_1488 : vector<16xf32>
      %mul3A_1493 = arith.mulf %mul3A_1492, %mul3A_1488 : vector<16xf32>
      %sub3A_1494 = arith.constant 1.500000e+00 : f32
      %sub3A_1495 = vector.broadcast %sub3A_1494 : f32 to vector<16xf32>
      %sub3A_1496 = arith.subf %sub3A_1495, %mul3A_1493 : vector<16xf32>
      %mul3A_1497 = arith.mulf %mul3A_1488, %sub3A_1496 : vector<16xf32>
      %min3A_1498 = arith.constant 9.99999995E+11 : f32
      %min3A_1499 = vector.broadcast %min3A_1498 : f32 to vector<16xf32>
      %min3A_1500 = arith.minimumf %mul3A_1497, %min3A_1499 : vector<16xf32>
      %mul3A_1501 = arith.mulf %get3A_1358, %min3A_1500 : vector<16xf32>
      %swap3A_1502 = arith.index_cast %scan3A_1355 : i32 to index
      %swap3A_1503 = arith.constant 0 : index
      %swap3A_1504 = tpu.vector_load %arg6[%swap3A_1502, %swap3A_1503] {strides = array<i32>} : memref<64x256xf32, #tpu.memory_space<vmem>>, vector<16xf32>,
      tpu.vector_store %arg6[%swap3A_1502, %swap3A_1503], %mul3A_1501 {strides = array<i32>} : memref<64x256xf32, #tpu.memory_space<vmem>>, vector<16xf32>,
      %mul3A_1505 = arith.mulf %get3A_1361, %min3A_1500 : vector<16xf32>
      %swap3A_1506 = arith.index_cast %scan3A_1355 : i32 to index
      %swap3A_1507 = arith.constant 16 : index
      %swap3A_1508 = tpu.vector_load %arg6[%swap3A_1506, %swap3A_1507] {strides = array<i32>} : memref<64x256xf32, #tpu.memory_space<vmem>>, vector<16xf32>,
      tpu.vector_store %arg6[%swap3A_1506, %swap3A_1507], %mul3A_1505 {strides = array<i32>} : memref<64x256xf32, #tpu.memory_space<vmem>>, vector<16xf32>,
      %mul3A_1509 = arith.mulf %get3A_1364, %min3A_1500 : vector<16xf32>
      %swap3A_1510 = arith.index_cast %scan3A_1355 : i32 to index
      %swap3A_1511 = arith.constant 32 : index
      %swap3A_1512 = tpu.vector_load %arg6[%swap3A_1510, %swap3A_1511] {strides = array<i32>} : memref<64x256xf32, #tpu.memory_space<vmem>>, vector<16xf32>,
      tpu.vector_store %arg6[%swap3A_1510, %swap3A_1511], %mul3A_1509 {strides = array<i32>} : memref<64x256xf32, #tpu.memory_space<vmem>>, vector<16xf32>,
      %mul3A_1513 = arith.mulf %get3A_1367, %min3A_1500 : vector<16xf32>
      %swap3A_1514 = arith.index_cast %scan3A_1355 : i32 to index
      %swap3A_1515 = arith.constant 48 : index
      %swap3A_1516 = tpu.vector_load %arg6[%swap3A_1514, %swap3A_1515] {strides = array<i32>} : memref<64x256xf32, #tpu.memory_space<vmem>>, vector<16xf32>,
      tpu.vector_store %arg6[%swap3A_1514, %swap3A_1515], %mul3A_1513 {strides = array<i32>} : memref<64x256xf32, #tpu.memory_space<vmem>>, vector<16xf32>,
      %mul3A_1517 = arith.mulf %get3A_1370, %min3A_1500 : vector<16xf32>
      %swap3A_1518 = arith.index_cast %scan3A_1355 : i32 to index
      %swap3A_1519 = arith.constant 64 : index
      %swap3A_1520 = tpu.vector_load %arg6[%swap3A_1518, %swap3A_1519] {strides = array<i32>} : memref<64x256xf32, #tpu.memory_space<vmem>>, vector<16xf32>,
      tpu.vector_store %arg6[%swap3A_1518, %swap3A_1519], %mul3A_1517 {strides = array<i32>} : memref<64x256xf32, #tpu.memory_space<vmem>>, vector<16xf32>,
      %mul3A_1521 = arith.mulf %get3A_1373, %min3A_1500 : vector<16xf32>
      %swap3A_1522 = arith.index_cast %scan3A_1355 : i32 to index
      %swap3A_1523 = arith.constant 80 : index
      %swap3A_1524 = tpu.vector_load %arg6[%swap3A_1522, %swap3A_1523] {strides = array<i32>} : memref<64x256xf32, #tpu.memory_space<vmem>>, vector<16xf32>,
      tpu.vector_store %arg6[%swap3A_1522, %swap3A_1523], %mul3A_1521 {strides = array<i32>} : memref<64x256xf32, #tpu.memory_space<vmem>>, vector<16xf32>,
      %mul3A_1525 = arith.mulf %get3A_1376, %min3A_1500 : vector<16xf32>
      %swap3A_1526 = arith.index_cast %scan3A_1355 : i32 to index
      %swap3A_1527 = arith.constant 96 : index
      %swap3A_1528 = tpu.vector_load %arg6[%swap3A_1526, %swap3A_1527] {strides = array<i32>} : memref<64x256xf32, #tpu.memory_space<vmem>>, vector<16xf32>,
      tpu.vector_store %arg6[%swap3A_1526, %swap3A_1527], %mul3A_1525 {strides = array<i32>} : memref<64x256xf32, #tpu.memory_space<vmem>>, vector<16xf32>,
      %mul3A_1529 = arith.mulf %get3A_1379, %min3A_1500 : vector<16xf32>
      %swap3A_1530 = arith.index_cast %scan3A_1355 : i32 to index
      %swap3A_1531 = arith.constant 112 : index
      %swap3A_1532 = tpu.vector_load %arg6[%swap3A_1530, %swap3A_1531] {strides = array<i32>} : memref<64x256xf32, #tpu.memory_space<vmem>>, vector<16xf32>,
      tpu.vector_store %arg6[%swap3A_1530, %swap3A_1531], %mul3A_1529 {strides = array<i32>} : memref<64x256xf32, #tpu.memory_space<vmem>>, vector<16xf32>,
      %mul3A_1533 = arith.mulf %get3A_1382, %min3A_1500 : vector<16xf32>
      %swap3A_1534 = arith.index_cast %scan3A_1355 : i32 to index
      %swap3A_1535 = arith.constant 128 : index
      %swap3A_1536 = tpu.vector_load %arg6[%swap3A_1534, %swap3A_1535] {strides = array<i32>} : memref<64x256xf32, #tpu.memory_space<vmem>>, vector<16xf32>,
      tpu.vector_store %arg6[%swap3A_1534, %swap3A_1535], %mul3A_1533 {strides = array<i32>} : memref<64x256xf32, #tpu.memory_space<vmem>>, vector<16xf32>,
      %mul3A_1537 = arith.mulf %get3A_1385, %min3A_1500 : vector<16xf32>
      %swap3A_1538 = arith.index_cast %scan3A_1355 : i32 to index
      %swap3A_1539 = arith.constant 144 : index
      %swap3A_1540 = tpu.vector_load %arg6[%swap3A_1538, %swap3A_1539] {strides = array<i32>} : memref<64x256xf32, #tpu.memory_space<vmem>>, vector<16xf32>,
      tpu.vector_store %arg6[%swap3A_1538, %swap3A_1539], %mul3A_1537 {strides = array<i32>} : memref<64x256xf32, #tpu.memory_space<vmem>>, vector<16xf32>,
      %mul3A_1541 = arith.mulf %get3A_1388, %min3A_1500 : vector<16xf32>
      %swap3A_1542 = arith.index_cast %scan3A_1355 : i32 to index
      %swap3A_1543 = arith.constant 160 : index
      %swap3A_1544 = tpu.vector_load %arg6[%swap3A_1542, %swap3A_1543] {strides = array<i32>} : memref<64x256xf32, #tpu.memory_space<vmem>>, vector<16xf32>,
      tpu.vector_store %arg6[%swap3A_1542, %swap3A_1543], %mul3A_1541 {strides = array<i32>} : memref<64x256xf32, #tpu.memory_space<vmem>>, vector<16xf32>,
      %mul3A_1545 = arith.mulf %get3A_1391, %min3A_1500 : vector<16xf32>
      %swap3A_1546 = arith.index_cast %scan3A_1355 : i32 to index
      %swap3A_1547 = arith.constant 176 : index
      %swap3A_1548 = tpu.vector_load %arg6[%swap3A_1546, %swap3A_1547] {strides = array<i32>} : memref<64x256xf32, #tpu.memory_space<vmem>>, vector<16xf32>,
      tpu.vector_store %arg6[%swap3A_1546, %swap3A_1547], %mul3A_1545 {strides = array<i32>} : memref<64x256xf32, #tpu.memory_space<vmem>>, vector<16xf32>,
      %mul3A_1549 = arith.mulf %get3A_1394, %min3A_1500 : vector<16xf32>
      %swap3A_1550 = arith.index_cast %scan3A_1355 : i32 to index
      %swap3A_1551 = arith.constant 192 : index
      %swap3A_1552 = tpu.vector_load %arg6[%swap3A_1550, %swap3A_1551] {strides = array<i32>} : memref<64x256xf32, #tpu.memory_space<vmem>>, vector<16xf32>,
      tpu.vector_store %arg6[%swap3A_1550, %swap3A_1551], %mul3A_1549 {strides = array<i32>} : memref<64x256xf32, #tpu.memory_space<vmem>>, vector<16xf32>,
      %mul3A_1553 = arith.mulf %get3A_1397, %min3A_1500 : vector<16xf32>
      %swap3A_1554 = arith.index_cast %scan3A_1355 : i32 to index
      %swap3A_1555 = arith.constant 208 : index
      %swap3A_1556 = tpu.vector_load %arg6[%swap3A_1554, %swap3A_1555] {strides = array<i32>} : memref<64x256xf32, #tpu.memory_space<vmem>>, vector<16xf32>,
      tpu.vector_store %arg6[%swap3A_1554, %swap3A_1555], %mul3A_1553 {strides = array<i32>} : memref<64x256xf32, #tpu.memory_space<vmem>>, vector<16xf32>,
      %mul3A_1557 = arith.mulf %get3A_1400, %min3A_1500 : vector<16xf32>
      %swap3A_1558 = arith.index_cast %scan3A_1355 : i32 to index
      %swap3A_1559 = arith.constant 224 : index
      %swap3A_1560 = tpu.vector_load %arg6[%swap3A_1558, %swap3A_1559] {strides = array<i32>} : memref<64x256xf32, #tpu.memory_space<vmem>>, vector<16xf32>,
      tpu.vector_store %arg6[%swap3A_1558, %swap3A_1559], %mul3A_1557 {strides = array<i32>} : memref<64x256xf32, #tpu.memory_space<vmem>>, vector<16xf32>,
      %mul3A_1561 = arith.mulf %get3A_1403, %min3A_1500 : vector<16xf32>
      %swap3A_1562 = arith.index_cast %scan3A_1355 : i32 to index
      %swap3A_1563 = arith.constant 240 : index
      %swap3A_1564 = tpu.vector_load %arg6[%swap3A_1562, %swap3A_1563] {strides = array<i32>} : memref<64x256xf32, #tpu.memory_space<vmem>>, vector<16xf32>,
      tpu.vector_store %arg6[%swap3A_1562, %swap3A_1563], %mul3A_1561 {strides = array<i32>} : memref<64x256xf32, #tpu.memory_space<vmem>>, vector<16xf32>,
    }
    %scan3A_1073 = arith.constant 64 : i32
    %get3A = arith.constant 0 : index
    %get3A_1074 = tpu.vector_load %arg9[%get3A] {strides = array<i32>} : memref<64xi32, #tpu.memory_space<vmem>>, vector<16xi32>,
    tpu.vector_store_idx %arg12[%iota3A, %get3A_1074], %broadcast_in_dim3A_5 {add = true} : memref<16x2048xf32, #tpu.memory_space<vmem>>[vector<16xi32>, vector<16xi32>], vector<16xf32>,
    %get3A_1075 = arith.constant 16 : index
    %get3A_1076 = tpu.vector_load %arg9[%get3A_1075] {strides = array<i32>} : memref<64xi32, #tpu.memory_space<vmem>>, vector<16xi32>,
    tpu.vector_store_idx %arg12[%iota3A, %get3A_1076], %broadcast_in_dim3A_5 {add = true} : memref<16x2048xf32, #tpu.memory_space<vmem>>[vector<16xi32>, vector<16xi32>], vector<16xf32>,
    %get3A_1077 = arith.constant 32 : index
    %get3A_1078 = tpu.vector_load %arg9[%get3A_1077] {strides = array<i32>} : memref<64xi32, #tpu.memory_space<vmem>>, vector<16xi32>,
    tpu.vector_store_idx %arg12[%iota3A, %get3A_1078], %broadcast_in_dim3A_5 {add = true} : memref<16x2048xf32, #tpu.memory_space<vmem>>[vector<16xi32>, vector<16xi32>], vector<16xf32>,
    %get3A_1079 = arith.constant 48 : index
    %get3A_1080 = tpu.vector_load %arg9[%get3A_1079] {strides = array<i32>} : memref<64xi32, #tpu.memory_space<vmem>>, vector<16xi32>,
    tpu.vector_store_idx %arg12[%iota3A, %get3A_1080], %broadcast_in_dim3A_5 {add = true} : memref<16x2048xf32, #tpu.memory_space<vmem>>[vector<16xi32>, vector<16xi32>], vector<16xf32>,
    %dma_start3A_1081 = arith.constant 0 : i32
    %dma_start3A_1082 = arith.constant 0 : i32
    %dma_start3A_1083 = tpu.memref_slice %arg16[%dma_start3A_1081, %dma_start3A_1082] : memref<2048x256xf32, #tpu.memory_space<vmem_shared>> -> memref<2048x256xf32, #tpu.memory_space<vmem_shared>>
    tpu.enqueue_indirect_dma source(%arg6 : memref<64x256xf32, #tpu.memory_space<vmem>>) target(%dma_start3A_1083 : memref<2048x256xf32, #tpu.memory_space<vmem_shared>>) offsets(%arg9 : memref<64xi32, #tpu.memory_space<vmem>>) semaphore(%arg18 : memref<!tpu.dma_semaphore, #tpu.memory_space<semaphore_mem>>) {add = true}
    %dma_wait3A_1084 = arith.constant 0 : i32
    %dma_wait3A_1085 = tpu.memref_slice %arg2[%add3A_1048, %dma_wait3A_1084] : memref<16384x256xf32, #tpu.memory_space<hbm>> -> memref<64x256xf32, #tpu.memory_space<hbm>>
    %dma_wait3A_1086 = arith.constant 0 : i32
    %dma_wait3A_1087 = tpu.memref_slice %arg2[%add3A_1048, %dma_wait3A_1086] : memref<16384x256xf32, #tpu.memory_space<hbm>> -> memref<64x256xf32, #tpu.memory_space<hbm>>
    tpu.wait_dma2 semaphore(%arg17 : memref<!tpu.dma_semaphore, #tpu.memory_space<semaphore_mem>>) src(%dma_wait3A_1087 : memref<64x256xf32, #tpu.memory_space<hbm>>) dst(%arg7 : memref<64x256xf32, #tpu.memory_space<vmem>>)
    %dma_wait3A_1088 = tpu.memref_slice %arg3[%add3A_1048] : memref<16384xi32, #tpu.memory_space<hbm>> -> memref<64xi32, #tpu.memory_space<hbm>>
    %dma_wait3A_1089 = tpu.memref_slice %arg3[%add3A_1048] : memref<16384xi32, #tpu.memory_space<hbm>> -> memref<64xi32, #tpu.memory_space<hbm>>
    tpu.wait_dma2 semaphore(%arg17 : memref<!tpu.dma_semaphore, #tpu.memory_space<semaphore_mem>>) src(%dma_wait3A_1089 : memref<64xi32, #tpu.memory_space<hbm>>) dst(%arg10 : memref<64xi32, #tpu.memory_space<vmem>>)
    %scan3A_1090 = arith.constant 0 : i32
    %scan3A_1091 = arith.constant 0 : i32
    %scan3A_1092 = arith.constant 64 : i32
    %scan3A_1093 = arith.addi %scan3A_1091, %scan3A_1092 : i32
    %scan3A_1094 = arith.constant 2 : i32
    scf.for %scan3A_1150 = %scan3A_1091 to %scan3A_1093 step %scan3A_1094  : i32 {
      %get3A_1151 = arith.index_cast %scan3A_1150 : i32 to index
      %get3A_1152 = arith.constant 0 : index
      %get3A_1153 = tpu.vector_load %arg7[%get3A_1151, %get3A_1152] {strides = array<i32>} : memref<64x256xf32, #tpu.memory_space<vmem>>, vector<16xf32>,
      %get3A_1154 = arith.index_cast %scan3A_1150 : i32 to index
      %get3A_1155 = arith.constant 16 : index
      %get3A_1156 = tpu.vector_load %arg7[%get3A_1154, %get3A_1155] {strides = array<i32>} : memref<64x256xf32, #tpu.memory_space<vmem>>, vector<16xf32>,
      %get3A_1157 = arith.index_cast %scan3A_1150 : i32 to index
      %get3A_1158 = arith.constant 32 : index
      %get3A_1159 = tpu.vector_load %arg7[%get3A_1157, %get3A_1158] {strides = array<i32>} : memref<64x256xf32, #tpu.memory_space<vmem>>, vector<16xf32>,
      %get3A_1160 = arith.index_cast %scan3A_1150 : i32 to index
      %get3A_1161 = arith.constant 48 : index
      %get3A_1162 = tpu.vector_load %arg7[%get3A_1160, %get3A_1161] {strides = array<i32>} : memref<64x256xf32, #tpu.memory_space<vmem>>, vector<16xf32>,
      %get3A_1163 = arith.index_cast %scan3A_1150 : i32 to index
      %get3A_1164 = arith.constant 64 : index
      %get3A_1165 = tpu.vector_load %arg7[%get3A_1163, %get3A_1164] {strides = array<i32>} : memref<64x256xf32, #tpu.memory_space<vmem>>, vector<16xf32>,
      %get3A_1166 = arith.index_cast %scan3A_1150 : i32 to index
      %get3A_1167 = arith.constant 80 : index
      %get3A_1168 = tpu.vector_load %arg7[%get3A_1166, %get3A_1167] {strides = array<i32>} : memref<64x256xf32, #tpu.memory_space<vmem>>, vector<16xf32>,
      %get3A_1169 = arith.index_cast %scan3A_1150 : i32 to index
      %get3A_1170 = arith.constant 96 : index
      %get3A_1171 = tpu.vector_load %arg7[%get3A_1169, %get3A_1170] {strides = array<i32>} : memref<64x256xf32, #tpu.memory_space<vmem>>, vector<16xf32>,
      %get3A_1172 = arith.index_cast %scan3A_1150 : i32 to index
      %get3A_1173 = arith.constant 112 : index
      %get3A_1174 = tpu.vector_load %arg7[%get3A_1172, %get3A_1173] {strides = array<i32>} : memref<64x256xf32, #tpu.memory_space<vmem>>, vector<16xf32>,
      %get3A_1175 = arith.index_cast %scan3A_1150 : i32 to index
      %get3A_1176 = arith.constant 128 : index
      %get3A_1177 = tpu.vector_load %arg7[%get3A_1175, %get3A_1176] {strides = array<i32>} : memref<64x256xf32, #tpu.memory_space<vmem>>, vector<16xf32>,
      %get3A_1178 = arith.index_cast %scan3A_1150 : i32 to index
      %get3A_1179 = arith.constant 144 : index
      %get3A_1180 = tpu.vector_load %arg7[%get3A_1178, %get3A_1179] {strides = array<i32>} : memref<64x256xf32, #tpu.memory_space<vmem>>, vector<16xf32>,
      %get3A_1181 = arith.index_cast %scan3A_1150 : i32 to index
      %get3A_1182 = arith.constant 160 : index
      %get3A_1183 = tpu.vector_load %arg7[%get3A_1181, %get3A_1182] {strides = array<i32>} : memref<64x256xf32, #tpu.memory_space<vmem>>, vector<16xf32>,
      %get3A_1184 = arith.index_cast %scan3A_1150 : i32 to index
      %get3A_1185 = arith.constant 176 : index
      %get3A_1186 = tpu.vector_load %arg7[%get3A_1184, %get3A_1185] {strides = array<i32>} : memref<64x256xf32, #tpu.memory_space<vmem>>, vector<16xf32>,
      %get3A_1187 = arith.index_cast %scan3A_1150 : i32 to index
      %get3A_1188 = arith.constant 192 : index
      %get3A_1189 = tpu.vector_load %arg7[%get3A_1187, %get3A_1188] {strides = array<i32>} : memref<64x256xf32, #tpu.memory_space<vmem>>, vector<16xf32>,
      %get3A_1190 = arith.index_cast %scan3A_1150 : i32 to index
      %get3A_1191 = arith.constant 208 : index
      %get3A_1192 = tpu.vector_load %arg7[%get3A_1190, %get3A_1191] {strides = array<i32>} : memref<64x256xf32, #tpu.memory_space<vmem>>, vector<16xf32>,
      %get3A_1193 = arith.index_cast %scan3A_1150 : i32 to index
      %get3A_1194 = arith.constant 224 : index
      %get3A_1195 = tpu.vector_load %arg7[%get3A_1193, %get3A_1194] {strides = array<i32>} : memref<64x256xf32, #tpu.memory_space<vmem>>, vector<16xf32>,
      %get3A_1196 = arith.index_cast %scan3A_1150 : i32 to index
      %get3A_1197 = arith.constant 240 : index
      %get3A_1198 = tpu.vector_load %arg7[%get3A_1196, %get3A_1197] {strides = array<i32>} : memref<64x256xf32, #tpu.memory_space<vmem>>, vector<16xf32>,
      %mul3A_1199 = arith.mulf %get3A_1153, %get3A_1153 : vector<16xf32>
      %mul3A_1200 = arith.mulf %get3A_1156, %get3A_1156 : vector<16xf32>
      %mul3A_1201 = arith.mulf %get3A_1159, %get3A_1159 : vector<16xf32>
      %mul3A_1202 = arith.mulf %get3A_1162, %get3A_1162 : vector<16xf32>
      %mul3A_1203 = arith.mulf %get3A_1165, %get3A_1165 : vector<16xf32>
      %mul3A_1204 = arith.mulf %get3A_1168, %get3A_1168 : vector<16xf32>
      %mul3A_1205 = arith.mulf %get3A_1171, %get3A_1171 : vector<16xf32>
      %mul3A_1206 = arith.mulf %get3A_1174, %get3A_1174 : vector<16xf32>
      %mul3A_1207 = arith.mulf %get3A_1177, %get3A_1177 : vector<16xf32>
      %mul3A_1208 = arith.mulf %get3A_1180, %get3A_1180 : vector<16xf32>
      %mul3A_1209 = arith.mulf %get3A_1183, %get3A_1183 : vector<16xf32>
      %mul3A_1210 = arith.mulf %get3A_1186, %get3A_1186 : vector<16xf32>
      %mul3A_1211 = arith.mulf %get3A_1189, %get3A_1189 : vector<16xf32>
      %mul3A_1212 = arith.mulf %get3A_1192, %get3A_1192 : vector<16xf32>
      %mul3A_1213 = arith.mulf %get3A_1195, %get3A_1195 : vector<16xf32>
      %mul3A_1214 = arith.mulf %get3A_1198, %get3A_1198 : vector<16xf32>
      %add3A_1215 = arith.addf %mul3A_1199, %mul3A_1200 : vector<16xf32>
      %add3A_1216 = arith.addf %mul3A_1201, %mul3A_1202 : vector<16xf32>
      %add3A_1217 = arith.addf %mul3A_1203, %mul3A_1204 : vector<16xf32>
      %add3A_1218 = arith.addf %mul3A_1205, %mul3A_1206 : vector<16xf32>
      %add3A_1219 = arith.addf %mul3A_1207, %mul3A_1208 : vector<16xf32>
      %add3A_1220 = arith.addf %mul3A_1209, %mul3A_1210 : vector<16xf32>
      %add3A_1221 = arith.addf %mul3A_1211, %mul3A_1212 : vector<16xf32>
      %add3A_1222 = arith.addf %mul3A_1213, %mul3A_1214 : vector<16xf32>
      %add3A_1223 = arith.addf %add3A_1215, %add3A_1216 : vector<16xf32>
      %add3A_1224 = arith.addf %add3A_1217, %add3A_1218 : vector<16xf32>
      %add3A_1225 = arith.addf %add3A_1219, %add3A_1220 : vector<16xf32>
      %add3A_1226 = arith.addf %add3A_1221, %add3A_1222 : vector<16xf32>
      %add3A_1227 = arith.addf %add3A_1223, %add3A_1224 : vector<16xf32>
      %add3A_1228 = arith.addf %add3A_1225, %add3A_1226 : vector<16xf32>
      %add3A_1229 = arith.addf %add3A_1227, %add3A_1228 : vector<16xf32>
      %xor3A = arith.constant 8 : i32
      %xor3A_1230 = vector.broadcast %xor3A : i32 to vector<16xi32>
      %xor3A_1231 = arith.xori %iota3A, %xor3A_1230 : vector<16xi32>
      %broadcast_in_dim3A_1232 = vector.shape_cast %xor3A_1231 : vector<16xi32> to vector<16x1xi32>
      %gather3A = vector.shape_cast %broadcast_in_dim3A_1232 : vector<16x1xi32> to vector<16xi32>
      %gather3A_1233 = tpu.dynamic_gather %add3A_1229[%gather3A] in [0] : vector<16xf32>, vector<16xi32> -> vector<16xf32>
      %add3A_1234 = arith.addf %add3A_1229, %gather3A_1233 : vector<16xf32>
      %xor3A_1235 = arith.constant 4 : i32
      %xor3A_1236 = vector.broadcast %xor3A_1235 : i32 to vector<16xi32>
      %xor3A_1237 = arith.xori %iota3A, %xor3A_1236 : vector<16xi32>
      %broadcast_in_dim3A_1238 = vector.shape_cast %xor3A_1237 : vector<16xi32> to vector<16x1xi32>
      %gather3A_1239 = vector.shape_cast %broadcast_in_dim3A_1238 : vector<16x1xi32> to vector<16xi32>
      %gather3A_1240 = tpu.dynamic_gather %add3A_1234[%gather3A_1239] in [0] : vector<16xf32>, vector<16xi32> -> vector<16xf32>
      %add3A_1241 = arith.addf %add3A_1234, %gather3A_1240 : vector<16xf32>
      %xor3A_1242 = arith.constant 2 : i32
      %xor3A_1243 = vector.broadcast %xor3A_1242 : i32 to vector<16xi32>
      %xor3A_1244 = arith.xori %iota3A, %xor3A_1243 : vector<16xi32>
      %broadcast_in_dim3A_1245 = vector.shape_cast %xor3A_1244 : vector<16xi32> to vector<16x1xi32>
      %gather3A_1246 = vector.shape_cast %broadcast_in_dim3A_1245 : vector<16x1xi32> to vector<16xi32>
      %gather3A_1247 = tpu.dynamic_gather %add3A_1241[%gather3A_1246] in [0] : vector<16xf32>, vector<16xi32> -> vector<16xf32>
      %add3A_1248 = arith.addf %add3A_1241, %gather3A_1247 : vector<16xf32>
      %xor3A_1249 = arith.constant 1 : i32
      %xor3A_1250 = vector.broadcast %xor3A_1249 : i32 to vector<16xi32>
      %xor3A_1251 = arith.xori %iota3A, %xor3A_1250 : vector<16xi32>
      %broadcast_in_dim3A_1252 = vector.shape_cast %xor3A_1251 : vector<16xi32> to vector<16x1xi32>
      %gather3A_1253 = vector.shape_cast %broadcast_in_dim3A_1252 : vector<16x1xi32> to vector<16xi32>
      %gather3A_1254 = tpu.dynamic_gather %add3A_1248[%gather3A_1253] in [0] : vector<16xf32>, vector<16xi32> -> vector<16xf32>
      %add3A_1255 = arith.addf %add3A_1248, %gather3A_1254 : vector<16xf32>
      %bitcast_convert_type3A = tpu.bitcast %add3A_1255 : vector<16xf32> -> vector<16xi32>
      %shift_right_logical3A = arith.constant 1 : i32
      %shift_right_logical3A_1256 = vector.broadcast %shift_right_logical3A : i32 to vector<16xi32>
      %shift_right_logical3A_1257 = arith.shrui %bitcast_convert_type3A, %shift_right_logical3A_1256 : vector<16xi32>
      %sub3A = arith.constant 1597463007 : i32
      %sub3A_1258 = vector.broadcast %sub3A : i32 to vector<16xi32>
      %sub3A_1259 = arith.subi %sub3A_1258, %shift_right_logical3A_1257 : vector<16xi32>
      %bitcast_convert_type3A_1260 = tpu.bitcast %sub3A_1259 : vector<16xi32> -> vector<16xf32>
      %mul3A_1261 = arith.constant 5.000000e-01 : f32
      %mul3A_1262 = vector.broadcast %mul3A_1261 : f32 to vector<16xf32>
      %mul3A_1263 = arith.mulf %mul3A_1262, %add3A_1255 : vector<16xf32>
      %mul3A_1264 = arith.mulf %mul3A_1263, %bitcast_convert_type3A_1260 : vector<16xf32>
      %mul3A_1265 = arith.mulf %mul3A_1264, %bitcast_convert_type3A_1260 : vector<16xf32>
      %sub3A_1266 = arith.constant 1.500000e+00 : f32
      %sub3A_1267 = vector.broadcast %sub3A_1266 : f32 to vector<16xf32>
      %sub3A_1268 = arith.subf %sub3A_1267, %mul3A_1265 : vector<16xf32>
      %mul3A_1269 = arith.mulf %bitcast_convert_type3A_1260, %sub3A_1268 : vector<16xf32>
      %mul3A_1270 = arith.constant 5.000000e-01 : f32
      %mul3A_1271 = vector.broadcast %mul3A_1270 : f32 to vector<16xf32>
      %mul3A_1272 = arith.mulf %mul3A_1271, %add3A_1255 : vector<16xf32>
      %mul3A_1273 = arith.mulf %mul3A_1272, %mul3A_1269 : vector<16xf32>
      %mul3A_1274 = arith.mulf %mul3A_1273, %mul3A_1269 : vector<16xf32>
      %sub3A_1275 = arith.constant 1.500000e+00 : f32
      %sub3A_1276 = vector.broadcast %sub3A_1275 : f32 to vector<16xf32>
      %sub3A_1277 = arith.subf %sub3A_1276, %mul3A_1274 : vector<16xf32>
      %mul3A_1278 = arith.mulf %mul3A_1269, %sub3A_1277 : vector<16xf32>
      %mul3A_1279 = arith.constant 5.000000e-01 : f32
      %mul3A_1280 = vector.broadcast %mul3A_1279 : f32 to vector<16xf32>
      %mul3A_1281 = arith.mulf %mul3A_1280, %add3A_1255 : vector<16xf32>
      %mul3A_1282 = arith.mulf %mul3A_1281, %mul3A_1278 : vector<16xf32>
      %mul3A_1283 = arith.mulf %mul3A_1282, %mul3A_1278 : vector<16xf32>
      %sub3A_1284 = arith.constant 1.500000e+00 : f32
      %sub3A_1285 = vector.broadcast %sub3A_1284 : f32 to vector<16xf32>
      %sub3A_1286 = arith.subf %sub3A_1285, %mul3A_1283 : vector<16xf32>
      %mul3A_1287 = arith.mulf %mul3A_1278, %sub3A_1286 : vector<16xf32>
      %min3A = arith.constant 9.99999995E+11 : f32
      %min3A_1288 = vector.broadcast %min3A : f32 to vector<16xf32>
      %min3A_1289 = arith.minimumf %mul3A_1287, %min3A_1288 : vector<16xf32>
      %mul3A_1290 = arith.mulf %get3A_1153, %min3A_1289 : vector<16xf32>
      %swap3A_1291 = arith.index_cast %scan3A_1150 : i32 to index
      %swap3A_1292 = arith.constant 0 : index
      %swap3A_1293 = tpu.vector_load %arg7[%swap3A_1291, %swap3A_1292] {strides = array<i32>} : memref<64x256xf32, #tpu.memory_space<vmem>>, vector<16xf32>,
      tpu.vector_store %arg7[%swap3A_1291, %swap3A_1292], %mul3A_1290 {strides = array<i32>} : memref<64x256xf32, #tpu.memory_space<vmem>>, vector<16xf32>,
      %mul3A_1294 = arith.mulf %get3A_1156, %min3A_1289 : vector<16xf32>
      %swap3A_1295 = arith.index_cast %scan3A_1150 : i32 to index
      %swap3A_1296 = arith.constant 16 : index
      %swap3A_1297 = tpu.vector_load %arg7[%swap3A_1295, %swap3A_1296] {strides = array<i32>} : memref<64x256xf32, #tpu.memory_space<vmem>>, vector<16xf32>,
      tpu.vector_store %arg7[%swap3A_1295, %swap3A_1296], %mul3A_1294 {strides = array<i32>} : memref<64x256xf32, #tpu.memory_space<vmem>>, vector<16xf32>,
      %mul3A_1298 = arith.mulf %get3A_1159, %min3A_1289 : vector<16xf32>
      %swap3A_1299 = arith.index_cast %scan3A_1150 : i32 to index
      %swap3A_1300 = arith.constant 32 : index
      %swap3A_1301 = tpu.vector_load %arg7[%swap3A_1299, %swap3A_1300] {strides = array<i32>} : memref<64x256xf32, #tpu.memory_space<vmem>>, vector<16xf32>,
      tpu.vector_store %arg7[%swap3A_1299, %swap3A_1300], %mul3A_1298 {strides = array<i32>} : memref<64x256xf32, #tpu.memory_space<vmem>>, vector<16xf32>,
      %mul3A_1302 = arith.mulf %get3A_1162, %min3A_1289 : vector<16xf32>
      %swap3A_1303 = arith.index_cast %scan3A_1150 : i32 to index
      %swap3A_1304 = arith.constant 48 : index
      %swap3A_1305 = tpu.vector_load %arg7[%swap3A_1303, %swap3A_1304] {strides = array<i32>} : memref<64x256xf32, #tpu.memory_space<vmem>>, vector<16xf32>,
      tpu.vector_store %arg7[%swap3A_1303, %swap3A_1304], %mul3A_1302 {strides = array<i32>} : memref<64x256xf32, #tpu.memory_space<vmem>>, vector<16xf32>,
      %mul3A_1306 = arith.mulf %get3A_1165, %min3A_1289 : vector<16xf32>
      %swap3A_1307 = arith.index_cast %scan3A_1150 : i32 to index
      %swap3A_1308 = arith.constant 64 : index
      %swap3A_1309 = tpu.vector_load %arg7[%swap3A_1307, %swap3A_1308] {strides = array<i32>} : memref<64x256xf32, #tpu.memory_space<vmem>>, vector<16xf32>,
      tpu.vector_store %arg7[%swap3A_1307, %swap3A_1308], %mul3A_1306 {strides = array<i32>} : memref<64x256xf32, #tpu.memory_space<vmem>>, vector<16xf32>,
      %mul3A_1310 = arith.mulf %get3A_1168, %min3A_1289 : vector<16xf32>
      %swap3A_1311 = arith.index_cast %scan3A_1150 : i32 to index
      %swap3A_1312 = arith.constant 80 : index
      %swap3A_1313 = tpu.vector_load %arg7[%swap3A_1311, %swap3A_1312] {strides = array<i32>} : memref<64x256xf32, #tpu.memory_space<vmem>>, vector<16xf32>,
      tpu.vector_store %arg7[%swap3A_1311, %swap3A_1312], %mul3A_1310 {strides = array<i32>} : memref<64x256xf32, #tpu.memory_space<vmem>>, vector<16xf32>,
      %mul3A_1314 = arith.mulf %get3A_1171, %min3A_1289 : vector<16xf32>
      %swap3A_1315 = arith.index_cast %scan3A_1150 : i32 to index
      %swap3A_1316 = arith.constant 96 : index
      %swap3A_1317 = tpu.vector_load %arg7[%swap3A_1315, %swap3A_1316] {strides = array<i32>} : memref<64x256xf32, #tpu.memory_space<vmem>>, vector<16xf32>,
      tpu.vector_store %arg7[%swap3A_1315, %swap3A_1316], %mul3A_1314 {strides = array<i32>} : memref<64x256xf32, #tpu.memory_space<vmem>>, vector<16xf32>,
      %mul3A_1318 = arith.mulf %get3A_1174, %min3A_1289 : vector<16xf32>
      %swap3A_1319 = arith.index_cast %scan3A_1150 : i32 to index
      %swap3A_1320 = arith.constant 112 : index
      %swap3A_1321 = tpu.vector_load %arg7[%swap3A_1319, %swap3A_1320] {strides = array<i32>} : memref<64x256xf32, #tpu.memory_space<vmem>>, vector<16xf32>,
      tpu.vector_store %arg7[%swap3A_1319, %swap3A_1320], %mul3A_1318 {strides = array<i32>} : memref<64x256xf32, #tpu.memory_space<vmem>>, vector<16xf32>,
      %mul3A_1322 = arith.mulf %get3A_1177, %min3A_1289 : vector<16xf32>
      %swap3A_1323 = arith.index_cast %scan3A_1150 : i32 to index
      %swap3A_1324 = arith.constant 128 : index
      %swap3A_1325 = tpu.vector_load %arg7[%swap3A_1323, %swap3A_1324] {strides = array<i32>} : memref<64x256xf32, #tpu.memory_space<vmem>>, vector<16xf32>,
      tpu.vector_store %arg7[%swap3A_1323, %swap3A_1324], %mul3A_1322 {strides = array<i32>} : memref<64x256xf32, #tpu.memory_space<vmem>>, vector<16xf32>,
      %mul3A_1326 = arith.mulf %get3A_1180, %min3A_1289 : vector<16xf32>
      %swap3A_1327 = arith.index_cast %scan3A_1150 : i32 to index
      %swap3A_1328 = arith.constant 144 : index
      %swap3A_1329 = tpu.vector_load %arg7[%swap3A_1327, %swap3A_1328] {strides = array<i32>} : memref<64x256xf32, #tpu.memory_space<vmem>>, vector<16xf32>,
      tpu.vector_store %arg7[%swap3A_1327, %swap3A_1328], %mul3A_1326 {strides = array<i32>} : memref<64x256xf32, #tpu.memory_space<vmem>>, vector<16xf32>,
      %mul3A_1330 = arith.mulf %get3A_1183, %min3A_1289 : vector<16xf32>
      %swap3A_1331 = arith.index_cast %scan3A_1150 : i32 to index
      %swap3A_1332 = arith.constant 160 : index
      %swap3A_1333 = tpu.vector_load %arg7[%swap3A_1331, %swap3A_1332] {strides = array<i32>} : memref<64x256xf32, #tpu.memory_space<vmem>>, vector<16xf32>,
      tpu.vector_store %arg7[%swap3A_1331, %swap3A_1332], %mul3A_1330 {strides = array<i32>} : memref<64x256xf32, #tpu.memory_space<vmem>>, vector<16xf32>,
      %mul3A_1334 = arith.mulf %get3A_1186, %min3A_1289 : vector<16xf32>
      %swap3A_1335 = arith.index_cast %scan3A_1150 : i32 to index
      %swap3A_1336 = arith.constant 176 : index
      %swap3A_1337 = tpu.vector_load %arg7[%swap3A_1335, %swap3A_1336] {strides = array<i32>} : memref<64x256xf32, #tpu.memory_space<vmem>>, vector<16xf32>,
      tpu.vector_store %arg7[%swap3A_1335, %swap3A_1336], %mul3A_1334 {strides = array<i32>} : memref<64x256xf32, #tpu.memory_space<vmem>>, vector<16xf32>,
      %mul3A_1338 = arith.mulf %get3A_1189, %min3A_1289 : vector<16xf32>
      %swap3A_1339 = arith.index_cast %scan3A_1150 : i32 to index
      %swap3A_1340 = arith.constant 192 : index
      %swap3A_1341 = tpu.vector_load %arg7[%swap3A_1339, %swap3A_1340] {strides = array<i32>} : memref<64x256xf32, #tpu.memory_space<vmem>>, vector<16xf32>,
      tpu.vector_store %arg7[%swap3A_1339, %swap3A_1340], %mul3A_1338 {strides = array<i32>} : memref<64x256xf32, #tpu.memory_space<vmem>>, vector<16xf32>,
      %mul3A_1342 = arith.mulf %get3A_1192, %min3A_1289 : vector<16xf32>
      %swap3A_1343 = arith.index_cast %scan3A_1150 : i32 to index
      %swap3A_1344 = arith.constant 208 : index
      %swap3A_1345 = tpu.vector_load %arg7[%swap3A_1343, %swap3A_1344] {strides = array<i32>} : memref<64x256xf32, #tpu.memory_space<vmem>>, vector<16xf32>,
      tpu.vector_store %arg7[%swap3A_1343, %swap3A_1344], %mul3A_1342 {strides = array<i32>} : memref<64x256xf32, #tpu.memory_space<vmem>>, vector<16xf32>,
      %mul3A_1346 = arith.mulf %get3A_1195, %min3A_1289 : vector<16xf32>
      %swap3A_1347 = arith.index_cast %scan3A_1150 : i32 to index
      %swap3A_1348 = arith.constant 224 : index
      %swap3A_1349 = tpu.vector_load %arg7[%swap3A_1347, %swap3A_1348] {strides = array<i32>} : memref<64x256xf32, #tpu.memory_space<vmem>>, vector<16xf32>,
      tpu.vector_store %arg7[%swap3A_1347, %swap3A_1348], %mul3A_1346 {strides = array<i32>} : memref<64x256xf32, #tpu.memory_space<vmem>>, vector<16xf32>,
      %mul3A_1350 = arith.mulf %get3A_1198, %min3A_1289 : vector<16xf32>
      %swap3A_1351 = arith.index_cast %scan3A_1150 : i32 to index
      %swap3A_1352 = arith.constant 240 : index
      %swap3A_1353 = tpu.vector_load %arg7[%swap3A_1351, %swap3A_1352] {strides = array<i32>} : memref<64x256xf32, #tpu.memory_space<vmem>>, vector<16xf32>,
      tpu.vector_store %arg7[%swap3A_1351, %swap3A_1352], %mul3A_1350 {strides = array<i32>} : memref<64x256xf32, #tpu.memory_space<vmem>>, vector<16xf32>,
      %scan3A_1354 = arith.constant 1 : i32
      %scan3A_1355 = arith.addi %scan3A_1150, %scan3A_1354 : i32
      %get3A_1356 = arith.index_cast %scan3A_1355 : i32 to index
      %get3A_1357 = arith.constant 0 : index
      %get3A_1358 = tpu.vector_load %arg7[%get3A_1356, %get3A_1357] {strides = array<i32>} : memref<64x256xf32, #tpu.memory_space<vmem>>, vector<16xf32>,
      %get3A_1359 = arith.index_cast %scan3A_1355 : i32 to index
      %get3A_1360 = arith.constant 16 : index
      %get3A_1361 = tpu.vector_load %arg7[%get3A_1359, %get3A_1360] {strides = array<i32>} : memref<64x256xf32, #tpu.memory_space<vmem>>, vector<16xf32>,
      %get3A_1362 = arith.index_cast %scan3A_1355 : i32 to index
      %get3A_1363 = arith.constant 32 : index
      %get3A_1364 = tpu.vector_load %arg7[%get3A_1362, %get3A_1363] {strides = array<i32>} : memref<64x256xf32, #tpu.memory_space<vmem>>, vector<16xf32>,
      %get3A_1365 = arith.index_cast %scan3A_1355 : i32 to index
      %get3A_1366 = arith.constant 48 : index
      %get3A_1367 = tpu.vector_load %arg7[%get3A_1365, %get3A_1366] {strides = array<i32>} : memref<64x256xf32, #tpu.memory_space<vmem>>, vector<16xf32>,
      %get3A_1368 = arith.index_cast %scan3A_1355 : i32 to index
      %get3A_1369 = arith.constant 64 : index
      %get3A_1370 = tpu.vector_load %arg7[%get3A_1368, %get3A_1369] {strides = array<i32>} : memref<64x256xf32, #tpu.memory_space<vmem>>, vector<16xf32>,
      %get3A_1371 = arith.index_cast %scan3A_1355 : i32 to index
      %get3A_1372 = arith.constant 80 : index
      %get3A_1373 = tpu.vector_load %arg7[%get3A_1371, %get3A_1372] {strides = array<i32>} : memref<64x256xf32, #tpu.memory_space<vmem>>, vector<16xf32>,
      %get3A_1374 = arith.index_cast %scan3A_1355 : i32 to index
      %get3A_1375 = arith.constant 96 : index
      %get3A_1376 = tpu.vector_load %arg7[%get3A_1374, %get3A_1375] {strides = array<i32>} : memref<64x256xf32, #tpu.memory_space<vmem>>, vector<16xf32>,
      %get3A_1377 = arith.index_cast %scan3A_1355 : i32 to index
      %get3A_1378 = arith.constant 112 : index
      %get3A_1379 = tpu.vector_load %arg7[%get3A_1377, %get3A_1378] {strides = array<i32>} : memref<64x256xf32, #tpu.memory_space<vmem>>, vector<16xf32>,
      %get3A_1380 = arith.index_cast %scan3A_1355 : i32 to index
      %get3A_1381 = arith.constant 128 : index
      %get3A_1382 = tpu.vector_load %arg7[%get3A_1380, %get3A_1381] {strides = array<i32>} : memref<64x256xf32, #tpu.memory_space<vmem>>, vector<16xf32>,
      %get3A_1383 = arith.index_cast %scan3A_1355 : i32 to index
      %get3A_1384 = arith.constant 144 : index
      %get3A_1385 = tpu.vector_load %arg7[%get3A_1383, %get3A_1384] {strides = array<i32>} : memref<64x256xf32, #tpu.memory_space<vmem>>, vector<16xf32>,
      %get3A_1386 = arith.index_cast %scan3A_1355 : i32 to index
      %get3A_1387 = arith.constant 160 : index
      %get3A_1388 = tpu.vector_load %arg7[%get3A_1386, %get3A_1387] {strides = array<i32>} : memref<64x256xf32, #tpu.memory_space<vmem>>, vector<16xf32>,
      %get3A_1389 = arith.index_cast %scan3A_1355 : i32 to index
      %get3A_1390 = arith.constant 176 : index
      %get3A_1391 = tpu.vector_load %arg7[%get3A_1389, %get3A_1390] {strides = array<i32>} : memref<64x256xf32, #tpu.memory_space<vmem>>, vector<16xf32>,
      %get3A_1392 = arith.index_cast %scan3A_1355 : i32 to index
      %get3A_1393 = arith.constant 192 : index
      %get3A_1394 = tpu.vector_load %arg7[%get3A_1392, %get3A_1393] {strides = array<i32>} : memref<64x256xf32, #tpu.memory_space<vmem>>, vector<16xf32>,
      %get3A_1395 = arith.index_cast %scan3A_1355 : i32 to index
      %get3A_1396 = arith.constant 208 : index
      %get3A_1397 = tpu.vector_load %arg7[%get3A_1395, %get3A_1396] {strides = array<i32>} : memref<64x256xf32, #tpu.memory_space<vmem>>, vector<16xf32>,
      %get3A_1398 = arith.index_cast %scan3A_1355 : i32 to index
      %get3A_1399 = arith.constant 224 : index
      %get3A_1400 = tpu.vector_load %arg7[%get3A_1398, %get3A_1399] {strides = array<i32>} : memref<64x256xf32, #tpu.memory_space<vmem>>, vector<16xf32>,
      %get3A_1401 = arith.index_cast %scan3A_1355 : i32 to index
      %get3A_1402 = arith.constant 240 : index
      %get3A_1403 = tpu.vector_load %arg7[%get3A_1401, %get3A_1402] {strides = array<i32>} : memref<64x256xf32, #tpu.memory_space<vmem>>, vector<16xf32>,
      %mul3A_1404 = arith.mulf %get3A_1358, %get3A_1358 : vector<16xf32>
      %mul3A_1405 = arith.mulf %get3A_1361, %get3A_1361 : vector<16xf32>
      %mul3A_1406 = arith.mulf %get3A_1364, %get3A_1364 : vector<16xf32>
      %mul3A_1407 = arith.mulf %get3A_1367, %get3A_1367 : vector<16xf32>
      %mul3A_1408 = arith.mulf %get3A_1370, %get3A_1370 : vector<16xf32>
      %mul3A_1409 = arith.mulf %get3A_1373, %get3A_1373 : vector<16xf32>
      %mul3A_1410 = arith.mulf %get3A_1376, %get3A_1376 : vector<16xf32>
      %mul3A_1411 = arith.mulf %get3A_1379, %get3A_1379 : vector<16xf32>
      %mul3A_1412 = arith.mulf %get3A_1382, %get3A_1382 : vector<16xf32>
      %mul3A_1413 = arith.mulf %get3A_1385, %get3A_1385 : vector<16xf32>
      %mul3A_1414 = arith.mulf %get3A_1388, %get3A_1388 : vector<16xf32>
      %mul3A_1415 = arith.mulf %get3A_1391, %get3A_1391 : vector<16xf32>
      %mul3A_1416 = arith.mulf %get3A_1394, %get3A_1394 : vector<16xf32>
      %mul3A_1417 = arith.mulf %get3A_1397, %get3A_1397 : vector<16xf32>
      %mul3A_1418 = arith.mulf %get3A_1400, %get3A_1400 : vector<16xf32>
      %mul3A_1419 = arith.mulf %get3A_1403, %get3A_1403 : vector<16xf32>
      %add3A_1420 = arith.addf %mul3A_1404, %mul3A_1405 : vector<16xf32>
      %add3A_1421 = arith.addf %mul3A_1406, %mul3A_1407 : vector<16xf32>
      %add3A_1422 = arith.addf %mul3A_1408, %mul3A_1409 : vector<16xf32>
      %add3A_1423 = arith.addf %mul3A_1410, %mul3A_1411 : vector<16xf32>
      %add3A_1424 = arith.addf %mul3A_1412, %mul3A_1413 : vector<16xf32>
      %add3A_1425 = arith.addf %mul3A_1414, %mul3A_1415 : vector<16xf32>
      %add3A_1426 = arith.addf %mul3A_1416, %mul3A_1417 : vector<16xf32>
      %add3A_1427 = arith.addf %mul3A_1418, %mul3A_1419 : vector<16xf32>
      %add3A_1428 = arith.addf %add3A_1420, %add3A_1421 : vector<16xf32>
      %add3A_1429 = arith.addf %add3A_1422, %add3A_1423 : vector<16xf32>
      %add3A_1430 = arith.addf %add3A_1424, %add3A_1425 : vector<16xf32>
      %add3A_1431 = arith.addf %add3A_1426, %add3A_1427 : vector<16xf32>
      %add3A_1432 = arith.addf %add3A_1428, %add3A_1429 : vector<16xf32>
      %add3A_1433 = arith.addf %add3A_1430, %add3A_1431 : vector<16xf32>
      %add3A_1434 = arith.addf %add3A_1432, %add3A_1433 : vector<16xf32>
      %xor3A_1435 = arith.constant 8 : i32
      %xor3A_1436 = vector.broadcast %xor3A_1435 : i32 to vector<16xi32>
      %xor3A_1437 = arith.xori %iota3A, %xor3A_1436 : vector<16xi32>
      %broadcast_in_dim3A_1438 = vector.shape_cast %xor3A_1437 : vector<16xi32> to vector<16x1xi32>
      %gather3A_1439 = vector.shape_cast %broadcast_in_dim3A_1438 : vector<16x1xi32> to vector<16xi32>
      %gather3A_1440 = tpu.dynamic_gather %add3A_1434[%gather3A_1439] in [0] : vector<16xf32>, vector<16xi32> -> vector<16xf32>
      %add3A_1441 = arith.addf %add3A_1434, %gather3A_1440 : vector<16xf32>
      %xor3A_1442 = arith.constant 4 : i32
      %xor3A_1443 = vector.broadcast %xor3A_1442 : i32 to vector<16xi32>
      %xor3A_1444 = arith.xori %iota3A, %xor3A_1443 : vector<16xi32>
      %broadcast_in_dim3A_1445 = vector.shape_cast %xor3A_1444 : vector<16xi32> to vector<16x1xi32>
      %gather3A_1446 = vector.shape_cast %broadcast_in_dim3A_1445 : vector<16x1xi32> to vector<16xi32>
      %gather3A_1447 = tpu.dynamic_gather %add3A_1441[%gather3A_1446] in [0] : vector<16xf32>, vector<16xi32> -> vector<16xf32>
      %add3A_1448 = arith.addf %add3A_1441, %gather3A_1447 : vector<16xf32>
      %xor3A_1449 = arith.constant 2 : i32
      %xor3A_1450 = vector.broadcast %xor3A_1449 : i32 to vector<16xi32>
      %xor3A_1451 = arith.xori %iota3A, %xor3A_1450 : vector<16xi32>
      %broadcast_in_dim3A_1452 = vector.shape_cast %xor3A_1451 : vector<16xi32> to vector<16x1xi32>
      %gather3A_1453 = vector.shape_cast %broadcast_in_dim3A_1452 : vector<16x1xi32> to vector<16xi32>
      %gather3A_1454 = tpu.dynamic_gather %add3A_1448[%gather3A_1453] in [0] : vector<16xf32>, vector<16xi32> -> vector<16xf32>
      %add3A_1455 = arith.addf %add3A_1448, %gather3A_1454 : vector<16xf32>
      %xor3A_1456 = arith.constant 1 : i32
      %xor3A_1457 = vector.broadcast %xor3A_1456 : i32 to vector<16xi32>
      %xor3A_1458 = arith.xori %iota3A, %xor3A_1457 : vector<16xi32>
      %broadcast_in_dim3A_1459 = vector.shape_cast %xor3A_1458 : vector<16xi32> to vector<16x1xi32>
      %gather3A_1460 = vector.shape_cast %broadcast_in_dim3A_1459 : vector<16x1xi32> to vector<16xi32>
      %gather3A_1461 = tpu.dynamic_gather %add3A_1455[%gather3A_1460] in [0] : vector<16xf32>, vector<16xi32> -> vector<16xf32>
      %add3A_1462 = arith.addf %add3A_1455, %gather3A_1461 : vector<16xf32>
      %bitcast_convert_type3A_1463 = tpu.bitcast %add3A_1462 : vector<16xf32> -> vector<16xi32>
      %shift_right_logical3A_1464 = arith.constant 1 : i32
      %shift_right_logical3A_1465 = vector.broadcast %shift_right_logical3A_1464 : i32 to vector<16xi32>
      %shift_right_logical3A_1466 = arith.shrui %bitcast_convert_type3A_1463, %shift_right_logical3A_1465 : vector<16xi32>
      %sub3A_1467 = arith.constant 1597463007 : i32
      %sub3A_1468 = vector.broadcast %sub3A_1467 : i32 to vector<16xi32>
      %sub3A_1469 = arith.subi %sub3A_1468, %shift_right_logical3A_1466 : vector<16xi32>
      %bitcast_convert_type3A_1470 = tpu.bitcast %sub3A_1469 : vector<16xi32> -> vector<16xf32>
      %mul3A_1471 = arith.constant 5.000000e-01 : f32
      %mul3A_1472 = vector.broadcast %mul3A_1471 : f32 to vector<16xf32>
      %mul3A_1473 = arith.mulf %mul3A_1472, %add3A_1462 : vector<16xf32>
      %mul3A_1474 = arith.mulf %mul3A_1473, %bitcast_convert_type3A_1470 : vector<16xf32>
      %mul3A_1475 = arith.mulf %mul3A_1474, %bitcast_convert_type3A_1470 : vector<16xf32>
      %sub3A_1476 = arith.constant 1.500000e+00 : f32
      %sub3A_1477 = vector.broadcast %sub3A_1476 : f32 to vector<16xf32>
      %sub3A_1478 = arith.subf %sub3A_1477, %mul3A_1475 : vector<16xf32>
      %mul3A_1479 = arith.mulf %bitcast_convert_type3A_1470, %sub3A_1478 : vector<16xf32>
      %mul3A_1480 = arith.constant 5.000000e-01 : f32
      %mul3A_1481 = vector.broadcast %mul3A_1480 : f32 to vector<16xf32>
      %mul3A_1482 = arith.mulf %mul3A_1481, %add3A_1462 : vector<16xf32>
      %mul3A_1483 = arith.mulf %mul3A_1482, %mul3A_1479 : vector<16xf32>
      %mul3A_1484 = arith.mulf %mul3A_1483, %mul3A_1479 : vector<16xf32>
      %sub3A_1485 = arith.constant 1.500000e+00 : f32
      %sub3A_1486 = vector.broadcast %sub3A_1485 : f32 to vector<16xf32>
      %sub3A_1487 = arith.subf %sub3A_1486, %mul3A_1484 : vector<16xf32>
      %mul3A_1488 = arith.mulf %mul3A_1479, %sub3A_1487 : vector<16xf32>
      %mul3A_1489 = arith.constant 5.000000e-01 : f32
      %mul3A_1490 = vector.broadcast %mul3A_1489 : f32 to vector<16xf32>
      %mul3A_1491 = arith.mulf %mul3A_1490, %add3A_1462 : vector<16xf32>
      %mul3A_1492 = arith.mulf %mul3A_1491, %mul3A_1488 : vector<16xf32>
      %mul3A_1493 = arith.mulf %mul3A_1492, %mul3A_1488 : vector<16xf32>
      %sub3A_1494 = arith.constant 1.500000e+00 : f32
      %sub3A_1495 = vector.broadcast %sub3A_1494 : f32 to vector<16xf32>
      %sub3A_1496 = arith.subf %sub3A_1495, %mul3A_1493 : vector<16xf32>
      %mul3A_1497 = arith.mulf %mul3A_1488, %sub3A_1496 : vector<16xf32>
      %min3A_1498 = arith.constant 9.99999995E+11 : f32
      %min3A_1499 = vector.broadcast %min3A_1498 : f32 to vector<16xf32>
      %min3A_1500 = arith.minimumf %mul3A_1497, %min3A_1499 : vector<16xf32>
      %mul3A_1501 = arith.mulf %get3A_1358, %min3A_1500 : vector<16xf32>
      %swap3A_1502 = arith.index_cast %scan3A_1355 : i32 to index
      %swap3A_1503 = arith.constant 0 : index
      %swap3A_1504 = tpu.vector_load %arg7[%swap3A_1502, %swap3A_1503] {strides = array<i32>} : memref<64x256xf32, #tpu.memory_space<vmem>>, vector<16xf32>,
      tpu.vector_store %arg7[%swap3A_1502, %swap3A_1503], %mul3A_1501 {strides = array<i32>} : memref<64x256xf32, #tpu.memory_space<vmem>>, vector<16xf32>,
      %mul3A_1505 = arith.mulf %get3A_1361, %min3A_1500 : vector<16xf32>
      %swap3A_1506 = arith.index_cast %scan3A_1355 : i32 to index
      %swap3A_1507 = arith.constant 16 : index
      %swap3A_1508 = tpu.vector_load %arg7[%swap3A_1506, %swap3A_1507] {strides = array<i32>} : memref<64x256xf32, #tpu.memory_space<vmem>>, vector<16xf32>,
      tpu.vector_store %arg7[%swap3A_1506, %swap3A_1507], %mul3A_1505 {strides = array<i32>} : memref<64x256xf32, #tpu.memory_space<vmem>>, vector<16xf32>,
      %mul3A_1509 = arith.mulf %get3A_1364, %min3A_1500 : vector<16xf32>
      %swap3A_1510 = arith.index_cast %scan3A_1355 : i32 to index
      %swap3A_1511 = arith.constant 32 : index
      %swap3A_1512 = tpu.vector_load %arg7[%swap3A_1510, %swap3A_1511] {strides = array<i32>} : memref<64x256xf32, #tpu.memory_space<vmem>>, vector<16xf32>,
      tpu.vector_store %arg7[%swap3A_1510, %swap3A_1511], %mul3A_1509 {strides = array<i32>} : memref<64x256xf32, #tpu.memory_space<vmem>>, vector<16xf32>,
      %mul3A_1513 = arith.mulf %get3A_1367, %min3A_1500 : vector<16xf32>
      %swap3A_1514 = arith.index_cast %scan3A_1355 : i32 to index
      %swap3A_1515 = arith.constant 48 : index
      %swap3A_1516 = tpu.vector_load %arg7[%swap3A_1514, %swap3A_1515] {strides = array<i32>} : memref<64x256xf32, #tpu.memory_space<vmem>>, vector<16xf32>,
      tpu.vector_store %arg7[%swap3A_1514, %swap3A_1515], %mul3A_1513 {strides = array<i32>} : memref<64x256xf32, #tpu.memory_space<vmem>>, vector<16xf32>,
      %mul3A_1517 = arith.mulf %get3A_1370, %min3A_1500 : vector<16xf32>
      %swap3A_1518 = arith.index_cast %scan3A_1355 : i32 to index
      %swap3A_1519 = arith.constant 64 : index
      %swap3A_1520 = tpu.vector_load %arg7[%swap3A_1518, %swap3A_1519] {strides = array<i32>} : memref<64x256xf32, #tpu.memory_space<vmem>>, vector<16xf32>,
      tpu.vector_store %arg7[%swap3A_1518, %swap3A_1519], %mul3A_1517 {strides = array<i32>} : memref<64x256xf32, #tpu.memory_space<vmem>>, vector<16xf32>,
      %mul3A_1521 = arith.mulf %get3A_1373, %min3A_1500 : vector<16xf32>
      %swap3A_1522 = arith.index_cast %scan3A_1355 : i32 to index
      %swap3A_1523 = arith.constant 80 : index
      %swap3A_1524 = tpu.vector_load %arg7[%swap3A_1522, %swap3A_1523] {strides = array<i32>} : memref<64x256xf32, #tpu.memory_space<vmem>>, vector<16xf32>,
      tpu.vector_store %arg7[%swap3A_1522, %swap3A_1523], %mul3A_1521 {strides = array<i32>} : memref<64x256xf32, #tpu.memory_space<vmem>>, vector<16xf32>,
      %mul3A_1525 = arith.mulf %get3A_1376, %min3A_1500 : vector<16xf32>
      %swap3A_1526 = arith.index_cast %scan3A_1355 : i32 to index
      %swap3A_1527 = arith.constant 96 : index
      %swap3A_1528 = tpu.vector_load %arg7[%swap3A_1526, %swap3A_1527] {strides = array<i32>} : memref<64x256xf32, #tpu.memory_space<vmem>>, vector<16xf32>,
      tpu.vector_store %arg7[%swap3A_1526, %swap3A_1527], %mul3A_1525 {strides = array<i32>} : memref<64x256xf32, #tpu.memory_space<vmem>>, vector<16xf32>,
      %mul3A_1529 = arith.mulf %get3A_1379, %min3A_1500 : vector<16xf32>
      %swap3A_1530 = arith.index_cast %scan3A_1355 : i32 to index
      %swap3A_1531 = arith.constant 112 : index
      %swap3A_1532 = tpu.vector_load %arg7[%swap3A_1530, %swap3A_1531] {strides = array<i32>} : memref<64x256xf32, #tpu.memory_space<vmem>>, vector<16xf32>,
      tpu.vector_store %arg7[%swap3A_1530, %swap3A_1531], %mul3A_1529 {strides = array<i32>} : memref<64x256xf32, #tpu.memory_space<vmem>>, vector<16xf32>,
      %mul3A_1533 = arith.mulf %get3A_1382, %min3A_1500 : vector<16xf32>
      %swap3A_1534 = arith.index_cast %scan3A_1355 : i32 to index
      %swap3A_1535 = arith.constant 128 : index
      %swap3A_1536 = tpu.vector_load %arg7[%swap3A_1534, %swap3A_1535] {strides = array<i32>} : memref<64x256xf32, #tpu.memory_space<vmem>>, vector<16xf32>,
      tpu.vector_store %arg7[%swap3A_1534, %swap3A_1535], %mul3A_1533 {strides = array<i32>} : memref<64x256xf32, #tpu.memory_space<vmem>>, vector<16xf32>,
      %mul3A_1537 = arith.mulf %get3A_1385, %min3A_1500 : vector<16xf32>
      %swap3A_1538 = arith.index_cast %scan3A_1355 : i32 to index
      %swap3A_1539 = arith.constant 144 : index
      %swap3A_1540 = tpu.vector_load %arg7[%swap3A_1538, %swap3A_1539] {strides = array<i32>} : memref<64x256xf32, #tpu.memory_space<vmem>>, vector<16xf32>,
      tpu.vector_store %arg7[%swap3A_1538, %swap3A_1539], %mul3A_1537 {strides = array<i32>} : memref<64x256xf32, #tpu.memory_space<vmem>>, vector<16xf32>,
      %mul3A_1541 = arith.mulf %get3A_1388, %min3A_1500 : vector<16xf32>
      %swap3A_1542 = arith.index_cast %scan3A_1355 : i32 to index
      %swap3A_1543 = arith.constant 160 : index
      %swap3A_1544 = tpu.vector_load %arg7[%swap3A_1542, %swap3A_1543] {strides = array<i32>} : memref<64x256xf32, #tpu.memory_space<vmem>>, vector<16xf32>,
      tpu.vector_store %arg7[%swap3A_1542, %swap3A_1543], %mul3A_1541 {strides = array<i32>} : memref<64x256xf32, #tpu.memory_space<vmem>>, vector<16xf32>,
      %mul3A_1545 = arith.mulf %get3A_1391, %min3A_1500 : vector<16xf32>
      %swap3A_1546 = arith.index_cast %scan3A_1355 : i32 to index
      %swap3A_1547 = arith.constant 176 : index
      %swap3A_1548 = tpu.vector_load %arg7[%swap3A_1546, %swap3A_1547] {strides = array<i32>} : memref<64x256xf32, #tpu.memory_space<vmem>>, vector<16xf32>,
      tpu.vector_store %arg7[%swap3A_1546, %swap3A_1547], %mul3A_1545 {strides = array<i32>} : memref<64x256xf32, #tpu.memory_space<vmem>>, vector<16xf32>,
      %mul3A_1549 = arith.mulf %get3A_1394, %min3A_1500 : vector<16xf32>
      %swap3A_1550 = arith.index_cast %scan3A_1355 : i32 to index
      %swap3A_1551 = arith.constant 192 : index
      %swap3A_1552 = tpu.vector_load %arg7[%swap3A_1550, %swap3A_1551] {strides = array<i32>} : memref<64x256xf32, #tpu.memory_space<vmem>>, vector<16xf32>,
      tpu.vector_store %arg7[%swap3A_1550, %swap3A_1551], %mul3A_1549 {strides = array<i32>} : memref<64x256xf32, #tpu.memory_space<vmem>>, vector<16xf32>,
      %mul3A_1553 = arith.mulf %get3A_1397, %min3A_1500 : vector<16xf32>
      %swap3A_1554 = arith.index_cast %scan3A_1355 : i32 to index
      %swap3A_1555 = arith.constant 208 : index
      %swap3A_1556 = tpu.vector_load %arg7[%swap3A_1554, %swap3A_1555] {strides = array<i32>} : memref<64x256xf32, #tpu.memory_space<vmem>>, vector<16xf32>,
      tpu.vector_store %arg7[%swap3A_1554, %swap3A_1555], %mul3A_1553 {strides = array<i32>} : memref<64x256xf32, #tpu.memory_space<vmem>>, vector<16xf32>,
      %mul3A_1557 = arith.mulf %get3A_1400, %min3A_1500 : vector<16xf32>
      %swap3A_1558 = arith.index_cast %scan3A_1355 : i32 to index
      %swap3A_1559 = arith.constant 224 : index
      %swap3A_1560 = tpu.vector_load %arg7[%swap3A_1558, %swap3A_1559] {strides = array<i32>} : memref<64x256xf32, #tpu.memory_space<vmem>>, vector<16xf32>,
      tpu.vector_store %arg7[%swap3A_1558, %swap3A_1559], %mul3A_1557 {strides = array<i32>} : memref<64x256xf32, #tpu.memory_space<vmem>>, vector<16xf32>,
      %mul3A_1561 = arith.mulf %get3A_1403, %min3A_1500 : vector<16xf32>
      %swap3A_1562 = arith.index_cast %scan3A_1355 : i32 to index
      %swap3A_1563 = arith.constant 240 : index
      %swap3A_1564 = tpu.vector_load %arg7[%swap3A_1562, %swap3A_1563] {strides = array<i32>} : memref<64x256xf32, #tpu.memory_space<vmem>>, vector<16xf32>,
      tpu.vector_store %arg7[%swap3A_1562, %swap3A_1563], %mul3A_1561 {strides = array<i32>} : memref<64x256xf32, #tpu.memory_space<vmem>>, vector<16xf32>,
    }
    %scan3A_1095 = arith.constant 64 : i32
    %get3A_1096 = arith.constant 0 : index
    %get3A_1097 = tpu.vector_load %arg10[%get3A_1096] {strides = array<i32>} : memref<64xi32, #tpu.memory_space<vmem>>, vector<16xi32>,
    tpu.vector_store_idx %arg12[%iota3A, %get3A_1097], %broadcast_in_dim3A_5 {add = true} : memref<16x2048xf32, #tpu.memory_space<vmem>>[vector<16xi32>, vector<16xi32>], vector<16xf32>,
    %get3A_1098 = arith.constant 16 : index
    %get3A_1099 = tpu.vector_load %arg10[%get3A_1098] {strides = array<i32>} : memref<64xi32, #tpu.memory_space<vmem>>, vector<16xi32>,
    tpu.vector_store_idx %arg12[%iota3A, %get3A_1099], %broadcast_in_dim3A_5 {add = true} : memref<16x2048xf32, #tpu.memory_space<vmem>>[vector<16xi32>, vector<16xi32>], vector<16xf32>,
    %get3A_1100 = arith.constant 32 : index
    %get3A_1101 = tpu.vector_load %arg10[%get3A_1100] {strides = array<i32>} : memref<64xi32, #tpu.memory_space<vmem>>, vector<16xi32>,
    tpu.vector_store_idx %arg12[%iota3A, %get3A_1101], %broadcast_in_dim3A_5 {add = true} : memref<16x2048xf32, #tpu.memory_space<vmem>>[vector<16xi32>, vector<16xi32>], vector<16xf32>,
    %get3A_1102 = arith.constant 48 : index
    %get3A_1103 = tpu.vector_load %arg10[%get3A_1102] {strides = array<i32>} : memref<64xi32, #tpu.memory_space<vmem>>, vector<16xi32>,
    tpu.vector_store_idx %arg12[%iota3A, %get3A_1103], %broadcast_in_dim3A_5 {add = true} : memref<16x2048xf32, #tpu.memory_space<vmem>>[vector<16xi32>, vector<16xi32>], vector<16xf32>,
    %dma_start3A_1104 = arith.constant 0 : i32
    %dma_start3A_1105 = arith.constant 0 : i32
    %dma_start3A_1106 = tpu.memref_slice %arg16[%dma_start3A_1104, %dma_start3A_1105] : memref<2048x256xf32, #tpu.memory_space<vmem_shared>> -> memref<2048x256xf32, #tpu.memory_space<vmem_shared>>
    tpu.enqueue_indirect_dma source(%arg7 : memref<64x256xf32, #tpu.memory_space<vmem>>) target(%dma_start3A_1106 : memref<2048x256xf32, #tpu.memory_space<vmem_shared>>) offsets(%arg10 : memref<64xi32, #tpu.memory_space<vmem>>) semaphore(%arg18 : memref<!tpu.dma_semaphore, #tpu.memory_space<semaphore_mem>>) {add = true}
    %dma_wait3A_1107 = arith.constant 0 : i32
    %dma_wait3A_1108 = tpu.memref_slice %arg2[%add3A_1056, %dma_wait3A_1107] : memref<16384x256xf32, #tpu.memory_space<hbm>> -> memref<64x256xf32, #tpu.memory_space<hbm>>
    %dma_wait3A_1109 = arith.constant 0 : i32
    %dma_wait3A_1110 = tpu.memref_slice %arg2[%add3A_1056, %dma_wait3A_1109] : memref<16384x256xf32, #tpu.memory_space<hbm>> -> memref<64x256xf32, #tpu.memory_space<hbm>>
    tpu.wait_dma2 semaphore(%arg17 : memref<!tpu.dma_semaphore, #tpu.memory_space<semaphore_mem>>) src(%dma_wait3A_1110 : memref<64x256xf32, #tpu.memory_space<hbm>>) dst(%arg8 : memref<64x256xf32, #tpu.memory_space<vmem>>)
    %dma_wait3A_1111 = tpu.memref_slice %arg3[%add3A_1056] : memref<16384xi32, #tpu.memory_space<hbm>> -> memref<64xi32, #tpu.memory_space<hbm>>
    %dma_wait3A_1112 = tpu.memref_slice %arg3[%add3A_1056] : memref<16384xi32, #tpu.memory_space<hbm>> -> memref<64xi32, #tpu.memory_space<hbm>>
    tpu.wait_dma2 semaphore(%arg17 : memref<!tpu.dma_semaphore, #tpu.memory_space<semaphore_mem>>) src(%dma_wait3A_1112 : memref<64xi32, #tpu.memory_space<hbm>>) dst(%arg11 : memref<64xi32, #tpu.memory_space<vmem>>)
    %scan3A_1113 = arith.constant 0 : i32
    %scan3A_1114 = arith.constant 0 : i32
    %scan3A_1115 = arith.constant 64 : i32
    %scan3A_1116 = arith.addi %scan3A_1114, %scan3A_1115 : i32
    %scan3A_1117 = arith.constant 2 : i32
    scf.for %scan3A_1150 = %scan3A_1114 to %scan3A_1116 step %scan3A_1117  : i32 {
      %get3A_1151 = arith.index_cast %scan3A_1150 : i32 to index
      %get3A_1152 = arith.constant 0 : index
      %get3A_1153 = tpu.vector_load %arg8[%get3A_1151, %get3A_1152] {strides = array<i32>} : memref<64x256xf32, #tpu.memory_space<vmem>>, vector<16xf32>,
      %get3A_1154 = arith.index_cast %scan3A_1150 : i32 to index
      %get3A_1155 = arith.constant 16 : index
      %get3A_1156 = tpu.vector_load %arg8[%get3A_1154, %get3A_1155] {strides = array<i32>} : memref<64x256xf32, #tpu.memory_space<vmem>>, vector<16xf32>,
      %get3A_1157 = arith.index_cast %scan3A_1150 : i32 to index
      %get3A_1158 = arith.constant 32 : index
      %get3A_1159 = tpu.vector_load %arg8[%get3A_1157, %get3A_1158] {strides = array<i32>} : memref<64x256xf32, #tpu.memory_space<vmem>>, vector<16xf32>,
      %get3A_1160 = arith.index_cast %scan3A_1150 : i32 to index
      %get3A_1161 = arith.constant 48 : index
      %get3A_1162 = tpu.vector_load %arg8[%get3A_1160, %get3A_1161] {strides = array<i32>} : memref<64x256xf32, #tpu.memory_space<vmem>>, vector<16xf32>,
      %get3A_1163 = arith.index_cast %scan3A_1150 : i32 to index
      %get3A_1164 = arith.constant 64 : index
      %get3A_1165 = tpu.vector_load %arg8[%get3A_1163, %get3A_1164] {strides = array<i32>} : memref<64x256xf32, #tpu.memory_space<vmem>>, vector<16xf32>,
      %get3A_1166 = arith.index_cast %scan3A_1150 : i32 to index
      %get3A_1167 = arith.constant 80 : index
      %get3A_1168 = tpu.vector_load %arg8[%get3A_1166, %get3A_1167] {strides = array<i32>} : memref<64x256xf32, #tpu.memory_space<vmem>>, vector<16xf32>,
      %get3A_1169 = arith.index_cast %scan3A_1150 : i32 to index
      %get3A_1170 = arith.constant 96 : index
      %get3A_1171 = tpu.vector_load %arg8[%get3A_1169, %get3A_1170] {strides = array<i32>} : memref<64x256xf32, #tpu.memory_space<vmem>>, vector<16xf32>,
      %get3A_1172 = arith.index_cast %scan3A_1150 : i32 to index
      %get3A_1173 = arith.constant 112 : index
      %get3A_1174 = tpu.vector_load %arg8[%get3A_1172, %get3A_1173] {strides = array<i32>} : memref<64x256xf32, #tpu.memory_space<vmem>>, vector<16xf32>,
      %get3A_1175 = arith.index_cast %scan3A_1150 : i32 to index
      %get3A_1176 = arith.constant 128 : index
      %get3A_1177 = tpu.vector_load %arg8[%get3A_1175, %get3A_1176] {strides = array<i32>} : memref<64x256xf32, #tpu.memory_space<vmem>>, vector<16xf32>,
      %get3A_1178 = arith.index_cast %scan3A_1150 : i32 to index
      %get3A_1179 = arith.constant 144 : index
      %get3A_1180 = tpu.vector_load %arg8[%get3A_1178, %get3A_1179] {strides = array<i32>} : memref<64x256xf32, #tpu.memory_space<vmem>>, vector<16xf32>,
      %get3A_1181 = arith.index_cast %scan3A_1150 : i32 to index
      %get3A_1182 = arith.constant 160 : index
      %get3A_1183 = tpu.vector_load %arg8[%get3A_1181, %get3A_1182] {strides = array<i32>} : memref<64x256xf32, #tpu.memory_space<vmem>>, vector<16xf32>,
      %get3A_1184 = arith.index_cast %scan3A_1150 : i32 to index
      %get3A_1185 = arith.constant 176 : index
      %get3A_1186 = tpu.vector_load %arg8[%get3A_1184, %get3A_1185] {strides = array<i32>} : memref<64x256xf32, #tpu.memory_space<vmem>>, vector<16xf32>,
      %get3A_1187 = arith.index_cast %scan3A_1150 : i32 to index
      %get3A_1188 = arith.constant 192 : index
      %get3A_1189 = tpu.vector_load %arg8[%get3A_1187, %get3A_1188] {strides = array<i32>} : memref<64x256xf32, #tpu.memory_space<vmem>>, vector<16xf32>,
      %get3A_1190 = arith.index_cast %scan3A_1150 : i32 to index
      %get3A_1191 = arith.constant 208 : index
      %get3A_1192 = tpu.vector_load %arg8[%get3A_1190, %get3A_1191] {strides = array<i32>} : memref<64x256xf32, #tpu.memory_space<vmem>>, vector<16xf32>,
      %get3A_1193 = arith.index_cast %scan3A_1150 : i32 to index
      %get3A_1194 = arith.constant 224 : index
      %get3A_1195 = tpu.vector_load %arg8[%get3A_1193, %get3A_1194] {strides = array<i32>} : memref<64x256xf32, #tpu.memory_space<vmem>>, vector<16xf32>,
      %get3A_1196 = arith.index_cast %scan3A_1150 : i32 to index
      %get3A_1197 = arith.constant 240 : index
      %get3A_1198 = tpu.vector_load %arg8[%get3A_1196, %get3A_1197] {strides = array<i32>} : memref<64x256xf32, #tpu.memory_space<vmem>>, vector<16xf32>,
      %mul3A_1199 = arith.mulf %get3A_1153, %get3A_1153 : vector<16xf32>
      %mul3A_1200 = arith.mulf %get3A_1156, %get3A_1156 : vector<16xf32>
      %mul3A_1201 = arith.mulf %get3A_1159, %get3A_1159 : vector<16xf32>
      %mul3A_1202 = arith.mulf %get3A_1162, %get3A_1162 : vector<16xf32>
      %mul3A_1203 = arith.mulf %get3A_1165, %get3A_1165 : vector<16xf32>
      %mul3A_1204 = arith.mulf %get3A_1168, %get3A_1168 : vector<16xf32>
      %mul3A_1205 = arith.mulf %get3A_1171, %get3A_1171 : vector<16xf32>
      %mul3A_1206 = arith.mulf %get3A_1174, %get3A_1174 : vector<16xf32>
      %mul3A_1207 = arith.mulf %get3A_1177, %get3A_1177 : vector<16xf32>
      %mul3A_1208 = arith.mulf %get3A_1180, %get3A_1180 : vector<16xf32>
      %mul3A_1209 = arith.mulf %get3A_1183, %get3A_1183 : vector<16xf32>
      %mul3A_1210 = arith.mulf %get3A_1186, %get3A_1186 : vector<16xf32>
      %mul3A_1211 = arith.mulf %get3A_1189, %get3A_1189 : vector<16xf32>
      %mul3A_1212 = arith.mulf %get3A_1192, %get3A_1192 : vector<16xf32>
      %mul3A_1213 = arith.mulf %get3A_1195, %get3A_1195 : vector<16xf32>
      %mul3A_1214 = arith.mulf %get3A_1198, %get3A_1198 : vector<16xf32>
      %add3A_1215 = arith.addf %mul3A_1199, %mul3A_1200 : vector<16xf32>
      %add3A_1216 = arith.addf %mul3A_1201, %mul3A_1202 : vector<16xf32>
      %add3A_1217 = arith.addf %mul3A_1203, %mul3A_1204 : vector<16xf32>
      %add3A_1218 = arith.addf %mul3A_1205, %mul3A_1206 : vector<16xf32>
      %add3A_1219 = arith.addf %mul3A_1207, %mul3A_1208 : vector<16xf32>
      %add3A_1220 = arith.addf %mul3A_1209, %mul3A_1210 : vector<16xf32>
      %add3A_1221 = arith.addf %mul3A_1211, %mul3A_1212 : vector<16xf32>
      %add3A_1222 = arith.addf %mul3A_1213, %mul3A_1214 : vector<16xf32>
      %add3A_1223 = arith.addf %add3A_1215, %add3A_1216 : vector<16xf32>
      %add3A_1224 = arith.addf %add3A_1217, %add3A_1218 : vector<16xf32>
      %add3A_1225 = arith.addf %add3A_1219, %add3A_1220 : vector<16xf32>
      %add3A_1226 = arith.addf %add3A_1221, %add3A_1222 : vector<16xf32>
      %add3A_1227 = arith.addf %add3A_1223, %add3A_1224 : vector<16xf32>
      %add3A_1228 = arith.addf %add3A_1225, %add3A_1226 : vector<16xf32>
      %add3A_1229 = arith.addf %add3A_1227, %add3A_1228 : vector<16xf32>
      %xor3A = arith.constant 8 : i32
      %xor3A_1230 = vector.broadcast %xor3A : i32 to vector<16xi32>
      %xor3A_1231 = arith.xori %iota3A, %xor3A_1230 : vector<16xi32>
      %broadcast_in_dim3A_1232 = vector.shape_cast %xor3A_1231 : vector<16xi32> to vector<16x1xi32>
      %gather3A = vector.shape_cast %broadcast_in_dim3A_1232 : vector<16x1xi32> to vector<16xi32>
      %gather3A_1233 = tpu.dynamic_gather %add3A_1229[%gather3A] in [0] : vector<16xf32>, vector<16xi32> -> vector<16xf32>
      %add3A_1234 = arith.addf %add3A_1229, %gather3A_1233 : vector<16xf32>
      %xor3A_1235 = arith.constant 4 : i32
      %xor3A_1236 = vector.broadcast %xor3A_1235 : i32 to vector<16xi32>
      %xor3A_1237 = arith.xori %iota3A, %xor3A_1236 : vector<16xi32>
      %broadcast_in_dim3A_1238 = vector.shape_cast %xor3A_1237 : vector<16xi32> to vector<16x1xi32>
      %gather3A_1239 = vector.shape_cast %broadcast_in_dim3A_1238 : vector<16x1xi32> to vector<16xi32>
      %gather3A_1240 = tpu.dynamic_gather %add3A_1234[%gather3A_1239] in [0] : vector<16xf32>, vector<16xi32> -> vector<16xf32>
      %add3A_1241 = arith.addf %add3A_1234, %gather3A_1240 : vector<16xf32>
      %xor3A_1242 = arith.constant 2 : i32
      %xor3A_1243 = vector.broadcast %xor3A_1242 : i32 to vector<16xi32>
      %xor3A_1244 = arith.xori %iota3A, %xor3A_1243 : vector<16xi32>
      %broadcast_in_dim3A_1245 = vector.shape_cast %xor3A_1244 : vector<16xi32> to vector<16x1xi32>
      %gather3A_1246 = vector.shape_cast %broadcast_in_dim3A_1245 : vector<16x1xi32> to vector<16xi32>
      %gather3A_1247 = tpu.dynamic_gather %add3A_1241[%gather3A_1246] in [0] : vector<16xf32>, vector<16xi32> -> vector<16xf32>
      %add3A_1248 = arith.addf %add3A_1241, %gather3A_1247 : vector<16xf32>
      %xor3A_1249 = arith.constant 1 : i32
      %xor3A_1250 = vector.broadcast %xor3A_1249 : i32 to vector<16xi32>
      %xor3A_1251 = arith.xori %iota3A, %xor3A_1250 : vector<16xi32>
      %broadcast_in_dim3A_1252 = vector.shape_cast %xor3A_1251 : vector<16xi32> to vector<16x1xi32>
      %gather3A_1253 = vector.shape_cast %broadcast_in_dim3A_1252 : vector<16x1xi32> to vector<16xi32>
      %gather3A_1254 = tpu.dynamic_gather %add3A_1248[%gather3A_1253] in [0] : vector<16xf32>, vector<16xi32> -> vector<16xf32>
      %add3A_1255 = arith.addf %add3A_1248, %gather3A_1254 : vector<16xf32>
      %bitcast_convert_type3A = tpu.bitcast %add3A_1255 : vector<16xf32> -> vector<16xi32>
      %shift_right_logical3A = arith.constant 1 : i32
      %shift_right_logical3A_1256 = vector.broadcast %shift_right_logical3A : i32 to vector<16xi32>
      %shift_right_logical3A_1257 = arith.shrui %bitcast_convert_type3A, %shift_right_logical3A_1256 : vector<16xi32>
      %sub3A = arith.constant 1597463007 : i32
      %sub3A_1258 = vector.broadcast %sub3A : i32 to vector<16xi32>
      %sub3A_1259 = arith.subi %sub3A_1258, %shift_right_logical3A_1257 : vector<16xi32>
      %bitcast_convert_type3A_1260 = tpu.bitcast %sub3A_1259 : vector<16xi32> -> vector<16xf32>
      %mul3A_1261 = arith.constant 5.000000e-01 : f32
      %mul3A_1262 = vector.broadcast %mul3A_1261 : f32 to vector<16xf32>
      %mul3A_1263 = arith.mulf %mul3A_1262, %add3A_1255 : vector<16xf32>
      %mul3A_1264 = arith.mulf %mul3A_1263, %bitcast_convert_type3A_1260 : vector<16xf32>
      %mul3A_1265 = arith.mulf %mul3A_1264, %bitcast_convert_type3A_1260 : vector<16xf32>
      %sub3A_1266 = arith.constant 1.500000e+00 : f32
      %sub3A_1267 = vector.broadcast %sub3A_1266 : f32 to vector<16xf32>
      %sub3A_1268 = arith.subf %sub3A_1267, %mul3A_1265 : vector<16xf32>
      %mul3A_1269 = arith.mulf %bitcast_convert_type3A_1260, %sub3A_1268 : vector<16xf32>
      %mul3A_1270 = arith.constant 5.000000e-01 : f32
      %mul3A_1271 = vector.broadcast %mul3A_1270 : f32 to vector<16xf32>
      %mul3A_1272 = arith.mulf %mul3A_1271, %add3A_1255 : vector<16xf32>
      %mul3A_1273 = arith.mulf %mul3A_1272, %mul3A_1269 : vector<16xf32>
      %mul3A_1274 = arith.mulf %mul3A_1273, %mul3A_1269 : vector<16xf32>
      %sub3A_1275 = arith.constant 1.500000e+00 : f32
      %sub3A_1276 = vector.broadcast %sub3A_1275 : f32 to vector<16xf32>
      %sub3A_1277 = arith.subf %sub3A_1276, %mul3A_1274 : vector<16xf32>
      %mul3A_1278 = arith.mulf %mul3A_1269, %sub3A_1277 : vector<16xf32>
      %mul3A_1279 = arith.constant 5.000000e-01 : f32
      %mul3A_1280 = vector.broadcast %mul3A_1279 : f32 to vector<16xf32>
      %mul3A_1281 = arith.mulf %mul3A_1280, %add3A_1255 : vector<16xf32>
      %mul3A_1282 = arith.mulf %mul3A_1281, %mul3A_1278 : vector<16xf32>
      %mul3A_1283 = arith.mulf %mul3A_1282, %mul3A_1278 : vector<16xf32>
      %sub3A_1284 = arith.constant 1.500000e+00 : f32
      %sub3A_1285 = vector.broadcast %sub3A_1284 : f32 to vector<16xf32>
      %sub3A_1286 = arith.subf %sub3A_1285, %mul3A_1283 : vector<16xf32>
      %mul3A_1287 = arith.mulf %mul3A_1278, %sub3A_1286 : vector<16xf32>
      %min3A = arith.constant 9.99999995E+11 : f32
      %min3A_1288 = vector.broadcast %min3A : f32 to vector<16xf32>
      %min3A_1289 = arith.minimumf %mul3A_1287, %min3A_1288 : vector<16xf32>
      %mul3A_1290 = arith.mulf %get3A_1153, %min3A_1289 : vector<16xf32>
      %swap3A_1291 = arith.index_cast %scan3A_1150 : i32 to index
      %swap3A_1292 = arith.constant 0 : index
      %swap3A_1293 = tpu.vector_load %arg8[%swap3A_1291, %swap3A_1292] {strides = array<i32>} : memref<64x256xf32, #tpu.memory_space<vmem>>, vector<16xf32>,
      tpu.vector_store %arg8[%swap3A_1291, %swap3A_1292], %mul3A_1290 {strides = array<i32>} : memref<64x256xf32, #tpu.memory_space<vmem>>, vector<16xf32>,
      %mul3A_1294 = arith.mulf %get3A_1156, %min3A_1289 : vector<16xf32>
      %swap3A_1295 = arith.index_cast %scan3A_1150 : i32 to index
      %swap3A_1296 = arith.constant 16 : index
      %swap3A_1297 = tpu.vector_load %arg8[%swap3A_1295, %swap3A_1296] {strides = array<i32>} : memref<64x256xf32, #tpu.memory_space<vmem>>, vector<16xf32>,
      tpu.vector_store %arg8[%swap3A_1295, %swap3A_1296], %mul3A_1294 {strides = array<i32>} : memref<64x256xf32, #tpu.memory_space<vmem>>, vector<16xf32>,
      %mul3A_1298 = arith.mulf %get3A_1159, %min3A_1289 : vector<16xf32>
      %swap3A_1299 = arith.index_cast %scan3A_1150 : i32 to index
      %swap3A_1300 = arith.constant 32 : index
      %swap3A_1301 = tpu.vector_load %arg8[%swap3A_1299, %swap3A_1300] {strides = array<i32>} : memref<64x256xf32, #tpu.memory_space<vmem>>, vector<16xf32>,
      tpu.vector_store %arg8[%swap3A_1299, %swap3A_1300], %mul3A_1298 {strides = array<i32>} : memref<64x256xf32, #tpu.memory_space<vmem>>, vector<16xf32>,
      %mul3A_1302 = arith.mulf %get3A_1162, %min3A_1289 : vector<16xf32>
      %swap3A_1303 = arith.index_cast %scan3A_1150 : i32 to index
      %swap3A_1304 = arith.constant 48 : index
      %swap3A_1305 = tpu.vector_load %arg8[%swap3A_1303, %swap3A_1304] {strides = array<i32>} : memref<64x256xf32, #tpu.memory_space<vmem>>, vector<16xf32>,
      tpu.vector_store %arg8[%swap3A_1303, %swap3A_1304], %mul3A_1302 {strides = array<i32>} : memref<64x256xf32, #tpu.memory_space<vmem>>, vector<16xf32>,
      %mul3A_1306 = arith.mulf %get3A_1165, %min3A_1289 : vector<16xf32>
      %swap3A_1307 = arith.index_cast %scan3A_1150 : i32 to index
      %swap3A_1308 = arith.constant 64 : index
      %swap3A_1309 = tpu.vector_load %arg8[%swap3A_1307, %swap3A_1308] {strides = array<i32>} : memref<64x256xf32, #tpu.memory_space<vmem>>, vector<16xf32>,
      tpu.vector_store %arg8[%swap3A_1307, %swap3A_1308], %mul3A_1306 {strides = array<i32>} : memref<64x256xf32, #tpu.memory_space<vmem>>, vector<16xf32>,
      %mul3A_1310 = arith.mulf %get3A_1168, %min3A_1289 : vector<16xf32>
      %swap3A_1311 = arith.index_cast %scan3A_1150 : i32 to index
      %swap3A_1312 = arith.constant 80 : index
      %swap3A_1313 = tpu.vector_load %arg8[%swap3A_1311, %swap3A_1312] {strides = array<i32>} : memref<64x256xf32, #tpu.memory_space<vmem>>, vector<16xf32>,
      tpu.vector_store %arg8[%swap3A_1311, %swap3A_1312], %mul3A_1310 {strides = array<i32>} : memref<64x256xf32, #tpu.memory_space<vmem>>, vector<16xf32>,
      %mul3A_1314 = arith.mulf %get3A_1171, %min3A_1289 : vector<16xf32>
      %swap3A_1315 = arith.index_cast %scan3A_1150 : i32 to index
      %swap3A_1316 = arith.constant 96 : index
      %swap3A_1317 = tpu.vector_load %arg8[%swap3A_1315, %swap3A_1316] {strides = array<i32>} : memref<64x256xf32, #tpu.memory_space<vmem>>, vector<16xf32>,
      tpu.vector_store %arg8[%swap3A_1315, %swap3A_1316], %mul3A_1314 {strides = array<i32>} : memref<64x256xf32, #tpu.memory_space<vmem>>, vector<16xf32>,
      %mul3A_1318 = arith.mulf %get3A_1174, %min3A_1289 : vector<16xf32>
      %swap3A_1319 = arith.index_cast %scan3A_1150 : i32 to index
      %swap3A_1320 = arith.constant 112 : index
      %swap3A_1321 = tpu.vector_load %arg8[%swap3A_1319, %swap3A_1320] {strides = array<i32>} : memref<64x256xf32, #tpu.memory_space<vmem>>, vector<16xf32>,
      tpu.vector_store %arg8[%swap3A_1319, %swap3A_1320], %mul3A_1318 {strides = array<i32>} : memref<64x256xf32, #tpu.memory_space<vmem>>, vector<16xf32>,
      %mul3A_1322 = arith.mulf %get3A_1177, %min3A_1289 : vector<16xf32>
      %swap3A_1323 = arith.index_cast %scan3A_1150 : i32 to index
      %swap3A_1324 = arith.constant 128 : index
      %swap3A_1325 = tpu.vector_load %arg8[%swap3A_1323, %swap3A_1324] {strides = array<i32>} : memref<64x256xf32, #tpu.memory_space<vmem>>, vector<16xf32>,
      tpu.vector_store %arg8[%swap3A_1323, %swap3A_1324], %mul3A_1322 {strides = array<i32>} : memref<64x256xf32, #tpu.memory_space<vmem>>, vector<16xf32>,
      %mul3A_1326 = arith.mulf %get3A_1180, %min3A_1289 : vector<16xf32>
      %swap3A_1327 = arith.index_cast %scan3A_1150 : i32 to index
      %swap3A_1328 = arith.constant 144 : index
      %swap3A_1329 = tpu.vector_load %arg8[%swap3A_1327, %swap3A_1328] {strides = array<i32>} : memref<64x256xf32, #tpu.memory_space<vmem>>, vector<16xf32>,
      tpu.vector_store %arg8[%swap3A_1327, %swap3A_1328], %mul3A_1326 {strides = array<i32>} : memref<64x256xf32, #tpu.memory_space<vmem>>, vector<16xf32>,
      %mul3A_1330 = arith.mulf %get3A_1183, %min3A_1289 : vector<16xf32>
      %swap3A_1331 = arith.index_cast %scan3A_1150 : i32 to index
      %swap3A_1332 = arith.constant 160 : index
      %swap3A_1333 = tpu.vector_load %arg8[%swap3A_1331, %swap3A_1332] {strides = array<i32>} : memref<64x256xf32, #tpu.memory_space<vmem>>, vector<16xf32>,
      tpu.vector_store %arg8[%swap3A_1331, %swap3A_1332], %mul3A_1330 {strides = array<i32>} : memref<64x256xf32, #tpu.memory_space<vmem>>, vector<16xf32>,
      %mul3A_1334 = arith.mulf %get3A_1186, %min3A_1289 : vector<16xf32>
      %swap3A_1335 = arith.index_cast %scan3A_1150 : i32 to index
      %swap3A_1336 = arith.constant 176 : index
      %swap3A_1337 = tpu.vector_load %arg8[%swap3A_1335, %swap3A_1336] {strides = array<i32>} : memref<64x256xf32, #tpu.memory_space<vmem>>, vector<16xf32>,
      tpu.vector_store %arg8[%swap3A_1335, %swap3A_1336], %mul3A_1334 {strides = array<i32>} : memref<64x256xf32, #tpu.memory_space<vmem>>, vector<16xf32>,
      %mul3A_1338 = arith.mulf %get3A_1189, %min3A_1289 : vector<16xf32>
      %swap3A_1339 = arith.index_cast %scan3A_1150 : i32 to index
      %swap3A_1340 = arith.constant 192 : index
      %swap3A_1341 = tpu.vector_load %arg8[%swap3A_1339, %swap3A_1340] {strides = array<i32>} : memref<64x256xf32, #tpu.memory_space<vmem>>, vector<16xf32>,
      tpu.vector_store %arg8[%swap3A_1339, %swap3A_1340], %mul3A_1338 {strides = array<i32>} : memref<64x256xf32, #tpu.memory_space<vmem>>, vector<16xf32>,
      %mul3A_1342 = arith.mulf %get3A_1192, %min3A_1289 : vector<16xf32>
      %swap3A_1343 = arith.index_cast %scan3A_1150 : i32 to index
      %swap3A_1344 = arith.constant 208 : index
      %swap3A_1345 = tpu.vector_load %arg8[%swap3A_1343, %swap3A_1344] {strides = array<i32>} : memref<64x256xf32, #tpu.memory_space<vmem>>, vector<16xf32>,
      tpu.vector_store %arg8[%swap3A_1343, %swap3A_1344], %mul3A_1342 {strides = array<i32>} : memref<64x256xf32, #tpu.memory_space<vmem>>, vector<16xf32>,
      %mul3A_1346 = arith.mulf %get3A_1195, %min3A_1289 : vector<16xf32>
      %swap3A_1347 = arith.index_cast %scan3A_1150 : i32 to index
      %swap3A_1348 = arith.constant 224 : index
      %swap3A_1349 = tpu.vector_load %arg8[%swap3A_1347, %swap3A_1348] {strides = array<i32>} : memref<64x256xf32, #tpu.memory_space<vmem>>, vector<16xf32>,
      tpu.vector_store %arg8[%swap3A_1347, %swap3A_1348], %mul3A_1346 {strides = array<i32>} : memref<64x256xf32, #tpu.memory_space<vmem>>, vector<16xf32>,
      %mul3A_1350 = arith.mulf %get3A_1198, %min3A_1289 : vector<16xf32>
      %swap3A_1351 = arith.index_cast %scan3A_1150 : i32 to index
      %swap3A_1352 = arith.constant 240 : index
      %swap3A_1353 = tpu.vector_load %arg8[%swap3A_1351, %swap3A_1352] {strides = array<i32>} : memref<64x256xf32, #tpu.memory_space<vmem>>, vector<16xf32>,
      tpu.vector_store %arg8[%swap3A_1351, %swap3A_1352], %mul3A_1350 {strides = array<i32>} : memref<64x256xf32, #tpu.memory_space<vmem>>, vector<16xf32>,
      %scan3A_1354 = arith.constant 1 : i32
      %scan3A_1355 = arith.addi %scan3A_1150, %scan3A_1354 : i32
      %get3A_1356 = arith.index_cast %scan3A_1355 : i32 to index
      %get3A_1357 = arith.constant 0 : index
      %get3A_1358 = tpu.vector_load %arg8[%get3A_1356, %get3A_1357] {strides = array<i32>} : memref<64x256xf32, #tpu.memory_space<vmem>>, vector<16xf32>,
      %get3A_1359 = arith.index_cast %scan3A_1355 : i32 to index
      %get3A_1360 = arith.constant 16 : index
      %get3A_1361 = tpu.vector_load %arg8[%get3A_1359, %get3A_1360] {strides = array<i32>} : memref<64x256xf32, #tpu.memory_space<vmem>>, vector<16xf32>,
      %get3A_1362 = arith.index_cast %scan3A_1355 : i32 to index
      %get3A_1363 = arith.constant 32 : index
      %get3A_1364 = tpu.vector_load %arg8[%get3A_1362, %get3A_1363] {strides = array<i32>} : memref<64x256xf32, #tpu.memory_space<vmem>>, vector<16xf32>,
      %get3A_1365 = arith.index_cast %scan3A_1355 : i32 to index
      %get3A_1366 = arith.constant 48 : index
      %get3A_1367 = tpu.vector_load %arg8[%get3A_1365, %get3A_1366] {strides = array<i32>} : memref<64x256xf32, #tpu.memory_space<vmem>>, vector<16xf32>,
      %get3A_1368 = arith.index_cast %scan3A_1355 : i32 to index
      %get3A_1369 = arith.constant 64 : index
      %get3A_1370 = tpu.vector_load %arg8[%get3A_1368, %get3A_1369] {strides = array<i32>} : memref<64x256xf32, #tpu.memory_space<vmem>>, vector<16xf32>,
      %get3A_1371 = arith.index_cast %scan3A_1355 : i32 to index
      %get3A_1372 = arith.constant 80 : index
      %get3A_1373 = tpu.vector_load %arg8[%get3A_1371, %get3A_1372] {strides = array<i32>} : memref<64x256xf32, #tpu.memory_space<vmem>>, vector<16xf32>,
      %get3A_1374 = arith.index_cast %scan3A_1355 : i32 to index
      %get3A_1375 = arith.constant 96 : index
      %get3A_1376 = tpu.vector_load %arg8[%get3A_1374, %get3A_1375] {strides = array<i32>} : memref<64x256xf32, #tpu.memory_space<vmem>>, vector<16xf32>,
      %get3A_1377 = arith.index_cast %scan3A_1355 : i32 to index
      %get3A_1378 = arith.constant 112 : index
      %get3A_1379 = tpu.vector_load %arg8[%get3A_1377, %get3A_1378] {strides = array<i32>} : memref<64x256xf32, #tpu.memory_space<vmem>>, vector<16xf32>,
      %get3A_1380 = arith.index_cast %scan3A_1355 : i32 to index
      %get3A_1381 = arith.constant 128 : index
      %get3A_1382 = tpu.vector_load %arg8[%get3A_1380, %get3A_1381] {strides = array<i32>} : memref<64x256xf32, #tpu.memory_space<vmem>>, vector<16xf32>,
      %get3A_1383 = arith.index_cast %scan3A_1355 : i32 to index
      %get3A_1384 = arith.constant 144 : index
      %get3A_1385 = tpu.vector_load %arg8[%get3A_1383, %get3A_1384] {strides = array<i32>} : memref<64x256xf32, #tpu.memory_space<vmem>>, vector<16xf32>,
      %get3A_1386 = arith.index_cast %scan3A_1355 : i32 to index
      %get3A_1387 = arith.constant 160 : index
      %get3A_1388 = tpu.vector_load %arg8[%get3A_1386, %get3A_1387] {strides = array<i32>} : memref<64x256xf32, #tpu.memory_space<vmem>>, vector<16xf32>,
      %get3A_1389 = arith.index_cast %scan3A_1355 : i32 to index
      %get3A_1390 = arith.constant 176 : index
      %get3A_1391 = tpu.vector_load %arg8[%get3A_1389, %get3A_1390] {strides = array<i32>} : memref<64x256xf32, #tpu.memory_space<vmem>>, vector<16xf32>,
      %get3A_1392 = arith.index_cast %scan3A_1355 : i32 to index
      %get3A_1393 = arith.constant 192 : index
      %get3A_1394 = tpu.vector_load %arg8[%get3A_1392, %get3A_1393] {strides = array<i32>} : memref<64x256xf32, #tpu.memory_space<vmem>>, vector<16xf32>,
      %get3A_1395 = arith.index_cast %scan3A_1355 : i32 to index
      %get3A_1396 = arith.constant 208 : index
      %get3A_1397 = tpu.vector_load %arg8[%get3A_1395, %get3A_1396] {strides = array<i32>} : memref<64x256xf32, #tpu.memory_space<vmem>>, vector<16xf32>,
      %get3A_1398 = arith.index_cast %scan3A_1355 : i32 to index
      %get3A_1399 = arith.constant 224 : index
      %get3A_1400 = tpu.vector_load %arg8[%get3A_1398, %get3A_1399] {strides = array<i32>} : memref<64x256xf32, #tpu.memory_space<vmem>>, vector<16xf32>,
      %get3A_1401 = arith.index_cast %scan3A_1355 : i32 to index
      %get3A_1402 = arith.constant 240 : index
      %get3A_1403 = tpu.vector_load %arg8[%get3A_1401, %get3A_1402] {strides = array<i32>} : memref<64x256xf32, #tpu.memory_space<vmem>>, vector<16xf32>,
      %mul3A_1404 = arith.mulf %get3A_1358, %get3A_1358 : vector<16xf32>
      %mul3A_1405 = arith.mulf %get3A_1361, %get3A_1361 : vector<16xf32>
      %mul3A_1406 = arith.mulf %get3A_1364, %get3A_1364 : vector<16xf32>
      %mul3A_1407 = arith.mulf %get3A_1367, %get3A_1367 : vector<16xf32>
      %mul3A_1408 = arith.mulf %get3A_1370, %get3A_1370 : vector<16xf32>
      %mul3A_1409 = arith.mulf %get3A_1373, %get3A_1373 : vector<16xf32>
      %mul3A_1410 = arith.mulf %get3A_1376, %get3A_1376 : vector<16xf32>
      %mul3A_1411 = arith.mulf %get3A_1379, %get3A_1379 : vector<16xf32>
      %mul3A_1412 = arith.mulf %get3A_1382, %get3A_1382 : vector<16xf32>
      %mul3A_1413 = arith.mulf %get3A_1385, %get3A_1385 : vector<16xf32>
      %mul3A_1414 = arith.mulf %get3A_1388, %get3A_1388 : vector<16xf32>
      %mul3A_1415 = arith.mulf %get3A_1391, %get3A_1391 : vector<16xf32>
      %mul3A_1416 = arith.mulf %get3A_1394, %get3A_1394 : vector<16xf32>
      %mul3A_1417 = arith.mulf %get3A_1397, %get3A_1397 : vector<16xf32>
      %mul3A_1418 = arith.mulf %get3A_1400, %get3A_1400 : vector<16xf32>
      %mul3A_1419 = arith.mulf %get3A_1403, %get3A_1403 : vector<16xf32>
      %add3A_1420 = arith.addf %mul3A_1404, %mul3A_1405 : vector<16xf32>
      %add3A_1421 = arith.addf %mul3A_1406, %mul3A_1407 : vector<16xf32>
      %add3A_1422 = arith.addf %mul3A_1408, %mul3A_1409 : vector<16xf32>
      %add3A_1423 = arith.addf %mul3A_1410, %mul3A_1411 : vector<16xf32>
      %add3A_1424 = arith.addf %mul3A_1412, %mul3A_1413 : vector<16xf32>
      %add3A_1425 = arith.addf %mul3A_1414, %mul3A_1415 : vector<16xf32>
      %add3A_1426 = arith.addf %mul3A_1416, %mul3A_1417 : vector<16xf32>
      %add3A_1427 = arith.addf %mul3A_1418, %mul3A_1419 : vector<16xf32>
      %add3A_1428 = arith.addf %add3A_1420, %add3A_1421 : vector<16xf32>
      %add3A_1429 = arith.addf %add3A_1422, %add3A_1423 : vector<16xf32>
      %add3A_1430 = arith.addf %add3A_1424, %add3A_1425 : vector<16xf32>
      %add3A_1431 = arith.addf %add3A_1426, %add3A_1427 : vector<16xf32>
      %add3A_1432 = arith.addf %add3A_1428, %add3A_1429 : vector<16xf32>
      %add3A_1433 = arith.addf %add3A_1430, %add3A_1431 : vector<16xf32>
      %add3A_1434 = arith.addf %add3A_1432, %add3A_1433 : vector<16xf32>
      %xor3A_1435 = arith.constant 8 : i32
      %xor3A_1436 = vector.broadcast %xor3A_1435 : i32 to vector<16xi32>
      %xor3A_1437 = arith.xori %iota3A, %xor3A_1436 : vector<16xi32>
      %broadcast_in_dim3A_1438 = vector.shape_cast %xor3A_1437 : vector<16xi32> to vector<16x1xi32>
      %gather3A_1439 = vector.shape_cast %broadcast_in_dim3A_1438 : vector<16x1xi32> to vector<16xi32>
      %gather3A_1440 = tpu.dynamic_gather %add3A_1434[%gather3A_1439] in [0] : vector<16xf32>, vector<16xi32> -> vector<16xf32>
      %add3A_1441 = arith.addf %add3A_1434, %gather3A_1440 : vector<16xf32>
      %xor3A_1442 = arith.constant 4 : i32
      %xor3A_1443 = vector.broadcast %xor3A_1442 : i32 to vector<16xi32>
      %xor3A_1444 = arith.xori %iota3A, %xor3A_1443 : vector<16xi32>
      %broadcast_in_dim3A_1445 = vector.shape_cast %xor3A_1444 : vector<16xi32> to vector<16x1xi32>
      %gather3A_1446 = vector.shape_cast %broadcast_in_dim3A_1445 : vector<16x1xi32> to vector<16xi32>
      %gather3A_1447 = tpu.dynamic_gather %add3A_1441[%gather3A_1446] in [0] : vector<16xf32>, vector<16xi32> -> vector<16xf32>
      %add3A_1448 = arith.addf %add3A_1441, %gather3A_1447 : vector<16xf32>
      %xor3A_1449 = arith.constant 2 : i32
      %xor3A_1450 = vector.broadcast %xor3A_1449 : i32 to vector<16xi32>
      %xor3A_1451 = arith.xori %iota3A, %xor3A_1450 : vector<16xi32>
      %broadcast_in_dim3A_1452 = vector.shape_cast %xor3A_1451 : vector<16xi32> to vector<16x1xi32>
      %gather3A_1453 = vector.shape_cast %broadcast_in_dim3A_1452 : vector<16x1xi32> to vector<16xi32>
      %gather3A_1454 = tpu.dynamic_gather %add3A_1448[%gather3A_1453] in [0] : vector<16xf32>, vector<16xi32> -> vector<16xf32>
      %add3A_1455 = arith.addf %add3A_1448, %gather3A_1454 : vector<16xf32>
      %xor3A_1456 = arith.constant 1 : i32
      %xor3A_1457 = vector.broadcast %xor3A_1456 : i32 to vector<16xi32>
      %xor3A_1458 = arith.xori %iota3A, %xor3A_1457 : vector<16xi32>
      %broadcast_in_dim3A_1459 = vector.shape_cast %xor3A_1458 : vector<16xi32> to vector<16x1xi32>
      %gather3A_1460 = vector.shape_cast %broadcast_in_dim3A_1459 : vector<16x1xi32> to vector<16xi32>
      %gather3A_1461 = tpu.dynamic_gather %add3A_1455[%gather3A_1460] in [0] : vector<16xf32>, vector<16xi32> -> vector<16xf32>
      %add3A_1462 = arith.addf %add3A_1455, %gather3A_1461 : vector<16xf32>
      %bitcast_convert_type3A_1463 = tpu.bitcast %add3A_1462 : vector<16xf32> -> vector<16xi32>
      %shift_right_logical3A_1464 = arith.constant 1 : i32
      %shift_right_logical3A_1465 = vector.broadcast %shift_right_logical3A_1464 : i32 to vector<16xi32>
      %shift_right_logical3A_1466 = arith.shrui %bitcast_convert_type3A_1463, %shift_right_logical3A_1465 : vector<16xi32>
      %sub3A_1467 = arith.constant 1597463007 : i32
      %sub3A_1468 = vector.broadcast %sub3A_1467 : i32 to vector<16xi32>
      %sub3A_1469 = arith.subi %sub3A_1468, %shift_right_logical3A_1466 : vector<16xi32>
      %bitcast_convert_type3A_1470 = tpu.bitcast %sub3A_1469 : vector<16xi32> -> vector<16xf32>
      %mul3A_1471 = arith.constant 5.000000e-01 : f32
      %mul3A_1472 = vector.broadcast %mul3A_1471 : f32 to vector<16xf32>
      %mul3A_1473 = arith.mulf %mul3A_1472, %add3A_1462 : vector<16xf32>
      %mul3A_1474 = arith.mulf %mul3A_1473, %bitcast_convert_type3A_1470 : vector<16xf32>
      %mul3A_1475 = arith.mulf %mul3A_1474, %bitcast_convert_type3A_1470 : vector<16xf32>
      %sub3A_1476 = arith.constant 1.500000e+00 : f32
      %sub3A_1477 = vector.broadcast %sub3A_1476 : f32 to vector<16xf32>
      %sub3A_1478 = arith.subf %sub3A_1477, %mul3A_1475 : vector<16xf32>
      %mul3A_1479 = arith.mulf %bitcast_convert_type3A_1470, %sub3A_1478 : vector<16xf32>
      %mul3A_1480 = arith.constant 5.000000e-01 : f32
      %mul3A_1481 = vector.broadcast %mul3A_1480 : f32 to vector<16xf32>
      %mul3A_1482 = arith.mulf %mul3A_1481, %add3A_1462 : vector<16xf32>
      %mul3A_1483 = arith.mulf %mul3A_1482, %mul3A_1479 : vector<16xf32>
      %mul3A_1484 = arith.mulf %mul3A_1483, %mul3A_1479 : vector<16xf32>
      %sub3A_1485 = arith.constant 1.500000e+00 : f32
      %sub3A_1486 = vector.broadcast %sub3A_1485 : f32 to vector<16xf32>
      %sub3A_1487 = arith.subf %sub3A_1486, %mul3A_1484 : vector<16xf32>
      %mul3A_1488 = arith.mulf %mul3A_1479, %sub3A_1487 : vector<16xf32>
      %mul3A_1489 = arith.constant 5.000000e-01 : f32
      %mul3A_1490 = vector.broadcast %mul3A_1489 : f32 to vector<16xf32>
      %mul3A_1491 = arith.mulf %mul3A_1490, %add3A_1462 : vector<16xf32>
      %mul3A_1492 = arith.mulf %mul3A_1491, %mul3A_1488 : vector<16xf32>
      %mul3A_1493 = arith.mulf %mul3A_1492, %mul3A_1488 : vector<16xf32>
      %sub3A_1494 = arith.constant 1.500000e+00 : f32
      %sub3A_1495 = vector.broadcast %sub3A_1494 : f32 to vector<16xf32>
      %sub3A_1496 = arith.subf %sub3A_1495, %mul3A_1493 : vector<16xf32>
      %mul3A_1497 = arith.mulf %mul3A_1488, %sub3A_1496 : vector<16xf32>
      %min3A_1498 = arith.constant 9.99999995E+11 : f32
      %min3A_1499 = vector.broadcast %min3A_1498 : f32 to vector<16xf32>
      %min3A_1500 = arith.minimumf %mul3A_1497, %min3A_1499 : vector<16xf32>
      %mul3A_1501 = arith.mulf %get3A_1358, %min3A_1500 : vector<16xf32>
      %swap3A_1502 = arith.index_cast %scan3A_1355 : i32 to index
      %swap3A_1503 = arith.constant 0 : index
      %swap3A_1504 = tpu.vector_load %arg8[%swap3A_1502, %swap3A_1503] {strides = array<i32>} : memref<64x256xf32, #tpu.memory_space<vmem>>, vector<16xf32>,
      tpu.vector_store %arg8[%swap3A_1502, %swap3A_1503], %mul3A_1501 {strides = array<i32>} : memref<64x256xf32, #tpu.memory_space<vmem>>, vector<16xf32>,
      %mul3A_1505 = arith.mulf %get3A_1361, %min3A_1500 : vector<16xf32>
      %swap3A_1506 = arith.index_cast %scan3A_1355 : i32 to index
      %swap3A_1507 = arith.constant 16 : index
      %swap3A_1508 = tpu.vector_load %arg8[%swap3A_1506, %swap3A_1507] {strides = array<i32>} : memref<64x256xf32, #tpu.memory_space<vmem>>, vector<16xf32>,
      tpu.vector_store %arg8[%swap3A_1506, %swap3A_1507], %mul3A_1505 {strides = array<i32>} : memref<64x256xf32, #tpu.memory_space<vmem>>, vector<16xf32>,
      %mul3A_1509 = arith.mulf %get3A_1364, %min3A_1500 : vector<16xf32>
      %swap3A_1510 = arith.index_cast %scan3A_1355 : i32 to index
      %swap3A_1511 = arith.constant 32 : index
      %swap3A_1512 = tpu.vector_load %arg8[%swap3A_1510, %swap3A_1511] {strides = array<i32>} : memref<64x256xf32, #tpu.memory_space<vmem>>, vector<16xf32>,
      tpu.vector_store %arg8[%swap3A_1510, %swap3A_1511], %mul3A_1509 {strides = array<i32>} : memref<64x256xf32, #tpu.memory_space<vmem>>, vector<16xf32>,
      %mul3A_1513 = arith.mulf %get3A_1367, %min3A_1500 : vector<16xf32>
      %swap3A_1514 = arith.index_cast %scan3A_1355 : i32 to index
      %swap3A_1515 = arith.constant 48 : index
      %swap3A_1516 = tpu.vector_load %arg8[%swap3A_1514, %swap3A_1515] {strides = array<i32>} : memref<64x256xf32, #tpu.memory_space<vmem>>, vector<16xf32>,
      tpu.vector_store %arg8[%swap3A_1514, %swap3A_1515], %mul3A_1513 {strides = array<i32>} : memref<64x256xf32, #tpu.memory_space<vmem>>, vector<16xf32>,
      %mul3A_1517 = arith.mulf %get3A_1370, %min3A_1500 : vector<16xf32>
      %swap3A_1518 = arith.index_cast %scan3A_1355 : i32 to index
      %swap3A_1519 = arith.constant 64 : index
      %swap3A_1520 = tpu.vector_load %arg8[%swap3A_1518, %swap3A_1519] {strides = array<i32>} : memref<64x256xf32, #tpu.memory_space<vmem>>, vector<16xf32>,
      tpu.vector_store %arg8[%swap3A_1518, %swap3A_1519], %mul3A_1517 {strides = array<i32>} : memref<64x256xf32, #tpu.memory_space<vmem>>, vector<16xf32>,
      %mul3A_1521 = arith.mulf %get3A_1373, %min3A_1500 : vector<16xf32>
      %swap3A_1522 = arith.index_cast %scan3A_1355 : i32 to index
      %swap3A_1523 = arith.constant 80 : index
      %swap3A_1524 = tpu.vector_load %arg8[%swap3A_1522, %swap3A_1523] {strides = array<i32>} : memref<64x256xf32, #tpu.memory_space<vmem>>, vector<16xf32>,
      tpu.vector_store %arg8[%swap3A_1522, %swap3A_1523], %mul3A_1521 {strides = array<i32>} : memref<64x256xf32, #tpu.memory_space<vmem>>, vector<16xf32>,
      %mul3A_1525 = arith.mulf %get3A_1376, %min3A_1500 : vector<16xf32>
      %swap3A_1526 = arith.index_cast %scan3A_1355 : i32 to index
      %swap3A_1527 = arith.constant 96 : index
      %swap3A_1528 = tpu.vector_load %arg8[%swap3A_1526, %swap3A_1527] {strides = array<i32>} : memref<64x256xf32, #tpu.memory_space<vmem>>, vector<16xf32>,
      tpu.vector_store %arg8[%swap3A_1526, %swap3A_1527], %mul3A_1525 {strides = array<i32>} : memref<64x256xf32, #tpu.memory_space<vmem>>, vector<16xf32>,
      %mul3A_1529 = arith.mulf %get3A_1379, %min3A_1500 : vector<16xf32>
      %swap3A_1530 = arith.index_cast %scan3A_1355 : i32 to index
      %swap3A_1531 = arith.constant 112 : index
      %swap3A_1532 = tpu.vector_load %arg8[%swap3A_1530, %swap3A_1531] {strides = array<i32>} : memref<64x256xf32, #tpu.memory_space<vmem>>, vector<16xf32>,
      tpu.vector_store %arg8[%swap3A_1530, %swap3A_1531], %mul3A_1529 {strides = array<i32>} : memref<64x256xf32, #tpu.memory_space<vmem>>, vector<16xf32>,
      %mul3A_1533 = arith.mulf %get3A_1382, %min3A_1500 : vector<16xf32>
      %swap3A_1534 = arith.index_cast %scan3A_1355 : i32 to index
      %swap3A_1535 = arith.constant 128 : index
      %swap3A_1536 = tpu.vector_load %arg8[%swap3A_1534, %swap3A_1535] {strides = array<i32>} : memref<64x256xf32, #tpu.memory_space<vmem>>, vector<16xf32>,
      tpu.vector_store %arg8[%swap3A_1534, %swap3A_1535], %mul3A_1533 {strides = array<i32>} : memref<64x256xf32, #tpu.memory_space<vmem>>, vector<16xf32>,
      %mul3A_1537 = arith.mulf %get3A_1385, %min3A_1500 : vector<16xf32>
      %swap3A_1538 = arith.index_cast %scan3A_1355 : i32 to index
      %swap3A_1539 = arith.constant 144 : index
      %swap3A_1540 = tpu.vector_load %arg8[%swap3A_1538, %swap3A_1539] {strides = array<i32>} : memref<64x256xf32, #tpu.memory_space<vmem>>, vector<16xf32>,
      tpu.vector_store %arg8[%swap3A_1538, %swap3A_1539], %mul3A_1537 {strides = array<i32>} : memref<64x256xf32, #tpu.memory_space<vmem>>, vector<16xf32>,
      %mul3A_1541 = arith.mulf %get3A_1388, %min3A_1500 : vector<16xf32>
      %swap3A_1542 = arith.index_cast %scan3A_1355 : i32 to index
      %swap3A_1543 = arith.constant 160 : index
      %swap3A_1544 = tpu.vector_load %arg8[%swap3A_1542, %swap3A_1543] {strides = array<i32>} : memref<64x256xf32, #tpu.memory_space<vmem>>, vector<16xf32>,
      tpu.vector_store %arg8[%swap3A_1542, %swap3A_1543], %mul3A_1541 {strides = array<i32>} : memref<64x256xf32, #tpu.memory_space<vmem>>, vector<16xf32>,
      %mul3A_1545 = arith.mulf %get3A_1391, %min3A_1500 : vector<16xf32>
      %swap3A_1546 = arith.index_cast %scan3A_1355 : i32 to index
      %swap3A_1547 = arith.constant 176 : index
      %swap3A_1548 = tpu.vector_load %arg8[%swap3A_1546, %swap3A_1547] {strides = array<i32>} : memref<64x256xf32, #tpu.memory_space<vmem>>, vector<16xf32>,
      tpu.vector_store %arg8[%swap3A_1546, %swap3A_1547], %mul3A_1545 {strides = array<i32>} : memref<64x256xf32, #tpu.memory_space<vmem>>, vector<16xf32>,
      %mul3A_1549 = arith.mulf %get3A_1394, %min3A_1500 : vector<16xf32>
      %swap3A_1550 = arith.index_cast %scan3A_1355 : i32 to index
      %swap3A_1551 = arith.constant 192 : index
      %swap3A_1552 = tpu.vector_load %arg8[%swap3A_1550, %swap3A_1551] {strides = array<i32>} : memref<64x256xf32, #tpu.memory_space<vmem>>, vector<16xf32>,
      tpu.vector_store %arg8[%swap3A_1550, %swap3A_1551], %mul3A_1549 {strides = array<i32>} : memref<64x256xf32, #tpu.memory_space<vmem>>, vector<16xf32>,
      %mul3A_1553 = arith.mulf %get3A_1397, %min3A_1500 : vector<16xf32>
      %swap3A_1554 = arith.index_cast %scan3A_1355 : i32 to index
      %swap3A_1555 = arith.constant 208 : index
      %swap3A_1556 = tpu.vector_load %arg8[%swap3A_1554, %swap3A_1555] {strides = array<i32>} : memref<64x256xf32, #tpu.memory_space<vmem>>, vector<16xf32>,
      tpu.vector_store %arg8[%swap3A_1554, %swap3A_1555], %mul3A_1553 {strides = array<i32>} : memref<64x256xf32, #tpu.memory_space<vmem>>, vector<16xf32>,
      %mul3A_1557 = arith.mulf %get3A_1400, %min3A_1500 : vector<16xf32>
      %swap3A_1558 = arith.index_cast %scan3A_1355 : i32 to index
      %swap3A_1559 = arith.constant 224 : index
      %swap3A_1560 = tpu.vector_load %arg8[%swap3A_1558, %swap3A_1559] {strides = array<i32>} : memref<64x256xf32, #tpu.memory_space<vmem>>, vector<16xf32>,
      tpu.vector_store %arg8[%swap3A_1558, %swap3A_1559], %mul3A_1557 {strides = array<i32>} : memref<64x256xf32, #tpu.memory_space<vmem>>, vector<16xf32>,
      %mul3A_1561 = arith.mulf %get3A_1403, %min3A_1500 : vector<16xf32>
      %swap3A_1562 = arith.index_cast %scan3A_1355 : i32 to index
      %swap3A_1563 = arith.constant 240 : index
      %swap3A_1564 = tpu.vector_load %arg8[%swap3A_1562, %swap3A_1563] {strides = array<i32>} : memref<64x256xf32, #tpu.memory_space<vmem>>, vector<16xf32>,
      tpu.vector_store %arg8[%swap3A_1562, %swap3A_1563], %mul3A_1561 {strides = array<i32>} : memref<64x256xf32, #tpu.memory_space<vmem>>, vector<16xf32>,
    }
    %scan3A_1118 = arith.constant 64 : i32
    %get3A_1119 = arith.constant 0 : index
    %get3A_1120 = tpu.vector_load %arg11[%get3A_1119] {strides = array<i32>} : memref<64xi32, #tpu.memory_space<vmem>>, vector<16xi32>,
    tpu.vector_store_idx %arg12[%iota3A, %get3A_1120], %broadcast_in_dim3A_5 {add = true} : memref<16x2048xf32, #tpu.memory_space<vmem>>[vector<16xi32>, vector<16xi32>], vector<16xf32>,
    %get3A_1121 = arith.constant 16 : index
    %get3A_1122 = tpu.vector_load %arg11[%get3A_1121] {strides = array<i32>} : memref<64xi32, #tpu.memory_space<vmem>>, vector<16xi32>,
    tpu.vector_store_idx %arg12[%iota3A, %get3A_1122], %broadcast_in_dim3A_5 {add = true} : memref<16x2048xf32, #tpu.memory_space<vmem>>[vector<16xi32>, vector<16xi32>], vector<16xf32>,
    %get3A_1123 = arith.constant 32 : index
    %get3A_1124 = tpu.vector_load %arg11[%get3A_1123] {strides = array<i32>} : memref<64xi32, #tpu.memory_space<vmem>>, vector<16xi32>,
    tpu.vector_store_idx %arg12[%iota3A, %get3A_1124], %broadcast_in_dim3A_5 {add = true} : memref<16x2048xf32, #tpu.memory_space<vmem>>[vector<16xi32>, vector<16xi32>], vector<16xf32>,
    %get3A_1125 = arith.constant 48 : index
    %get3A_1126 = tpu.vector_load %arg11[%get3A_1125] {strides = array<i32>} : memref<64xi32, #tpu.memory_space<vmem>>, vector<16xi32>,
    tpu.vector_store_idx %arg12[%iota3A, %get3A_1126], %broadcast_in_dim3A_5 {add = true} : memref<16x2048xf32, #tpu.memory_space<vmem>>[vector<16xi32>, vector<16xi32>], vector<16xf32>,
    %dma_start3A_1127 = arith.constant 0 : i32
    %dma_start3A_1128 = arith.constant 0 : i32
    %dma_start3A_1129 = tpu.memref_slice %arg16[%dma_start3A_1127, %dma_start3A_1128] : memref<2048x256xf32, #tpu.memory_space<vmem_shared>> -> memref<2048x256xf32, #tpu.memory_space<vmem_shared>>
    tpu.enqueue_indirect_dma source(%arg8 : memref<64x256xf32, #tpu.memory_space<vmem>>) target(%dma_start3A_1129 : memref<2048x256xf32, #tpu.memory_space<vmem_shared>>) offsets(%arg11 : memref<64xi32, #tpu.memory_space<vmem>>) semaphore(%arg18 : memref<!tpu.dma_semaphore, #tpu.memory_space<semaphore_mem>>) {add = true}
    %dma_wait3A_1130 = arith.constant 0 : i32
    %dma_wait3A_1131 = arith.constant 0 : i32
    %dma_wait3A_1132 = tpu.memref_slice %arg16[%dma_wait3A_1130, %dma_wait3A_1131] : memref<2048x256xf32, #tpu.memory_space<vmem_shared>> -> memref<2048x256xf32, #tpu.memory_space<vmem_shared>>
    tpu.wait_indirect_dma semaphore(%arg18 : memref<!tpu.dma_semaphore, #tpu.memory_space<semaphore_mem>>) src(%arg6 : memref<64x256xf32, #tpu.memory_space<vmem>>) dst(%dma_wait3A_1132 : memref<2048x256xf32, #tpu.memory_space<vmem_shared>>)
    %dma_wait3A_1133 = arith.constant 0 : i32
    %dma_wait3A_1134 = arith.constant 0 : i32
    %dma_wait3A_1135 = tpu.memref_slice %arg16[%dma_wait3A_1133, %dma_wait3A_1134] : memref<2048x256xf32, #tpu.memory_space<vmem_shared>> -> memref<2048x256xf32, #tpu.memory_space<vmem_shared>>
    tpu.wait_indirect_dma semaphore(%arg18 : memref<!tpu.dma_semaphore, #tpu.memory_space<semaphore_mem>>) src(%arg7 : memref<64x256xf32, #tpu.memory_space<vmem>>) dst(%dma_wait3A_1135 : memref<2048x256xf32, #tpu.memory_space<vmem_shared>>)
    %dma_wait3A_1136 = arith.constant 0 : i32
    %dma_wait3A_1137 = arith.constant 0 : i32
    %dma_wait3A_1138 = tpu.memref_slice %arg16[%dma_wait3A_1136, %dma_wait3A_1137] : memref<2048x256xf32, #tpu.memory_space<vmem_shared>> -> memref<2048x256xf32, #tpu.memory_space<vmem_shared>>
    tpu.wait_indirect_dma semaphore(%arg18 : memref<!tpu.dma_semaphore, #tpu.memory_space<semaphore_mem>>) src(%arg8 : memref<64x256xf32, #tpu.memory_space<vmem>>) dst(%dma_wait3A_1138 : memref<2048x256xf32, #tpu.memory_space<vmem_shared>>)
    %barrier3A_1139 = arith.constant 0 : index
    tpu.barrier barrier_id(%barrier3A_1139)
    %scan3A_1140 = arith.constant 0 : i32
    %scan3A_1141 = arith.constant 0 : i32
    %scan3A_1142 = arith.constant 128 : i32
    %scan3A_1143 = arith.addi %scan3A_1141, %scan3A_1142 : i32
    %scan3A_1144 = arith.constant 1 : i32
    scf.for %scan3A_1150 = %scan3A_1141 to %scan3A_1143 step %scan3A_1144  : i32 {
      %mul3A_1151 = arith.constant 16 : i32
      %mul3A_1152 = arith.muli %scan3A_1150, %mul3A_1151 : i32
      %get3A_1153 = arith.constant 0 : i32
      %get3A_1154 = arith.index_cast %get3A_1153 : i32 to index
      %get3A_1155 = arith.index_cast %mul3A_1152 : i32 to index
      %get3A_1156 = tpu.vector_load %arg12[%get3A_1154, %get3A_1155] {strides = array<i32>} : memref<16x2048xf32, #tpu.memory_space<vmem>>, vector<16xf32>,
      %mul3A_1157 = arith.constant 16 : i32
      %mul3A_1158 = arith.muli %scan3A_1150, %mul3A_1157 : i32
      %get3A_1159 = arith.constant 1 : i32
      %get3A_1160 = arith.index_cast %get3A_1159 : i32 to index
      %get3A_1161 = arith.index_cast %mul3A_1158 : i32 to index
      %get3A_1162 = tpu.vector_load %arg12[%get3A_1160, %get3A_1161] {strides = array<i32>} : memref<16x2048xf32, #tpu.memory_space<vmem>>, vector<16xf32>,
      %add3A_1163 = arith.addf %get3A_1156, %get3A_1162 : vector<16xf32>
      %mul3A_1164 = arith.constant 16 : i32
      %mul3A_1165 = arith.muli %scan3A_1150, %mul3A_1164 : i32
      %get3A_1166 = arith.constant 2 : i32
      %get3A_1167 = arith.index_cast %get3A_1166 : i32 to index
      %get3A_1168 = arith.index_cast %mul3A_1165 : i32 to index
      %get3A_1169 = tpu.vector_load %arg12[%get3A_1167, %get3A_1168] {strides = array<i32>} : memref<16x2048xf32, #tpu.memory_space<vmem>>, vector<16xf32>,
      %add3A_1170 = arith.addf %add3A_1163, %get3A_1169 : vector<16xf32>
      %mul3A_1171 = arith.constant 16 : i32
      %mul3A_1172 = arith.muli %scan3A_1150, %mul3A_1171 : i32
      %get3A_1173 = arith.constant 3 : i32
      %get3A_1174 = arith.index_cast %get3A_1173 : i32 to index
      %get3A_1175 = arith.index_cast %mul3A_1172 : i32 to index
      %get3A_1176 = tpu.vector_load %arg12[%get3A_1174, %get3A_1175] {strides = array<i32>} : memref<16x2048xf32, #tpu.memory_space<vmem>>, vector<16xf32>,
      %add3A_1177 = arith.addf %add3A_1170, %get3A_1176 : vector<16xf32>
      %mul3A_1178 = arith.constant 16 : i32
      %mul3A_1179 = arith.muli %scan3A_1150, %mul3A_1178 : i32
      %get3A_1180 = arith.constant 4 : i32
      %get3A_1181 = arith.index_cast %get3A_1180 : i32 to index
      %get3A_1182 = arith.index_cast %mul3A_1179 : i32 to index
      %get3A_1183 = tpu.vector_load %arg12[%get3A_1181, %get3A_1182] {strides = array<i32>} : memref<16x2048xf32, #tpu.memory_space<vmem>>, vector<16xf32>,
      %add3A_1184 = arith.addf %add3A_1177, %get3A_1183 : vector<16xf32>
      %mul3A_1185 = arith.constant 16 : i32
      %mul3A_1186 = arith.muli %scan3A_1150, %mul3A_1185 : i32
      %get3A_1187 = arith.constant 5 : i32
      %get3A_1188 = arith.index_cast %get3A_1187 : i32 to index
      %get3A_1189 = arith.index_cast %mul3A_1186 : i32 to index
      %get3A_1190 = tpu.vector_load %arg12[%get3A_1188, %get3A_1189] {strides = array<i32>} : memref<16x2048xf32, #tpu.memory_space<vmem>>, vector<16xf32>,
      %add3A_1191 = arith.addf %add3A_1184, %get3A_1190 : vector<16xf32>
      %mul3A_1192 = arith.constant 16 : i32
      %mul3A_1193 = arith.muli %scan3A_1150, %mul3A_1192 : i32
      %get3A_1194 = arith.constant 6 : i32
      %get3A_1195 = arith.index_cast %get3A_1194 : i32 to index
      %get3A_1196 = arith.index_cast %mul3A_1193 : i32 to index
      %get3A_1197 = tpu.vector_load %arg12[%get3A_1195, %get3A_1196] {strides = array<i32>} : memref<16x2048xf32, #tpu.memory_space<vmem>>, vector<16xf32>,
      %add3A_1198 = arith.addf %add3A_1191, %get3A_1197 : vector<16xf32>
      %mul3A_1199 = arith.constant 16 : i32
      %mul3A_1200 = arith.muli %scan3A_1150, %mul3A_1199 : i32
      %get3A_1201 = arith.constant 7 : i32
      %get3A_1202 = arith.index_cast %get3A_1201 : i32 to index
      %get3A_1203 = arith.index_cast %mul3A_1200 : i32 to index
      %get3A_1204 = tpu.vector_load %arg12[%get3A_1202, %get3A_1203] {strides = array<i32>} : memref<16x2048xf32, #tpu.memory_space<vmem>>, vector<16xf32>,
      %add3A_1205 = arith.addf %add3A_1198, %get3A_1204 : vector<16xf32>
      %mul3A_1206 = arith.constant 16 : i32
      %mul3A_1207 = arith.muli %scan3A_1150, %mul3A_1206 : i32
      %get3A_1208 = arith.constant 8 : i32
      %get3A_1209 = arith.index_cast %get3A_1208 : i32 to index
      %get3A_1210 = arith.index_cast %mul3A_1207 : i32 to index
      %get3A_1211 = tpu.vector_load %arg12[%get3A_1209, %get3A_1210] {strides = array<i32>} : memref<16x2048xf32, #tpu.memory_space<vmem>>, vector<16xf32>,
      %add3A_1212 = arith.addf %add3A_1205, %get3A_1211 : vector<16xf32>
      %mul3A_1213 = arith.constant 16 : i32
      %mul3A_1214 = arith.muli %scan3A_1150, %mul3A_1213 : i32
      %get3A_1215 = arith.constant 9 : i32
      %get3A_1216 = arith.index_cast %get3A_1215 : i32 to index
      %get3A_1217 = arith.index_cast %mul3A_1214 : i32 to index
      %get3A_1218 = tpu.vector_load %arg12[%get3A_1216, %get3A_1217] {strides = array<i32>} : memref<16x2048xf32, #tpu.memory_space<vmem>>, vector<16xf32>,
      %add3A_1219 = arith.addf %add3A_1212, %get3A_1218 : vector<16xf32>
      %mul3A_1220 = arith.constant 16 : i32
      %mul3A_1221 = arith.muli %scan3A_1150, %mul3A_1220 : i32
      %get3A_1222 = arith.constant 10 : i32
      %get3A_1223 = arith.index_cast %get3A_1222 : i32 to index
      %get3A_1224 = arith.index_cast %mul3A_1221 : i32 to index
      %get3A_1225 = tpu.vector_load %arg12[%get3A_1223, %get3A_1224] {strides = array<i32>} : memref<16x2048xf32, #tpu.memory_space<vmem>>, vector<16xf32>,
      %add3A_1226 = arith.addf %add3A_1219, %get3A_1225 : vector<16xf32>
      %mul3A_1227 = arith.constant 16 : i32
      %mul3A_1228 = arith.muli %scan3A_1150, %mul3A_1227 : i32
      %get3A_1229 = arith.constant 11 : i32
      %get3A_1230 = arith.index_cast %get3A_1229 : i32 to index
      %get3A_1231 = arith.index_cast %mul3A_1228 : i32 to index
      %get3A_1232 = tpu.vector_load %arg12[%get3A_1230, %get3A_1231] {strides = array<i32>} : memref<16x2048xf32, #tpu.memory_space<vmem>>, vector<16xf32>,
      %add3A_1233 = arith.addf %add3A_1226, %get3A_1232 : vector<16xf32>
      %mul3A_1234 = arith.constant 16 : i32
      %mul3A_1235 = arith.muli %scan3A_1150, %mul3A_1234 : i32
      %get3A_1236 = arith.constant 12 : i32
      %get3A_1237 = arith.index_cast %get3A_1236 : i32 to index
      %get3A_1238 = arith.index_cast %mul3A_1235 : i32 to index
      %get3A_1239 = tpu.vector_load %arg12[%get3A_1237, %get3A_1238] {strides = array<i32>} : memref<16x2048xf32, #tpu.memory_space<vmem>>, vector<16xf32>,
      %add3A_1240 = arith.addf %add3A_1233, %get3A_1239 : vector<16xf32>
      %mul3A_1241 = arith.constant 16 : i32
      %mul3A_1242 = arith.muli %scan3A_1150, %mul3A_1241 : i32
      %get3A_1243 = arith.constant 13 : i32
      %get3A_1244 = arith.index_cast %get3A_1243 : i32 to index
      %get3A_1245 = arith.index_cast %mul3A_1242 : i32 to index
      %get3A_1246 = tpu.vector_load %arg12[%get3A_1244, %get3A_1245] {strides = array<i32>} : memref<16x2048xf32, #tpu.memory_space<vmem>>, vector<16xf32>,
      %add3A_1247 = arith.addf %add3A_1240, %get3A_1246 : vector<16xf32>
      %mul3A_1248 = arith.constant 16 : i32
      %mul3A_1249 = arith.muli %scan3A_1150, %mul3A_1248 : i32
      %get3A_1250 = arith.constant 14 : i32
      %get3A_1251 = arith.index_cast %get3A_1250 : i32 to index
      %get3A_1252 = arith.index_cast %mul3A_1249 : i32 to index
      %get3A_1253 = tpu.vector_load %arg12[%get3A_1251, %get3A_1252] {strides = array<i32>} : memref<16x2048xf32, #tpu.memory_space<vmem>>, vector<16xf32>,
      %add3A_1254 = arith.addf %add3A_1247, %get3A_1253 : vector<16xf32>
      %mul3A_1255 = arith.constant 16 : i32
      %mul3A_1256 = arith.muli %scan3A_1150, %mul3A_1255 : i32
      %get3A_1257 = arith.constant 15 : i32
      %get3A_1258 = arith.index_cast %get3A_1257 : i32 to index
      %get3A_1259 = arith.index_cast %mul3A_1256 : i32 to index
      %get3A_1260 = tpu.vector_load %arg12[%get3A_1258, %get3A_1259] {strides = array<i32>} : memref<16x2048xf32, #tpu.memory_space<vmem>>, vector<16xf32>,
      %add3A_1261 = arith.addf %add3A_1254, %get3A_1260 : vector<16xf32>
      %mul3A_1262 = arith.constant 16 : i32
      %mul3A_1263 = arith.muli %scan3A_1150, %mul3A_1262 : i32
      %swap3A_1264 = arith.index_cast %mul3A_1263 : i32 to index
      %swap3A_1265 = tpu.vector_load %arg13[%swap3A_1264] {strides = array<i32>} : memref<2048xf32, #tpu.memory_space<vmem>>, vector<16xf32>,
      tpu.vector_store %arg13[%swap3A_1264], %add3A_1261 {strides = array<i32>} : memref<2048xf32, #tpu.memory_space<vmem>>, vector<16xf32>,
    }
    %scan3A_1145 = arith.constant 128 : i32
    "tpu.region"() ({
      %run_scoped3A = tpu.sem_alloc : memref<!tpu.dma_semaphore, #tpu.memory_space<semaphore_mem>>
      %dma_start3A_1150 = arith.constant 0 : i32
      %dma_start3A_1151 = tpu.memref_slice %arg5[%add3A, %dma_start3A_1150] : memref<32x2048xf32, #tpu.memory_space<hbm>> -> memref<1x2048xf32, #tpu.memory_space<hbm>>
      %dma_start3A_1152 = tpu.memref_squeeze %dma_start3A_1151 : memref<1x2048xf32, #tpu.memory_space<hbm>> -> memref<2048xf32, #tpu.memory_space<hbm>>
      %dma_start3A_1153 = arith.constant 0 : i32
      %dma_start3A_1154 = tpu.memref_slice %arg5[%add3A, %dma_start3A_1153] : memref<32x2048xf32, #tpu.memory_space<hbm>> -> memref<1x2048xf32, #tpu.memory_space<hbm>>
      %dma_start3A_1155 = tpu.memref_squeeze %dma_start3A_1154 : memref<1x2048xf32, #tpu.memory_space<hbm>> -> memref<2048xf32, #tpu.memory_space<hbm>>
      tpu.enqueue_dma source(%arg13 : memref<2048xf32, #tpu.memory_space<vmem>>) target(%dma_start3A_1155 : memref<2048xf32, #tpu.memory_space<hbm>>) target_semaphore(%run_scoped3A : memref<!tpu.dma_semaphore, #tpu.memory_space<semaphore_mem>>)
      %dma_wait3A_1156 = arith.constant 0 : i32
      %dma_wait3A_1157 = tpu.memref_slice %arg5[%add3A, %dma_wait3A_1156] : memref<32x2048xf32, #tpu.memory_space<hbm>> -> memref<1x2048xf32, #tpu.memory_space<hbm>>
      %dma_wait3A_1158 = tpu.memref_squeeze %dma_wait3A_1157 : memref<1x2048xf32, #tpu.memory_space<hbm>> -> memref<2048xf32, #tpu.memory_space<hbm>>
      %dma_wait3A_1159 = arith.constant 0 : i32
      %dma_wait3A_1160 = tpu.memref_slice %arg5[%add3A, %dma_wait3A_1159] : memref<32x2048xf32, #tpu.memory_space<hbm>> -> memref<1x2048xf32, #tpu.memory_space<hbm>>
      %dma_wait3A_1161 = tpu.memref_squeeze %dma_wait3A_1160 : memref<1x2048xf32, #tpu.memory_space<hbm>> -> memref<2048xf32, #tpu.memory_space<hbm>>
      tpu.wait_dma2 semaphore(%run_scoped3A : memref<!tpu.dma_semaphore, #tpu.memory_space<semaphore_mem>>) src(%arg13 : memref<2048xf32, #tpu.memory_space<vmem>>) dst(%dma_wait3A_1161 : memref<2048xf32, #tpu.memory_space<hbm>>)
      tpu.yield
    }) : () -> ()
    %mul3A_1146 = arith.constant 128 : i32
    %mul3A_1147 = arith.muli %arg1, %mul3A_1146 : i32
    %mul3A_1148 = arith.constant 128 : i32
    %mul3A_1149 = arith.muli %arg1, %mul3A_1148 : i32
    "tpu.region"() ({
      %run_scoped3A = tpu.sem_alloc : memref<!tpu.dma_semaphore, #tpu.memory_space<semaphore_mem>>
      %dma_start3A_1150 = arith.constant 0 : i32
      %dma_start3A_1151 = tpu.memref_slice %arg4[%arg0, %mul3A_1149, %dma_start3A_1150] : memref<2x2048x256xf32, #tpu.memory_space<hbm>> -> memref<1x128x256xf32, #tpu.memory_space<hbm>>
      %dma_start3A_1152 = tpu.memref_squeeze %dma_start3A_1151 : memref<1x128x256xf32, #tpu.memory_space<hbm>> -> memref<128x256xf32, #tpu.memory_space<hbm>>
      %dma_start3A_1153 = arith.constant 0 : i32
      %dma_start3A_1154 = tpu.memref_slice %arg16[%mul3A_1147, %dma_start3A_1153] : memref<2048x256xf32, #tpu.memory_space<vmem_shared>> -> memref<128x256xf32, #tpu.memory_space<vmem_shared>>
      tpu.enqueue_dma source(%dma_start3A_1154 : memref<128x256xf32, #tpu.memory_space<vmem_shared>>) target(%dma_start3A_1152 : memref<128x256xf32, #tpu.memory_space<hbm>>) target_semaphore(%run_scoped3A : memref<!tpu.dma_semaphore, #tpu.memory_space<semaphore_mem>>)
      %dma_wait3A_1155 = arith.constant 0 : i32
      %dma_wait3A_1156 = tpu.memref_slice %arg4[%arg0, %mul3A_1149, %dma_wait3A_1155] : memref<2x2048x256xf32, #tpu.memory_space<hbm>> -> memref<1x128x256xf32, #tpu.memory_space<hbm>>
      %dma_wait3A_1157 = tpu.memref_squeeze %dma_wait3A_1156 : memref<1x128x256xf32, #tpu.memory_space<hbm>> -> memref<128x256xf32, #tpu.memory_space<hbm>>
      %dma_wait3A_1158 = arith.constant 0 : i32
      %dma_wait3A_1159 = tpu.memref_slice %arg16[%mul3A_1147, %dma_wait3A_1158] : memref<2048x256xf32, #tpu.memory_space<vmem_shared>> -> memref<128x256xf32, #tpu.memory_space<vmem_shared>>
      tpu.wait_dma2 semaphore(%run_scoped3A : memref<!tpu.dma_semaphore, #tpu.memory_space<semaphore_mem>>) src(%dma_wait3A_1159 : memref<128x256xf32, #tpu.memory_space<vmem_shared>>) dst(%dma_wait3A_1157 : memref<128x256xf32, #tpu.memory_space<hbm>>)
      tpu.yield
    }) : () -> ()
    return
  }
}

module attributes {stable_mosaic.version = 14 : i64} {
  func.func @_tc_seg_body(%arg0: i32, %arg1: memref<2048x256xf32, #tpu.memory_space<vmem>>, %arg2: memref<1x1x2048xi32, #tpu.memory_space<vmem>>, %arg3: memref<2048x256xf32, #tpu.memory_space<vmem>>, %arg4: memref<2048x1xf32, #tpu.memory_space<vmem>>, %arg5: memref<2048x256xf32, #tpu.memory_space<vmem>>, %arg6: memref<2048x1xf32, #tpu.memory_space<vmem>>) attributes {dimension_semantics = [#tpu.dimension_semantics<arbitrary>], iteration_bounds = array<i64: 5>, scalar_prefetch = 0 : i64, scratch_operands = 2 : i64, tpu.core_type = #tpu.core_type<tc>, window_params = [{transform_indices = @transform_0, window_bounds = array<i64: 2048, 256>}, {transform_indices = @transform_1, window_bounds = array<i64: 1, 1, 2048>}, {pipeline_mode = #tpu.pipeline_mode<synchronous>, transform_indices = @transform_2, window_bounds = array<i64: 2048, 256>}, {pipeline_mode = #tpu.pipeline_mode<synchronous>, transform_indices = @transform_3, window_bounds = array<i64: 2048, 1>}]} {
    %eq3A = arith.constant 0 : i32
    %eq3A_0 = arith.cmpi eq, %arg0, %eq3A : i32
    %convert_element_type3A = arith.extui %eq3A_0 : i1 to i32
    %cond3A = arith.constant 0 : i32
    %cond3A_1 = arith.cmpi ne, %convert_element_type3A, %cond3A : i32
    scf.if %cond3A_1 {
      %broadcast_in_dim3A_38 = arith.constant 0.000000e+00 : f32
      %broadcast_in_dim3A_39 = vector.broadcast %broadcast_in_dim3A_38 : f32 to vector<2048x256xf32>
      %swap3A_40 = arith.constant 0 : index
      %swap3A_41 = arith.constant 0 : index
      %swap3A_42 = vector.load %arg5[%swap3A_40, %swap3A_41] : memref<2048x256xf32, #tpu.memory_space<vmem>>, vector<2048x256xf32>
      tpu.vector_store %arg5[%swap3A_40, %swap3A_41], %broadcast_in_dim3A_39 {strides = array<i32>} : memref<2048x256xf32, #tpu.memory_space<vmem>>, vector<2048x256xf32>,
      %broadcast_in_dim3A_43 = arith.constant 0.000000e+00 : f32
      %broadcast_in_dim3A_44 = vector.broadcast %broadcast_in_dim3A_43 : f32 to vector<2048x1xf32>
      %swap3A_45 = arith.constant 0 : index
      %swap3A_46 = arith.constant 0 : index
      %swap3A_47 = vector.load %arg6[%swap3A_45, %swap3A_46] : memref<2048x1xf32, #tpu.memory_space<vmem>>, vector<2048x1xf32>
      tpu.vector_store %arg6[%swap3A_45, %swap3A_46], %broadcast_in_dim3A_44 {strides = array<i32>} : memref<2048x1xf32, #tpu.memory_space<vmem>>, vector<2048x1xf32>,
    } else {
    }
    %get3A = arith.constant 0 : index
    %get3A_2 = arith.constant 0 : index
    %get3A_3 = vector.load %arg1[%get3A, %get3A_2] : memref<2048x256xf32, #tpu.memory_space<vmem>>, vector<2048x256xf32>
    %get3A_4 = arith.constant 0 : index
    %get3A_5 = arith.constant 0 : index
    %get3A_6 = arith.constant 0 : index
    %get3A_7 = vector.load %arg2[%get3A_4, %get3A_5, %get3A_6] : memref<1x1x2048xi32, #tpu.memory_space<vmem>>, vector<1x1x2048xi32>
    %get3A_8 = vector.shape_cast %get3A_7 : vector<1x1x2048xi32> to vector<1x2048xi32>
    %mul3A = arith.mulf %get3A_3, %get3A_3 : vector<2048x256xf32>
    %reduce_sum3A = arith.constant dense<0.000000e+00> : vector<2048xf32>
    %reduce_sum3A_9 = vector.multi_reduction <add>, %mul3A, %reduce_sum3A [1] : vector<2048x256xf32> to vector<2048xf32>
    %broadcast_in_dim3A = vector.shape_cast %reduce_sum3A_9 : vector<2048xf32> to vector<2048x1xf32>
    %sqrt3A = math.sqrt %broadcast_in_dim3A : vector<2048x1xf32>
    %max3A = arith.constant 9.99999996E-13 : f32
    %max3A_10 = vector.broadcast %max3A : f32 to vector<2048x1xf32>
    %max3A_11 = arith.maximumf %sqrt3A, %max3A_10 : vector<2048x1xf32>
    %div3A = vector.broadcast %max3A_11 : vector<2048x1xf32> to vector<2048x256xf32>
    %div3A_12 = arith.divf %get3A_3, %div3A : vector<2048x256xf32>
    %iota3A = tpu.iota {dimensions = array<i32: 0>} : vector<2048x2048xi32>
    %eq3A_13 = vector.broadcast %get3A_8 : vector<1x2048xi32> to vector<2048x2048xi32>
    %eq3A_14 = arith.cmpi eq, %iota3A, %eq3A_13 : vector<2048x2048xi32>
    %convert_element_type3A_15 = arith.extui %eq3A_14 : vector<2048x2048xi1> to vector<2048x2048xi32>
    %convert_element_type3A_16 = arith.sitofp %convert_element_type3A_15 : vector<2048x2048xi32> to vector<2048x2048xf32>
    %get3A_17 = arith.constant 0 : index
    %get3A_18 = arith.constant 0 : index
    %get3A_19 = vector.load %arg5[%get3A_17, %get3A_18] : memref<2048x256xf32, #tpu.memory_space<vmem>>, vector<2048x256xf32>
    %dot_general3A = arith.constant dense<0.000000e+00> : vector<2048x256xf32>
    %dot_general3A_20 = tpu.matmul %convert_element_type3A_16, %div3A_12, %dot_general3A {dimension_numbers = #tpu.dot_dimension_numbers<[1], [0], [0], [1], [0, 0, 1, 1], [], []>, transpose_lhs_hint = false} : vector<2048x2048xf32>, vector<2048x256xf32>, vector<2048x256xf32> -> vector<2048x256xf32>
    %add3A = arith.addf %get3A_19, %dot_general3A_20 : vector<2048x256xf32>
    %swap3A = arith.constant 0 : index
    %swap3A_21 = arith.constant 0 : index
    %swap3A_22 = vector.load %arg5[%swap3A, %swap3A_21] : memref<2048x256xf32, #tpu.memory_space<vmem>>, vector<2048x256xf32>
    tpu.vector_store %arg5[%swap3A, %swap3A_21], %add3A {strides = array<i32>} : memref<2048x256xf32, #tpu.memory_space<vmem>>, vector<2048x256xf32>,
    %get3A_23 = arith.constant 0 : index
    %get3A_24 = arith.constant 0 : index
    %get3A_25 = vector.load %arg6[%get3A_23, %get3A_24] : memref<2048x1xf32, #tpu.memory_space<vmem>>, vector<2048x1xf32>
    %reduce_sum3A_26 = arith.constant dense<0.000000e+00> : vector<2048xf32>
    %reduce_sum3A_27 = vector.multi_reduction <add>, %convert_element_type3A_16, %reduce_sum3A_26 [1] : vector<2048x2048xf32> to vector<2048xf32>
    %broadcast_in_dim3A_28 = vector.shape_cast %reduce_sum3A_27 : vector<2048xf32> to vector<2048x1xf32>
    %add3A_29 = arith.addf %get3A_25, %broadcast_in_dim3A_28 : vector<2048x1xf32>
    %swap3A_30 = arith.constant 0 : index
    %swap3A_31 = arith.constant 0 : index
    %swap3A_32 = vector.load %arg6[%swap3A_30, %swap3A_31] : memref<2048x1xf32, #tpu.memory_space<vmem>>, vector<2048x1xf32>
    tpu.vector_store %arg6[%swap3A_30, %swap3A_31], %add3A_29 {strides = array<i32>} : memref<2048x1xf32, #tpu.memory_space<vmem>>, vector<2048x1xf32>,
    %eq3A_33 = arith.constant 4 : i32
    %eq3A_34 = arith.cmpi eq, %arg0, %eq3A_33 : i32
    %convert_element_type3A_35 = arith.extui %eq3A_34 : i1 to i32
    %cond3A_36 = arith.constant 0 : i32
    %cond3A_37 = arith.cmpi ne, %convert_element_type3A_35, %cond3A_36 : i32
    scf.if %cond3A_37 {
      %get3A_38 = arith.constant 0 : index
      %get3A_39 = arith.constant 0 : index
      %get3A_40 = vector.load %arg5[%get3A_38, %get3A_39] : memref<2048x256xf32, #tpu.memory_space<vmem>>, vector<2048x256xf32>
      %swap3A_41 = arith.constant 0 : index
      %swap3A_42 = arith.constant 0 : index
      %swap3A_43 = vector.load %arg3[%swap3A_41, %swap3A_42] : memref<2048x256xf32, #tpu.memory_space<vmem>>, vector<2048x256xf32>
      tpu.vector_store %arg3[%swap3A_41, %swap3A_42], %get3A_40 {strides = array<i32>} : memref<2048x256xf32, #tpu.memory_space<vmem>>, vector<2048x256xf32>,
      %get3A_44 = arith.constant 0 : index
      %get3A_45 = arith.constant 0 : index
      %get3A_46 = vector.load %arg6[%get3A_44, %get3A_45] : memref<2048x1xf32, #tpu.memory_space<vmem>>, vector<2048x1xf32>
      %swap3A_47 = arith.constant 0 : index
      %swap3A_48 = arith.constant 0 : index
      %swap3A_49 = vector.load %arg4[%swap3A_47, %swap3A_48] : memref<2048x1xf32, #tpu.memory_space<vmem>>, vector<2048x1xf32>
      tpu.vector_store %arg4[%swap3A_47, %swap3A_48], %get3A_46 {strides = array<i32>} : memref<2048x1xf32, #tpu.memory_space<vmem>>, vector<2048x1xf32>,
    } else {
    }
    return
  }
  func.func @transform_0(%arg0: i32) -> (i32, i32) {
    %add3A = arith.constant 3 : i32
    %add3A_0 = arith.addi %arg0, %add3A : i32
    %c0_i32 = arith.constant 0 : i32
    %c0_i32_1 = arith.constant 0 : i32
    return %add3A_0, %c0_i32 : i32, i32
  }
  func.func @transform_1(%arg0: i32) -> (i32, i32, i32) {
    %add3A = arith.constant 3 : i32
    %add3A_0 = arith.addi %arg0, %add3A : i32
    %c0_i32 = arith.constant 0 : i32
    %c0_i32_1 = arith.constant 0 : i32
    %c0_i32_2 = arith.constant 0 : i32
    return %add3A_0, %c0_i32, %c0_i32_1 : i32, i32, i32
  }
  func.func @transform_2(%arg0: i32) -> (i32, i32) {
    %c0_i32 = arith.constant 0 : i32
    %c0_i32_0 = arith.constant 0 : i32
    %c0_i32_1 = arith.constant 0 : i32
    return %c0_i32, %c0_i32_0 : i32, i32
  }
  func.func @transform_3(%arg0: i32) -> (i32, i32) {
    %c0_i32 = arith.constant 0 : i32
    %c0_i32_0 = arith.constant 0 : i32
    %c0_i32_1 = arith.constant 0 : i32
    return %c0_i32, %c0_i32_0 : i32, i32
  }
}

module attributes {stable_mosaic.version = 14 : i64} {
  func.func @_epi_body(%arg0: memref<2x2048x256xf32, #tpu.memory_space<vmem>>, %arg1: memref<32x2048xf32, #tpu.memory_space<vmem>>, %arg2: memref<2048x256xf32, #tpu.memory_space<vmem>>, %arg3: memref<2048x1xf32, #tpu.memory_space<vmem>>, %arg4: memref<2000x256xf32, #tpu.memory_space<vmem>>, %arg5: memref<2048x1xf32, #tpu.memory_space<vmem>>, %arg6: memref<2x256xf32, #tpu.memory_space<vmem>>, %arg7: memref<2000x256xf32, #tpu.memory_space<vmem>>) attributes {dimension_semantics = [], scalar_prefetch = 0 : i64, scratch_operands = 0 : i64, tpu.core_type = #tpu.core_type<tc>} {
    %get3A = arith.constant 0 : index
    %get3A_0 = arith.constant 0 : index
    %get3A_1 = arith.constant 0 : index
    %get3A_2 = vector.load %arg0[%get3A, %get3A_0, %get3A_1] : memref<2x2048x256xf32, #tpu.memory_space<vmem>>, vector<1x2048x256xf32>
    %get3A_3 = vector.shape_cast %get3A_2 : vector<1x2048x256xf32> to vector<2048x256xf32>
    %get3A_4 = arith.constant 1 : index
    %get3A_5 = arith.constant 0 : index
    %get3A_6 = arith.constant 0 : index
    %get3A_7 = vector.load %arg0[%get3A_4, %get3A_5, %get3A_6] : memref<2x2048x256xf32, #tpu.memory_space<vmem>>, vector<1x2048x256xf32>
    %get3A_8 = vector.shape_cast %get3A_7 : vector<1x2048x256xf32> to vector<2048x256xf32>
    %add3A = arith.addf %get3A_3, %get3A_8 : vector<2048x256xf32>
    %get3A_9 = arith.constant 0 : index
    %get3A_10 = arith.constant 0 : index
    %get3A_11 = vector.load %arg2[%get3A_9, %get3A_10] : memref<2048x256xf32, #tpu.memory_space<vmem>>, vector<2048x256xf32>
    %add3A_12 = arith.addf %add3A, %get3A_11 : vector<2048x256xf32>
    %get3A_13 = arith.constant 0 : index
    %get3A_14 = arith.constant 0 : index
    %get3A_15 = vector.load %arg1[%get3A_13, %get3A_14] : memref<32x2048xf32, #tpu.memory_space<vmem>>, vector<32x2048xf32>
    %reduce_sum3A = arith.constant dense<0.000000e+00> : vector<2048xf32>
    %reduce_sum3A_16 = vector.multi_reduction <add>, %get3A_15, %reduce_sum3A [0] : vector<32x2048xf32> to vector<2048xf32>
    %reshape3A = vector.shape_cast %reduce_sum3A_16 : vector<2048xf32> to vector<2048x1xf32>
    %get3A_17 = arith.constant 0 : index
    %get3A_18 = arith.constant 0 : index
    %get3A_19 = vector.load %arg3[%get3A_17, %get3A_18] : memref<2048x1xf32, #tpu.memory_space<vmem>>, vector<2048x1xf32>
    %add3A_20 = arith.addf %reshape3A, %get3A_19 : vector<2048x1xf32>
    %get3A_21 = arith.constant 0 : index
    %get3A_22 = arith.constant 0 : index
    %get3A_23 = vector.load %arg4[%get3A_21, %get3A_22] : memref<2000x256xf32, #tpu.memory_space<vmem>>, vector<2000x256xf32>
    %broadcast_in_dim3A = arith.constant 0.000000e+00 : f32
    %broadcast_in_dim3A_24 = vector.broadcast %broadcast_in_dim3A : f32 to vector<48x256xf32>
    %concatenate3A = tpu.concatenate %get3A_23, %broadcast_in_dim3A_24 in 0 : vector<2000x256xf32>, vector<48x256xf32> -> vector<2048x256xf32>
    %get3A_25 = arith.constant 0 : index
    %get3A_26 = arith.constant 0 : index
    %get3A_27 = vector.load %arg5[%get3A_25, %get3A_26] : memref<2048x1xf32, #tpu.memory_space<vmem>>, vector<2048x1xf32>
    %ge3A = arith.constant 1.000000e+00 : f32
    %ge3A_28 = vector.broadcast %ge3A : f32 to vector<2048x1xf32>
    %ge3A_29 = arith.cmpf oge, %add3A_20, %ge3A_28 : vector<2048x1xf32>
    %convert_element_type3A = arith.extui %ge3A_29 : vector<2048x1xi1> to vector<2048x1xi32>
    %convert_element_type3A_30 = arith.sitofp %convert_element_type3A : vector<2048x1xi32> to vector<2048x1xf32>
    %max3A = arith.constant 1.000000e+00 : f32
    %max3A_31 = vector.broadcast %max3A : f32 to vector<2048x1xf32>
    %max3A_32 = arith.maximumf %add3A_20, %max3A_31 : vector<2048x1xf32>
    %div3A = vector.broadcast %max3A_32 : vector<2048x1xf32> to vector<2048x256xf32>
    %div3A_33 = arith.divf %add3A_12, %div3A : vector<2048x256xf32>
    %mul3A = arith.constant 9.900000e-01 : f32
    %mul3A_34 = vector.broadcast %mul3A : f32 to vector<2048x256xf32>
    %mul3A_35 = arith.mulf %mul3A_34, %concatenate3A : vector<2048x256xf32>
    %mul3A_36 = arith.constant 0.00999999977 : f32
    %mul3A_37 = vector.broadcast %mul3A_36 : f32 to vector<2048x256xf32>
    %mul3A_38 = arith.mulf %mul3A_37, %div3A_33 : vector<2048x256xf32>
    %add3A_39 = arith.addf %mul3A_35, %mul3A_38 : vector<2048x256xf32>
    %gt3A = arith.constant 0.000000e+00 : f32
    %gt3A_40 = vector.broadcast %gt3A : f32 to vector<2048x1xf32>
    %gt3A_41 = arith.cmpf ogt, %get3A_27, %gt3A_40 : vector<2048x1xf32>
    %broadcast_in_dim3A_42 = vector.shape_cast %gt3A_41 : vector<2048x1xi1> to vector<2048x1xi1>
    %broadcast_in_dim3A_43 = vector.broadcast %broadcast_in_dim3A_42 : vector<2048x1xi1> to vector<2048x256xi1>
    %select_n3A = arith.select %broadcast_in_dim3A_43, %add3A_39, %div3A_33 : vector<2048x256xi1>, vector<2048x256xf32>
    %gt3A_44 = arith.constant 0.000000e+00 : f32
    %gt3A_45 = vector.broadcast %gt3A_44 : f32 to vector<2048x1xf32>
    %gt3A_46 = arith.cmpf ogt, %convert_element_type3A_30, %gt3A_45 : vector<2048x1xf32>
    %broadcast_in_dim3A_47 = vector.shape_cast %gt3A_46 : vector<2048x1xi1> to vector<2048x1xi1>
    %broadcast_in_dim3A_48 = vector.broadcast %broadcast_in_dim3A_47 : vector<2048x1xi1> to vector<2048x256xi1>
    %select_n3A_49 = arith.select %broadcast_in_dim3A_48, %select_n3A, %concatenate3A : vector<2048x256xi1>, vector<2048x256xf32>
    %slice3A = vector.extract_strided_slice %select_n3A_49 {offsets = [0, 0], sizes = [2000, 256], strides = [1, 1]} : vector<2048x256xf32> to vector<2000x256xf32>
    %swap3A = arith.constant 0 : index
    %swap3A_50 = arith.constant 0 : index
    %swap3A_51 = vector.load %arg7[%swap3A, %swap3A_50] : memref<2000x256xf32, #tpu.memory_space<vmem>>, vector<2000x256xf32>
    tpu.vector_store %arg7[%swap3A, %swap3A_50], %slice3A {strides = array<i32>} : memref<2000x256xf32, #tpu.memory_space<vmem>>, vector<2000x256xf32>,
    %max3A_52 = arith.maximumf %get3A_27, %convert_element_type3A_30 : vector<2048x1xf32>
    %mul3A_53 = arith.mulf %select_n3A_49, %select_n3A_49 : vector<2048x256xf32>
    %reduce_sum3A_54 = arith.constant dense<0.000000e+00> : vector<2048xf32>
    %reduce_sum3A_55 = vector.multi_reduction <add>, %mul3A_53, %reduce_sum3A_54 [1] : vector<2048x256xf32> to vector<2048xf32>
    %broadcast_in_dim3A_56 = vector.shape_cast %reduce_sum3A_55 : vector<2048xf32> to vector<2048x1xf32>
    %sqrt3A = math.sqrt %broadcast_in_dim3A_56 : vector<2048x1xf32>
    %max3A_57 = arith.constant 9.99999996E-13 : f32
    %max3A_58 = vector.broadcast %max3A_57 : f32 to vector<2048x1xf32>
    %max3A_59 = arith.maximumf %sqrt3A, %max3A_58 : vector<2048x1xf32>
    %div3A_60 = vector.broadcast %max3A_59 : vector<2048x1xf32> to vector<2048x256xf32>
    %div3A_61 = arith.divf %select_n3A_49, %div3A_60 : vector<2048x256xf32>
    %iota3A = tpu.iota {dimensions = array<i32: 0>} : vector<2048x1xi32>
    %lt3A = arith.constant 2000 : i32
    %lt3A_62 = vector.broadcast %lt3A : i32 to vector<2048x1xi32>
    %lt3A_63 = arith.cmpi slt, %iota3A, %lt3A_62 : vector<2048x1xi32>
    %convert_element_type3A_64 = arith.extui %lt3A_63 : vector<2048x1xi1> to vector<2048x1xi32>
    %convert_element_type3A_65 = arith.sitofp %convert_element_type3A_64 : vector<2048x1xi32> to vector<2048x1xf32>
    %jit3A = arith.constant 2 : i32
    %eq3A = arith.constant 0 : i32
    %eq3A_66 = arith.cmpi eq, %jit3A, %eq3A : i32
    %jit3A_67 = arith.constant 1 : i32
    %select_n3A_68 = arith.select %eq3A_66, %jit3A_67, %jit3A : i32
    %rem3A = vector.broadcast %select_n3A_68 : i32 to vector<2048x1xi32>
    %rem3A_69 = arith.remsi %iota3A, %rem3A : vector<2048x1xi32>
    %ne3A = arith.constant 0 : i32
    %ne3A_70 = vector.broadcast %ne3A : i32 to vector<2048x1xi32>
    %ne3A_71 = arith.cmpi ne, %rem3A_69, %ne3A_70 : vector<2048x1xi32>
    %lt3A_72 = arith.constant 0 : i32
    %lt3A_73 = vector.broadcast %lt3A_72 : i32 to vector<2048x1xi32>
    %lt3A_74 = arith.cmpi slt, %rem3A_69, %lt3A_73 : vector<2048x1xi32>
    %lt3A_75 = arith.constant 0 : i32
    %lt3A_76 = arith.cmpi slt, %select_n3A_68, %lt3A_75 : i32
    %ne3A_77 = vector.broadcast %lt3A_76 : i1 to vector<2048x1xi1>
    %ne3A_78 = vector.broadcast %ne3A_77 : vector<2048x1xi1> to vector<2048x1xi1>
    %ne3A_79 = arith.xori %lt3A_74, %ne3A_78 : vector<2048x1xi1>
    %and3A = arith.andi %ne3A_79, %ne3A_71 : vector<2048x1xi1>
    %add3A_80 = vector.broadcast %select_n3A_68 : i32 to vector<2048x1xi32>
    %add3A_81 = arith.addi %rem3A_69, %add3A_80 : vector<2048x1xi32>
    %select_n3A_82 = arith.select %and3A, %add3A_81, %rem3A_69 : vector<2048x1xi1>, vector<2048x1xi32>
    %eq3A_83 = arith.constant 0 : i32
    %eq3A_84 = vector.broadcast %eq3A_83 : i32 to vector<2048x1xi32>
    %eq3A_85 = arith.cmpi eq, %select_n3A_82, %eq3A_84 : vector<2048x1xi32>
    %convert_element_type3A_86 = arith.extui %eq3A_85 : vector<2048x1xi1> to vector<2048x1xi32>
    %convert_element_type3A_87 = arith.sitofp %convert_element_type3A_86 : vector<2048x1xi32> to vector<2048x1xf32>
    %mul3A_88 = arith.mulf %convert_element_type3A_87, %convert_element_type3A_65 : vector<2048x1xf32>
    %jit3A_89 = arith.constant 2 : i32
    %eq3A_90 = arith.constant 0 : i32
    %eq3A_91 = arith.cmpi eq, %jit3A_89, %eq3A_90 : i32
    %jit3A_92 = arith.constant 1 : i32
    %select_n3A_93 = arith.select %eq3A_91, %jit3A_92, %jit3A_89 : i32
    %rem3A_94 = vector.broadcast %select_n3A_93 : i32 to vector<2048x1xi32>
    %rem3A_95 = arith.remsi %iota3A, %rem3A_94 : vector<2048x1xi32>
    %ne3A_96 = arith.constant 0 : i32
    %ne3A_97 = vector.broadcast %ne3A_96 : i32 to vector<2048x1xi32>
    %ne3A_98 = arith.cmpi ne, %rem3A_95, %ne3A_97 : vector<2048x1xi32>
    %lt3A_99 = arith.constant 0 : i32
    %lt3A_100 = vector.broadcast %lt3A_99 : i32 to vector<2048x1xi32>
    %lt3A_101 = arith.cmpi slt, %rem3A_95, %lt3A_100 : vector<2048x1xi32>
    %lt3A_102 = arith.constant 0 : i32
    %lt3A_103 = arith.cmpi slt, %select_n3A_93, %lt3A_102 : i32
    %ne3A_104 = vector.broadcast %lt3A_103 : i1 to vector<2048x1xi1>
    %ne3A_105 = vector.broadcast %ne3A_104 : vector<2048x1xi1> to vector<2048x1xi1>
    %ne3A_106 = arith.xori %lt3A_101, %ne3A_105 : vector<2048x1xi1>
    %and3A_107 = arith.andi %ne3A_106, %ne3A_98 : vector<2048x1xi1>
    %add3A_108 = vector.broadcast %select_n3A_93 : i32 to vector<2048x1xi32>
    %add3A_109 = arith.addi %rem3A_95, %add3A_108 : vector<2048x1xi32>
    %select_n3A_110 = arith.select %and3A_107, %add3A_109, %rem3A_95 : vector<2048x1xi1>, vector<2048x1xi32>
    %eq3A_111 = arith.constant 1 : i32
    %eq3A_112 = vector.broadcast %eq3A_111 : i32 to vector<2048x1xi32>
    %eq3A_113 = arith.cmpi eq, %select_n3A_110, %eq3A_112 : vector<2048x1xi32>
    %convert_element_type3A_114 = arith.extui %eq3A_113 : vector<2048x1xi1> to vector<2048x1xi32>
    %convert_element_type3A_115 = arith.sitofp %convert_element_type3A_114 : vector<2048x1xi32> to vector<2048x1xf32>
    %mul3A_116 = arith.mulf %convert_element_type3A_115, %convert_element_type3A_65 : vector<2048x1xf32>
    %mul3A_117 = arith.mulf %max3A_52, %mul3A_88 : vector<2048x1xf32>
    %mul3A_118 = arith.mulf %max3A_52, %mul3A_116 : vector<2048x1xf32>
    %mul3A_119 = vector.broadcast %mul3A_117 : vector<2048x1xf32> to vector<2048x256xf32>
    %mul3A_120 = arith.mulf %div3A_61, %mul3A_119 : vector<2048x256xf32>
    %reduce_sum3A_121 = arith.constant dense<0.000000e+00> : vector<256xf32>
    %reduce_sum3A_122 = vector.multi_reduction <add>, %mul3A_120, %reduce_sum3A_121 [0] : vector<2048x256xf32> to vector<256xf32>
    %broadcast_in_dim3A_123 = vector.shape_cast %reduce_sum3A_122 : vector<256xf32> to vector<1x256xf32>
    %mul3A_124 = vector.broadcast %mul3A_118 : vector<2048x1xf32> to vector<2048x256xf32>
    %mul3A_125 = arith.mulf %div3A_61, %mul3A_124 : vector<2048x256xf32>
    %reduce_sum3A_126 = arith.constant dense<0.000000e+00> : vector<256xf32>
    %reduce_sum3A_127 = vector.multi_reduction <add>, %mul3A_125, %reduce_sum3A_126 [0] : vector<2048x256xf32> to vector<256xf32>
    %broadcast_in_dim3A_128 = vector.shape_cast %reduce_sum3A_127 : vector<256xf32> to vector<1x256xf32>
    %reduce_sum3A_129 = vector.shape_cast %mul3A_117 : vector<2048x1xf32> to vector<1x2048x1xf32>
    %reduce_sum3A_130 = arith.constant dense<0.000000e+00> : vector<1xf32>
    %reduce_sum3A_131 = vector.multi_reduction <add>, %reduce_sum3A_129, %reduce_sum3A_130 [1, 2] : vector<1x2048x1xf32> to vector<1xf32>
    %reduce_sum3A_132 = vector.shape_cast %reduce_sum3A_131 : vector<1xf32> to vector<1x1x1xf32>
    %reduce_sum3A_133 = vector.extract %reduce_sum3A_132[0, 0, 0] : f32 from vector<1x1x1xf32>
    %max3A_134 = arith.constant 1.000000e+00 : f32
    %max3A_135 = arith.maximumf %reduce_sum3A_133, %max3A_134 : f32
    %reduce_sum3A_136 = vector.shape_cast %mul3A_118 : vector<2048x1xf32> to vector<1x2048x1xf32>
    %reduce_sum3A_137 = arith.constant dense<0.000000e+00> : vector<1xf32>
    %reduce_sum3A_138 = vector.multi_reduction <add>, %reduce_sum3A_136, %reduce_sum3A_137 [1, 2] : vector<1x2048x1xf32> to vector<1xf32>
    %reduce_sum3A_139 = vector.shape_cast %reduce_sum3A_138 : vector<1xf32> to vector<1x1x1xf32>
    %reduce_sum3A_140 = vector.extract %reduce_sum3A_139[0, 0, 0] : f32 from vector<1x1x1xf32>
    %max3A_141 = arith.constant 1.000000e+00 : f32
    %max3A_142 = arith.maximumf %reduce_sum3A_140, %max3A_141 : f32
    %div3A_143 = vector.broadcast %max3A_135 : f32 to vector<1x256xf32>
    %div3A_144 = arith.divf %broadcast_in_dim3A_123, %div3A_143 : vector<1x256xf32>
    %div3A_145 = vector.broadcast %max3A_142 : f32 to vector<1x256xf32>
    %div3A_146 = arith.divf %broadcast_in_dim3A_128, %div3A_145 : vector<1x256xf32>
    %concatenate3A_147 = tpu.concatenate %div3A_144, %div3A_146 in 0 : vector<1x256xf32>, vector<1x256xf32> -> vector<2x256xf32>
    %mul3A_148 = arith.mulf %concatenate3A_147, %concatenate3A_147 : vector<2x256xf32>
    %reduce_sum3A_149 = arith.constant dense<0.000000e+00> : vector<2xf32>
    %reduce_sum3A_150 = vector.multi_reduction <add>, %mul3A_148, %reduce_sum3A_149 [1] : vector<2x256xf32> to vector<2xf32>
    %broadcast_in_dim3A_151 = vector.shape_cast %reduce_sum3A_150 : vector<2xf32> to vector<2x1xf32>
    %sqrt3A_152 = math.sqrt %broadcast_in_dim3A_151 : vector<2x1xf32>
    %max3A_153 = arith.constant 9.99999996E-13 : f32
    %max3A_154 = vector.broadcast %max3A_153 : f32 to vector<2x1xf32>
    %max3A_155 = arith.maximumf %sqrt3A_152, %max3A_154 : vector<2x1xf32>
    %div3A_156 = vector.broadcast %max3A_155 : vector<2x1xf32> to vector<2x256xf32>
    %div3A_157 = arith.divf %concatenate3A_147, %div3A_156 : vector<2x256xf32>
    %swap3A_158 = arith.constant 0 : index
    %swap3A_159 = arith.constant 0 : index
    %swap3A_160 = vector.load %arg6[%swap3A_158, %swap3A_159] : memref<2x256xf32, #tpu.memory_space<vmem>>, vector<2x256xf32>
    tpu.vector_store %arg6[%swap3A_158, %swap3A_159], %div3A_157 {strides = array<i32>} : memref<2x256xf32, #tpu.memory_space<vmem>>, vector<2x256xf32>,
    return
  }
}

</mosaic_0001>

<sc_bundles>
// kernel: _run.5.cloned.1.call-start
scs
__scs_entry_jumppad:
0x0: {  	(pc) =	sbr.rel $0x88, $3  }
0x1: {  	(tag) =	ssettag $0x0;
	lr =	simm.s32 $0x1  }
0x2: {  	[smem:$0x3F9D] =	sst lr;
	_ =	strace $0xD0000000  }
0x3: {  	_ = 	snop  }
0x4: {  	_ = 	snop  }
0x5: {  	_ = 	snop  }
0x6: {  	_ = 	snop  }
0x7: {  	_ = 	snop  }
__scs_overlays_trampoline_lowered:
0x8: {  	[smem:$0x3FAC] =	sst s0  }
0x9: {  	[smem:$0x3FAD] =	sst s1  }
0xa: {  	[smem:$0x3FAE] =	sst s2  }
0xb: {  	[smem:$0x3FAF] =	sst s3  }
0xc: {  	[smem:$0x3FB0] =	sst s4  }
0xd: {  	[smem:$0x3FB1] =	sst s5  }
0xe: {  	[smem:$0x3FB2] =	sst s6  }
0xf: {  	[smem:$0x3FB3] =	sst s7  }
0x10: {  	[smem:$0x3FB4] =	sst s8  }
0x11: {  	[smem:$0x3FB5] =	sst s9;
	s0 =	simm.s32 @!p0 $0x0  }
0x12: {  	s1 =	sld [smem:$0x3F9B];
	s0 =	simm.s32 @p0 $0x1  }
0x13: {  	[smem:$0x3FB6] =	sst s0;
	s0 =	simm.s32 @!p1 $0x0  }
0x14: {  	s2 =	sld [smem:$0x3F9A];
	s0 =	simm.s32 @p1 $0x1  }
0x15: {  	[smem:$0x3FB7] =	sst s0;
	s0 =	simm.s32 @!p2 $0x0  }
0x16: {  	s3 =	sld [smem:$0x3FDB];
	s0 =	simm.s32 @p2 $0x1  }
0x17: {  	s4 =	simm.s32 $0x1BF5;
	[smem:$0x3FB9] =	sst s0  }
0x18: {  	s0 =	sld [smem:$0x3F9C];
	_ =	swait.ge [sflag:s4], $0x0  }
0x19: {  	s7 =	sld [smem:$0x3F9D]  }
0x1a: {  	s8 =	sadd.s32 $0xFFFFE003, lr  }
0x1b: {  	s9 =	sadd.s32 $0xFFFFFEF7, lr;
	s5 =	simm.s32 $0xFFFFFFFF;
	p2 =	slt.u32 s8, $0xFFFFF086  }
0x1c: {  	p1 =	slt.u32 s9, $0xF7A;
	s5 =	simm.s32 @!p2 $0x0  }
0x1d: {  	s5 =	simm.s32 @p1 $0x1;
	p0 =	seq.s32 s7, s2  }
0x1e: {  	s7 =	smul.u32 @!p0 $0xF7A, s2;
	p2 =	seq.s32 @!p0 s5, $0x0  }
0x1f: {  	s9 =	smul.u32 $0xF7A, s1;
	s8 =	simm.s32 @!p0 $0x1BF5;
	p2 =	por !p2, p0  }
0x20: {  	[sflag:s8] =	ssyncset.s32 @!p0 $0xFFFFF086;
	s6 =	sadd.s32 @!p0 s3, s7;
	s7 =	simm.s32 @!p0 $0x108  }
0x21: {  	s3 =	sadd.s32 s3, s9;
	s6 =	sadd.s32 @!p0 $0x88, s6;
	s7 =	simm.s32 @p2 $0x1082  }
0x22: {  	[simem:s7], [sflag:s8] =	dma.local @!p0 [hbm:s6], $0xF7A  }
0x23: {  	s9 =	sor.u32 $0xD0000000, s2;
	s6 =	simm.s32 $0x108;
	_ =	swait.ge @!p0 [sflag:s8], $0x0  }
0x24: {  	s3 =	sadd.s32 $0x88, s3;
	s6 =	simm.s32 @!p1 $0x1082;
	[sflag:s4] =	ssyncset.s32 $0xFFFFF086  }
0x25: {  	[simem:s6], [sflag:s4] =	dma.local [hbm:s3], $0xF7A  }
0x26: {  	[smem:$0x3F9D] =	sst s1;
	(tag) =	ssettag s2;
	_ =	strace s9  }
0x27: {  	s1 =	sld [smem:$0x3FAD]  }
0x28: {  	s2 =	sld [smem:$0x3FAE]  }
0x29: {  	s4 =	sld [smem:$0x3FB0]  }
0x2a: {  	p0 =	seq.s32 s5, $0x0;
	s5 =	sld [smem:$0x3FB1]  }
0x2b: {  	s6 =	sld [smem:$0x3FB2]  }
0x2c: {  	s7 =	sld [smem:$0x3FB3]  }
0x2d: {  	s3 =	simm.s32 $0x108;
	s8 =	sld [smem:$0x3FB4]  }
0x2e: {  	s3 =	simm.s32 @!p0 $0x1082;
	s9 =	sld [smem:$0x3FB5]  }
0x2f: {  	lr =	sadd.s32 s0, s3;
	s0 =	sld [smem:$0x3FAC]  }
0x30: {  	s3 =	sld [smem:$0x3FAF]  }
0x31: {  	[smem:$0x3FB8] =	sst s10  }
0x32: {  	s10 =	sld [smem:$0x3FB6];
	_ =	sdelay $0x3  }
0x33: {  	p0 =	seq.s32 s10, $0x1;
	s10 =	sld [smem:$0x3FB8];
	_ =	sdelay $0x3  }
0x34: {  	[smem:$0x3FB8] =	sst s10  }
0x35: {  	s10 =	sld [smem:$0x3FB7];
	_ =	sdelay $0x3  }
0x36: {  	p1 =	seq.s32 s10, $0x1;
	s10 =	sld [smem:$0x3FB8];
	_ =	sdelay $0x3  }
0x37: {  	[smem:$0x3FB8] =	sst s10  }
0x38: {  	s10 =	sld [smem:$0x3FB9]  }
0x39: {  	_ = 	snop;
	(pc) =	sbr.ind lr, $3  }
0x3a: {  	_ = 	snop  }
0x3b: {  	_ = 	snop  }
0x3c: {  	p2 =	seq.s32 s10, $0x1;
	s10 =	sld [smem:$0x3FB8]  }
0x3d: {  	_ =	shalt  }
0x3e: {  	_ =	shalt  }
0x3f: {  	_ =	shalt  }
0x40: {  	_ =	shalt  }
0x41: {  	_ =	shalt  }
0x42: {  	_ =	shalt  }
0x43: {  	_ =	shalt  }
0x44: {  	_ =	shalt  }
0x45: {  	_ =	shalt  }
0x46: {  	_ =	shalt  }
0x47: {  	_ =	shalt  }
0x48: {  	_ =	shalt  }
0x49: {  	_ =	shalt  }
0x4a: {  	_ =	shalt  }
0x4b: {  	_ =	shalt  }
0x4c: {  	_ =	shalt  }
0x4d: {  	_ =	shalt  }
0x4e: {  	_ =	shalt  }
0x4f: {  	_ =	shalt  }
0x50: {  	_ =	shalt  }
0x51: {  	_ =	shalt  }
0x52: {  	_ =	shalt  }
0x53: {  	_ =	shalt  }
0x54: {  	_ =	shalt  }
0x55: {  	_ =	shalt  }
0x56: {  	_ =	shalt  }
0x57: {  	_ =	shalt  }
0x58: {  	_ =	shalt  }
0x59: {  	_ =	shalt  }
0x5a: {  	_ =	shalt  }
0x5b: {  	_ =	shalt  }
0x5c: {  	_ =	shalt  }
0x5d: {  	_ =	shalt  }
0x5e: {  	_ =	shalt  }
0x5f: {  	_ =	shalt  }
0x60: {  	_ =	shalt  }
0x61: {  	_ =	shalt  }
0x62: {  	_ =	shalt  }
0x63: {  	_ =	shalt  }
0x64: {  	_ =	shalt  }
0x65: {  	_ =	shalt  }
0x66: {  	_ =	shalt  }
0x67: {  	_ =	shalt  }
0x68: {  	_ =	shalt  }
0x69: {  	_ =	shalt  }
0x6a: {  	_ =	shalt  }
0x6b: {  	_ =	shalt  }
0x6c: {  	_ =	shalt  }
0x6d: {  	_ =	shalt  }
0x6e: {  	_ =	shalt  }
0x6f: {  	_ =	shalt  }
0x70: {  	_ =	shalt  }
0x71: {  	_ =	shalt  }
0x72: {  	_ =	shalt  }
0x73: {  	_ =	shalt  }
0x74: {  	_ =	shalt  }
0x75: {  	_ =	shalt  }
0x76: {  	_ =	shalt  }
0x77: {  	_ =	shalt  }
0x78: {  	_ =	shalt  }
0x79: {  	_ =	shalt  }
0x7a: {  	_ =	shalt  }
0x7b: {  	_ =	shalt  }
0x7c: {  	_ =	shalt  }
0x7d: {  	_ =	shalt  }
0x7e: {  	_ =	shalt  }
0x7f: {  	_ =	shalt  }
0x80: {  	_ =	shalt  }
0x81: {  	_ =	shalt  }
0x82: {  	_ =	shalt  }
0x83: {  	_ =	shalt  }
0x84: {  	_ =	shalt  }
0x85: {  	_ =	shalt  }
0x86: {  	_ =	shalt  }
0x87: {  	_ =	shalt  }
.Lfunc_end0:
.L_simem_size_0:
called_computation_lowered:
.L_overlay_start_0:
0x88: {  	s2 =	sld [smem:$0x3FD9]  }
0x89: {  	s3 =	sld [smem:$0x3FFE];
	_ =	sdelay $0x1  }
0x8a: {  	s1 =	srdreg.scid  }
0x8b: {  	s0 =	sand.u32 $0x1, s1  }
0x8c: {  	s14 =	sshll.u32 s0, $0xA;
	s2 =	sadd.s32 s3, s2  }
0x8d: {  	s2 =	sadd.s32 s2, s14  }
0x8e: {  	[smem:$0x3FC4] =	sst s2  }
0x8f: {  	_ = 	snop  }
0x90: {  	s2 =	sld [smem:$0x3FD0];
	_ =	sdelay $0x2  }
0x91: {  	s4 =	simm.s32 $0xA;
	s5 =	simm.s32 $0x10;
	s15 =	sld [smem:$0x3FC8]  }
0x92: {  	[smem:s5], [sflag:s4] =	dma.local [hbm:s2], $0x1  }
0x93: {  	_ =	swait.eq [sflag:s4], $0x1  }
0x94: {  	[sflag:s4] =	ssyncset.done $0x0  }
0x95: {  	[sflag:s4] =	ssyncadd.s32 $0xFFFFFFFF  }
0x96: {  	s16 =	sld [smem:$0x11];
	(tm) =	ssettm $0x1  }
0x97: {  	s17 =	sld [smem:$0x3FFB];
	_ =	sdelay $0x3  }
0x98: {  	_ =	strace s17  }
0x99: {  	s4 =	sld [smem:$0x3FFC];
	_ =	sdelay $0x3  }
0x9a: {  	_ =	strace s4  }
0x9b: {  	s4 =	sld [smem:$0x3FFD];
	_ =	sdelay $0x3  }
0x9c: {  	_ =	strace s4  }
0x9d: {  	_ =	strace $0x8FFFFFFF  }
0x9e: {  	s18 =	sld [smem:$0x3FDB];
	_ =	sdelay $0x1  }
0x9f: {  	s19 =	simm.s32 $_scs_section_size  }
0xa0: {  	s6 =	simm.s32 $_size__tile_overlayer_lowered;
	s7 =	simm.s32 $_tile_overlayer_lowered  }
0xa1: {  	s22 =	simm.s32 $0x1BFF;
	s21 =	sshll.u32 s7, $0x1;
	s4 =	sadd.s32 s19, s18  }
0xa2: {  	s8 =	simm.s32 $0x0;
	s20 =	sshll.u32 s6, $0x1;
	s6 =	sadd.s32 s21, s4  }
0xa3: {  	[timem:s8], [sflag:s22] =	dma.local [hbm:s6], s20  }
0xa4: {  	_ =	swait.ge [sflag:s22], s20  }
0xa5: {  	s5 =	ssub.s32 $0x0, s20;
	[sflag:s22] =	ssyncset.done $0x0  }
0xa6: {  	[sflag:s22] =	ssyncadd.s32 s5;
	_ =	sdelay $0x1  }
0xa7: {  	s23 =	simm.s32 $0x1B8B  }
0xa8: {  	_ =	swait.ge [sflag:s23], $0x1  }
0xa9: {  	[sflag:s23] =	ssyncset.done $0x0  }
0xaa: {  	s25 =	simm.s32 $0x1B8E;
	s24 =	sld [smem:$0x3FFE];
	[sflag:s23] =	ssyncadd.s32 $0xFFFFFFFF  }
0xab: {  	s26 =	simm.s32 $execute0_lowered;
	[smem:$0x3FD2] =	sst s25  }
0xac: {  	s6 =	sshll.u32 s26, $0x1;
	_ =	strace $0x80000046;
	[dreg:$0x1] =	wrdreg $0xFFFFFFFF  }
0xad: {  	s28 =	simm.s32 $_size_execute0_lowered;
	s4 =	sadd.s32 s4, s6;
	[dreg:$0x0] =	wrdreg $0x0  }
0xae: {  	s6 =	sshll.u32 s28, $0x1;
	[dreg:$0x2] =	wrdreg s4  }
0xaf: {  	[dreg:$0x3] =	wrdreg s6  }
0xb0: {  	[dreg:$0x4] =	wrdreg $0xC0  }
0xb1: {  	_ =	task [dreg:s8], $0x5FFFF  }
0xb2: {  	[dreg:$0x1] =	wrdreg $0xFFFFFFFF  }
0xb3: {  	[dreg:$0x0] =	wrdreg $0x60  }
0xb4: {  	[dreg:$0x2] =	wrdreg s24  }
0xb5: {  	[dreg:$0x3] =	wrdreg s15  }
0xb6: {  	[dreg:$0x4] =	wrdreg s16  }
0xb7: {  	[dreg:$0x5] =	wrdreg $0x158C00  }
0xb8: {  	[dreg:$0x6] =	wrdreg $0x9  }
0xb9: {  	_ =	task.clear_ibuf [dreg:s8], $0x7FFFF;
	_ =	strace $0x90000046  }
0xba: {  	s29 =	simm.s32 $0x9;
	_ =	strace $0x80000048  }
0xbb: {  	_ =	swait.ge [sflag:s29], $0x1  }
0xbc: {  	[sflag:s29] =	ssyncadd.s32 $0xFFFFFFFF  }
0xbd: {  	_ =	strace $0x90000048  }
0xbe: {  	_ =	sfence  }
0xbf: {  	s30 =	sld [smem:$0x0];
	_ =	sdelay $0x2  }
0xc0: {  	s31 =	sshll.u32 s1, $0xD;
	s1 =	sshrl.u32 s1, $0x2  }
0xc1: {  	s3 =	sand.u32 $0x4000, s31;
	s1 =	sadd.s32 s1, s30  }
0xc2: {  	s0 =	sor.u32 s3, s0;
	s1 =	sshll.u32 s1, $0x11  }
0xc3: {  	s0 =	sor.u32 s1, s0  }
0xc4: {  	s0 =	sadd.s32 $0x8F2B, s0  }
0xc5: {  	[sflag:s0] =	ssyncadd.remote.s32 $0x1  }
0xc6: {  	_ =	sfence.sel $0xFFFF  }
0xc7: {  	[dreg:$0x0] =	wrdreg $0xFFFFFFFF;
	(pc) =	sbr.abs _section_cstart, $3  }
0xc8: {  	[dreg:$0x1] =	wrdreg $0xFFFFFFFF  }
0xc9: {  	_ =	task.clear_ibuf [dreg:s8], $0x2FFFF;
	_ =	strace $0x9FFFFFFF  }
0xca: {  	(tm) =	ssettm $0x7FFFFFFF  }
0xcb: {  	_ =	shalt  }
tec
execute0_lowered:
.L_overlay_start_1:
0x0: {  	(tag) =	ssettag $0x1  }
0x1: {  	s0 =	rddreg [dreg:$0x0]  }
0x2: {  	s2 =	rddreg [dreg:$0x1]  }
0x3: {  	s5 =	rddreg [dreg:$0x2]  }
0x4: {  	s1 =	rddreg [dreg:$0x3]  }
0x5: {  	s3 =	simm.s32 $0x0;
	s4 =	srdreg.scid;
	s10 =	stileid.u32  }
0x6: {  	s28 =	simm.s32 $0xC080;
	s29 =	simm.s32 $0x1;
	s30 =	simm.s32 $0xC0C0  }
0x7: {  	s31 =	simm.s32 $0x40;
	[smem:$0x7FF] =	sst s3;
	s4 =	sand.u32 $0x1, s4  }
0x8: {  	s7 =	sshll.u32 s10, $0xF;
	s9 =	sadd.s32 $0x2200, s0;
	s8 =	sshll.u32 s4, $0x4  }
0x9: {  	_ =	strace $0x80000047;
	s6 =	sshll.u32 s4, $0x13;
	s8 =	sor.u32 s10, s8  }
0xa: {  	s4 =	ssub.s32 $0x2, s4;
	s6 =	sor.u32 s7, s6;
	s10 =	smul.u32 $0xC0, s8  }
0xb: {  	s21 =	sshrl.u32 s4, $0x1;
	s6 =	sshrl.u32 s6, $0x3;
	s11 =	smul.u32 $0x1800, s8  }
0xc: {  	v0 =	vimm.s32 $0xFEDCBA98;
	s8 =	sshll.u32 s8, $0x8;
	s0 =	sadd.s32 s6, s0;
	s6 =	ssub.s32 s4, s21  }
0xd: {  	v1 =	vimm.s32 $0x76543210;
	v2 =	vimm.s32 $0xBA98FEDC;
	s4 =	sadd.s32 s7, s1;
	s21 =	simm.s32 $0x148C0;
	s22 =	sshrl.u32 s10, $0x3  }
0xe: {  	v3 =	vimm.s32 $0x32107654;
	v4 =	vimm.s32 $0xDCFE98BA;
	v5 =	vimm.s32 $0x54761032;
	s11 =	sadd.s32 s9, s11;
	s23 =	sadd.s32 $0x40, s10;
	s10 =	sadd.s32 $0x80, s10  }
0xf: {  	v6 =	vimm.s32 $0xEFCDAB89;
	v7 =	vimm.s32 $0x67452301;
	v0 =	vunpack.c.l.s4.s8 v0;
	s12 =	sadd.s32 $0x82200, s0;
	s13 =	smax.u32 s6, $0x1;
	s14 =	sadd.s32 $0x1000, s4  }
0x10: {  	v1 =	vunpack.c.l.s4.s8 v1;
	v2 =	vunpack.c.l.s4.s8 v2;
	v3 =	vunpack.c.l.s4.s8 v3;
	s15 =	sadd.s32 $0x2000, s4;
	s16 =	sadd.s32 $0x3000, s4;
	s17 =	sadd.s32 $0x4000, s4  }
0x11: {  	v4 =	vunpack.c.l.s4.s8 v4;
	v5 =	vunpack.c.l.s4.s8 v5;
	v6 =	vunpack.c.l.s4.s8 v6;
	s18 =	sadd.s32 $0x5000, s4;
	s19 =	sadd.s32 $0x6000, s4;
	s20 =	sadd.s32 $0x7000, s4  }
0x12: {  	v7 =	vunpack.c.l.s4.s8 v7;
	v0 =	vunpack.c.0.s8.s32 v0;
	v2 =	vunpack.c.0.s8.s32 v2;
	s0 =	simm.s32 $0x2;
	[dreg:$0x5] =	wrdreg s11;
	s7 =	sadd.s32 s2, s22  }
0x13: {  	v3 =	vunpack.c.0.s8.s32 v3;
	v4 =	vunpack.c.0.s8.s32 v4;
	v5 =	vunpack.c.0.s8.s32 v5;
	s24 =	sshll.u32 s23, $0x5;
	s25 =	sshll.u32 s10, $0x5;
	s26 =	sshrl.u32 s10, $0x3  }
0x14: {  	v1 =	vunpack.c.0.s8.s32 v1;
	v6 =	vunpack.c.0.s8.s32 v6;
	v7 =	vunpack.c.0.s8.s32 v7;
	s22 =	simm.s32 $0x3;
	[dreg:$0x6] =	wrdreg s7;
	s7 =	sshrl.u32 s23, $0x3  }
0x15: {  	v2 =	vcombine.low v3, v2;
	v3 =	vand.u32 $0xF, v0;
	v4 =	vcombine.low v5, v4;
	s11 =	sadd.s32 s9, s24;
	s9 =	sadd.s32 s9, s25;
	s10 =	sadd.s32 s2, s26  }
0x16: {  	v0 =	vimm.f32 $0.0e+00;
	v5 =	vcombine.low v7, v6;
	v6 =	vlaneseq.u32;
	s23 =	simm.s32 $0xC000;
	s24 =	simm.s32 $0x4000;
	s25 =	simm.s32 $0xC040  }
0x17: {  	v1 =	vcombine.low v3, v1;
	v2 =	vand.u32 $0xF, v2;
	v3 =	vand.u32 $0xF, v4;
	s26 =	simm.s32 $0x8000;
	[dreg:$0x7] =	wrdreg s11;
	s7 =	sadd.s32 s2, s7  }
0x18: {  	v4 =	vand.u32 $0xF, v5;
	v5 =	vmul.u32 $0x800, v6;
	v6 =	vimm.f32 $1.000000000e+00;
	s11 =	sadd.s32 s5, s8;
	s2 =	simm.s32 $0x0;
	[dreg:$0x8] =	wrdreg s7  }
.LBB2_1:
0x19: {  	[tilespmem:$0x148C0] =	vst v0  }
0x1a: {  	[tilespmem:$0x148D0] =	vst v0  }
0x1b: {  	[tilespmem:$0x148E0] =	vst v0  }
0x1c: {  	[tilespmem:$0x148F0] =	vst v0  }
0x1d: {  	[tilespmem:$0x14900] =	vst v0  }
0x1e: {  	[tilespmem:$0x14910] =	vst v0  }
0x1f: {  	[tilespmem:$0x14920] =	vst v0  }
0x20: {  	[tilespmem:$0x14930] =	vst v0  }
0x21: {  	[tilespmem:$0x14940] =	vst v0  }
0x22: {  	[tilespmem:$0x14950] =	vst v0  }
0x23: {  	[tilespmem:$0x14960] =	vst v0  }
0x24: {  	[tilespmem:$0x14970] =	vst v0  }
0x25: {  	[tilespmem:$0x14980] =	vst v0  }
0x26: {  	[tilespmem:$0x14990] =	vst v0  }
0x27: {  	[tilespmem:$0x149A0] =	vst v0  }
0x28: {  	[tilespmem:$0x149B0] =	vst v0  }
0x29: {  	[tilespmem:$0x149C0] =	vst v0  }
0x2a: {  	[tilespmem:$0x149D0] =	vst v0  }
0x2b: {  	[tilespmem:$0x149E0] =	vst v0  }
0x2c: {  	[tilespmem:$0x149F0] =	vst v0  }
0x2d: {  	[tilespmem:$0x14A00] =	vst v0  }
0x2e: {  	[tilespmem:$0x14A10] =	vst v0  }
0x2f: {  	[tilespmem:$0x14A20] =	vst v0  }
0x30: {  	[tilespmem:$0x14A30] =	vst v0  }
0x31: {  	[tilespmem:$0x14A40] =	vst v0  }
0x32: {  	[tilespmem:$0x14A50] =	vst v0  }
0x33: {  	[tilespmem:$0x14A60] =	vst v0  }
0x34: {  	[tilespmem:$0x14A70] =	vst v0  }
0x35: {  	[tilespmem:$0x14A80] =	vst v0  }
0x36: {  	[tilespmem:$0x14A90] =	vst v0  }
0x37: {  	[tilespmem:$0x14AA0] =	vst v0  }
0x38: {  	[tilespmem:$0x14AB0] =	vst v0  }
0x39: {  	[tilespmem:$0x14AC0] =	vst v0  }
0x3a: {  	[tilespmem:$0x14AD0] =	vst v0  }
0x3b: {  	[tilespmem:$0x14AE0] =	vst v0  }
0x3c: {  	[tilespmem:$0x14AF0] =	vst v0  }
0x3d: {  	[tilespmem:$0x14B00] =	vst v0  }
0x3e: {  	[tilespmem:$0x14B10] =	vst v0  }
0x3f: {  	[tilespmem:$0x14B20] =	vst v0  }
0x40: {  	[tilespmem:$0x14B30] =	vst v0  }
0x41: {  	[tilespmem:$0x14B40] =	vst v0  }
0x42: {  	[tilespmem:$0x14B50] =	vst v0  }
0x43: {  	[tilespmem:$0x14B60] =	vst v0  }
0x44: {  	[tilespmem:$0x14B70] =	vst v0  }
0x45: {  	[tilespmem:$0x14B80] =	vst v0  }
0x46: {  	[tilespmem:$0x14B90] =	vst v0  }
0x47: {  	[tilespmem:$0x14BA0] =	vst v0  }
0x48: {  	[tilespmem:$0x14BB0] =	vst v0  }
0x49: {  	[tilespmem:$0x14BC0] =	vst v0  }
0x4a: {  	[tilespmem:$0x14BD0] =	vst v0  }
0x4b: {  	[tilespmem:$0x14BE0] =	vst v0  }
0x4c: {  	[tilespmem:$0x14BF0] =	vst v0  }
0x4d: {  	[tilespmem:$0x14C00] =	vst v0  }
0x4e: {  	[tilespmem:$0x14C10] =	vst v0  }
0x4f: {  	[tilespmem:$0x14C20] =	vst v0  }
0x50: {  	[tilespmem:$0x14C30] =	vst v0  }
0x51: {  	[tilespmem:$0x14C40] =	vst v0  }
0x52: {  	[tilespmem:$0x14C50] =	vst v0  }
0x53: {  	[tilespmem:$0x14C60] =	vst v0  }
0x54: {  	[tilespmem:$0x14C70] =	vst v0  }
0x55: {  	[tilespmem:$0x14C80] =	vst v0  }
0x56: {  	[tilespmem:$0x14C90] =	vst v0  }
0x57: {  	[tilespmem:$0x14CA0] =	vst v0  }
0x58: {  	[tilespmem:$0x14CB0] =	vst v0  }
0x59: {  	[tilespmem:$0x14CC0] =	vst v0  }
0x5a: {  	[tilespmem:$0x14CD0] =	vst v0  }
0x5b: {  	[tilespmem:$0x14CE0] =	vst v0  }
0x5c: {  	[tilespmem:$0x14CF0] =	vst v0  }
0x5d: {  	[tilespmem:$0x14D00] =	vst v0  }
0x5e: {  	[tilespmem:$0x14D10] =	vst v0  }
0x5f: {  	[tilespmem:$0x14D20] =	vst v0  }
0x60: {  	[tilespmem:$0x14D30] =	vst v0  }
0x61: {  	[tilespmem:$0x14D40] =	vst v0  }
0x62: {  	[tilespmem:$0x14D50] =	vst v0  }
0x63: {  	[tilespmem:$0x14D60] =	vst v0  }
0x64: {  	[tilespmem:$0x14D70] =	vst v0  }
0x65: {  	[tilespmem:$0x14D80] =	vst v0  }
0x66: {  	[tilespmem:$0x14D90] =	vst v0  }
0x67: {  	[tilespmem:$0x14DA0] =	vst v0  }
0x68: {  	[tilespmem:$0x14DB0] =	vst v0  }
0x69: {  	[tilespmem:$0x14DC0] =	vst v0  }
0x6a: {  	[tilespmem:$0x14DD0] =	vst v0  }
0x6b: {  	[tilespmem:$0x14DE0] =	vst v0  }
0x6c: {  	[tilespmem:$0x14DF0] =	vst v0  }
0x6d: {  	[tilespmem:$0x14E00] =	vst v0  }
0x6e: {  	[tilespmem:$0x14E10] =	vst v0  }
0x6f: {  	[tilespmem:$0x14E20] =	vst v0  }
0x70: {  	[tilespmem:$0x14E30] =	vst v0  }
0x71: {  	[tilespmem:$0x14E40] =	vst v0  }
0x72: {  	[tilespmem:$0x14E50] =	vst v0  }
0x73: {  	[tilespmem:$0x14E60] =	vst v0  }
0x74: {  	[tilespmem:$0x14E70] =	vst v0  }
0x75: {  	[tilespmem:$0x14E80] =	vst v0  }
0x76: {  	[tilespmem:$0x14E90] =	vst v0  }
0x77: {  	[tilespmem:$0x14EA0] =	vst v0  }
0x78: {  	[tilespmem:$0x14EB0] =	vst v0  }
0x79: {  	[tilespmem:$0x14EC0] =	vst v0  }
0x7a: {  	[tilespmem:$0x14ED0] =	vst v0  }
0x7b: {  	[tilespmem:$0x14EE0] =	vst v0  }
0x7c: {  	[tilespmem:$0x14EF0] =	vst v0  }
0x7d: {  	[tilespmem:$0x14F00] =	vst v0  }
0x7e: {  	[tilespmem:$0x14F10] =	vst v0  }
0x7f: {  	[tilespmem:$0x14F20] =	vst v0  }
0x80: {  	[tilespmem:$0x14F30] =	vst v0  }
0x81: {  	[tilespmem:$0x14F40] =	vst v0  }
0x82: {  	[tilespmem:$0x14F50] =	vst v0  }
0x83: {  	[tilespmem:$0x14F60] =	vst v0  }
0x84: {  	[tilespmem:$0x14F70] =	vst v0  }
0x85: {  	[tilespmem:$0x14F80] =	vst v0  }
0x86: {  	[tilespmem:$0x14F90] =	vst v0  }
0x87: {  	[tilespmem:$0x14FA0] =	vst v0  }
0x88: {  	[tilespmem:$0x14FB0] =	vst v0  }
0x89: {  	[tilespmem:$0x14FC0] =	vst v0  }
0x8a: {  	[tilespmem:$0x14FD0] =	vst v0  }
0x8b: {  	[tilespmem:$0x14FE0] =	vst v0  }
0x8c: {  	[tilespmem:$0x14FF0] =	vst v0  }
0x8d: {  	[tilespmem:$0x15000] =	vst v0  }
0x8e: {  	[tilespmem:$0x15010] =	vst v0  }
0x8f: {  	[tilespmem:$0x15020] =	vst v0  }
0x90: {  	[tilespmem:$0x15030] =	vst v0  }
0x91: {  	[tilespmem:$0x15040] =	vst v0  }
0x92: {  	[tilespmem:$0x15050] =	vst v0  }
0x93: {  	[tilespmem:$0x15060] =	vst v0  }
0x94: {  	[tilespmem:$0x15070] =	vst v0  }
0x95: {  	[tilespmem:$0x15080] =	vst v0  }
0x96: {  	[tilespmem:$0x15090] =	vst v0  }
0x97: {  	[tilespmem:$0x150A0] =	vst v0  }
0x98: {  	[tilespmem:$0x150B0] =	vst v0  }
0x99: {  	[tilespmem:$0x150C0] =	vst v0  }
0x9a: {  	[tilespmem:$0x150D0] =	vst v0  }
0x9b: {  	[tilespmem:$0x150E0] =	vst v0  }
0x9c: {  	[tilespmem:$0x150F0] =	vst v0  }
0x9d: {  	[tilespmem:$0x15100] =	vst v0  }
0x9e: {  	[tilespmem:$0x15110] =	vst v0  }
0x9f: {  	[tilespmem:$0x15120] =	vst v0  }
0xa0: {  	[tilespmem:$0x15130] =	vst v0  }
0xa1: {  	[tilespmem:$0x15140] =	vst v0  }
0xa2: {  	[tilespmem:$0x15150] =	vst v0  }
0xa3: {  	[tilespmem:$0x15160] =	vst v0  }
0xa4: {  	[tilespmem:$0x15170] =	vst v0  }
0xa5: {  	[tilespmem:$0x15180] =	vst v0  }
0xa6: {  	[tilespmem:$0x15190] =	vst v0  }
0xa7: {  	[tilespmem:$0x151A0] =	vst v0  }
0xa8: {  	[tilespmem:$0x151B0] =	vst v0  }
0xa9: {  	[tilespmem:$0x151C0] =	vst v0  }
0xaa: {  	[tilespmem:$0x151D0] =	vst v0  }
0xab: {  	[tilespmem:$0x151E0] =	vst v0  }
0xac: {  	[tilespmem:$0x151F0] =	vst v0  }
0xad: {  	[tilespmem:$0x15200] =	vst v0  }
0xae: {  	[tilespmem:$0x15210] =	vst v0  }
0xaf: {  	[tilespmem:$0x15220] =	vst v0  }
0xb0: {  	[tilespmem:$0x15230] =	vst v0  }
0xb1: {  	[tilespmem:$0x15240] =	vst v0  }
0xb2: {  	[tilespmem:$0x15250] =	vst v0  }
0xb3: {  	[tilespmem:$0x15260] =	vst v0  }
0xb4: {  	[tilespmem:$0x15270] =	vst v0  }
0xb5: {  	[tilespmem:$0x15280] =	vst v0  }
0xb6: {  	[tilespmem:$0x15290] =	vst v0  }
0xb7: {  	[tilespmem:$0x152A0] =	vst v0  }
0xb8: {  	[tilespmem:$0x152B0] =	vst v0  }
0xb9: {  	[tilespmem:$0x152C0] =	vst v0  }
0xba: {  	[tilespmem:$0x152D0] =	vst v0  }
0xbb: {  	[tilespmem:$0x152E0] =	vst v0  }
0xbc: {  	[tilespmem:$0x152F0] =	vst v0  }
0xbd: {  	[tilespmem:$0x15300] =	vst v0  }
0xbe: {  	[tilespmem:$0x15310] =	vst v0  }
0xbf: {  	[tilespmem:$0x15320] =	vst v0  }
0xc0: {  	[tilespmem:$0x15330] =	vst v0  }
0xc1: {  	[tilespmem:$0x15340] =	vst v0  }
0xc2: {  	[tilespmem:$0x15350] =	vst v0  }
0xc3: {  	[tilespmem:$0x15360] =	vst v0  }
0xc4: {  	[tilespmem:$0x15370] =	vst v0  }
0xc5: {  	[tilespmem:$0x15380] =	vst v0  }
0xc6: {  	[tilespmem:$0x15390] =	vst v0  }
0xc7: {  	[tilespmem:$0x153A0] =	vst v0  }
0xc8: {  	[tilespmem:$0x153B0] =	vst v0  }
0xc9: {  	[tilespmem:$0x153C0] =	vst v0  }
0xca: {  	[tilespmem:$0x153D0] =	vst v0  }
0xcb: {  	[tilespmem:$0x153E0] =	vst v0  }
0xcc: {  	[tilespmem:$0x153F0] =	vst v0  }
0xcd: {  	[tilespmem:$0x15400] =	vst v0  }
0xce: {  	[tilespmem:$0x15410] =	vst v0  }
0xcf: {  	[tilespmem:$0x15420] =	vst v0  }
0xd0: {  	[tilespmem:$0x15430] =	vst v0  }
0xd1: {  	[tilespmem:$0x15440] =	vst v0  }
0xd2: {  	[tilespmem:$0x15450] =	vst v0  }
0xd3: {  	[tilespmem:$0x15460] =	vst v0  }
0xd4: {  	[tilespmem:$0x15470] =	vst v0  }
0xd5: {  	[tilespmem:$0x15480] =	vst v0  }
0xd6: {  	[tilespmem:$0x15490] =	vst v0  }
0xd7: {  	[tilespmem:$0x154A0] =	vst v0  }
0xd8: {  	[tilespmem:$0x154B0] =	vst v0  }
0xd9: {  	[tilespmem:$0x154C0] =	vst v0  }
0xda: {  	[tilespmem:$0x154D0] =	vst v0  }
0xdb: {  	[tilespmem:$0x154E0] =	vst v0  }
0xdc: {  	[tilespmem:$0x154F0] =	vst v0  }
0xdd: {  	[tilespmem:$0x15500] =	vst v0  }
0xde: {  	[tilespmem:$0x15510] =	vst v0  }
0xdf: {  	[tilespmem:$0x15520] =	vst v0  }
0xe0: {  	[tilespmem:$0x15530] =	vst v0  }
0xe1: {  	[tilespmem:$0x15540] =	vst v0  }
0xe2: {  	[tilespmem:$0x15550] =	vst v0  }
0xe3: {  	[tilespmem:$0x15560] =	vst v0  }
0xe4: {  	[tilespmem:$0x15570] =	vst v0  }
0xe5: {  	[tilespmem:$0x15580] =	vst v0  }
0xe6: {  	[tilespmem:$0x15590] =	vst v0  }
0xe7: {  	[tilespmem:$0x155A0] =	vst v0  }
0xe8: {  	[tilespmem:$0x155B0] =	vst v0  }
0xe9: {  	[tilespmem:$0x155C0] =	vst v0  }
0xea: {  	[tilespmem:$0x155D0] =	vst v0  }
0xeb: {  	[tilespmem:$0x155E0] =	vst v0  }
0xec: {  	[tilespmem:$0x155F0] =	vst v0  }
0xed: {  	[tilespmem:$0x15600] =	vst v0  }
0xee: {  	[tilespmem:$0x15610] =	vst v0  }
0xef: {  	[tilespmem:$0x15620] =	vst v0  }
0xf0: {  	[tilespmem:$0x15630] =	vst v0  }
0xf1: {  	[tilespmem:$0x15640] =	vst v0  }
0xf2: {  	[tilespmem:$0x15650] =	vst v0  }
0xf3: {  	[tilespmem:$0x15660] =	vst v0  }
0xf4: {  	[tilespmem:$0x15670] =	vst v0  }
0xf5: {  	[tilespmem:$0x15680] =	vst v0  }
0xf6: {  	[tilespmem:$0x15690] =	vst v0  }
0xf7: {  	[tilespmem:$0x156A0] =	vst v0  }
0xf8: {  	[tilespmem:$0x156B0] =	vst v0  }
0xf9: {  	[tilespmem:$0x156C0] =	vst v0  }
0xfa: {  	[tilespmem:$0x156D0] =	vst v0  }
0xfb: {  	[tilespmem:$0x156E0] =	vst v0  }
0xfc: {  	[tilespmem:$0x156F0] =	vst v0  }
0xfd: {  	[tilespmem:$0x15700] =	vst v0  }
0xfe: {  	[tilespmem:$0x15710] =	vst v0  }
0xff: {  	[tilespmem:$0x15720] =	vst v0  }
0x100: {  	[tilespmem:$0x15730] =	vst v0  }
0x101: {  	[tilespmem:$0x15740] =	vst v0  }
0x102: {  	[tilespmem:$0x15750] =	vst v0  }
0x103: {  	[tilespmem:$0x15760] =	vst v0  }
0x104: {  	[tilespmem:$0x15770] =	vst v0  }
0x105: {  	[tilespmem:$0x15780] =	vst v0  }
0x106: {  	[tilespmem:$0x15790] =	vst v0  }
0x107: {  	[tilespmem:$0x157A0] =	vst v0  }
0x108: {  	[tilespmem:$0x157B0] =	vst v0  }
0x109: {  	[tilespmem:$0x157C0] =	vst v0  }
0x10a: {  	[tilespmem:$0x157D0] =	vst v0  }
0x10b: {  	[tilespmem:$0x157E0] =	vst v0  }
0x10c: {  	[tilespmem:$0x157F0] =	vst v0  }
0x10d: {  	[tilespmem:$0x15800] =	vst v0  }
0x10e: {  	[tilespmem:$0x15810] =	vst v0  }
0x10f: {  	[tilespmem:$0x15820] =	vst v0  }
0x110: {  	[tilespmem:$0x15830] =	vst v0  }
0x111: {  	[tilespmem:$0x15840] =	vst v0  }
0x112: {  	[tilespmem:$0x15850] =	vst v0  }
0x113: {  	[tilespmem:$0x15860] =	vst v0  }
0x114: {  	[tilespmem:$0x15870] =	vst v0  }
0x115: {  	[tilespmem:$0x15880] =	vst v0  }
0x116: {  	[tilespmem:$0x15890] =	vst v0  }
0x117: {  	[tilespmem:$0x158A0] =	vst v0  }
0x118: {  	[tilespmem:$0x158B0] =	vst v0;
	s5 =	simm.s32 $0x0;
	s6 =	simm.s32 $0x40  }
.LBB2_2:
0x119: {  	p0 =	sne.s32 s6, $0x1FC0;
	[tilespmem:s5+$0x138C0] =	vst v0  }
0x11a: {  	[tilespmem:s5+$0xC0C0] =	vst v0  }
0x11b: {  	[tilespmem:s5+$0xC8C0] =	vst v0  }
0x11c: {  	[tilespmem:s5+$0xD0C0] =	vst v0  }
0x11d: {  	[tilespmem:s5+$0xD8C0] =	vst v0  }
0x11e: {  	[tilespmem:s5+$0xE0C0] =	vst v0  }
0x11f: {  	[tilespmem:s5+$0xE8C0] =	vst v0  }
0x120: {  	[tilespmem:s5+$0xF0C0] =	vst v0  }
0x121: {  	[tilespmem:s5+$0xF8C0] =	vst v0  }
0x122: {  	[tilespmem:s5+$0x100C0] =	vst v0  }
0x123: {  	[tilespmem:s5+$0x108C0] =	vst v0  }
.Ltmp0:
0x124: {  	[tilespmem:s5+$0x110C0] =	vst v0;
	(pc) =	sbr.rel @p0 .LBB2_2-.Ltmp0, $4  }
0x125: {  	[tilespmem:s5+$0x118C0] =	vst v0  }
0x126: {  	[tilespmem:s5+$0x120C0] =	vst v0  }
0x127: {  	[tilespmem:s5+$0x128C0] =	vst v0  }
0x128: {  	[tilespmem:s5+$0x130C0] =	vst v0;
	s5 =	sshra.s32 s6, $0x2;
	s6 =	sadd.s32 $0x40, s6  }
0x129: {  	[tilespmem:s5+$0x138C0] =	vst v0  }
0x12a: {  	[tilespmem:s5+$0xC0C0] =	vst v0  }
0x12b: {  	[tilespmem:s5+$0xC8C0] =	vst v0  }
0x12c: {  	[tilespmem:s5+$0xD0C0] =	vst v0  }
0x12d: {  	[tilespmem:s5+$0xD8C0] =	vst v0  }
0x12e: {  	[tilespmem:s5+$0xE0C0] =	vst v0  }
0x12f: {  	[tilespmem:s5+$0xE8C0] =	vst v0  }
0x130: {  	[tilespmem:s5+$0xF0C0] =	vst v0  }
0x131: {  	[tilespmem:s5+$0xF8C0] =	vst v0  }
0x132: {  	[tilespmem:s5+$0x100C0] =	vst v0  }
0x133: {  	[tilespmem:s5+$0x108C0] =	vst v0  }
0x134: {  	[tilespmem:s5+$0x110C0] =	vst v0  }
0x135: {  	[tilespmem:s5+$0x118C0] =	vst v0  }
0x136: {  	[tilespmem:s5+$0x120C0] =	vst v0  }
0x137: {  	[tilespmem:s5+$0x128C0] =	vst v0  }
0x138: {  	[tilespmem:s5+$0x130C0] =	vst v0  }
0x139: {  	[spmem:s4] =	stream.linear.scatter [tilespmem:s21], [sflag:$0x3], $0x1000, $0x38;
	[tilespmem:$0x1D8C0] =	vst v63  }
0x13a: {  	_ =	swait.ge [sflag:s22], $0x1000  }
0x13b: {  	[sflag:s22] =	ssyncset.done $0x0  }
0x13c: {  	[sflag:s22] =	ssyncadd.s32 $0xFFFFF000  }
0x13d: {  	[spmem:s14] =	stream.linear.scatter [tilespmem:s21], [sflag:$0x3], $0x1000, $0x38;
	[tilespmem:$0x1D8C0] =	vst v63  }
0x13e: {  	_ =	swait.ge [sflag:s22], $0x1000  }
0x13f: {  	[sflag:s22] =	ssyncset.done $0x0  }
0x140: {  	[sflag:s22] =	ssyncadd.s32 $0xFFFFF000  }
0x141: {  	[spmem:s15] =	stream.linear.scatter [tilespmem:s21], [sflag:$0x3], $0x1000, $0x38;
	[tilespmem:$0x1D8C0] =	vst v63  }
0x142: {  	_ =	swait.ge [sflag:s22], $0x1000  }
0x143: {  	[sflag:s22] =	ssyncset.done $0x0  }
0x144: {  	[sflag:s22] =	ssyncadd.s32 $0xFFFFF000  }
0x145: {  	[spmem:s16] =	stream.linear.scatter [tilespmem:s21], [sflag:$0x3], $0x1000, $0x38;
	[tilespmem:$0x1D8C0] =	vst v63  }
0x146: {  	_ =	swait.ge [sflag:s22], $0x1000  }
0x147: {  	[sflag:s22] =	ssyncset.done $0x0  }
0x148: {  	[sflag:s22] =	ssyncadd.s32 $0xFFFFF000  }
0x149: {  	[spmem:s17] =	stream.linear.scatter [tilespmem:s21], [sflag:$0x3], $0x1000, $0x38;
	[tilespmem:$0x1D8C0] =	vst v63  }
0x14a: {  	_ =	swait.ge [sflag:s22], $0x1000  }
0x14b: {  	[sflag:s22] =	ssyncset.done $0x0  }
0x14c: {  	[sflag:s22] =	ssyncadd.s32 $0xFFFFF000  }
0x14d: {  	[spmem:s18] =	stream.linear.scatter [tilespmem:s21], [sflag:$0x3], $0x1000, $0x38;
	[tilespmem:$0x1D8C0] =	vst v63  }
0x14e: {  	_ =	swait.ge [sflag:s22], $0x1000  }
0x14f: {  	[sflag:s22] =	ssyncset.done $0x0  }
0x150: {  	[sflag:s22] =	ssyncadd.s32 $0xFFFFF000  }
0x151: {  	[spmem:s19] =	stream.linear.scatter [tilespmem:s21], [sflag:$0x3], $0x1000, $0x38;
	[tilespmem:$0x1D8C0] =	vst v63  }
0x152: {  	_ =	swait.ge [sflag:s22], $0x1000  }
0x153: {  	[sflag:s22] =	ssyncset.done $0x0  }
0x154: {  	[sflag:s22] =	ssyncadd.s32 $0xFFFFF000  }
0x155: {  	[spmem:s20] =	stream.linear.scatter [tilespmem:s21], [sflag:$0x3], $0x1000, $0x38;
	[tilespmem:$0x1D8C0] =	vst v63  }
0x156: {  	_ =	swait.ge [sflag:s22], $0x1000  }
0x157: {  	[sflag:s22] =	ssyncset.done $0x0  }
0x158: {  	[sflag:s22] =	ssyncadd.s32 $0xFFFFF000  }
0x159: {  	[bflag:$0x0] =	sbarrier.arrive $0xFFFF  }
0x15a: {  	s8 =	rddreg [dreg:$0x5]  }
0x15b: {  	[tilespmem:s3], [sflag:$0x1] =	stream.linear.gather [hbm4b:s8+s3], $0x4000, $0x38;
	[tilespmem:$0x1D8C0] =	vst v63  }
0x15c: {  	s6 =	rddreg [dreg:$0x6]  }
0x15d: {  	[tilespmem:s23], [sflag:$0x1] =	stream.linear.gather [hbm4b:s6+s3], $0x40, $0x38;
	[tilespmem:$0x1D8C0] =	vst v63  }
0x15e: {  	s7 =	rddreg [dreg:$0x7]  }
0x15f: {  	[tilespmem:s24], [sflag:$0x1] =	stream.linear.gather [hbm4b:s7+s3], $0x4000, $0x38;
	[tilespmem:$0x1D8C0] =	vst v63  }
0x160: {  	s8 =	rddreg [dreg:$0x8]  }
0x161: {  	[tilespmem:s25], [sflag:$0x1] =	stream.linear.gather [hbm4b:s8+s3], $0x40, $0x38;
	[tilespmem:$0x1D8C0] =	vst v63  }
0x162: {  	_ = 	snop  }
0x163: {  	[tilespmem:s26], [sflag:$0x1] =	stream.linear.gather [hbm4b:s9+s3], $0x4000, $0x38;
	[tilespmem:$0x1D8C0] =	vst v63  }
0x164: {  	_ = 	snop  }
0x165: {  	[tilespmem:s28], [sflag:$0x1] =	stream.linear.gather [hbm4b:s10+s3], $0x40, $0x38;
	[tilespmem:$0x1D8C0] =	vst v63  }
0x166: {  	_ =	swait.ge [sflag:s29], $0x4000  }
0x167: {  	[sflag:s29] =	ssyncset.done $0x0  }
0x168: {  	[sflag:s29] =	ssyncadd.s32 $0xFFFFC000  }
0x169: {  	_ =	swait.ge [sflag:s29], $0x40  }
0x16a: {  	[sflag:s29] =	ssyncset.done $0x0  }
0x16b: {  	s5 =	simm.s32 $0x100;
	[sflag:s29] =	ssyncadd.s32 $0xFFFFFFC0  }
0x16c: {  	v25 =	vld [tilespmem:s5+$0x90]  }
0x16d: {  	v28 =	vld [tilespmem:s5+$0xC0]  }
0x16e: {  	v20 =	vld [tilespmem:s5+$0xD0]  }
0x16f: {  	v21 =	vld [tilespmem:s5+$0xE0]  }
0x170: {  	v34 =	vld [tilespmem:s5+$0xB0]  }
0x171: {  	v33 =	vld [tilespmem:s5+$0x70]  }
0x172: {  	v29 =	vld [tilespmem:s5+$0x80]  }
0x173: {  	v26 =	vld [tilespmem:s5+$0xA0]  }
0x174: {  	v27 =	vld [tilespmem:s5+$0xF0]  }
0x175: {  	v23 =	vld [tilespmem:s5+$0xFFFFFFB0]  }
0x176: {  	v19 =	vld [tilespmem:s5+$0xFFFFFF90]  }
0x177: {  	v22 =	vld [tilespmem:s5+$0xFFFFFF80]  }
0x178: {  	v24 =	vld [tilespmem:s5+$0xFFFFFF70]  }
0x179: {  	v35 =	vld [tilespmem:s5+$0x60]  }
0x17a: {  	v32 =	vld [tilespmem:s5+$0x50]  }
0x17b: {  	v31 =	vld [tilespmem:s5+$0x40]  }
0x17c: {  	v36 =	vld [tilespmem:s5+$0x20];
	v8 =	vmul.f32 v28, v28  }
0x17d: {  	v38 =	vld [tilespmem:s5+$0x0];
	v9 =	vmul.f32 v20, v20;
	v10 =	vmul.f32 v26, v26  }
0x17e: {  	v37 =	vld [tilespmem:s5+$0x10];
	v11 =	vmul.f32 v34, v34;
	v13 =	vmul.f32 v25, v25  }
0x17f: {  	v30 =	vld [tilespmem:s5+$0x30];
	v14 =	vmul.f32 v29, v29;
	v15 =	vmul.f32 v35, v35  }
0x180: {  	v7 =	vld [tilespmem:s5+$0xFFFFFFF0];
	v16 =	vmul.f32 v31, v31;
	v18 =	vmul.f32 v21, v21  }
0x181: {  	v12 =	vld [tilespmem:s5+$0xFFFFFF00];
	v40 =	vmul.f32 v36, v36;
	v41 =	vmul.f32 v27, v27  }
0x182: {  	v42 =	vmul.f32 v33, v33;
	v43 =	vmul.f32 v38, v38;
	v17 =	vadd.f32 v9, v8;
	v8 =	vld [tilespmem:s5+$0xFFFFFFD0]  }
0x183: {  	v44 =	vmul.f32 v37, v37;
	v9 =	vmul.f32 v32, v32;
	v39 =	vadd.f32 v11, v10;
	v11 =	vld [tilespmem:s5+$0xFFFFFF30]  }
0x184: {  	v13 =	vadd.f32 v13, v14;
	v14 =	vmul.f32 v30, v30;
	v10 =	vld [tilespmem:s5+$0xFFFFFFC0];
	v42 =	vadd.f32 v42, v15  }
0x185: {  	v52 =	vmul.f32 v19, v19;
	v18 =	vadd.f32 v41, v18;
	v15 =	vld [tilespmem:s5+$0xFFFFFF20];
	v51 =	vadd.f32 v44, v43  }
0x186: {  	v53 =	vmul.f32 v22, v22;
	v16 =	vadd.f32 v9, v16;
	v9 =	vld [tilespmem:s5+$0xFFFFFFE0];
	v40 =	vadd.f32 v14, v40  }
0x187: {  	v55 =	vmul.f32 v24, v24;
	v39 =	vadd.f32 v39, v13;
	v13 =	vld [tilespmem:s5+$0xFFFFFF60];
	v17 =	vadd.f32 v18, v17  }
0x188: {  	v48 =	vmul.f32 v7, v7;
	v14 =	vld [tilespmem:s5+$0xFFFFFFA0];
	v18 =	vadd.f32 v40, v51;
	v54 =	vadd.f32 v42, v16  }
0x189: {  	v59 =	vmul.f32 v23, v23;
	v60 =	vmul.f32 v12, v12;
	v16 =	vld [tilespmem:s5+$0xFFFFFF40]  }
0x18a: {  	v39 =	vadd.f32 v17, v39;
	v17 =	vld [tilespmem:s5+$0xFFFFFF50];
	v45 =	vmul.f32 v10, v10;
	v40 =	vadd.f32 v54, v18  }
0x18b: {  	v46 =	vmul.f32 v8, v8;
	v47 =	vmul.f32 v15, v15;
	v18 =	vld [tilespmem:s5+$0xFFFFFF10]  }
0x18c: {  	v51 =	vmul.f32 v11, v11;
	v56 =	vmul.f32 v9, v9;
	v39 =	vadd.f32 v39, v40  }
0x18d: {  	v43 =	vadd.f32 v52, v53;
	v57 =	vmul.f32 v13, v13;
	v58 =	vmul.f32 v14, v14  }
0x18e: {  	v45 =	vadd.f32 v46, v45;
	v42 =	vadd.f32 v48, v56;
	v61 =	vperm.xlane v39, v1  }
0x18f: {  	v49 =	vmul.f32 v16, v16;
	v50 =	vmul.f32 v17, v17;
	v40 =	vadd.f32 v59, v58  }
0x190: {  	v41 =	vadd.f32 v55, v57;
	v62 =	vmul.f32 v18, v18;
	v39 =	vadd.f32 v39, v61  }
0x191: {  	v63 =	vadd.f32 v50, v49;
	v40 =	vadd.f32 v40, v43  }
0x192: {  	v50 =	vadd.f32 v51, v47;
	v49 =	vadd.f32 v62, v60;
	v51 =	vperm.xlane v39, v2  }
0x193: {  	v42 =	vadd.f32 v42, v45;
	v41 =	vadd.f32 v41, v63  }
0x194: {  	v43 =	vadd.f32 v50, v49;
	v39 =	vadd.f32 v39, v51;
	_ =	sdelay $0x1  }
0x195: {  	v40 =	vadd.f32 v42, v40;
	v41 =	vadd.f32 v41, v43;
	v52 =	vperm.xlane v39, v3;
	_ =	sdelay $0x1  }
0x196: {  	v40 =	vadd.f32 v40, v41;
	v39 =	vadd.f32 v39, v52;
	_ =	sdelay $0x1  }
0x197: {  	v41 =	vperm.xlane v40, v1;
	v42 =	vperm.xlane v39, v4;
	_ =	sdelay $0x1  }
0x198: {  	v40 =	vadd.f32 v40, v41;
	v39 =	vadd.f32 v39, v42;
	_ =	sdelay $0x1  }
0x199: {  	v41 =	vperm.xlane v40, v2;
	v42 =	vshrl.u32 v39, $0x1;
	v39 =	vmul.f32 $5.000000000e-01, v39  }
0x19a: {  	v42 =	vsub.s32 $0x5F3759DF, v42  }
0x19b: {  	v40 =	vadd.f32 v40, v41;
	v53 =	vmul.f32 v42, v39;
	_ =	sdelay $0x1  }
0x19c: {  	v54 =	vperm.xlane v40, v3;
	v41 =	vmul.f32 v42, v53;
	_ =	sdelay $0x1  }
0x19d: {  	v40 =	vadd.f32 v40, v54;
	v41 =	vsub.f32 $1.500000000e+00, v41;
	_ =	sdelay $0x1  }
0x19e: {  	v43 =	vperm.xlane v40, v4;
	v41 =	vmul.f32 v42, v41;
	_ =	sdelay $0x1  }
0x19f: {  	v40 =	vadd.f32 v40, v43;
	v42 =	vmul.f32 v41, v39;
	_ =	sdelay $0x1  }
0x1a0: {  	v43 =	vshrl.u32 v40, $0x1;
	v40 =	vmul.f32 $5.000000000e-01, v40;
	v42 =	vmul.f32 v42, v41  }
0x1a1: {  	v43 =	vsub.s32 $0x5F3759DF, v43  }
0x1a2: {  	v55 =	vmul.f32 v43, v40;
	v42 =	vsub.f32 $1.500000000e+00, v42;
	_ =	sdelay $0x1  }
0x1a3: {  	v44 =	vmul.f32 v43, v55;
	v41 =	vmul.f32 v42, v41;
	_ =	sdelay $0x1  }
0x1a4: {  	v56 =	vsub.f32 $1.500000000e+00, v44;
	v39 =	vmul.f32 v41, v39;
	_ =	sdelay $0x1  }
0x1a5: {  	v42 =	vmul.f32 v43, v56;
	v39 =	vmul.f32 v39, v41;
	_ =	sdelay $0x1  }
0x1a6: {  	v43 =	vmul.f32 v42, v40;
	v39 =	vsub.f32 $1.500000000e+00, v39;
	_ =	sdelay $0x1  }
0x1a7: {  	v43 =	vmul.f32 v43, v42;
	v39 =	vmul.f32 v39, v41;
	_ =	sdelay $0x1  }
0x1a8: {  	v57 =	vsub.f32 $1.500000000e+00, v43;
	v39 =	vmin.f32 v39, $9.999999950e+11  }
0x1a9: {  	v34 =	vmul.f32 v39, v34  }
0x1aa: {  	v41 =	vmul.f32 v57, v42;
	v33 =	vmul.f32 v39, v33  }
0x1ab: {  	v38 =	vmul.f32 v39, v38;
	[tilespmem:s5+$0xB0] =	vst v34  }
0x1ac: {  	v58 =	vmul.f32 v39, v35;
	v59 =	vmul.f32 v41, v40;
	[tilespmem:s5+$0x70] =	vst v33  }
0x1ad: {  	v60 =	vmul.f32 v39, v36;
	[tilespmem:s5+$0x0] =	vst v38  }
0x1ae: {  	v61 =	vmul.f32 v39, v37;
	[tilespmem:s5+$0x60] =	vst v58;
	v35 =	vmul.f32 v59, v41  }
0x1af: {  	v28 =	vmul.f32 v39, v28;
	[tilespmem:s5+$0x20] =	vst v60  }
0x1b0: {  	v32 =	vmul.f32 v39, v32;
	v29 =	vmul.f32 v39, v29;
	[tilespmem:s5+$0x10] =	vst v61;
	v62 =	vsub.f32 $1.500000000e+00, v35  }
0x1b1: {  	v63 =	vmul.f32 v39, v25;
	v25 =	vmul.f32 v39, v31;
	[tilespmem:s5+$0xC0] =	vst v28  }
0x1b2: {  	v30 =	vmul.f32 v39, v30;
	[tilespmem:s5+$0x80] =	vst v29;
	v31 =	vmul.f32 v62, v41  }
0x1b3: {  	v20 =	vmul.f32 v39, v20;
	v21 =	vmul.f32 v39, v21;
	[tilespmem:s5+$0x40] =	vst v25  }
0x1b4: {  	v28 =	vmul.f32 v39, v27;
	v29 =	vmul.f32 v39, v26;
	[tilespmem:s5+$0x30] =	vst v30;
	v26 =	vmin.f32 v31, $9.999999950e+11  }
0x1b5: {  	[tilespmem:s5+$0x50] =	vst v32;
	v27 =	vmul.f32 v26, v24;
	v23 =	vmul.f32 v26, v23  }
0x1b6: {  	s6 =	simm.s32 $0x0;
	s7 =	simm.s32 $0x300;
	[tilespmem:s5+$0x90] =	vst v63;
	v25 =	vmul.f32 v26, v22;
	v22 =	vmul.f32 v26, v19  }
.LBB2_4:
0x1b7: {  	v19 =	vld [tilespmem:s7+$0x90];
	s6 =	sadd.s32 $0x2, s6;
	v12 =	vmul.f32 v26, v12;
	v18 =	vmul.f32 v26, v18;
	[tilespmem:s5+$0xA0] =	vst v29  }
0x1b8: {  	v15 =	vmul.f32 v26, v15;
	v11 =	vmul.f32 v26, v11;
	v24 =	vld [tilespmem:s7+$0xC0];
	p0 =	slt.u32 s6, $0x3E;
	[tilespmem:s5+$0xD0] =	vst v20  }
0x1b9: {  	v16 =	vmul.f32 v26, v16;
	v17 =	vmul.f32 v26, v17;
	v20 =	vld [tilespmem:s7+$0xD0];
	[tilespmem:s5+$0xE0] =	vst v21  }
0x1ba: {  	v13 =	vmul.f32 v26, v13;
	v14 =	vmul.f32 v26, v14;
	v21 =	vld [tilespmem:s7+$0xE0];
	[tilespmem:s5+$0xF0] =	vst v28  }
0x1bb: {  	v10 =	vmul.f32 v26, v10;
	v8 =	vmul.f32 v26, v8;
	v30 =	vld [tilespmem:s7+$0xB0];
	[tilespmem:s5+$0xFFFFFF00] =	vst v12  }
0x1bc: {  	v9 =	vmul.f32 v26, v9;
	v7 =	vmul.f32 v26, v7;
	v31 =	vld [tilespmem:s7+$0x70];
	[tilespmem:s5+$0xFFFFFF10] =	vst v18  }
0x1bd: {  	v28 =	vld [tilespmem:s7+$0x80];
	[tilespmem:s5+$0xFFFFFFD0] =	vst v8  }
0x1be: {  	v26 =	vld [tilespmem:s7+$0xA0];
	[tilespmem:s5+$0xFFFFFFB0] =	vst v23  }
0x1bf: {  	v8 =	vmul.f32 v24, v24;
	v12 =	vmul.f32 v20, v20;
	v29 =	vld [tilespmem:s7+$0xF0];
	[tilespmem:s5+$0xFFFFFF20] =	vst v15  }
0x1c0: {  	v23 =	vld [tilespmem:s7+$0xFFFFFFB0];
	[tilespmem:s5+$0xFFFFFF90] =	vst v22  }
0x1c1: {  	v18 =	vadd.f32 v12, v8;
	v22 =	vld [tilespmem:s7+$0xFFFFFF90];
	[tilespmem:s5+$0xFFFFFF80] =	vst v25  }
0x1c2: {  	v25 =	vld [tilespmem:s7+$0xFFFFFF80];
	[tilespmem:s5+$0xFFFFFF70] =	vst v27  }
0x1c3: {  	v27 =	vld [tilespmem:s7+$0xFFFFFF70];
	[tilespmem:s5+$0xFFFFFFE0] =	vst v9  }
0x1c4: {  	v35 =	vld [tilespmem:s7+$0x60];
	[tilespmem:s5+$0xFFFFFF30] =	vst v11  }
0x1c5: {  	v8 =	vmul.f32 v26, v26;
	v9 =	vmul.f32 v30, v30;
	v34 =	vld [tilespmem:s7+$0x50];
	[tilespmem:s5+$0xFFFFFFC0] =	vst v10  }
0x1c6: {  	v10 =	vmul.f32 v19, v19;
	v32 =	vld [tilespmem:s7+$0x40];
	[tilespmem:s5+$0xFFFFFFF0] =	vst v7  }
0x1c7: {  	v8 =	vadd.f32 v9, v8;
	v7 =	vmul.f32 v28, v28;
	v33 =	vld [tilespmem:s7+$0x30];
	[tilespmem:s5+$0xFFFFFF60] =	vst v13  }
0x1c8: {  	v37 =	vld [tilespmem:s7+$0x20];
	[tilespmem:s5+$0xFFFFFFA0] =	vst v14  }
0x1c9: {  	v9 =	vadd.f32 v10, v7;
	v36 =	vld [tilespmem:s7+$0x10];
	v13 =	vmul.f32 v35, v35;
	[tilespmem:s5+$0xFFFFFF40] =	vst v16  }
0x1ca: {  	v38 =	vld [tilespmem:s7+$0x0];
	[tilespmem:s5+$0xFFFFFF50] =	vst v17;
	s5 =	smov.u32 s7  }
0x1cb: {  	v11 =	vmul.f32 v34, v34;
	v17 =	vadd.f32 v8, v9;
	v7 =	vld [tilespmem:s7+$0xFFFFFFF0];
	v10 =	vmul.f32 v32, v32  }
0x1cc: {  	v14 =	vmul.f32 v21, v21;
	v8 =	vld [tilespmem:s7+$0xFFFFFFD0]  }
0x1cd: {  	v15 =	vmul.f32 v29, v29;
	v12 =	vld [tilespmem:s7+$0xFFFFFF00];
	v16 =	vmul.f32 v37, v37;
	v39 =	vadd.f32 v11, v10  }
0x1ce: {  	v41 =	vmul.f32 v31, v31;
	v40 =	vmul.f32 v33, v33;
	v11 =	vld [tilespmem:s7+$0xFFFFFF30]  }
0x1cf: {  	v43 =	vmul.f32 v36, v36;
	v9 =	vld [tilespmem:s7+$0xFFFFFFE0];
	v42 =	vmul.f32 v38, v38  }
0x1d0: {  	v14 =	vadd.f32 v15, v14;
	v41 =	vadd.f32 v41, v13;
	v10 =	vld [tilespmem:s7+$0xFFFFFFC0]  }
0x1d1: {  	v16 =	vadd.f32 v40, v16;
	v15 =	vld [tilespmem:s7+$0xFFFFFF20];
	v42 =	vadd.f32 v43, v42  }
0x1d2: {  	v18 =	vadd.f32 v14, v18;
	v40 =	vmul.f32 v22, v22;
	v13 =	vld [tilespmem:s7+$0xFFFFFF60]  }
0x1d3: {  	v39 =	vadd.f32 v41, v39;
	v43 =	vmul.f32 v25, v25;
	v14 =	vld [tilespmem:s7+$0xFFFFFFA0];
	v42 =	vadd.f32 v16, v42  }
0x1d4: {  	v45 =	vadd.f32 v18, v17;
	v41 =	vmul.f32 v27, v27;
	v16 =	vld [tilespmem:s7+$0xFFFFFF40];
	v44 =	vmul.f32 v9, v9  }
0x1d5: {  	v47 =	vmul.f32 v8, v8;
	v17 =	vld [tilespmem:s7+$0xFFFFFF50];
	v46 =	vmul.f32 v10, v10;
	v39 =	vadd.f32 v39, v42  }
0x1d6: {  	v48 =	vmul.f32 v7, v7;
	v40 =	vadd.f32 v40, v43;
	v18 =	vld [tilespmem:s7+$0xFFFFFF10];
	v42 =	vmul.f32 v15, v15  }
0x1d7: {  	v43 =	vmul.f32 v13, v13;
	v46 =	vadd.f32 v47, v46;
	v39 =	vadd.f32 v45, v39  }
0x1d8: {  	v44 =	vadd.f32 v48, v44;
	v47 =	vmul.f32 v23, v23;
	v45 =	vmul.f32 v14, v14  }
0x1d9: {  	v48 =	vmul.f32 v12, v12;
	v41 =	vadd.f32 v41, v43;
	v43 =	vperm.xlane v39, v1  }
0x1da: {  	v49 =	vmul.f32 v16, v16;
	v50 =	vmul.f32 v17, v17;
	v45 =	vadd.f32 v47, v45  }
0x1db: {  	v51 =	vmul.f32 v11, v11;
	v47 =	vmul.f32 v18, v18;
	v39 =	vadd.f32 v39, v43  }
0x1dc: {  	v43 =	vadd.f32 v50, v49;
	v40 =	vadd.f32 v45, v40  }
0x1dd: {  	v42 =	vadd.f32 v51, v42;
	v45 =	vadd.f32 v47, v48;
	v47 =	vperm.xlane v39, v2  }
0x1de: {  	v41 =	vadd.f32 v41, v43;
	v43 =	vadd.f32 v44, v46  }
0x1df: {  	v42 =	vadd.f32 v42, v45;
	v39 =	vadd.f32 v39, v47  }
0x1e0: {  	v40 =	vadd.f32 v43, v40  }
0x1e1: {  	v41 =	vadd.f32 v41, v42;
	v42 =	vperm.xlane v39, v3;
	_ =	sdelay $0x1  }
0x1e2: {  	v40 =	vadd.f32 v40, v41;
	v39 =	vadd.f32 v39, v42;
	_ =	sdelay $0x1  }
0x1e3: {  	v41 =	vperm.xlane v40, v1;
	v42 =	vperm.xlane v39, v4;
	_ =	sdelay $0x1  }
0x1e4: {  	v40 =	vadd.f32 v40, v41;
	v39 =	vadd.f32 v39, v42;
	_ =	sdelay $0x1  }
0x1e5: {  	v41 =	vperm.xlane v40, v2;
	v42 =	vshrl.u32 v39, $0x1;
	v39 =	vmul.f32 $5.000000000e-01, v39  }
0x1e6: {  	v42 =	vsub.s32 $0x5F3759DF, v42  }
0x1e7: {  	v40 =	vadd.f32 v40, v41;
	v41 =	vmul.f32 v42, v39;
	_ =	sdelay $0x1  }
0x1e8: {  	v43 =	vperm.xlane v40, v3;
	v41 =	vmul.f32 v42, v41;
	_ =	sdelay $0x1  }
0x1e9: {  	v40 =	vadd.f32 v40, v43;
	v41 =	vsub.f32 $1.500000000e+00, v41;
	_ =	sdelay $0x1  }
0x1ea: {  	v43 =	vperm.xlane v40, v4;
	v41 =	vmul.f32 v42, v41;
	_ =	sdelay $0x1  }
0x1eb: {  	v40 =	vadd.f32 v40, v43;
	v42 =	vmul.f32 v41, v39;
	_ =	sdelay $0x1  }
0x1ec: {  	v43 =	vshrl.u32 v40, $0x1;
	v40 =	vmul.f32 $5.000000000e-01, v40;
	v42 =	vmul.f32 v42, v41  }
0x1ed: {  	v43 =	vsub.s32 $0x5F3759DF, v43  }
0x1ee: {  	v44 =	vmul.f32 v43, v40;
	v42 =	vsub.f32 $1.500000000e+00, v42;
	_ =	sdelay $0x1  }
0x1ef: {  	v44 =	vmul.f32 v43, v44;
	v41 =	vmul.f32 v42, v41;
	_ =	sdelay $0x1  }
0x1f0: {  	v42 =	vsub.f32 $1.500000000e+00, v44;
	v39 =	vmul.f32 v41, v39;
	_ =	sdelay $0x1  }
0x1f1: {  	v42 =	vmul.f32 v43, v42;
	v39 =	vmul.f32 v39, v41;
	_ =	sdelay $0x1  }
0x1f2: {  	v43 =	vmul.f32 v42, v40;
	v39 =	vsub.f32 $1.500000000e+00, v39;
	_ =	sdelay $0x1  }
0x1f3: {  	v43 =	vmul.f32 v43, v42;
	v39 =	vmul.f32 v39, v41;
	_ =	sdelay $0x1  }
0x1f4: {  	v41 =	vsub.f32 $1.500000000e+00, v43;
	v39 =	vmin.f32 v39, $9.999999950e+11  }
0x1f5: {  	v38 =	vmul.f32 v39, v38;
	v30 =	vmul.f32 v39, v30  }
0x1f6: {  	v31 =	vmul.f32 v39, v31;
	v41 =	vmul.f32 v41, v42  }
0x1f7: {  	v35 =	vmul.f32 v39, v35;
	v24 =	vmul.f32 v39, v24;
	[tilespmem:s7+$0xB0] =	vst v30  }
0x1f8: {  	v37 =	vmul.f32 v39, v37;
	v30 =	vmul.f32 v41, v40;
	[tilespmem:s7+$0x70] =	vst v31  }
0x1f9: {  	v34 =	vmul.f32 v39, v34;
	v31 =	vmul.f32 v39, v36;
	[tilespmem:s7+$0x0] =	vst v38  }
0x1fa: {  	v30 =	vmul.f32 v30, v41;
	[tilespmem:s7+$0x60] =	vst v35;
	v35 =	vmul.f32 v39, v28  }
0x1fb: {  	v19 =	vmul.f32 v39, v19;
	v28 =	vmul.f32 v39, v29;
	[tilespmem:s7+$0x20] =	vst v37  }
0x1fc: {  	v29 =	vmul.f32 v39, v26;
	v30 =	vsub.f32 $1.500000000e+00, v30;
	[tilespmem:s7+$0x10] =	vst v31;
	v31 =	vmul.f32 v39, v32  }
0x1fd: {  	v20 =	vmul.f32 v39, v20;
	v32 =	vmul.f32 v39, v33;
	[tilespmem:s7+$0xC0] =	vst v24  }
.Ltmp1:
0x1fe: {  	v21 =	vmul.f32 v39, v21;
	v24 =	vmul.f32 v30, v41;
	[tilespmem:s7+$0x80] =	vst v35;
	(pc) =	sbr.rel @p0 .LBB2_4-.Ltmp1, $4  }
0x1ff: {  	[tilespmem:s7+$0x40] =	vst v31  }
0x200: {  	v26 =	vmin.f32 v24, $9.999999950e+11;
	[tilespmem:s7+$0x30] =	vst v32  }
0x201: {  	v27 =	vmul.f32 v26, v27;
	v23 =	vmul.f32 v26, v23;
	[tilespmem:s7+$0x50] =	vst v34  }
0x202: {  	v25 =	vmul.f32 v26, v25;
	v22 =	vmul.f32 v26, v22;
	s7 =	sadd.s32 $0x200, s7;
	[tilespmem:s5+$0x90] =	vst v19  }
0x203: {  	[tilespmem:s5+$0xA0] =	vst v29  }
0x204: {  	[tilespmem:s5+$0xD0] =	vst v20  }
0x205: {  	[tilespmem:s5+$0xE0] =	vst v21  }
0x206: {  	[tilespmem:s5+$0xF0] =	vst v28  }
0x207: {  	[tilespmem:s5+$0xFFFFFFB0] =	vst v23  }
0x208: {  	[tilespmem:s5+$0xFFFFFF70] =	vst v27  }
0x209: {  	v12 =	vmul.f32 v26, v12;
	[tilespmem:s5+$0xFFFFFF90] =	vst v22  }
0x20a: {  	v18 =	vmul.f32 v26, v18;
	[tilespmem:s5+$0xFFFFFF80] =	vst v25  }
0x20b: {  	v8 =	vmul.f32 v26, v8;
	[tilespmem:s5+$0xFFFFFF00] =	vst v12  }
0x20c: {  	v10 =	vmul.f32 v26, v10;
	[tilespmem:s5+$0xFFFFFF10] =	vst v18  }
0x20d: {  	v7 =	vmul.f32 v26, v7;
	[tilespmem:s5+$0xFFFFFFD0] =	vst v8  }
0x20e: {  	v12 =	vmul.f32 v26, v15;
	[tilespmem:s5+$0xFFFFFFC0] =	vst v10  }
0x20f: {  	v8 =	vmul.f32 v26, v9;
	[tilespmem:s5+$0xFFFFFFF0] =	vst v7  }
0x210: {  	v9 =	vmul.f32 v26, v11;
	[tilespmem:s5+$0xFFFFFF20] =	vst v12  }
0x211: {  	v7 =	vmul.f32 v26, v16;
	[tilespmem:s5+$0xFFFFFFE0] =	vst v8  }
0x212: {  	[tilespmem:s5+$0xFFFFFF30] =	vst v9;
	v8 =	vmul.f32 v26, v13  }
0x213: {  	v9 =	vmul.f32 v26, v14;
	[tilespmem:s5+$0xFFFFFF40] =	vst v7  }
0x214: {  	[tilespmem:s5+$0xFFFFFF60] =	vst v8;
	v8 =	vmul.f32 v26, v17  }
0x215: {  	[tilespmem:s5+$0xFFFFFFA0] =	vst v9  }
0x216: {  	[tilespmem:s5+$0xFFFFFF50] =	vst v8  }
0x217: {  	v7 =	vld [tilespmem:$0xC000];
	_ =	sdelay $0x4  }
0x218: {  	v7 =	vadd.s32 v5, v7;
	_ =	sdelay $0x4  }
0x219: {  	[tilespmem:v7+s30+$0x0] =	vst.idx.add.f32.msk $0xffff, v6  }
0x21a: {  	v7 =	vld [tilespmem:$0xC010];
	_ =	sdelay $0x4  }
0x21b: {  	v7 =	vadd.s32 v5, v7;
	_ =	sdelay $0x4  }
0x21c: {  	[tilespmem:v7+s30+$0x0] =	vst.idx.add.f32.msk $0xffff, v6  }
0x21d: {  	v7 =	vld [tilespmem:$0xC020];
	_ =	sdelay $0x4  }
0x21e: {  	v7 =	vadd.s32 v5, v7;
	_ =	sdelay $0x4  }
0x21f: {  	[tilespmem:v7+s30+$0x0] =	vst.idx.add.f32.msk $0xffff, v6  }
0x220: {  	v7 =	vld [tilespmem:$0xC030];
	_ =	sdelay $0x4  }
0x221: {  	v7 =	vadd.s32 v5, v7;
	_ =	sdelay $0x4  }
0x222: {  	[tilespmem:v7+s30+$0x0] =	vst.idx.add.f32.msk $0xffff, v6  }
0x223: {  	[spmem:s1] =	stream.indirect.scatter.add.f32 [tilespmem:s3], [sflag:$0x2], $0x100, s23, s31, $0xb8;
	[tilespmem:$0x1D8C0] =	vst v63  }
0x224: {  	_ =	swait.ge [sflag:s29], $0x4000  }
0x225: {  	[sflag:s29] =	ssyncset.done $0x0  }
0x226: {  	[sflag:s29] =	ssyncadd.s32 $0xFFFFC000  }
0x227: {  	_ =	swait.ge [sflag:s29], $0x40  }
0x228: {  	[sflag:s29] =	ssyncset.done $0x0  }
0x229: {  	s5 =	simm.s32 $0x4100;
	[sflag:s29] =	ssyncadd.s32 $0xFFFFFFC0  }
0x22a: {  	v25 =	vld [tilespmem:s5+$0x90]  }
0x22b: {  	v28 =	vld [tilespmem:s5+$0xC0]  }
0x22c: {  	v20 =	vld [tilespmem:s5+$0xD0]  }
0x22d: {  	v21 =	vld [tilespmem:s5+$0xE0]  }
0x22e: {  	v34 =	vld [tilespmem:s5+$0xB0]  }
0x22f: {  	v33 =	vld [tilespmem:s5+$0x70]  }
0x230: {  	v29 =	vld [tilespmem:s5+$0x80]  }
0x231: {  	v26 =	vld [tilespmem:s5+$0xA0]  }
0x232: {  	v27 =	vld [tilespmem:s5+$0xF0]  }
0x233: {  	v23 =	vld [tilespmem:s5+$0xFFFFFFB0]  }
0x234: {  	v19 =	vld [tilespmem:s5+$0xFFFFFF90]  }
0x235: {  	v22 =	vld [tilespmem:s5+$0xFFFFFF80]  }
0x236: {  	v24 =	vld [tilespmem:s5+$0xFFFFFF70]  }
0x237: {  	v35 =	vld [tilespmem:s5+$0x60]  }
0x238: {  	v32 =	vld [tilespmem:s5+$0x50]  }
0x239: {  	v31 =	vld [tilespmem:s5+$0x40]  }
0x23a: {  	v36 =	vld [tilespmem:s5+$0x20];
	v8 =	vmul.f32 v28, v28  }
0x23b: {  	v38 =	vld [tilespmem:s5+$0x0];
	v9 =	vmul.f32 v20, v20;
	v10 =	vmul.f32 v26, v26  }
0x23c: {  	v37 =	vld [tilespmem:s5+$0x10];
	v11 =	vmul.f32 v34, v34;
	v13 =	vmul.f32 v25, v25  }
0x23d: {  	v30 =	vld [tilespmem:s5+$0x30];
	v14 =	vmul.f32 v29, v29;
	v15 =	vmul.f32 v35, v35  }
0x23e: {  	v7 =	vld [tilespmem:s5+$0xFFFFFFF0];
	v16 =	vmul.f32 v31, v31;
	v18 =	vmul.f32 v21, v21  }
0x23f: {  	v12 =	vld [tilespmem:s5+$0xFFFFFF00];
	v40 =	vmul.f32 v36, v36;
	v41 =	vmul.f32 v27, v27  }
0x240: {  	v42 =	vmul.f32 v33, v33;
	v43 =	vmul.f32 v38, v38;
	v17 =	vadd.f32 v9, v8;
	v8 =	vld [tilespmem:s5+$0xFFFFFFD0]  }
0x241: {  	v44 =	vmul.f32 v37, v37;
	v9 =	vmul.f32 v32, v32;
	v39 =	vadd.f32 v11, v10;
	v11 =	vld [tilespmem:s5+$0xFFFFFF30]  }
0x242: {  	v13 =	vadd.f32 v13, v14;
	v14 =	vmul.f32 v30, v30;
	v10 =	vld [tilespmem:s5+$0xFFFFFFC0];
	v42 =	vadd.f32 v42, v15  }
0x243: {  	v52 =	vmul.f32 v19, v19;
	v18 =	vadd.f32 v41, v18;
	v15 =	vld [tilespmem:s5+$0xFFFFFF20];
	v51 =	vadd.f32 v44, v43  }
0x244: {  	v53 =	vmul.f32 v22, v22;
	v16 =	vadd.f32 v9, v16;
	v9 =	vld [tilespmem:s5+$0xFFFFFFE0];
	v40 =	vadd.f32 v14, v40  }
0x245: {  	v55 =	vmul.f32 v24, v24;
	v39 =	vadd.f32 v39, v13;
	v13 =	vld [tilespmem:s5+$0xFFFFFF60];
	v17 =	vadd.f32 v18, v17  }
0x246: {  	v48 =	vmul.f32 v7, v7;
	v14 =	vld [tilespmem:s5+$0xFFFFFFA0];
	v18 =	vadd.f32 v40, v51;
	v54 =	vadd.f32 v42, v16  }
0x247: {  	v59 =	vmul.f32 v23, v23;
	v60 =	vmul.f32 v12, v12;
	v16 =	vld [tilespmem:s5+$0xFFFFFF40]  }
0x248: {  	v39 =	vadd.f32 v17, v39;
	v17 =	vld [tilespmem:s5+$0xFFFFFF50];
	v45 =	vmul.f32 v10, v10;
	v40 =	vadd.f32 v54, v18  }
0x249: {  	v46 =	vmul.f32 v8, v8;
	v47 =	vmul.f32 v15, v15;
	v18 =	vld [tilespmem:s5+$0xFFFFFF10]  }
0x24a: {  	v51 =	vmul.f32 v11, v11;
	v56 =	vmul.f32 v9, v9;
	v39 =	vadd.f32 v39, v40  }
0x24b: {  	v43 =	vadd.f32 v52, v53;
	v57 =	vmul.f32 v13, v13;
	v58 =	vmul.f32 v14, v14  }
0x24c: {  	v45 =	vadd.f32 v46, v45;
	v42 =	vadd.f32 v48, v56;
	v61 =	vperm.xlane v39, v1  }
0x24d: {  	v49 =	vmul.f32 v16, v16;
	v50 =	vmul.f32 v17, v17;
	v40 =	vadd.f32 v59, v58  }
0x24e: {  	v41 =	vadd.f32 v55, v57;
	v62 =	vmul.f32 v18, v18;
	v39 =	vadd.f32 v39, v61  }
0x24f: {  	v63 =	vadd.f32 v50, v49;
	v40 =	vadd.f32 v40, v43  }
0x250: {  	v50 =	vadd.f32 v51, v47;
	v49 =	vadd.f32 v62, v60;
	v51 =	vperm.xlane v39, v2  }
0x251: {  	v42 =	vadd.f32 v42, v45;
	v41 =	vadd.f32 v41, v63  }
0x252: {  	v43 =	vadd.f32 v50, v49;
	v39 =	vadd.f32 v39, v51;
	_ =	sdelay $0x1  }
0x253: {  	v40 =	vadd.f32 v42, v40;
	v41 =	vadd.f32 v41, v43;
	v52 =	vperm.xlane v39, v3;
	_ =	sdelay $0x1  }
0x254: {  	v40 =	vadd.f32 v40, v41;
	v39 =	vadd.f32 v39, v52;
	_ =	sdelay $0x1  }
0x255: {  	v41 =	vperm.xlane v40, v1;
	v42 =	vperm.xlane v39, v4;
	_ =	sdelay $0x1  }
0x256: {  	v40 =	vadd.f32 v40, v41;
	v39 =	vadd.f32 v39, v42;
	_ =	sdelay $0x1  }
0x257: {  	v41 =	vperm.xlane v40, v2;
	v42 =	vshrl.u32 v39, $0x1;
	v39 =	vmul.f32 $5.000000000e-01, v39  }
0x258: {  	v42 =	vsub.s32 $0x5F3759DF, v42  }
0x259: {  	v40 =	vadd.f32 v40, v41;
	v53 =	vmul.f32 v42, v39;
	_ =	sdelay $0x1  }
0x25a: {  	v54 =	vperm.xlane v40, v3;
	v41 =	vmul.f32 v42, v53;
	_ =	sdelay $0x1  }
0x25b: {  	v40 =	vadd.f32 v40, v54;
	v41 =	vsub.f32 $1.500000000e+00, v41;
	_ =	sdelay $0x1  }
0x25c: {  	v43 =	vperm.xlane v40, v4;
	v41 =	vmul.f32 v42, v41;
	_ =	sdelay $0x1  }
0x25d: {  	v40 =	vadd.f32 v40, v43;
	v42 =	vmul.f32 v41, v39;
	_ =	sdelay $0x1  }
0x25e: {  	v43 =	vshrl.u32 v40, $0x1;
	v40 =	vmul.f32 $5.000000000e-01, v40;
	v42 =	vmul.f32 v42, v41  }
0x25f: {  	v43 =	vsub.s32 $0x5F3759DF, v43  }
0x260: {  	v55 =	vmul.f32 v43, v40;
	v42 =	vsub.f32 $1.500000000e+00, v42;
	_ =	sdelay $0x1  }
0x261: {  	v44 =	vmul.f32 v43, v55;
	v41 =	vmul.f32 v42, v41;
	_ =	sdelay $0x1  }
0x262: {  	v56 =	vsub.f32 $1.500000000e+00, v44;
	v39 =	vmul.f32 v41, v39;
	_ =	sdelay $0x1  }
0x263: {  	v42 =	vmul.f32 v43, v56;
	v39 =	vmul.f32 v39, v41;
	_ =	sdelay $0x1  }
0x264: {  	v43 =	vmul.f32 v42, v40;
	v39 =	vsub.f32 $1.500000000e+00, v39;
	_ =	sdelay $0x1  }
0x265: {  	v43 =	vmul.f32 v43, v42;
	v39 =	vmul.f32 v39, v41;
	_ =	sdelay $0x1  }
0x266: {  	v57 =	vsub.f32 $1.500000000e+00, v43;
	v39 =	vmin.f32 v39, $9.999999950e+11  }
0x267: {  	v34 =	vmul.f32 v39, v34  }
0x268: {  	v41 =	vmul.f32 v57, v42;
	v33 =	vmul.f32 v39, v33  }
0x269: {  	v38 =	vmul.f32 v39, v38;
	[tilespmem:s5+$0xB0] =	vst v34  }
0x26a: {  	v58 =	vmul.f32 v39, v35;
	v59 =	vmul.f32 v41, v40;
	[tilespmem:s5+$0x70] =	vst v33  }
0x26b: {  	v60 =	vmul.f32 v39, v36;
	[tilespmem:s5+$0x0] =	vst v38  }
0x26c: {  	v61 =	vmul.f32 v39, v37;
	[tilespmem:s5+$0x60] =	vst v58;
	v35 =	vmul.f32 v59, v41  }
0x26d: {  	v28 =	vmul.f32 v39, v28;
	[tilespmem:s5+$0x20] =	vst v60  }
0x26e: {  	v32 =	vmul.f32 v39, v32;
	v29 =	vmul.f32 v39, v29;
	[tilespmem:s5+$0x10] =	vst v61;
	v62 =	vsub.f32 $1.500000000e+00, v35  }
0x26f: {  	v63 =	vmul.f32 v39, v25;
	v25 =	vmul.f32 v39, v31;
	[tilespmem:s5+$0xC0] =	vst v28  }
0x270: {  	v30 =	vmul.f32 v39, v30;
	[tilespmem:s5+$0x80] =	vst v29;
	v31 =	vmul.f32 v62, v41  }
0x271: {  	v20 =	vmul.f32 v39, v20;
	v21 =	vmul.f32 v39, v21;
	[tilespmem:s5+$0x40] =	vst v25  }
0x272: {  	v28 =	vmul.f32 v39, v27;
	v29 =	vmul.f32 v39, v26;
	[tilespmem:s5+$0x30] =	vst v30;
	v26 =	vmin.f32 v31, $9.999999950e+11  }
0x273: {  	[tilespmem:s5+$0x50] =	vst v32;
	v27 =	vmul.f32 v26, v24;
	v23 =	vmul.f32 v26, v23  }
0x274: {  	s6 =	simm.s32 $0x0;
	s7 =	simm.s32 $0x4300;
	[tilespmem:s5+$0x90] =	vst v63;
	v25 =	vmul.f32 v26, v22;
	v22 =	vmul.f32 v26, v19  }
.LBB2_6:
0x275: {  	v19 =	vld [tilespmem:s7+$0x90];
	s6 =	sadd.s32 $0x2, s6;
	v12 =	vmul.f32 v26, v12;
	v18 =	vmul.f32 v26, v18;
	[tilespmem:s5+$0xA0] =	vst v29  }
0x276: {  	v15 =	vmul.f32 v26, v15;
	v11 =	vmul.f32 v26, v11;
	v24 =	vld [tilespmem:s7+$0xC0];
	p0 =	slt.u32 s6, $0x3E;
	[tilespmem:s5+$0xD0] =	vst v20  }
0x277: {  	v16 =	vmul.f32 v26, v16;
	v17 =	vmul.f32 v26, v17;
	v20 =	vld [tilespmem:s7+$0xD0];
	[tilespmem:s5+$0xE0] =	vst v21  }
0x278: {  	v13 =	vmul.f32 v26, v13;
	v14 =	vmul.f32 v26, v14;
	v21 =	vld [tilespmem:s7+$0xE0];
	[tilespmem:s5+$0xF0] =	vst v28  }
0x279: {  	v10 =	vmul.f32 v26, v10;
	v8 =	vmul.f32 v26, v8;
	v30 =	vld [tilespmem:s7+$0xB0];
	[tilespmem:s5+$0xFFFFFF00] =	vst v12  }
0x27a: {  	v9 =	vmul.f32 v26, v9;
	v7 =	vmul.f32 v26, v7;
	v31 =	vld [tilespmem:s7+$0x70];
	[tilespmem:s5+$0xFFFFFF10] =	vst v18  }
0x27b: {  	v28 =	vld [tilespmem:s7+$0x80];
	[tilespmem:s5+$0xFFFFFFD0] =	vst v8  }
0x27c: {  	v26 =	vld [tilespmem:s7+$0xA0];
	[tilespmem:s5+$0xFFFFFFB0] =	vst v23  }
0x27d: {  	v8 =	vmul.f32 v24, v24;
	v12 =	vmul.f32 v20, v20;
	v29 =	vld [tilespmem:s7+$0xF0];
	[tilespmem:s5+$0xFFFFFF20] =	vst v15  }
0x27e: {  	v23 =	vld [tilespmem:s7+$0xFFFFFFB0];
	[tilespmem:s5+$0xFFFFFF90] =	vst v22  }
0x27f: {  	v18 =	vadd.f32 v12, v8;
	v22 =	vld [tilespmem:s7+$0xFFFFFF90];
	[tilespmem:s5+$0xFFFFFF80] =	vst v25  }
0x280: {  	v25 =	vld [tilespmem:s7+$0xFFFFFF80];
	[tilespmem:s5+$0xFFFFFF70] =	vst v27  }
0x281: {  	v27 =	vld [tilespmem:s7+$0xFFFFFF70];
	[tilespmem:s5+$0xFFFFFFE0] =	vst v9  }
0x282: {  	v35 =	vld [tilespmem:s7+$0x60];
	[tilespmem:s5+$0xFFFFFF30] =	vst v11  }
0x283: {  	v8 =	vmul.f32 v26, v26;
	v9 =	vmul.f32 v30, v30;
	v34 =	vld [tilespmem:s7+$0x50];
	[tilespmem:s5+$0xFFFFFFC0] =	vst v10  }
0x284: {  	v10 =	vmul.f32 v19, v19;
	v32 =	vld [tilespmem:s7+$0x40];
	[tilespmem:s5+$0xFFFFFFF0] =	vst v7  }
0x285: {  	v8 =	vadd.f32 v9, v8;
	v7 =	vmul.f32 v28, v28;
	v33 =	vld [tilespmem:s7+$0x30];
	[tilespmem:s5+$0xFFFFFF60] =	vst v13  }
0x286: {  	v37 =	vld [tilespmem:s7+$0x20];
	[tilespmem:s5+$0xFFFFFFA0] =	vst v14  }
0x287: {  	v9 =	vadd.f32 v10, v7;
	v36 =	vld [tilespmem:s7+$0x10];
	v13 =	vmul.f32 v35, v35;
	[tilespmem:s5+$0xFFFFFF40] =	vst v16  }
0x288: {  	v38 =	vld [tilespmem:s7+$0x0];
	[tilespmem:s5+$0xFFFFFF50] =	vst v17;
	s5 =	smov.u32 s7  }
0x289: {  	v11 =	vmul.f32 v34, v34;
	v17 =	vadd.f32 v8, v9;
	v7 =	vld [tilespmem:s7+$0xFFFFFFF0];
	v10 =	vmul.f32 v32, v32  }
0x28a: {  	v14 =	vmul.f32 v21, v21;
	v8 =	vld [tilespmem:s7+$0xFFFFFFD0]  }
0x28b: {  	v15 =	vmul.f32 v29, v29;
	v12 =	vld [tilespmem:s7+$0xFFFFFF00];
	v16 =	vmul.f32 v37, v37;
	v39 =	vadd.f32 v11, v10  }
0x28c: {  	v41 =	vmul.f32 v31, v31;
	v40 =	vmul.f32 v33, v33;
	v11 =	vld [tilespmem:s7+$0xFFFFFF30]  }
0x28d: {  	v43 =	vmul.f32 v36, v36;
	v9 =	vld [tilespmem:s7+$0xFFFFFFE0];
	v42 =	vmul.f32 v38, v38  }
0x28e: {  	v14 =	vadd.f32 v15, v14;
	v41 =	vadd.f32 v41, v13;
	v10 =	vld [tilespmem:s7+$0xFFFFFFC0]  }
0x28f: {  	v16 =	vadd.f32 v40, v16;
	v15 =	vld [tilespmem:s7+$0xFFFFFF20];
	v42 =	vadd.f32 v43, v42  }
0x290: {  	v18 =	vadd.f32 v14, v18;
	v40 =	vmul.f32 v22, v22;
	v13 =	vld [tilespmem:s7+$0xFFFFFF60]  }
0x291: {  	v39 =	vadd.f32 v41, v39;
	v43 =	vmul.f32 v25, v25;
	v14 =	vld [tilespmem:s7+$0xFFFFFFA0];
	v42 =	vadd.f32 v16, v42  }
0x292: {  	v45 =	vadd.f32 v18, v17;
	v41 =	vmul.f32 v27, v27;
	v16 =	vld [tilespmem:s7+$0xFFFFFF40];
	v44 =	vmul.f32 v9, v9  }
0x293: {  	v47 =	vmul.f32 v8, v8;
	v17 =	vld [tilespmem:s7+$0xFFFFFF50];
	v46 =	vmul.f32 v10, v10;
	v39 =	vadd.f32 v39, v42  }
0x294: {  	v48 =	vmul.f32 v7, v7;
	v40 =	vadd.f32 v40, v43;
	v18 =	vld [tilespmem:s7+$0xFFFFFF10];
	v42 =	vmul.f32 v15, v15  }
0x295: {  	v43 =	vmul.f32 v13, v13;
	v46 =	vadd.f32 v47, v46;
	v39 =	vadd.f32 v45, v39  }
0x296: {  	v44 =	vadd.f32 v48, v44;
	v47 =	vmul.f32 v23, v23;
	v45 =	vmul.f32 v14, v14  }
0x297: {  	v48 =	vmul.f32 v12, v12;
	v41 =	vadd.f32 v41, v43;
	v43 =	vperm.xlane v39, v1  }
0x298: {  	v49 =	vmul.f32 v16, v16;
	v50 =	vmul.f32 v17, v17;
	v45 =	vadd.f32 v47, v45  }
0x299: {  	v51 =	vmul.f32 v11, v11;
	v47 =	vmul.f32 v18, v18;
	v39 =	vadd.f32 v39, v43  }
0x29a: {  	v43 =	vadd.f32 v50, v49;
	v40 =	vadd.f32 v45, v40  }
0x29b: {  	v42 =	vadd.f32 v51, v42;
	v45 =	vadd.f32 v47, v48;
	v47 =	vperm.xlane v39, v2  }
0x29c: {  	v41 =	vadd.f32 v41, v43;
	v43 =	vadd.f32 v44, v46  }
0x29d: {  	v42 =	vadd.f32 v42, v45;
	v39 =	vadd.f32 v39, v47  }
0x29e: {  	v40 =	vadd.f32 v43, v40  }
0x29f: {  	v41 =	vadd.f32 v41, v42;
	v42 =	vperm.xlane v39, v3;
	_ =	sdelay $0x1  }
0x2a0: {  	v40 =	vadd.f32 v40, v41;
	v39 =	vadd.f32 v39, v42;
	_ =	sdelay $0x1  }
0x2a1: {  	v41 =	vperm.xlane v40, v1;
	v42 =	vperm.xlane v39, v4;
	_ =	sdelay $0x1  }
0x2a2: {  	v40 =	vadd.f32 v40, v41;
	v39 =	vadd.f32 v39, v42;
	_ =	sdelay $0x1  }
0x2a3: {  	v41 =	vperm.xlane v40, v2;
	v42 =	vshrl.u32 v39, $0x1;
	v39 =	vmul.f32 $5.000000000e-01, v39  }
0x2a4: {  	v42 =	vsub.s32 $0x5F3759DF, v42  }
0x2a5: {  	v40 =	vadd.f32 v40, v41;
	v41 =	vmul.f32 v42, v39;
	_ =	sdelay $0x1  }
0x2a6: {  	v43 =	vperm.xlane v40, v3;
	v41 =	vmul.f32 v42, v41;
	_ =	sdelay $0x1  }
0x2a7: {  	v40 =	vadd.f32 v40, v43;
	v41 =	vsub.f32 $1.500000000e+00, v41;
	_ =	sdelay $0x1  }
0x2a8: {  	v43 =	vperm.xlane v40, v4;
	v41 =	vmul.f32 v42, v41;
	_ =	sdelay $0x1  }
0x2a9: {  	v40 =	vadd.f32 v40, v43;
	v42 =	vmul.f32 v41, v39;
	_ =	sdelay $0x1  }
0x2aa: {  	v43 =	vshrl.u32 v40, $0x1;
	v40 =	vmul.f32 $5.000000000e-01, v40;
	v42 =	vmul.f32 v42, v41  }
0x2ab: {  	v43 =	vsub.s32 $0x5F3759DF, v43  }
0x2ac: {  	v44 =	vmul.f32 v43, v40;
	v42 =	vsub.f32 $1.500000000e+00, v42;
	_ =	sdelay $0x1  }
0x2ad: {  	v44 =	vmul.f32 v43, v44;
	v41 =	vmul.f32 v42, v41;
	_ =	sdelay $0x1  }
0x2ae: {  	v42 =	vsub.f32 $1.500000000e+00, v44;
	v39 =	vmul.f32 v41, v39;
	_ =	sdelay $0x1  }
0x2af: {  	v42 =	vmul.f32 v43, v42;
	v39 =	vmul.f32 v39, v41;
	_ =	sdelay $0x1  }
0x2b0: {  	v43 =	vmul.f32 v42, v40;
	v39 =	vsub.f32 $1.500000000e+00, v39;
	_ =	sdelay $0x1  }
0x2b1: {  	v43 =	vmul.f32 v43, v42;
	v39 =	vmul.f32 v39, v41;
	_ =	sdelay $0x1  }
0x2b2: {  	v41 =	vsub.f32 $1.500000000e+00, v43;
	v39 =	vmin.f32 v39, $9.999999950e+11  }
0x2b3: {  	v38 =	vmul.f32 v39, v38;
	v30 =	vmul.f32 v39, v30  }
0x2b4: {  	v31 =	vmul.f32 v39, v31;
	v41 =	vmul.f32 v41, v42  }
0x2b5: {  	v35 =	vmul.f32 v39, v35;
	v24 =	vmul.f32 v39, v24;
	[tilespmem:s7+$0xB0] =	vst v30  }
0x2b6: {  	v37 =	vmul.f32 v39, v37;
	v30 =	vmul.f32 v41, v40;
	[tilespmem:s7+$0x70] =	vst v31  }
0x2b7: {  	v34 =	vmul.f32 v39, v34;
	v31 =	vmul.f32 v39, v36;
	[tilespmem:s7+$0x0] =	vst v38  }
0x2b8: {  	v30 =	vmul.f32 v30, v41;
	[tilespmem:s7+$0x60] =	vst v35;
	v35 =	vmul.f32 v39, v28  }
0x2b9: {  	v19 =	vmul.f32 v39, v19;
	v28 =	vmul.f32 v39, v29;
	[tilespmem:s7+$0x20] =	vst v37  }
0x2ba: {  	v29 =	vmul.f32 v39, v26;
	v30 =	vsub.f32 $1.500000000e+00, v30;
	[tilespmem:s7+$0x10] =	vst v31;
	v31 =	vmul.f32 v39, v32  }
0x2bb: {  	v20 =	vmul.f32 v39, v20;
	v32 =	vmul.f32 v39, v33;
	[tilespmem:s7+$0xC0] =	vst v24  }
.Ltmp2:
0x2bc: {  	v21 =	vmul.f32 v39, v21;
	v24 =	vmul.f32 v30, v41;
	[tilespmem:s7+$0x80] =	vst v35;
	(pc) =	sbr.rel @p0 .LBB2_6-.Ltmp2, $4  }
0x2bd: {  	[tilespmem:s7+$0x40] =	vst v31  }
0x2be: {  	v26 =	vmin.f32 v24, $9.999999950e+11;
	[tilespmem:s7+$0x30] =	vst v32  }
0x2bf: {  	v27 =	vmul.f32 v26, v27;
	v23 =	vmul.f32 v26, v23;
	[tilespmem:s7+$0x50] =	vst v34  }
0x2c0: {  	v25 =	vmul.f32 v26, v25;
	v22 =	vmul.f32 v26, v22;
	s7 =	sadd.s32 $0x200, s7;
	[tilespmem:s5+$0x90] =	vst v19  }
0x2c1: {  	[tilespmem:s5+$0xA0] =	vst v29  }
0x2c2: {  	[tilespmem:s5+$0xD0] =	vst v20  }
0x2c3: {  	[tilespmem:s5+$0xE0] =	vst v21  }
0x2c4: {  	[tilespmem:s5+$0xF0] =	vst v28  }
0x2c5: {  	[tilespmem:s5+$0xFFFFFFB0] =	vst v23  }
0x2c6: {  	[tilespmem:s5+$0xFFFFFF70] =	vst v27  }
0x2c7: {  	v12 =	vmul.f32 v26, v12;
	[tilespmem:s5+$0xFFFFFF90] =	vst v22  }
0x2c8: {  	v18 =	vmul.f32 v26, v18;
	[tilespmem:s5+$0xFFFFFF80] =	vst v25  }
0x2c9: {  	v8 =	vmul.f32 v26, v8;
	[tilespmem:s5+$0xFFFFFF00] =	vst v12  }
0x2ca: {  	v10 =	vmul.f32 v26, v10;
	[tilespmem:s5+$0xFFFFFF10] =	vst v18  }
0x2cb: {  	v7 =	vmul.f32 v26, v7;
	[tilespmem:s5+$0xFFFFFFD0] =	vst v8  }
0x2cc: {  	v12 =	vmul.f32 v26, v15;
	[tilespmem:s5+$0xFFFFFFC0] =	vst v10  }
0x2cd: {  	v8 =	vmul.f32 v26, v9;
	[tilespmem:s5+$0xFFFFFFF0] =	vst v7  }
0x2ce: {  	v9 =	vmul.f32 v26, v11;
	[tilespmem:s5+$0xFFFFFF20] =	vst v12  }
0x2cf: {  	v7 =	vmul.f32 v26, v16;
	[tilespmem:s5+$0xFFFFFFE0] =	vst v8  }
0x2d0: {  	[tilespmem:s5+$0xFFFFFF30] =	vst v9;
	v8 =	vmul.f32 v26, v13  }
0x2d1: {  	v9 =	vmul.f32 v26, v14;
	[tilespmem:s5+$0xFFFFFF40] =	vst v7  }
0x2d2: {  	[tilespmem:s5+$0xFFFFFF60] =	vst v8;
	v8 =	vmul.f32 v26, v17  }
0x2d3: {  	[tilespmem:s5+$0xFFFFFFA0] =	vst v9  }
0x2d4: {  	[tilespmem:s5+$0xFFFFFF50] =	vst v8  }
0x2d5: {  	v7 =	vld [tilespmem:$0xC040];
	_ =	sdelay $0x4  }
0x2d6: {  	v7 =	vadd.s32 v5, v7;
	_ =	sdelay $0x4  }
0x2d7: {  	[tilespmem:v7+s30+$0x0] =	vst.idx.add.f32.msk $0xffff, v6  }
0x2d8: {  	v7 =	vld [tilespmem:$0xC050];
	_ =	sdelay $0x4  }
0x2d9: {  	v7 =	vadd.s32 v5, v7;
	_ =	sdelay $0x4  }
0x2da: {  	[tilespmem:v7+s30+$0x0] =	vst.idx.add.f32.msk $0xffff, v6  }
0x2db: {  	v7 =	vld [tilespmem:$0xC060];
	_ =	sdelay $0x4  }
0x2dc: {  	v7 =	vadd.s32 v5, v7;
	_ =	sdelay $0x4  }
0x2dd: {  	[tilespmem:v7+s30+$0x0] =	vst.idx.add.f32.msk $0xffff, v6  }
0x2de: {  	v7 =	vld [tilespmem:$0xC070];
	_ =	sdelay $0x4  }
0x2df: {  	v7 =	vadd.s32 v5, v7;
	_ =	sdelay $0x4  }
0x2e0: {  	[tilespmem:v7+s30+$0x0] =	vst.idx.add.f32.msk $0xffff, v6  }
0x2e1: {  	[spmem:s1] =	stream.indirect.scatter.add.f32 [tilespmem:s24], [sflag:$0x2], $0x100, s25, s31, $0xb8;
	[tilespmem:$0x1D8C0] =	vst v63  }
0x2e2: {  	_ =	swait.ge [sflag:s29], $0x4000  }
0x2e3: {  	[sflag:s29] =	ssyncset.done $0x0  }
0x2e4: {  	[sflag:s29] =	ssyncadd.s32 $0xFFFFC000  }
0x2e5: {  	_ =	swait.ge [sflag:s29], $0x40  }
0x2e6: {  	[sflag:s29] =	ssyncset.done $0x0  }
0x2e7: {  	s5 =	simm.s32 $0x8100;
	[sflag:s29] =	ssyncadd.s32 $0xFFFFFFC0  }
0x2e8: {  	v25 =	vld [tilespmem:s5+$0x90]  }
0x2e9: {  	v28 =	vld [tilespmem:s5+$0xC0]  }
0x2ea: {  	v20 =	vld [tilespmem:s5+$0xD0]  }
0x2eb: {  	v21 =	vld [tilespmem:s5+$0xE0]  }
0x2ec: {  	v34 =	vld [tilespmem:s5+$0xB0]  }
0x2ed: {  	v33 =	vld [tilespmem:s5+$0x70]  }
0x2ee: {  	v29 =	vld [tilespmem:s5+$0x80]  }
0x2ef: {  	v26 =	vld [tilespmem:s5+$0xA0]  }
0x2f0: {  	v27 =	vld [tilespmem:s5+$0xF0]  }
0x2f1: {  	v23 =	vld [tilespmem:s5+$0xFFFFFFB0]  }
0x2f2: {  	v19 =	vld [tilespmem:s5+$0xFFFFFF90]  }
0x2f3: {  	v22 =	vld [tilespmem:s5+$0xFFFFFF80]  }
0x2f4: {  	v24 =	vld [tilespmem:s5+$0xFFFFFF70]  }
0x2f5: {  	v35 =	vld [tilespmem:s5+$0x60]  }
0x2f6: {  	v32 =	vld [tilespmem:s5+$0x50]  }
0x2f7: {  	v31 =	vld [tilespmem:s5+$0x40]  }
0x2f8: {  	v36 =	vld [tilespmem:s5+$0x20];
	v8 =	vmul.f32 v28, v28  }
0x2f9: {  	v38 =	vld [tilespmem:s5+$0x0];
	v9 =	vmul.f32 v20, v20;
	v10 =	vmul.f32 v26, v26  }
0x2fa: {  	v37 =	vld [tilespmem:s5+$0x10];
	v11 =	vmul.f32 v34, v34;
	v13 =	vmul.f32 v25, v25  }
0x2fb: {  	v30 =	vld [tilespmem:s5+$0x30];
	v14 =	vmul.f32 v29, v29;
	v15 =	vmul.f32 v35, v35  }
0x2fc: {  	v7 =	vld [tilespmem:s5+$0xFFFFFFF0];
	v16 =	vmul.f32 v31, v31;
	v18 =	vmul.f32 v21, v21  }
0x2fd: {  	v12 =	vld [tilespmem:s5+$0xFFFFFF00];
	v40 =	vmul.f32 v36, v36;
	v41 =	vmul.f32 v27, v27  }
0x2fe: {  	v42 =	vmul.f32 v33, v33;
	v43 =	vmul.f32 v38, v38;
	v17 =	vadd.f32 v9, v8;
	v8 =	vld [tilespmem:s5+$0xFFFFFFD0]  }
0x2ff: {  	v44 =	vmul.f32 v37, v37;
	v9 =	vmul.f32 v32, v32;
	v39 =	vadd.f32 v11, v10;
	v11 =	vld [tilespmem:s5+$0xFFFFFF30]  }
0x300: {  	v13 =	vadd.f32 v13, v14;
	v14 =	vmul.f32 v30, v30;
	v10 =	vld [tilespmem:s5+$0xFFFFFFC0];
	v42 =	vadd.f32 v42, v15  }
0x301: {  	v52 =	vmul.f32 v19, v19;
	v18 =	vadd.f32 v41, v18;
	v15 =	vld [tilespmem:s5+$0xFFFFFF20];
	v51 =	vadd.f32 v44, v43  }
0x302: {  	v53 =	vmul.f32 v22, v22;
	v16 =	vadd.f32 v9, v16;
	v9 =	vld [tilespmem:s5+$0xFFFFFFE0];
	v40 =	vadd.f32 v14, v40  }
0x303: {  	v55 =	vmul.f32 v24, v24;
	v39 =	vadd.f32 v39, v13;
	v13 =	vld [tilespmem:s5+$0xFFFFFF60];
	v17 =	vadd.f32 v18, v17  }
0x304: {  	v48 =	vmul.f32 v7, v7;
	v14 =	vld [tilespmem:s5+$0xFFFFFFA0];
	v18 =	vadd.f32 v40, v51;
	v54 =	vadd.f32 v42, v16  }
0x305: {  	v59 =	vmul.f32 v23, v23;
	v60 =	vmul.f32 v12, v12;
	v16 =	vld [tilespmem:s5+$0xFFFFFF40]  }
0x306: {  	v39 =	vadd.f32 v17, v39;
	v17 =	vld [tilespmem:s5+$0xFFFFFF50];
	v45 =	vmul.f32 v10, v10;
	v40 =	vadd.f32 v54, v18  }
0x307: {  	v46 =	vmul.f32 v8, v8;
	v47 =	vmul.f32 v15, v15;
	v18 =	vld [tilespmem:s5+$0xFFFFFF10]  }
0x308: {  	v51 =	vmul.f32 v11, v11;
	v56 =	vmul.f32 v9, v9;
	v39 =	vadd.f32 v39, v40  }
0x309: {  	v43 =	vadd.f32 v52, v53;
	v57 =	vmul.f32 v13, v13;
	v58 =	vmul.f32 v14, v14  }
0x30a: {  	v45 =	vadd.f32 v46, v45;
	v42 =	vadd.f32 v48, v56;
	v61 =	vperm.xlane v39, v1  }
0x30b: {  	v49 =	vmul.f32 v16, v16;
	v50 =	vmul.f32 v17, v17;
	v40 =	vadd.f32 v59, v58  }
0x30c: {  	v41 =	vadd.f32 v55, v57;
	v62 =	vmul.f32 v18, v18;
	v39 =	vadd.f32 v39, v61  }
0x30d: {  	v63 =	vadd.f32 v50, v49;
	v40 =	vadd.f32 v40, v43  }
0x30e: {  	v50 =	vadd.f32 v51, v47;
	v49 =	vadd.f32 v62, v60;
	v51 =	vperm.xlane v39, v2  }
0x30f: {  	v42 =	vadd.f32 v42, v45;
	v41 =	vadd.f32 v41, v63  }
0x310: {  	v43 =	vadd.f32 v50, v49;
	v39 =	vadd.f32 v39, v51;
	_ =	sdelay $0x1  }
0x311: {  	v40 =	vadd.f32 v42, v40;
	v41 =	vadd.f32 v41, v43;
	v52 =	vperm.xlane v39, v3;
	_ =	sdelay $0x1  }
0x312: {  	v40 =	vadd.f32 v40, v41;
	v39 =	vadd.f32 v39, v52;
	_ =	sdelay $0x1  }
0x313: {  	v41 =	vperm.xlane v40, v1;
	v42 =	vperm.xlane v39, v4;
	_ =	sdelay $0x1  }
0x314: {  	v40 =	vadd.f32 v40, v41;
	v39 =	vadd.f32 v39, v42;
	_ =	sdelay $0x1  }
0x315: {  	v41 =	vperm.xlane v40, v2;
	v42 =	vshrl.u32 v39, $0x1;
	v39 =	vmul.f32 $5.000000000e-01, v39  }
0x316: {  	v42 =	vsub.s32 $0x5F3759DF, v42  }
0x317: {  	v40 =	vadd.f32 v40, v41;
	v53 =	vmul.f32 v42, v39;
	_ =	sdelay $0x1  }
0x318: {  	v54 =	vperm.xlane v40, v3;
	v41 =	vmul.f32 v42, v53;
	_ =	sdelay $0x1  }
0x319: {  	v40 =	vadd.f32 v40, v54;
	v41 =	vsub.f32 $1.500000000e+00, v41;
	_ =	sdelay $0x1  }
0x31a: {  	v43 =	vperm.xlane v40, v4;
	v41 =	vmul.f32 v42, v41;
	_ =	sdelay $0x1  }
0x31b: {  	v40 =	vadd.f32 v40, v43;
	v42 =	vmul.f32 v41, v39;
	_ =	sdelay $0x1  }
0x31c: {  	v43 =	vshrl.u32 v40, $0x1;
	v40 =	vmul.f32 $5.000000000e-01, v40;
	v42 =	vmul.f32 v42, v41  }
0x31d: {  	v43 =	vsub.s32 $0x5F3759DF, v43  }
0x31e: {  	v55 =	vmul.f32 v43, v40;
	v42 =	vsub.f32 $1.500000000e+00, v42;
	_ =	sdelay $0x1  }
0x31f: {  	v44 =	vmul.f32 v43, v55;
	v41 =	vmul.f32 v42, v41;
	_ =	sdelay $0x1  }
0x320: {  	v56 =	vsub.f32 $1.500000000e+00, v44;
	v39 =	vmul.f32 v41, v39;
	_ =	sdelay $0x1  }
0x321: {  	v42 =	vmul.f32 v43, v56;
	v39 =	vmul.f32 v39, v41;
	_ =	sdelay $0x1  }
0x322: {  	v43 =	vmul.f32 v42, v40;
	v39 =	vsub.f32 $1.500000000e+00, v39;
	_ =	sdelay $0x1  }
0x323: {  	v43 =	vmul.f32 v43, v42;
	v39 =	vmul.f32 v39, v41;
	_ =	sdelay $0x1  }
0x324: {  	v57 =	vsub.f32 $1.500000000e+00, v43;
	v39 =	vmin.f32 v39, $9.999999950e+11  }
0x325: {  	v34 =	vmul.f32 v39, v34  }
0x326: {  	v41 =	vmul.f32 v57, v42;
	v33 =	vmul.f32 v39, v33  }
0x327: {  	v38 =	vmul.f32 v39, v38;
	[tilespmem:s5+$0xB0] =	vst v34  }
0x328: {  	v58 =	vmul.f32 v39, v35;
	v59 =	vmul.f32 v41, v40;
	[tilespmem:s5+$0x70] =	vst v33  }
0x329: {  	v60 =	vmul.f32 v39, v36;
	[tilespmem:s5+$0x0] =	vst v38  }
0x32a: {  	v61 =	vmul.f32 v39, v37;
	[tilespmem:s5+$0x60] =	vst v58;
	v35 =	vmul.f32 v59, v41  }
0x32b: {  	v28 =	vmul.f32 v39, v28;
	[tilespmem:s5+$0x20] =	vst v60  }
0x32c: {  	v32 =	vmul.f32 v39, v32;
	v29 =	vmul.f32 v39, v29;
	[tilespmem:s5+$0x10] =	vst v61;
	v62 =	vsub.f32 $1.500000000e+00, v35  }
0x32d: {  	v63 =	vmul.f32 v39, v25;
	v25 =	vmul.f32 v39, v31;
	[tilespmem:s5+$0xC0] =	vst v28  }
0x32e: {  	v30 =	vmul.f32 v39, v30;
	[tilespmem:s5+$0x80] =	vst v29;
	v31 =	vmul.f32 v62, v41  }
0x32f: {  	v20 =	vmul.f32 v39, v20;
	v21 =	vmul.f32 v39, v21;
	[tilespmem:s5+$0x40] =	vst v25  }
0x330: {  	v28 =	vmul.f32 v39, v27;
	v29 =	vmul.f32 v39, v26;
	[tilespmem:s5+$0x30] =	vst v30;
	v26 =	vmin.f32 v31, $9.999999950e+11  }
0x331: {  	[tilespmem:s5+$0x50] =	vst v32;
	v27 =	vmul.f32 v26, v24;
	v23 =	vmul.f32 v26, v23  }
0x332: {  	s6 =	simm.s32 $0x0;
	s7 =	simm.s32 $0x8300;
	[tilespmem:s5+$0x90] =	vst v63;
	v25 =	vmul.f32 v26, v22;
	v22 =	vmul.f32 v26, v19  }
.LBB2_8:
0x333: {  	v19 =	vld [tilespmem:s7+$0x90];
	s6 =	sadd.s32 $0x2, s6;
	v12 =	vmul.f32 v26, v12;
	v18 =	vmul.f32 v26, v18;
	[tilespmem:s5+$0xA0] =	vst v29  }
0x334: {  	v15 =	vmul.f32 v26, v15;
	v11 =	vmul.f32 v26, v11;
	v24 =	vld [tilespmem:s7+$0xC0];
	p0 =	slt.u32 s6, $0x3E;
	[tilespmem:s5+$0xD0] =	vst v20  }
0x335: {  	v16 =	vmul.f32 v26, v16;
	v17 =	vmul.f32 v26, v17;
	v20 =	vld [tilespmem:s7+$0xD0];
	[tilespmem:s5+$0xE0] =	vst v21  }
0x336: {  	v13 =	vmul.f32 v26, v13;
	v14 =	vmul.f32 v26, v14;
	v21 =	vld [tilespmem:s7+$0xE0];
	[tilespmem:s5+$0xF0] =	vst v28  }
0x337: {  	v10 =	vmul.f32 v26, v10;
	v8 =	vmul.f32 v26, v8;
	v30 =	vld [tilespmem:s7+$0xB0];
	[tilespmem:s5+$0xFFFFFF00] =	vst v12  }
0x338: {  	v9 =	vmul.f32 v26, v9;
	v7 =	vmul.f32 v26, v7;
	v31 =	vld [tilespmem:s7+$0x70];
	[tilespmem:s5+$0xFFFFFF10] =	vst v18  }
0x339: {  	v28 =	vld [tilespmem:s7+$0x80];
	[tilespmem:s5+$0xFFFFFFD0] =	vst v8  }
0x33a: {  	v26 =	vld [tilespmem:s7+$0xA0];
	[tilespmem:s5+$0xFFFFFFB0] =	vst v23  }
0x33b: {  	v8 =	vmul.f32 v24, v24;
	v12 =	vmul.f32 v20, v20;
	v29 =	vld [tilespmem:s7+$0xF0];
	[tilespmem:s5+$0xFFFFFF20] =	vst v15  }
0x33c: {  	v23 =	vld [tilespmem:s7+$0xFFFFFFB0];
	[tilespmem:s5+$0xFFFFFF90] =	vst v22  }
0x33d: {  	v18 =	vadd.f32 v12, v8;
	v22 =	vld [tilespmem:s7+$0xFFFFFF90];
	[tilespmem:s5+$0xFFFFFF80] =	vst v25  }
0x33e: {  	v25 =	vld [tilespmem:s7+$0xFFFFFF80];
	[tilespmem:s5+$0xFFFFFF70] =	vst v27  }
0x33f: {  	v27 =	vld [tilespmem:s7+$0xFFFFFF70];
	[tilespmem:s5+$0xFFFFFFE0] =	vst v9  }
0x340: {  	v35 =	vld [tilespmem:s7+$0x60];
	[tilespmem:s5+$0xFFFFFF30] =	vst v11  }
0x341: {  	v8 =	vmul.f32 v26, v26;
	v9 =	vmul.f32 v30, v30;
	v34 =	vld [tilespmem:s7+$0x50];
	[tilespmem:s5+$0xFFFFFFC0] =	vst v10  }
0x342: {  	v10 =	vmul.f32 v19, v19;
	v32 =	vld [tilespmem:s7+$0x40];
	[tilespmem:s5+$0xFFFFFFF0] =	vst v7  }
0x343: {  	v8 =	vadd.f32 v9, v8;
	v7 =	vmul.f32 v28, v28;
	v33 =	vld [tilespmem:s7+$0x30];
	[tilespmem:s5+$0xFFFFFF60] =	vst v13  }
0x344: {  	v37 =	vld [tilespmem:s7+$0x20];
	[tilespmem:s5+$0xFFFFFFA0] =	vst v14  }
0x345: {  	v9 =	vadd.f32 v10, v7;
	v36 =	vld [tilespmem:s7+$0x10];
	v13 =	vmul.f32 v35, v35;
	[tilespmem:s5+$0xFFFFFF40] =	vst v16  }
0x346: {  	v38 =	vld [tilespmem:s7+$0x0];
	[tilespmem:s5+$0xFFFFFF50] =	vst v17;
	s5 =	smov.u32 s7  }
0x347: {  	v11 =	vmul.f32 v34, v34;
	v17 =	vadd.f32 v8, v9;
	v7 =	vld [tilespmem:s7+$0xFFFFFFF0];
	v10 =	vmul.f32 v32, v32  }
0x348: {  	v14 =	vmul.f32 v21, v21;
	v8 =	vld [tilespmem:s7+$0xFFFFFFD0]  }
0x349: {  	v15 =	vmul.f32 v29, v29;
	v12 =	vld [tilespmem:s7+$0xFFFFFF00];
	v16 =	vmul.f32 v37, v37;
	v39 =	vadd.f32 v11, v10  }
0x34a: {  	v41 =	vmul.f32 v31, v31;
	v40 =	vmul.f32 v33, v33;
	v11 =	vld [tilespmem:s7+$0xFFFFFF30]  }
0x34b: {  	v43 =	vmul.f32 v36, v36;
	v9 =	vld [tilespmem:s7+$0xFFFFFFE0];
	v42 =	vmul.f32 v38, v38  }
0x34c: {  	v14 =	vadd.f32 v15, v14;
	v41 =	vadd.f32 v41, v13;
	v10 =	vld [tilespmem:s7+$0xFFFFFFC0]  }
0x34d: {  	v16 =	vadd.f32 v40, v16;
	v15 =	vld [tilespmem:s7+$0xFFFFFF20];
	v42 =	vadd.f32 v43, v42  }
0x34e: {  	v18 =	vadd.f32 v14, v18;
	v40 =	vmul.f32 v22, v22;
	v13 =	vld [tilespmem:s7+$0xFFFFFF60]  }
0x34f: {  	v39 =	vadd.f32 v41, v39;
	v43 =	vmul.f32 v25, v25;
	v14 =	vld [tilespmem:s7+$0xFFFFFFA0];
	v42 =	vadd.f32 v16, v42  }
0x350: {  	v45 =	vadd.f32 v18, v17;
	v41 =	vmul.f32 v27, v27;
	v16 =	vld [tilespmem:s7+$0xFFFFFF40];
	v44 =	vmul.f32 v9, v9  }
0x351: {  	v47 =	vmul.f32 v8, v8;
	v17 =	vld [tilespmem:s7+$0xFFFFFF50];
	v46 =	vmul.f32 v10, v10;
	v39 =	vadd.f32 v39, v42  }
0x352: {  	v48 =	vmul.f32 v7, v7;
	v40 =	vadd.f32 v40, v43;
	v18 =	vld [tilespmem:s7+$0xFFFFFF10];
	v42 =	vmul.f32 v15, v15  }
0x353: {  	v43 =	vmul.f32 v13, v13;
	v46 =	vadd.f32 v47, v46;
	v39 =	vadd.f32 v45, v39  }
0x354: {  	v44 =	vadd.f32 v48, v44;
	v47 =	vmul.f32 v23, v23;
	v45 =	vmul.f32 v14, v14  }
0x355: {  	v48 =	vmul.f32 v12, v12;
	v41 =	vadd.f32 v41, v43;
	v43 =	vperm.xlane v39, v1  }
0x356: {  	v49 =	vmul.f32 v16, v16;
	v50 =	vmul.f32 v17, v17;
	v45 =	vadd.f32 v47, v45  }
0x357: {  	v51 =	vmul.f32 v11, v11;
	v47 =	vmul.f32 v18, v18;
	v39 =	vadd.f32 v39, v43  }
0x358: {  	v43 =	vadd.f32 v50, v49;
	v40 =	vadd.f32 v45, v40  }
0x359: {  	v42 =	vadd.f32 v51, v42;
	v45 =	vadd.f32 v47, v48;
	v47 =	vperm.xlane v39, v2  }
0x35a: {  	v41 =	vadd.f32 v41, v43;
	v43 =	vadd.f32 v44, v46  }
0x35b: {  	v42 =	vadd.f32 v42, v45;
	v39 =	vadd.f32 v39, v47  }
0x35c: {  	v40 =	vadd.f32 v43, v40  }
0x35d: {  	v41 =	vadd.f32 v41, v42;
	v42 =	vperm.xlane v39, v3;
	_ =	sdelay $0x1  }
0x35e: {  	v40 =	vadd.f32 v40, v41;
	v39 =	vadd.f32 v39, v42;
	_ =	sdelay $0x1  }
0x35f: {  	v41 =	vperm.xlane v40, v1;
	v42 =	vperm.xlane v39, v4;
	_ =	sdelay $0x1  }
0x360: {  	v40 =	vadd.f32 v40, v41;
	v39 =	vadd.f32 v39, v42;
	_ =	sdelay $0x1  }
0x361: {  	v41 =	vperm.xlane v40, v2;
	v42 =	vshrl.u32 v39, $0x1;
	v39 =	vmul.f32 $5.000000000e-01, v39  }
0x362: {  	v42 =	vsub.s32 $0x5F3759DF, v42  }
0x363: {  	v40 =	vadd.f32 v40, v41;
	v41 =	vmul.f32 v42, v39;
	_ =	sdelay $0x1  }
0x364: {  	v43 =	vperm.xlane v40, v3;
	v41 =	vmul.f32 v42, v41;
	_ =	sdelay $0x1  }
0x365: {  	v40 =	vadd.f32 v40, v43;
	v41 =	vsub.f32 $1.500000000e+00, v41;
	_ =	sdelay $0x1  }
0x366: {  	v43 =	vperm.xlane v40, v4;
	v41 =	vmul.f32 v42, v41;
	_ =	sdelay $0x1  }
0x367: {  	v40 =	vadd.f32 v40, v43;
	v42 =	vmul.f32 v41, v39;
	_ =	sdelay $0x1  }
0x368: {  	v43 =	vshrl.u32 v40, $0x1;
	v40 =	vmul.f32 $5.000000000e-01, v40;
	v42 =	vmul.f32 v42, v41  }
0x369: {  	v43 =	vsub.s32 $0x5F3759DF, v43  }
0x36a: {  	v44 =	vmul.f32 v43, v40;
	v42 =	vsub.f32 $1.500000000e+00, v42;
	_ =	sdelay $0x1  }
0x36b: {  	v44 =	vmul.f32 v43, v44;
	v41 =	vmul.f32 v42, v41;
	_ =	sdelay $0x1  }
0x36c: {  	v42 =	vsub.f32 $1.500000000e+00, v44;
	v39 =	vmul.f32 v41, v39;
	_ =	sdelay $0x1  }
0x36d: {  	v42 =	vmul.f32 v43, v42;
	v39 =	vmul.f32 v39, v41;
	_ =	sdelay $0x1  }
0x36e: {  	v43 =	vmul.f32 v42, v40;
	v39 =	vsub.f32 $1.500000000e+00, v39;
	_ =	sdelay $0x1  }
0x36f: {  	v43 =	vmul.f32 v43, v42;
	v39 =	vmul.f32 v39, v41;
	_ =	sdelay $0x1  }
0x370: {  	v41 =	vsub.f32 $1.500000000e+00, v43;
	v39 =	vmin.f32 v39, $9.999999950e+11  }
0x371: {  	v38 =	vmul.f32 v39, v38;
	v30 =	vmul.f32 v39, v30  }
0x372: {  	v31 =	vmul.f32 v39, v31;
	v41 =	vmul.f32 v41, v42  }
0x373: {  	v35 =	vmul.f32 v39, v35;
	v24 =	vmul.f32 v39, v24;
	[tilespmem:s7+$0xB0] =	vst v30  }
0x374: {  	v37 =	vmul.f32 v39, v37;
	v30 =	vmul.f32 v41, v40;
	[tilespmem:s7+$0x70] =	vst v31  }
0x375: {  	v34 =	vmul.f32 v39, v34;
	v31 =	vmul.f32 v39, v36;
	[tilespmem:s7+$0x0] =	vst v38  }
0x376: {  	v30 =	vmul.f32 v30, v41;
	[tilespmem:s7+$0x60] =	vst v35;
	v35 =	vmul.f32 v39, v28  }
0x377: {  	v19 =	vmul.f32 v39, v19;
	v28 =	vmul.f32 v39, v29;
	[tilespmem:s7+$0x20] =	vst v37  }
0x378: {  	v29 =	vmul.f32 v39, v26;
	v30 =	vsub.f32 $1.500000000e+00, v30;
	[tilespmem:s7+$0x10] =	vst v31;
	v31 =	vmul.f32 v39, v32  }
0x379: {  	v20 =	vmul.f32 v39, v20;
	v32 =	vmul.f32 v39, v33;
	[tilespmem:s7+$0xC0] =	vst v24  }
.Ltmp3:
0x37a: {  	v21 =	vmul.f32 v39, v21;
	v24 =	vmul.f32 v30, v41;
	[tilespmem:s7+$0x80] =	vst v35;
	(pc) =	sbr.rel @p0 .LBB2_8-.Ltmp3, $4  }
0x37b: {  	[tilespmem:s7+$0x40] =	vst v31  }
0x37c: {  	v26 =	vmin.f32 v24, $9.999999950e+11;
	[tilespmem:s7+$0x30] =	vst v32  }
0x37d: {  	v27 =	vmul.f32 v26, v27;
	v23 =	vmul.f32 v26, v23;
	[tilespmem:s7+$0x50] =	vst v34  }
0x37e: {  	v25 =	vmul.f32 v26, v25;
	v22 =	vmul.f32 v26, v22;
	s7 =	sadd.s32 $0x200, s7;
	[tilespmem:s5+$0x90] =	vst v19  }
0x37f: {  	[tilespmem:s5+$0xA0] =	vst v29  }
0x380: {  	[tilespmem:s5+$0xD0] =	vst v20  }
0x381: {  	[tilespmem:s5+$0xE0] =	vst v21  }
0x382: {  	[tilespmem:s5+$0xF0] =	vst v28  }
0x383: {  	[tilespmem:s5+$0xFFFFFFB0] =	vst v23  }
0x384: {  	[tilespmem:s5+$0xFFFFFF70] =	vst v27  }
0x385: {  	v12 =	vmul.f32 v26, v12;
	[tilespmem:s5+$0xFFFFFF90] =	vst v22  }
0x386: {  	v18 =	vmul.f32 v26, v18;
	[tilespmem:s5+$0xFFFFFF80] =	vst v25  }
0x387: {  	v8 =	vmul.f32 v26, v8;
	[tilespmem:s5+$0xFFFFFF00] =	vst v12  }
0x388: {  	v10 =	vmul.f32 v26, v10;
	[tilespmem:s5+$0xFFFFFF10] =	vst v18  }
0x389: {  	v7 =	vmul.f32 v26, v7;
	[tilespmem:s5+$0xFFFFFFD0] =	vst v8  }
0x38a: {  	v12 =	vmul.f32 v26, v15;
	[tilespmem:s5+$0xFFFFFFC0] =	vst v10  }
0x38b: {  	v8 =	vmul.f32 v26, v9;
	[tilespmem:s5+$0xFFFFFFF0] =	vst v7  }
0x38c: {  	v9 =	vmul.f32 v26, v11;
	[tilespmem:s5+$0xFFFFFF20] =	vst v12  }
0x38d: {  	v7 =	vmul.f32 v26, v16;
	[tilespmem:s5+$0xFFFFFFE0] =	vst v8  }
0x38e: {  	[tilespmem:s5+$0xFFFFFF30] =	vst v9;
	v8 =	vmul.f32 v26, v13  }
0x38f: {  	v9 =	vmul.f32 v26, v14;
	[tilespmem:s5+$0xFFFFFF40] =	vst v7  }
0x390: {  	[tilespmem:s5+$0xFFFFFF60] =	vst v8;
	v8 =	vmul.f32 v26, v17  }
0x391: {  	[tilespmem:s5+$0xFFFFFFA0] =	vst v9  }
0x392: {  	[tilespmem:s5+$0xFFFFFF50] =	vst v8  }
0x393: {  	v7 =	vld [tilespmem:$0xC080];
	_ =	sdelay $0x4  }
0x394: {  	v7 =	vadd.s32 v5, v7;
	_ =	sdelay $0x4  }
0x395: {  	[tilespmem:v7+s30+$0x0] =	vst.idx.add.f32.msk $0xffff, v6  }
0x396: {  	v7 =	vld [tilespmem:$0xC090];
	_ =	sdelay $0x4  }
0x397: {  	v7 =	vadd.s32 v5, v7;
	_ =	sdelay $0x4  }
0x398: {  	[tilespmem:v7+s30+$0x0] =	vst.idx.add.f32.msk $0xffff, v6  }
0x399: {  	v7 =	vld [tilespmem:$0xC0A0];
	_ =	sdelay $0x4  }
0x39a: {  	v7 =	vadd.s32 v5, v7;
	_ =	sdelay $0x4  }
0x39b: {  	[tilespmem:v7+s30+$0x0] =	vst.idx.add.f32.msk $0xffff, v6  }
0x39c: {  	v7 =	vld [tilespmem:$0xC0B0];
	_ =	sdelay $0x4  }
0x39d: {  	v7 =	vadd.s32 v5, v7;
	_ =	sdelay $0x4  }
0x39e: {  	[tilespmem:v7+s30+$0x0] =	vst.idx.add.f32.msk $0xffff, v6  }
0x39f: {  	[spmem:s1] =	stream.indirect.scatter.add.f32 [tilespmem:s26], [sflag:$0x2], $0x100, s28, s31, $0xb8;
	[tilespmem:$0x1D8C0] =	vst v63  }
0x3a0: {  	_ =	swait.ge [sflag:s0], $0x4000  }
0x3a1: {  	[sflag:s0] =	ssyncset.done $0x0  }
0x3a2: {  	[sflag:s0] =	ssyncadd.s32 $0xFFFFC000  }
0x3a3: {  	_ =	swait.ge [sflag:s0], $0x4000  }
0x3a4: {  	[sflag:s0] =	ssyncset.done $0x0  }
0x3a5: {  	[sflag:s0] =	ssyncadd.s32 $0xFFFFC000  }
0x3a6: {  	_ =	swait.ge [sflag:s0], $0x4000  }
0x3a7: {  	[sflag:s0] =	ssyncset.done $0x0  }
0x3a8: {  	[sflag:s0] =	ssyncadd.s32 $0xFFFFC000  }
0x3a9: {  	s6 =	simm.s32 $0x0;
	[bflag:$0x0] =	sbarrier.arrive $0xFFFF  }
0x3aa: {  	v7 =	vld [tilespmem:s6+$0xC0C0]  }
0x3ab: {  	v8 =	vld [tilespmem:s6+$0xC8C0];
	_ =	sdelay $0x1  }
0x3ac: {  	v9 =	vld [tilespmem:s6+$0xD0C0];
	_ =	sdelay $0x1  }
0x3ad: {  	v10 =	vld [tilespmem:s6+$0xD8C0]  }
0x3ae: {  	v7 =	vadd.f32 v8, v7  }
0x3af: {  	v8 =	vld [tilespmem:s6+$0xE0C0]  }
0x3b0: {  	v7 =	vadd.f32 v9, v7  }
0x3b1: {  	v9 =	vld [tilespmem:s6+$0xE8C0]  }
0x3b2: {  	v7 =	vadd.f32 v10, v7  }
0x3b3: {  	v10 =	vld [tilespmem:s6+$0xF0C0]  }
0x3b4: {  	v7 =	vadd.f32 v8, v7  }
0x3b5: {  	v8 =	vld [tilespmem:s6+$0xF8C0]  }
0x3b6: {  	s5 =	simm.s32 $0x10;
	v11 =	vld [tilespmem:s6+$0x100C0];
	v7 =	vadd.f32 v9, v7  }
0x3b7: {  	v12 =	vld [tilespmem:s5+$0xC0C0]  }
0x3b8: {  	v9 =	vld [tilespmem:s6+$0x108C0];
	v7 =	vadd.f32 v10, v7  }
0x3b9: {  	v10 =	vld [tilespmem:s5+$0xC8C0]  }
0x3ba: {  	v13 =	vld [tilespmem:s5+$0xD0C0];
	v7 =	vadd.f32 v8, v7  }
0x3bb: {  	v8 =	vld [tilespmem:s6+$0x110C0]  }
0x3bc: {  	v14 =	vld [tilespmem:s5+$0xD8C0];
	v7 =	vadd.f32 v11, v7  }
0x3bd: {  	v11 =	vld [tilespmem:s6+$0x118C0]  }
0x3be: {  	v10 =	vadd.f32 v10, v12;
	v12 =	vld [tilespmem:s5+$0xE0C0];
	v7 =	vadd.f32 v9, v7  }
0x3bf: {  	v9 =	vld [tilespmem:s6+$0x120C0]  }
0x3c0: {  	v10 =	vadd.f32 v13, v10;
	v13 =	vld [tilespmem:s5+$0xE8C0];
	v7 =	vadd.f32 v8, v7  }
0x3c1: {  	v8 =	vld [tilespmem:s6+$0x128C0]  }
0x3c2: {  	v15 =	vld [tilespmem:s5+$0xF0C0];
	v10 =	vadd.f32 v14, v10;
	v7 =	vadd.f32 v11, v7  }
0x3c3: {  	v14 =	vld [tilespmem:s6+$0x130C0]  }
0x3c4: {  	v11 =	vadd.f32 v12, v10;
	v10 =	vld [tilespmem:s5+$0xF8C0];
	v12 =	vadd.f32 v9, v7  }
0x3c5: {  	v9 =	vld [tilespmem:s6+$0x138C0]  }
0x3c6: {  	v7 =	vld [tilespmem:s5+$0x108C0];
	v13 =	vadd.f32 v13, v11;
	v63 =	vadd.f32 v8, v12  }
0x3c7: {  	s7 =	simm.s32 $0x20;
	v11 =	vld [tilespmem:s5+$0x100C0]  }
0x3c8: {  	s8 =	simm.s32 $0xC0;
	v8 =	vld [tilespmem:s7+$0xC0C0];
	v12 =	vadd.f32 v15, v13;
	v13 =	vadd.f32 v14, v63  }
.LBB2_10:
0x3c9: {  	p0 =	sne.s32 s8, $0x1FC0;
	v14 =	vld [tilespmem:s7+$0xC8C0]  }
0x3ca: {  	v10 =	vadd.f32 v10, v12;
	v12 =	vld [tilespmem:s5+$0x110C0];
	v9 =	vadd.f32 v9, v13  }
0x3cb: {  	v13 =	vld [tilespmem:s7+$0xD0C0]  }
0x3cc: {  	v10 =	vadd.f32 v11, v10;
	v11 =	vld [tilespmem:s5+$0x118C0];
	[tilespmem:s6+$0x140C0] =	vst v9;
	s6 =	smov.u32 s5;
	s5 =	smov.u32 s7  }
0x3cd: {  	v9 =	vld [tilespmem:s5+$0xD8C0]  }
0x3ce: {  	v8 =	vadd.f32 v14, v8;
	v7 =	vadd.f32 v7, v10;
	v10 =	vld [tilespmem:s6+$0x120C0]  }
0x3cf: {  	v14 =	vld [tilespmem:s5+$0xE0C0]  }
0x3d0: {  	v8 =	vadd.f32 v13, v8;
	v7 =	vadd.f32 v12, v7;
	v12 =	vld [tilespmem:s6+$0x128C0]  }
0x3d1: {  	v13 =	vld [tilespmem:s5+$0xE8C0]  }
0x3d2: {  	v8 =	vadd.f32 v9, v8;
	v7 =	vadd.f32 v11, v7;
	v15 =	vld [tilespmem:s6+$0x130C0]  }
0x3d3: {  	v16 =	vld [tilespmem:s5+$0xF0C0]  }
.Ltmp4:
0x3d4: {  	v8 =	vadd.f32 v14, v8;
	v11 =	vadd.f32 v10, v7;
	v9 =	vld [tilespmem:s6+$0x138C0];
	(pc) =	sbr.rel @p0 .LBB2_10-.Ltmp4, $4  }
0x3d5: {  	v10 =	vld [tilespmem:s5+$0xF8C0]  }
0x3d6: {  	v13 =	vadd.f32 v13, v8;
	v7 =	vld [tilespmem:s5+$0x108C0];
	v14 =	vadd.f32 v12, v11  }
0x3d7: {  	s7 =	sshra.s32 s8, $0x2;
	v11 =	vld [tilespmem:s5+$0x100C0]  }
0x3d8: {  	s8 =	sadd.s32 $0x40, s8;
	v8 =	vld [tilespmem:s7+$0xC0C0];
	v12 =	vadd.f32 v16, v13;
	v13 =	vadd.f32 v15, v14  }
0x3d9: {  	v14 =	vld [tilespmem:s7+$0xC8C0]  }
0x3da: {  	v15 =	vld [tilespmem:s5+$0x110C0];
	v9 =	vadd.f32 v9, v13  }
0x3db: {  	v49 =	vld [tilespmem:s7+$0xD0C0]  }
0x3dc: {  	v16 =	vld [tilespmem:s5+$0x118C0];
	v10 =	vadd.f32 v10, v12;
	[tilespmem:s6+$0x140C0] =	vst v9  }
0x3dd: {  	v9 =	vld [tilespmem:s7+$0xD8C0]  }
0x3de: {  	v10 =	vadd.f32 v11, v10;
	v8 =	vadd.f32 v14, v8  }
0x3df: {  	v50 =	vld [tilespmem:s7+$0xE0C0]  }
0x3e0: {  	v51 =	vld [tilespmem:s5+$0x120C0];
	v7 =	vadd.f32 v7, v10;
	v8 =	vadd.f32 v49, v8  }
0x3e1: {  	v52 =	vld [tilespmem:s7+$0xE8C0]  }
0x3e2: {  	v53 =	vld [tilespmem:s5+$0x128C0];
	v7 =	vadd.f32 v15, v7;
	v8 =	vadd.f32 v9, v8  }
0x3e3: {  	v54 =	vld [tilespmem:s7+$0xF0C0]  }
0x3e4: {  	v55 =	vld [tilespmem:s5+$0x130C0];
	v7 =	vadd.f32 v16, v7;
	v8 =	vadd.f32 v50, v8  }
0x3e5: {  	v56 =	vld [tilespmem:s7+$0xF8C0]  }
0x3e6: {  	v57 =	vld [tilespmem:s5+$0x138C0];
	v7 =	vadd.f32 v51, v7;
	v8 =	vadd.f32 v52, v8  }
0x3e7: {  	v58 =	vld [tilespmem:s7+$0x100C0]  }
0x3e8: {  	v7 =	vadd.f32 v53, v7;
	v8 =	vadd.f32 v54, v8  }
0x3e9: {  	v59 =	vld [tilespmem:s7+$0x108C0]  }
0x3ea: {  	v7 =	vadd.f32 v55, v7;
	v8 =	vadd.f32 v56, v8  }
0x3eb: {  	v60 =	vld [tilespmem:s7+$0x110C0]  }
0x3ec: {  	v7 =	vadd.f32 v57, v7;
	v8 =	vadd.f32 v58, v8  }
0x3ed: {  	v61 =	vld [tilespmem:s7+$0x118C0]  }
0x3ee: {  	[tilespmem:s5+$0x140C0] =	vst v7;
	v7 =	vadd.f32 v59, v8  }
0x3ef: {  	v8 =	vld [tilespmem:s7+$0x120C0]  }
0x3f0: {  	v7 =	vadd.f32 v60, v7  }
0x3f1: {  	v62 =	vld [tilespmem:s7+$0x128C0]  }
0x3f2: {  	v7 =	vadd.f32 v61, v7  }
0x3f3: {  	v63 =	vld [tilespmem:s7+$0x130C0]  }
0x3f4: {  	v7 =	vadd.f32 v8, v7  }
0x3f5: {  	v8 =	vld [tilespmem:s7+$0x138C0]  }
0x3f6: {  	v7 =	vadd.f32 v62, v7;
	_ =	sdelay $0x1  }
0x3f7: {  	v7 =	vadd.f32 v63, v7;
	_ =	sdelay $0x1  }
0x3f8: {  	v7 =	vadd.f32 v8, v7;
	_ =	sdelay $0x1  }
0x3f9: {  	s8 =	sshrl.u32 s4, $0x3;
	s6 =	simm.s32 $0x140C0;
	[tilespmem:s7+$0x140C0] =	vst v7  }
0x3fa: {  	[hbm4b:s11+s3] =	stream.linear.scatter [tilespmem:s6], [sflag:$0x3], $0x800, $0x38;
	[tilespmem:$0x1D8C0] =	vst v63  }
0x3fb: {  	s2 =	sadd.s32 $0x1, s2;
	s7 =	stileid.u32;
	_ =	swait.ge [sflag:s22], $0x800  }
0x3fc: {  	p0 =	sne.s32 s2, s13;
	s5 =	sshll.u32 s7, $0x6;
	[sflag:s22] =	ssyncset.done $0x0  }
.Ltmp5:
0x3fd: {  	s5 =	sor.u32 $0x1C03, s5;
	[sflag:s22] =	ssyncadd.s32 $0xFFFFF800;
	(pc) =	sbr.rel @p0 .LBB2_1-.Ltmp5, $4  }
0x3fe: {  	[hbm:s12], [sflag:s5] =	dma.local [spmem:s8], $0x1000  }
0x3ff: {  	_ =	swait.ge [sflag:s22], $0x1000  }
0x400: {  	[sflag:s22] =	ssyncset.done $0x0  }
0x401: {  	[sflag:s22] =	ssyncadd.s32 $0xFFFFF000  }
0x402: {  	_ =	sfence.sel $0x180000  }
0x403: {  	[bflag:$0x0] =	sbarrier.arrive $0xFFFF  }
0x404: {  	_ =	strace $0x90000047  }
0x405: {  	s0 =	stileid.u32;
	[bflag:$0x2] =	sbarrier.arrive $0xFFFF  }
0x406: {  	p0 =	sne.s32 s0, $0x0;
	s0 =	rddreg [dreg:$0x4]  }
0x407: {  	s0 =	sadd.s32 @!p0 $0x100000, s0  }
0x408: {  	[sflag:s0] =	ssyncadd.tile.s32 @!p0 $0x1;
	_ =	shalt  }
.Lfunc_end2:
_tile_overlayer_lowered:
.L_overlay_start_2:
0x409: {  	(tag) =	ssettag $0x2  }
0x40a: {  	s0 =	rddreg [dreg:$0x0];
	s2 =	stileid.u32  }
0x40b: {  	s1 =	rddreg [dreg:$0x1];
	p0 =	sne.s32 s2, $0x0  }
0x40c: {  	s3 =	rddreg [dreg:$0x2];
	[bflag:$0x3] =	sbarrier.arrive $0xFFFF;
	s2 =	simm.s32 @!p0 $0x1C03  }
0x40d: {  	[timem:s3], [sflag:s2] =	dma.local @!p0 [hbm:s0], s1  }
0x40e: {  	s0 =	simm.s32 @!p0 $0x3  }
0x40f: {  	_ =	swait.ge @!p0 [sflag:s0], s1  }
0x410: {  	s1 =	ssub.s32 @!p0 $0x0, s1;
	[sflag:s0] =	ssyncset.done @!p0 $0x0  }
0x411: {  	[sflag:s0] =	ssyncadd.s32 @!p0 s1  }
0x412: {  	[bflag:$0x3] =	sbarrier.arrive $0xFFFF  }
0x413: {  	_ =	shalt  }

</sc_bundles>
